<compile_context>
chip_gen: v7x
topology: tpu7x:2x2x1
jax: 0.10.2.dev20260603
libtpu: 0.0.44.dev20260713+nightly
codegen_flags: <defaults>
</compile_context>

<pallas_src>
import functools

import jax
import jax.numpy as jnp
from jax import lax
from jax.experimental import pallas as pl
from jax.experimental.pallas import tpu as pltpu
from jax.experimental.pallas import tpu_sc as plsc

N_NODES = 10000
D = 128
N_EDGES = 320000

NC = 2
NS = 16
NW = NC * NS
CHUNK = 80
CPW = 128
E_PAD = NW * CPW * CHUNK
ROWS_P = 10240
RPT = ROWS_P // NS

_mesh = plsc.VectorSubcoreMesh(core_axis_name="c", subcore_axis_name="s")


def _zero_fill(buf, width):
  def body(i, _):
    for k in range(width // 16):
      buf[i, pl.ds(k * 16, 16)] = jnp.zeros((16,), jnp.float32)
    return 0
  lax.fori_loop(0, CHUNK, body, 0)


def _zero_acc_slice(zeros_v, acc_sh, s):
  base = s * RPT
  off = 0
  while off < RPT:
    n = min(CHUNK, RPT - off)
    pltpu.sync_copy(zeros_v.at[pl.ds(0, n)], acc_sh.at[pl.ds(base + off, n)])
    off += n


HR = ROWS_P // D


@functools.partial(
    pl.kernel,
    out_type=jax.ShapeDtypeStruct((NC, HR, D), jnp.float32),
    mesh=_mesh,
    scratch_types=[
        pltpu.VMEM((CPW, CHUNK), jnp.int32),
        pltpu.VMEM((HR, D), jnp.float32),
        pltpu.VMEM((HR,), jnp.int32),
        pltpu.VMEM_SHARED((HR, D), jnp.float32),
    ],
    compiler_params=pltpu.CompilerParams(needs_layout_passes=False),
)
def _hist(dst_hbm, out_hbm, idx_v, h_v, rowid_v, acc_sh):
  c = lax.axis_index("c")
  s = lax.axis_index("s")
  w = s * NC + c
  rpt = 8

  def zfill(i, _):
    for k in range(D // 16):
      h_v[i, pl.ds(k * 16, 16)] = jnp.zeros((16,), jnp.float32)
    return 0
  lax.fori_loop(0, HR, zfill, 0)

  def rfill(i, _):
    rowid_v[pl.ds(i * 16, 16)] = i * 16 + lax.iota(jnp.int32, 16)
    return 0
  lax.fori_loop(0, HR // 16, rfill, 0)

  @pl.when(s < HR // rpt)
  def _():
    pltpu.sync_copy(h_v.at[pl.ds(0, rpt)], acc_sh.at[pl.ds(s * rpt, rpt)])
  plsc.subcore_barrier()

  pltpu.sync_copy(dst_hbm.at[w], idx_v)
  ones = jnp.ones((16,), jnp.float32)

  def body(j, _):
    for k in range(CHUNK // 16):
      ix = idx_v[j, pl.ds(k * 16, 16)]
      plsc.addupdate_scatter(h_v, [lax.shift_right_logical(ix, 7),
                                   lax.bitwise_and(ix, 127)], ones)
    return 0
  lax.fori_loop(0, CPW, body, 0)

  pltpu.sync_copy(h_v, acc_sh.at[rowid_v], add=True)
  plsc.subcore_barrier()

  @pl.when(s < HR // rpt)
  def _():
    pltpu.sync_copy(acc_sh.at[pl.ds(s * rpt, rpt)],
                    out_hbm.at[c, pl.ds(s * rpt, rpt)])


NBUF = 4
DEPTH = NBUF - 1
SEGC = 8
PAIR = 2 * SEGC
NP = CPW // PAIR


@functools.partial(
    pl.kernel,
    out_type=jax.ShapeDtypeStruct((NC, ROWS_P, D), jnp.float32),
    mesh=_mesh,
    scratch_types=[
        pltpu.VMEM((SEGC, CHUNK), jnp.int32),
        pltpu.VMEM((SEGC, CHUNK), jnp.int32),
        pltpu.VMEM((SEGC, CHUNK), jnp.int32),
        pltpu.VMEM((SEGC, CHUNK), jnp.int32),
        pltpu.VMEM((NBUF, CHUNK, D), jnp.float32),
        pltpu.VMEM_SHARED((ROWS_P, D), jnp.float32),
        pltpu.SemaphoreType.DMA,
        pltpu.SemaphoreType.DMA,
        pltpu.SemaphoreType.DMA,
        pltpu.SemaphoreType.DMA,
        pltpu.SemaphoreType.DMA,
        pltpu.SemaphoreType.DMA,
    ],
)
def _agg(table_hbm, src_hbm, dst_hbm, out_hbm, src_a, dst_a, src_b, dst_b,
         buf_v, acc_sh, semg0, semg1, semg2, semg3, sem_ia, sem_ib):
  gsems = (semg0, semg1, semg2, semg3)
  c = lax.axis_index("c")
  s = lax.axis_index("s")
  w = s * NC + c

  def gather_chunk(idx_ref, r, b):
    pltpu.async_copy(table_hbm.at[idx_ref.at[r]], buf_v.at[b], gsems[b])

  def wait_chunk(idx_ref, r, b):
    pltpu.make_async_copy(table_hbm.at[idx_ref.at[r]], buf_v.at[b],
                          gsems[b]).wait()

  def stage(seg, src_ref, dst_ref, sem):
    pltpu.async_copy(src_hbm.at[w, pl.ds(seg * SEGC, SEGC)], src_ref, sem)
    pltpu.async_copy(dst_hbm.at[w, pl.ds(seg * SEGC, SEGC)], dst_ref, sem)

  def stage_wait(seg, src_ref, dst_ref, sem):
    pltpu.make_async_copy(src_hbm.at[w, pl.ds(seg * SEGC, SEGC)], src_ref,
                          sem).wait()
    pltpu.make_async_copy(dst_hbm.at[w, pl.ds(seg * SEGC, SEGC)], dst_ref,
                          sem).wait()

  pltpu.sync_copy(src_hbm.at[w, pl.ds(0, SEGC)], src_a)
  pltpu.sync_copy(dst_hbm.at[w, pl.ds(0, SEGC)], dst_a)
  stage(1, src_b, dst_b, sem_ib)
  for p in range(DEPTH):
    gather_chunk(src_a, p, p)
  _zero_fill(buf_v.at[DEPTH], D)
  _zero_acc_slice(buf_v.at[DEPTH], acc_sh, s)
  plsc.subcore_barrier()

  def body(t, _):
    for jl in range(PAIR):
      side_a = jl < SEGC
      idx_s = src_a if side_a else src_b
      idx_d = dst_a if side_a else dst_b
      r = jl % SEGC
      b = jl % NBUF

      if jl == SEGC - DEPTH:
        stage_wait(2 * t + 1, src_b, dst_b, sem_ib)

      wait_chunk(idx_s, r, b)

      jn = jl + DEPTH
      if jn < PAIR:
        gather_chunk(src_a if jn < SEGC else src_b, jn % SEGC, jn % NBUF)
      else:
        if jl == PAIR - DEPTH:
          @pl.when(t < NP - 1)
          def _():
            stage_wait(2 * t + 2, src_a, dst_a, sem_ia)

        @pl.when(t < NP - 1)
        def _():
          gather_chunk(src_a, jn % SEGC, jn % NBUF)

      pltpu.sync_copy(buf_v.at[b], acc_sh.at[idx_d.at[r]], add=True)

      if jl == SEGC:
        @pl.when(t < NP - 1)
        def _():
          stage(2 * t + 2, src_a, dst_a, sem_ia)
      if jl == PAIR - 1:
        @pl.when(t < NP - 1)
        def _():
          stage(2 * t + 3, src_b, dst_b, sem_ib)
    return 0
  lax.fori_loop(0, NP, body, 0)

  plsc.subcore_barrier()
  base = s * RPT
  pltpu.sync_copy(acc_sh.at[pl.ds(base, RPT)], out_hbm.at[c, pl.ds(base, RPT)])



_R = 2000


def _dis(h0, h1):
  return lax.rsqrt(1.0 + h0[...] + h1[...])


def _scale_matmul_body(x_ref, h0_ref, h1_ref, w_ref, o_ref):
  dis = _dis(h0_ref, h1_ref)
  o_ref[...] = jnp.dot(x_ref[...] * dis, w_ref[...],
                       preferred_element_type=jnp.float32)


def _combine_matmul_body(a0_ref, a1_ref, y_ref, h0_ref, h1_ref, b_ref, w_ref,
                         o_ref):
  dis = _dis(h0_ref, h1_ref)
  t = dis * (a0_ref[0] + a1_ref[0] + y_ref[...]) + b_ref[...]
  o_ref[...] = jnp.dot(dis * jnp.maximum(t, 0.0), w_ref[...],
                       preferred_element_type=jnp.float32)


def _combine_body(a0_ref, a1_ref, y_ref, h0_ref, h1_ref, b_ref, o_ref):
  dis = _dis(h0_ref, h1_ref)
  o_ref[...] = dis * (a0_ref[0] + a1_ref[0] + y_ref[...]) + b_ref[...]


def _row_spec():
  return pl.BlockSpec((_R, D), lambda i: (i, 0))


def _acc_spec(plane):
  return pl.BlockSpec((1, _R, D), lambda i, p=plane: (p, i, 0))


def _col_spec():
  return pl.BlockSpec((_R, 1), lambda i: (i, 0))


def _full_spec(r):
  return pl.BlockSpec((r, D), lambda i: (0, 0))


_GRID = N_NODES // _R

_scale_matmul = pl.pallas_call(
    _scale_matmul_body,
    grid=(_GRID,),
    in_specs=[_row_spec(), _col_spec(), _col_spec(), _full_spec(D)],
    out_specs=_row_spec(),
    out_shape=jax.ShapeDtypeStruct((N_NODES, D), jnp.float32),
)

_combine_matmul = pl.pallas_call(
    _combine_matmul_body,
    grid=(_GRID,),
    in_specs=[_acc_spec(0), _acc_spec(1), _row_spec(), _col_spec(),
              _col_spec(), _full_spec(1), _full_spec(D)],
    out_specs=_row_spec(),
    out_shape=jax.ShapeDtypeStruct((N_NODES, D), jnp.float32),
)

_combine = pl.pallas_call(
    _combine_body,
    grid=(_GRID,),
    in_specs=[_acc_spec(0), _acc_spec(1), _row_spec(), _col_spec(),
              _col_spec(), _full_spec(1)],
    out_specs=_row_spec(),
    out_shape=jax.ShapeDtypeStruct((N_NODES, D), jnp.float32),
)


def kernel(x, edge_index, W1, b1, W2, b2):
  src = edge_index[0].astype(jnp.int32)
  dst = edge_index[1].astype(jnp.int32)
  npad = E_PAD - N_EDGES
  pad_src = jnp.arange(npad, dtype=jnp.int32) % N_NODES
  pad_dst = N_NODES + jnp.arange(npad, dtype=jnp.int32) % (ROWS_P - N_NODES)
  srcp = jnp.concatenate([src, pad_src]).reshape(NW, CPW, CHUNK)
  dstp = jnp.concatenate([dst, pad_dst]).reshape(NW, CPW, CHUNK)

  hist = _hist(dstp)
  h0 = hist[0].reshape(ROWS_P)[:N_NODES, None]
  h1 = hist[1].reshape(ROWS_P)[:N_NODES, None]

  y1 = _scale_matmul(x, h0, h1, W1)
  acc1 = _agg(y1, srcp, dstp)
  y2 = _combine_matmul(acc1, acc1, y1, h0, h1, b1.reshape(1, D), W2)
  acc2 = _agg(y2, srcp, dstp)
  return _combine(acc2, acc2, y2, h0, h1, b2.reshape(1, D))

# --- scband reference (transcript-rebuilt; emitter-appended) ---
"""Pipeline reference for scband-gcnshadow-model-20349555048515 (READ-ONLY COPY).

The authoritative reference and input builder live on the scoring server;
editing this copy changes nothing except your own understanding.
"""

import jax, jax.numpy as jnp
import numpy as np

N_NODES = 10000
N_EDGES = 320000
D_IN = 128
D_HID = 128
D_OUT = 128


def setup_inputs(seed: int = 0) -> dict:
    key = jax.random.key(seed)
    k1, k2, k3, k4 = jax.random.split(key, 4)
    x = jax.random.normal(k1, (N_NODES, D_IN), dtype=jnp.float32)
    edge_index = jax.random.randint(k2, (2, N_EDGES), 0, N_NODES, dtype=jnp.int64)
    W1 = jax.random.normal(k3, (D_IN, D_HID), dtype=jnp.float32) * 0.05
    b1 = jnp.zeros((D_HID,), dtype=jnp.float32)
    W2 = jax.random.normal(k4, (D_HID, D_OUT), dtype=jnp.float32) * 0.05
    b2 = jnp.zeros((D_OUT,), dtype=jnp.float32)
    return {"x": x, "edge_index": edge_index, "W1": W1, "b1": b1, "W2": W2, "b2": b2}


def _gcn_conv(x, edge_index, W, b, n_nodes):
    # PyG GCNConv: out = D^{-1/2} (A + I) D^{-1/2} (x W) + b
    self_loops = jnp.arange(n_nodes, dtype=edge_index.dtype)
    src = jnp.concatenate([edge_index[0], self_loops])
    dst = jnp.concatenate([edge_index[1], self_loops])
    deg = jnp.zeros((n_nodes,), dtype=x.dtype).at[dst].add(1.0)
    deg_inv_sqrt = jnp.where(deg > 0, jax.lax.rsqrt(deg), 0.0)
    norm = deg_inv_sqrt[src] * deg_inv_sqrt[dst]
    xw = x @ W
    msgs = jnp.take(xw, src, axis=0) * norm[:, None]
    out = jnp.zeros((n_nodes, W.shape[1]), dtype=x.dtype).at[dst].add(msgs)
    return out + b


def reference(x, edge_index, W1, b1, W2, b2):
    h = _gcn_conv(x, edge_index, W1, b1, N_NODES)
    h = jax.nn.relu(h)
    out = _gcn_conv(h, edge_index, W2, b2, N_NODES)
    return out

if __name__ == "__main__":
    import jax
    _d = setup_inputs()
    print(jax.jit(kernel)(*tuple(_d.values())))

</pallas_src>

<mosaic_0001>
#map = affine_map<(d0, d1) -> (0, 0, 0)>
module attributes {stable_mosaic.version = 14 : i64} {
  func.func @_hist(%arg0: i32, %arg1: i32, %arg2: memref<32x128x80xi32, #tpu.memory_space<hbm>>, %arg3: memref<2x80x128xf32, #tpu.memory_space<hbm>>, %arg4: memref<128x80xi32, #tpu.memory_space<vmem>>, %arg5: memref<80x128xf32, #tpu.memory_space<vmem>>, %arg6: memref<80xi32, #tpu.memory_space<vmem>>, %arg7: memref<80x128xf32, #tpu.memory_space<vmem_shared>>) attributes {dimension_semantics = [#tpu.dimension_semantics<core_parallel>, #tpu.dimension_semantics<subcore_parallel>], iteration_bounds = array<i64: 2, 16>, scalar_prefetch = 0 : i64, scratch_operands = 4 : i64, tpu.core_type = #tpu.core_type<sc_vector_subcore>, window_params = [{transform_indices = #map}, {transform_indices = #map}]} {
    %mul3A = arith.constant 2 : i32
    %mul3A_0 = arith.muli %arg1, %mul3A : i32
    %add3A = arith.addi %mul3A_0, %arg0 : i32
    %scan3A = arith.constant 0 : i32
    %scan3A_1 = arith.constant 0 : i32
    %scan3A_2 = arith.constant 80 : i32
    %scan3A_3 = arith.addi %scan3A_1, %scan3A_2 : i32
    %scan3A_4 = arith.constant 1 : i32
    %scan3A_5 = scf.for %scan3A_30 = %scan3A_1 to %scan3A_3 step %scan3A_4 iter_args(%scan3A_31 = %scan3A) -> (i32)  : i32 {
      %broadcast_in_dim3A_32 = arith.constant 0.000000e+00 : f32
      %broadcast_in_dim3A_33 = vector.broadcast %broadcast_in_dim3A_32 : f32 to vector<16xf32>
      %swap3A = arith.index_cast %scan3A_30 : i32 to index
      %swap3A_34 = arith.constant 0 : index
      %swap3A_35 = tpu.vector_load %arg5[%swap3A, %swap3A_34] {strides = array<i32>} : memref<80x128xf32, #tpu.memory_space<vmem>>, vector<16xf32>,
      tpu.vector_store %arg5[%swap3A, %swap3A_34], %broadcast_in_dim3A_33 {strides = array<i32>} : memref<80x128xf32, #tpu.memory_space<vmem>>, vector<16xf32>,
      %broadcast_in_dim3A_36 = arith.constant 0.000000e+00 : f32
      %broadcast_in_dim3A_37 = vector.broadcast %broadcast_in_dim3A_36 : f32 to vector<16xf32>
      %swap3A_38 = arith.index_cast %scan3A_30 : i32 to index
      %swap3A_39 = arith.constant 16 : index
      %swap3A_40 = tpu.vector_load %arg5[%swap3A_38, %swap3A_39] {strides = array<i32>} : memref<80x128xf32, #tpu.memory_space<vmem>>, vector<16xf32>,
      tpu.vector_store %arg5[%swap3A_38, %swap3A_39], %broadcast_in_dim3A_37 {strides = array<i32>} : memref<80x128xf32, #tpu.memory_space<vmem>>, vector<16xf32>,
      %broadcast_in_dim3A_41 = arith.constant 0.000000e+00 : f32
      %broadcast_in_dim3A_42 = vector.broadcast %broadcast_in_dim3A_41 : f32 to vector<16xf32>
      %swap3A_43 = arith.index_cast %scan3A_30 : i32 to index
      %swap3A_44 = arith.constant 32 : index
      %swap3A_45 = tpu.vector_load %arg5[%swap3A_43, %swap3A_44] {strides = array<i32>} : memref<80x128xf32, #tpu.memory_space<vmem>>, vector<16xf32>,
      tpu.vector_store %arg5[%swap3A_43, %swap3A_44], %broadcast_in_dim3A_42 {strides = array<i32>} : memref<80x128xf32, #tpu.memory_space<vmem>>, vector<16xf32>,
      %broadcast_in_dim3A_46 = arith.constant 0.000000e+00 : f32
      %broadcast_in_dim3A_47 = vector.broadcast %broadcast_in_dim3A_46 : f32 to vector<16xf32>
      %swap3A_48 = arith.index_cast %scan3A_30 : i32 to index
      %swap3A_49 = arith.constant 48 : index
      %swap3A_50 = tpu.vector_load %arg5[%swap3A_48, %swap3A_49] {strides = array<i32>} : memref<80x128xf32, #tpu.memory_space<vmem>>, vector<16xf32>,
      tpu.vector_store %arg5[%swap3A_48, %swap3A_49], %broadcast_in_dim3A_47 {strides = array<i32>} : memref<80x128xf32, #tpu.memory_space<vmem>>, vector<16xf32>,
      %broadcast_in_dim3A_51 = arith.constant 0.000000e+00 : f32
      %broadcast_in_dim3A_52 = vector.broadcast %broadcast_in_dim3A_51 : f32 to vector<16xf32>
      %swap3A_53 = arith.index_cast %scan3A_30 : i32 to index
      %swap3A_54 = arith.constant 64 : index
      %swap3A_55 = tpu.vector_load %arg5[%swap3A_53, %swap3A_54] {strides = array<i32>} : memref<80x128xf32, #tpu.memory_space<vmem>>, vector<16xf32>,
      tpu.vector_store %arg5[%swap3A_53, %swap3A_54], %broadcast_in_dim3A_52 {strides = array<i32>} : memref<80x128xf32, #tpu.memory_space<vmem>>, vector<16xf32>,
      %broadcast_in_dim3A_56 = arith.constant 0.000000e+00 : f32
      %broadcast_in_dim3A_57 = vector.broadcast %broadcast_in_dim3A_56 : f32 to vector<16xf32>
      %swap3A_58 = arith.index_cast %scan3A_30 : i32 to index
      %swap3A_59 = arith.constant 80 : index
      %swap3A_60 = tpu.vector_load %arg5[%swap3A_58, %swap3A_59] {strides = array<i32>} : memref<80x128xf32, #tpu.memory_space<vmem>>, vector<16xf32>,
      tpu.vector_store %arg5[%swap3A_58, %swap3A_59], %broadcast_in_dim3A_57 {strides = array<i32>} : memref<80x128xf32, #tpu.memory_space<vmem>>, vector<16xf32>,
      %broadcast_in_dim3A_61 = arith.constant 0.000000e+00 : f32
      %broadcast_in_dim3A_62 = vector.broadcast %broadcast_in_dim3A_61 : f32 to vector<16xf32>
      %swap3A_63 = arith.index_cast %scan3A_30 : i32 to index
      %swap3A_64 = arith.constant 96 : index
      %swap3A_65 = tpu.vector_load %arg5[%swap3A_63, %swap3A_64] {strides = array<i32>} : memref<80x128xf32, #tpu.memory_space<vmem>>, vector<16xf32>,
      tpu.vector_store %arg5[%swap3A_63, %swap3A_64], %broadcast_in_dim3A_62 {strides = array<i32>} : memref<80x128xf32, #tpu.memory_space<vmem>>, vector<16xf32>,
      %broadcast_in_dim3A_66 = arith.constant 0.000000e+00 : f32
      %broadcast_in_dim3A_67 = vector.broadcast %broadcast_in_dim3A_66 : f32 to vector<16xf32>
      %swap3A_68 = arith.index_cast %scan3A_30 : i32 to index
      %swap3A_69 = arith.constant 112 : index
      %swap3A_70 = tpu.vector_load %arg5[%swap3A_68, %swap3A_69] {strides = array<i32>} : memref<80x128xf32, #tpu.memory_space<vmem>>, vector<16xf32>,
      tpu.vector_store %arg5[%swap3A_68, %swap3A_69], %broadcast_in_dim3A_67 {strides = array<i32>} : memref<80x128xf32, #tpu.memory_space<vmem>>, vector<16xf32>,
      %scan3A_71 = arith.constant 0 : i32
      scf.yield %scan3A_71 : i32
    }
    %scan3A_6 = arith.constant 80 : i32
    %scan3A_7 = arith.constant 0 : i32
    %scan3A_8 = arith.constant 0 : i32
    %scan3A_9 = arith.constant 5 : i32
    %scan3A_10 = arith.addi %scan3A_8, %scan3A_9 : i32
    %scan3A_11 = arith.constant 1 : i32
    %scan3A_12 = scf.for %scan3A_30 = %scan3A_8 to %scan3A_10 step %scan3A_11 iter_args(%scan3A_31 = %scan3A_7) -> (i32)  : i32 {
      %mul3A_32 = arith.constant 16 : i32
      %mul3A_33 = arith.muli %scan3A_30, %mul3A_32 : i32
      %iota3A = tpu.iota {dimensions = array<i32: 0>} : vector<16xi32>
      %add3A_34 = vector.broadcast %mul3A_33 : i32 to vector<16xi32>
      %add3A_35 = arith.addi %add3A_34, %iota3A : vector<16xi32>
      %mul3A_36 = arith.constant 16 : i32
      %mul3A_37 = arith.muli %scan3A_30, %mul3A_36 : i32
      %swap3A = arith.index_cast %mul3A_37 : i32 to index
      %swap3A_38 = tpu.vector_load %arg6[%swap3A] {strides = array<i32>} : memref<80xi32, #tpu.memory_space<vmem>>, vector<16xi32>,
      tpu.vector_store %arg6[%swap3A], %add3A_35 {strides = array<i32>} : memref<80xi32, #tpu.memory_space<vmem>>, vector<16xi32>,
      %scan3A_39 = arith.constant 0 : i32
      scf.yield %scan3A_39 : i32
    }
    %scan3A_13 = arith.constant 5 : i32
    %lt3A = arith.constant 10 : i32
    %lt3A_14 = arith.cmpi slt, %arg1, %lt3A : i32
    %convert_element_type3A = arith.extui %lt3A_14 : i1 to i32
    %cond3A = arith.constant 0 : i32
    %cond3A_15 = arith.cmpi ne, %convert_element_type3A, %cond3A : i32
    scf.if %cond3A_15 {
      %mul3A_30 = arith.constant 8 : i32
      %mul3A_31 = arith.muli %arg1, %mul3A_30 : i32
      "tpu.region"() ({
        %run_scoped3A = tpu.sem_alloc : memref<!tpu.dma_semaphore, #tpu.memory_space<semaphore_mem>>
        %dma_start3A = arith.constant 0 : i32
        %dma_start3A_32 = arith.constant 0 : i32
        %dma_start3A_33 = tpu.memref_slice %arg5[%dma_start3A, %dma_start3A_32] : memref<80x128xf32, #tpu.memory_space<vmem>> -> memref<8x128xf32, #tpu.memory_space<vmem>>
        %dma_start3A_34 = arith.constant 0 : i32
        %dma_start3A_35 = tpu.memref_slice %arg7[%mul3A_31, %dma_start3A_34] : memref<80x128xf32, #tpu.memory_space<vmem_shared>> -> memref<8x128xf32, #tpu.memory_space<vmem_shared>>
        %dma_start3A_36 = arith.constant 0 : i32
        %dma_start3A_37 = tpu.memref_slice %arg7[%mul3A_31, %dma_start3A_36] : memref<80x128xf32, #tpu.memory_space<vmem_shared>> -> memref<8x128xf32, #tpu.memory_space<vmem_shared>>
        %dma_start3A_38 = arith.constant 0 : i32
        %dma_start3A_39 = arith.constant 0 : i32
        %dma_start3A_40 = tpu.memref_slice %arg5[%dma_start3A_38, %dma_start3A_39] : memref<80x128xf32, #tpu.memory_space<vmem>> -> memref<8x128xf32, #tpu.memory_space<vmem>>
        tpu.enqueue_dma source(%dma_start3A_40 : memref<8x128xf32, #tpu.memory_space<vmem>>) target(%dma_start3A_37 : memref<8x128xf32, #tpu.memory_space<vmem_shared>>) target_semaphore(%run_scoped3A : memref<!tpu.dma_semaphore, #tpu.memory_space<semaphore_mem>>)
        %dma_wait3A = arith.constant 0 : i32
        %dma_wait3A_41 = arith.constant 0 : i32
        %dma_wait3A_42 = tpu.memref_slice %arg5[%dma_wait3A, %dma_wait3A_41] : memref<80x128xf32, #tpu.memory_space<vmem>> -> memref<8x128xf32, #tpu.memory_space<vmem>>
        %dma_wait3A_43 = arith.constant 0 : i32
        %dma_wait3A_44 = tpu.memref_slice %arg7[%mul3A_31, %dma_wait3A_43] : memref<80x128xf32, #tpu.memory_space<vmem_shared>> -> memref<8x128xf32, #tpu.memory_space<vmem_shared>>
        %dma_wait3A_45 = arith.constant 0 : i32
        %dma_wait3A_46 = tpu.memref_slice %arg7[%mul3A_31, %dma_wait3A_45] : memref<80x128xf32, #tpu.memory_space<vmem_shared>> -> memref<8x128xf32, #tpu.memory_space<vmem_shared>>
        %dma_wait3A_47 = arith.constant 0 : i32
        %dma_wait3A_48 = arith.constant 0 : i32
        %dma_wait3A_49 = tpu.memref_slice %arg5[%dma_wait3A_47, %dma_wait3A_48] : memref<80x128xf32, #tpu.memory_space<vmem>> -> memref<8x128xf32, #tpu.memory_space<vmem>>
        tpu.wait_dma2 semaphore(%run_scoped3A : memref<!tpu.dma_semaphore, #tpu.memory_space<semaphore_mem>>) src(%dma_wait3A_49 : memref<8x128xf32, #tpu.memory_space<vmem>>) dst(%dma_wait3A_46 : memref<8x128xf32, #tpu.memory_space<vmem_shared>>)
        tpu.yield
      }) : () -> ()
    } else {
    }
    %barrier3A = arith.constant 0 : index
    tpu.barrier barrier_id(%barrier3A)
    "tpu.region"() ({
      %run_scoped3A = tpu.sem_alloc : memref<!tpu.dma_semaphore, #tpu.memory_space<semaphore_mem>>
      %dma_start3A = arith.constant 0 : i32
      %dma_start3A_30 = arith.constant 0 : i32
      %dma_start3A_31 = tpu.memref_slice %arg2[%add3A, %dma_start3A, %dma_start3A_30] : memref<32x128x80xi32, #tpu.memory_space<hbm>> -> memref<1x128x80xi32, #tpu.memory_space<hbm>>
      %dma_start3A_32 = tpu.memref_squeeze %dma_start3A_31 : memref<1x128x80xi32, #tpu.memory_space<hbm>> -> memref<128x80xi32, #tpu.memory_space<hbm>>
      %dma_start3A_33 = arith.constant 0 : i32
      %dma_start3A_34 = arith.constant 0 : i32
      %dma_start3A_35 = tpu.memref_slice %arg2[%add3A, %dma_start3A_33, %dma_start3A_34] : memref<32x128x80xi32, #tpu.memory_space<hbm>> -> memref<1x128x80xi32, #tpu.memory_space<hbm>>
      %dma_start3A_36 = tpu.memref_squeeze %dma_start3A_35 : memref<1x128x80xi32, #tpu.memory_space<hbm>> -> memref<128x80xi32, #tpu.memory_space<hbm>>
      tpu.enqueue_dma source(%dma_start3A_36 : memref<128x80xi32, #tpu.memory_space<hbm>>) target(%arg4 : memref<128x80xi32, #tpu.memory_space<vmem>>) target_semaphore(%run_scoped3A : memref<!tpu.dma_semaphore, #tpu.memory_space<semaphore_mem>>)
      %dma_wait3A = arith.constant 0 : i32
      %dma_wait3A_37 = arith.constant 0 : i32
      %dma_wait3A_38 = tpu.memref_slice %arg2[%add3A, %dma_wait3A, %dma_wait3A_37] : memref<32x128x80xi32, #tpu.memory_space<hbm>> -> memref<1x128x80xi32, #tpu.memory_space<hbm>>
      %dma_wait3A_39 = tpu.memref_squeeze %dma_wait3A_38 : memref<1x128x80xi32, #tpu.memory_space<hbm>> -> memref<128x80xi32, #tpu.memory_space<hbm>>
      %dma_wait3A_40 = arith.constant 0 : i32
      %dma_wait3A_41 = arith.constant 0 : i32
      %dma_wait3A_42 = tpu.memref_slice %arg2[%add3A, %dma_wait3A_40, %dma_wait3A_41] : memref<32x128x80xi32, #tpu.memory_space<hbm>> -> memref<1x128x80xi32, #tpu.memory_space<hbm>>
      %dma_wait3A_43 = tpu.memref_squeeze %dma_wait3A_42 : memref<1x128x80xi32, #tpu.memory_space<hbm>> -> memref<128x80xi32, #tpu.memory_space<hbm>>
      tpu.wait_dma2 semaphore(%run_scoped3A : memref<!tpu.dma_semaphore, #tpu.memory_space<semaphore_mem>>) src(%dma_wait3A_43 : memref<128x80xi32, #tpu.memory_space<hbm>>) dst(%arg4 : memref<128x80xi32, #tpu.memory_space<vmem>>)
      tpu.yield
    }) : () -> ()
    %broadcast_in_dim3A = arith.constant 1.000000e+00 : f32
    %broadcast_in_dim3A_16 = vector.broadcast %broadcast_in_dim3A : f32 to vector<16xf32>
    %scan3A_17 = arith.constant 0 : i32
    %scan3A_18 = arith.constant 0 : i32
    %scan3A_19 = arith.constant 128 : i32
    %scan3A_20 = arith.addi %scan3A_18, %scan3A_19 : i32
    %scan3A_21 = arith.constant 1 : i32
    %scan3A_22 = scf.for %scan3A_30 = %scan3A_18 to %scan3A_20 step %scan3A_21 iter_args(%scan3A_31 = %scan3A_17) -> (i32)  : i32 {
      %get3A = arith.index_cast %scan3A_30 : i32 to index
      %get3A_32 = arith.constant 0 : index
      %get3A_33 = tpu.vector_load %arg4[%get3A, %get3A_32] {strides = array<i32>} : memref<128x80xi32, #tpu.memory_space<vmem>>, vector<16xi32>,
      %shift_right_logical3A = arith.constant 7 : i32
      %shift_right_logical3A_34 = vector.broadcast %shift_right_logical3A : i32 to vector<16xi32>
      %shift_right_logical3A_35 = arith.shrui %get3A_33, %shift_right_logical3A_34 : vector<16xi32>
      %and3A = arith.constant 127 : i32
      %and3A_36 = vector.broadcast %and3A : i32 to vector<16xi32>
      %and3A_37 = arith.andi %get3A_33, %and3A_36 : vector<16xi32>
      tpu.vector_store_idx %arg5[%shift_right_logical3A_35, %and3A_37], %broadcast_in_dim3A_16 {add = true} : memref<80x128xf32, #tpu.memory_space<vmem>>[vector<16xi32>, vector<16xi32>], vector<16xf32>,
      %get3A_38 = arith.index_cast %scan3A_30 : i32 to index
      %get3A_39 = arith.constant 16 : index
      %get3A_40 = tpu.vector_load %arg4[%get3A_38, %get3A_39] {strides = array<i32>} : memref<128x80xi32, #tpu.memory_space<vmem>>, vector<16xi32>,
      %shift_right_logical3A_41 = arith.constant 7 : i32
      %shift_right_logical3A_42 = vector.broadcast %shift_right_logical3A_41 : i32 to vector<16xi32>
      %shift_right_logical3A_43 = arith.shrui %get3A_40, %shift_right_logical3A_42 : vector<16xi32>
      %and3A_44 = arith.constant 127 : i32
      %and3A_45 = vector.broadcast %and3A_44 : i32 to vector<16xi32>
      %and3A_46 = arith.andi %get3A_40, %and3A_45 : vector<16xi32>
      tpu.vector_store_idx %arg5[%shift_right_logical3A_43, %and3A_46], %broadcast_in_dim3A_16 {add = true} : memref<80x128xf32, #tpu.memory_space<vmem>>[vector<16xi32>, vector<16xi32>], vector<16xf32>,
      %get3A_47 = arith.index_cast %scan3A_30 : i32 to index
      %get3A_48 = arith.constant 32 : index
      %get3A_49 = tpu.vector_load %arg4[%get3A_47, %get3A_48] {strides = array<i32>} : memref<128x80xi32, #tpu.memory_space<vmem>>, vector<16xi32>,
      %shift_right_logical3A_50 = arith.constant 7 : i32
      %shift_right_logical3A_51 = vector.broadcast %shift_right_logical3A_50 : i32 to vector<16xi32>
      %shift_right_logical3A_52 = arith.shrui %get3A_49, %shift_right_logical3A_51 : vector<16xi32>
      %and3A_53 = arith.constant 127 : i32
      %and3A_54 = vector.broadcast %and3A_53 : i32 to vector<16xi32>
      %and3A_55 = arith.andi %get3A_49, %and3A_54 : vector<16xi32>
      tpu.vector_store_idx %arg5[%shift_right_logical3A_52, %and3A_55], %broadcast_in_dim3A_16 {add = true} : memref<80x128xf32, #tpu.memory_space<vmem>>[vector<16xi32>, vector<16xi32>], vector<16xf32>,
      %get3A_56 = arith.index_cast %scan3A_30 : i32 to index
      %get3A_57 = arith.constant 48 : index
      %get3A_58 = tpu.vector_load %arg4[%get3A_56, %get3A_57] {strides = array<i32>} : memref<128x80xi32, #tpu.memory_space<vmem>>, vector<16xi32>,
      %shift_right_logical3A_59 = arith.constant 7 : i32
      %shift_right_logical3A_60 = vector.broadcast %shift_right_logical3A_59 : i32 to vector<16xi32>
      %shift_right_logical3A_61 = arith.shrui %get3A_58, %shift_right_logical3A_60 : vector<16xi32>
      %and3A_62 = arith.constant 127 : i32
      %and3A_63 = vector.broadcast %and3A_62 : i32 to vector<16xi32>
      %and3A_64 = arith.andi %get3A_58, %and3A_63 : vector<16xi32>
      tpu.vector_store_idx %arg5[%shift_right_logical3A_61, %and3A_64], %broadcast_in_dim3A_16 {add = true} : memref<80x128xf32, #tpu.memory_space<vmem>>[vector<16xi32>, vector<16xi32>], vector<16xf32>,
      %get3A_65 = arith.index_cast %scan3A_30 : i32 to index
      %get3A_66 = arith.constant 64 : index
      %get3A_67 = tpu.vector_load %arg4[%get3A_65, %get3A_66] {strides = array<i32>} : memref<128x80xi32, #tpu.memory_space<vmem>>, vector<16xi32>,
      %shift_right_logical3A_68 = arith.constant 7 : i32
      %shift_right_logical3A_69 = vector.broadcast %shift_right_logical3A_68 : i32 to vector<16xi32>
      %shift_right_logical3A_70 = arith.shrui %get3A_67, %shift_right_logical3A_69 : vector<16xi32>
      %and3A_71 = arith.constant 127 : i32
      %and3A_72 = vector.broadcast %and3A_71 : i32 to vector<16xi32>
      %and3A_73 = arith.andi %get3A_67, %and3A_72 : vector<16xi32>
      tpu.vector_store_idx %arg5[%shift_right_logical3A_70, %and3A_73], %broadcast_in_dim3A_16 {add = true} : memref<80x128xf32, #tpu.memory_space<vmem>>[vector<16xi32>, vector<16xi32>], vector<16xf32>,
      %scan3A_74 = arith.constant 0 : i32
      scf.yield %scan3A_74 : i32
    }
    %scan3A_23 = arith.constant 128 : i32
    "tpu.region"() ({
      %run_scoped3A = tpu.sem_alloc : memref<!tpu.dma_semaphore, #tpu.memory_space<semaphore_mem>>
      %dma_start3A = arith.constant 0 : i32
      %dma_start3A_30 = arith.constant 0 : i32
      %dma_start3A_31 = tpu.memref_slice %arg7[%dma_start3A, %dma_start3A_30] : memref<80x128xf32, #tpu.memory_space<vmem_shared>> -> memref<80x128xf32, #tpu.memory_space<vmem_shared>>
      tpu.enqueue_indirect_dma source(%arg5 : memref<80x128xf32, #tpu.memory_space<vmem>>) target(%dma_start3A_31 : memref<80x128xf32, #tpu.memory_space<vmem_shared>>) offsets(%arg6 : memref<80xi32, #tpu.memory_space<vmem>>) semaphore(%run_scoped3A : memref<!tpu.dma_semaphore, #tpu.memory_space<semaphore_mem>>) {add = true}
      %dma_wait3A = arith.constant 0 : i32
      %dma_wait3A_32 = arith.constant 0 : i32
      %dma_wait3A_33 = tpu.memref_slice %arg7[%dma_wait3A, %dma_wait3A_32] : memref<80x128xf32, #tpu.memory_space<vmem_shared>> -> memref<80x128xf32, #tpu.memory_space<vmem_shared>>
      tpu.wait_indirect_dma semaphore(%run_scoped3A : memref<!tpu.dma_semaphore, #tpu.memory_space<semaphore_mem>>) src(%arg5 : memref<80x128xf32, #tpu.memory_space<vmem>>) dst(%dma_wait3A_33 : memref<80x128xf32, #tpu.memory_space<vmem_shared>>)
      tpu.yield
    }) : () -> ()
    %barrier3A_24 = arith.constant 0 : index
    tpu.barrier barrier_id(%barrier3A_24)
    %lt3A_25 = arith.constant 10 : i32
    %lt3A_26 = arith.cmpi slt, %arg1, %lt3A_25 : i32
    %convert_element_type3A_27 = arith.extui %lt3A_26 : i1 to i32
    %cond3A_28 = arith.constant 0 : i32
    %cond3A_29 = arith.cmpi ne, %convert_element_type3A_27, %cond3A_28 : i32
    scf.if %cond3A_29 {
      %mul3A_30 = arith.constant 8 : i32
      %mul3A_31 = arith.muli %arg1, %mul3A_30 : i32
      %mul3A_32 = arith.constant 8 : i32
      %mul3A_33 = arith.muli %arg1, %mul3A_32 : i32
      "tpu.region"() ({
        %run_scoped3A = tpu.sem_alloc : memref<!tpu.dma_semaphore, #tpu.memory_space<semaphore_mem>>
        %dma_start3A = arith.constant 0 : i32
        %dma_start3A_34 = tpu.memref_slice %arg3[%arg0, %mul3A_33, %dma_start3A] : memref<2x80x128xf32, #tpu.memory_space<hbm>> -> memref<1x8x128xf32, #tpu.memory_space<hbm>>
        %dma_start3A_35 = tpu.memref_squeeze %dma_start3A_34 : memref<1x8x128xf32, #tpu.memory_space<hbm>> -> memref<8x128xf32, #tpu.memory_space<hbm>>
        %dma_start3A_36 = arith.constant 0 : i32
        %dma_start3A_37 = tpu.memref_slice %arg7[%mul3A_31, %dma_start3A_36] : memref<80x128xf32, #tpu.memory_space<vmem_shared>> -> memref<8x128xf32, #tpu.memory_space<vmem_shared>>
        tpu.enqueue_dma source(%dma_start3A_37 : memref<8x128xf32, #tpu.memory_space<vmem_shared>>) target(%dma_start3A_35 : memref<8x128xf32, #tpu.memory_space<hbm>>) target_semaphore(%run_scoped3A : memref<!tpu.dma_semaphore, #tpu.memory_space<semaphore_mem>>)
        %dma_wait3A = arith.constant 0 : i32
        %dma_wait3A_38 = tpu.memref_slice %arg3[%arg0, %mul3A_33, %dma_wait3A] : memref<2x80x128xf32, #tpu.memory_space<hbm>> -> memref<1x8x128xf32, #tpu.memory_space<hbm>>
        %dma_wait3A_39 = tpu.memref_squeeze %dma_wait3A_38 : memref<1x8x128xf32, #tpu.memory_space<hbm>> -> memref<8x128xf32, #tpu.memory_space<hbm>>
        %dma_wait3A_40 = arith.constant 0 : i32
        %dma_wait3A_41 = tpu.memref_slice %arg7[%mul3A_31, %dma_wait3A_40] : memref<80x128xf32, #tpu.memory_space<vmem_shared>> -> memref<8x128xf32, #tpu.memory_space<vmem_shared>>
        tpu.wait_dma2 semaphore(%run_scoped3A : memref<!tpu.dma_semaphore, #tpu.memory_space<semaphore_mem>>) src(%dma_wait3A_41 : memref<8x128xf32, #tpu.memory_space<vmem_shared>>) dst(%dma_wait3A_39 : memref<8x128xf32, #tpu.memory_space<hbm>>)
        tpu.yield
      }) : () -> ()
    } else {
    }
    return
  }
}

#map = affine_map<(d0, d1) -> (0, 0)>
#map1 = affine_map<(d0, d1) -> (0, 0, 0)>
module attributes {stable_mosaic.version = 14 : i64} {
  func.func @_agg(%arg0: i32, %arg1: i32, %arg2: memref<10000x128xf32, #tpu.memory_space<hbm>>, %arg3: memref<32x128x80xi32, #tpu.memory_space<hbm>>, %arg4: memref<32x128x80xi32, #tpu.memory_space<hbm>>, %arg5: memref<2x10240x128xf32, #tpu.memory_space<hbm>>, %arg6: memref<8x80xi32, #tpu.memory_space<vmem>>, %arg7: memref<8x80xi32, #tpu.memory_space<vmem>>, %arg8: memref<8x80xi32, #tpu.memory_space<vmem>>, %arg9: memref<8x80xi32, #tpu.memory_space<vmem>>, %arg10: memref<4x80x128xf32, #tpu.memory_space<vmem>>, %arg11: memref<10240x128xf32, #tpu.memory_space<vmem_shared>>, %arg12: memref<!tpu.dma_semaphore, #tpu.memory_space<semaphore_mem>>, %arg13: memref<!tpu.dma_semaphore, #tpu.memory_space<semaphore_mem>>, %arg14: memref<!tpu.dma_semaphore, #tpu.memory_space<semaphore_mem>>, %arg15: memref<!tpu.dma_semaphore, #tpu.memory_space<semaphore_mem>>, %arg16: memref<!tpu.dma_semaphore, #tpu.memory_space<semaphore_mem>>, %arg17: memref<!tpu.dma_semaphore, #tpu.memory_space<semaphore_mem>>) attributes {dimension_semantics = [#tpu.dimension_semantics<core_parallel>, #tpu.dimension_semantics<subcore_parallel>], iteration_bounds = array<i64: 2, 16>, scalar_prefetch = 0 : i64, scratch_operands = 12 : i64, tpu.core_type = #tpu.core_type<sc_vector_subcore>, window_params = [{transform_indices = #map}, {transform_indices = #map1}, {transform_indices = #map1}, {transform_indices = #map1}]} {
    %mul3A = arith.constant 2 : i32
    %mul3A_0 = arith.muli %arg1, %mul3A : i32
    %add3A = arith.addi %mul3A_0, %arg0 : i32
    "tpu.region"() ({
      %run_scoped3A_94 = tpu.sem_alloc : memref<!tpu.dma_semaphore, #tpu.memory_space<semaphore_mem>>
      %dma_start3A_95 = arith.constant 0 : i32
      %dma_start3A_96 = arith.constant 0 : i32
      %dma_start3A_97 = tpu.memref_slice %arg3[%add3A, %dma_start3A_95, %dma_start3A_96] : memref<32x128x80xi32, #tpu.memory_space<hbm>> -> memref<1x8x80xi32, #tpu.memory_space<hbm>>
      %dma_start3A_98 = tpu.memref_squeeze %dma_start3A_97 : memref<1x8x80xi32, #tpu.memory_space<hbm>> -> memref<8x80xi32, #tpu.memory_space<hbm>>
      %dma_start3A_99 = arith.constant 0 : i32
      %dma_start3A_100 = arith.constant 0 : i32
      %dma_start3A_101 = tpu.memref_slice %arg3[%add3A, %dma_start3A_99, %dma_start3A_100] : memref<32x128x80xi32, #tpu.memory_space<hbm>> -> memref<1x8x80xi32, #tpu.memory_space<hbm>>
      %dma_start3A_102 = tpu.memref_squeeze %dma_start3A_101 : memref<1x8x80xi32, #tpu.memory_space<hbm>> -> memref<8x80xi32, #tpu.memory_space<hbm>>
      tpu.enqueue_dma source(%dma_start3A_102 : memref<8x80xi32, #tpu.memory_space<hbm>>) target(%arg6 : memref<8x80xi32, #tpu.memory_space<vmem>>) target_semaphore(%run_scoped3A_94 : memref<!tpu.dma_semaphore, #tpu.memory_space<semaphore_mem>>)
      %dma_wait3A = arith.constant 0 : i32
      %dma_wait3A_103 = arith.constant 0 : i32
      %dma_wait3A_104 = tpu.memref_slice %arg3[%add3A, %dma_wait3A, %dma_wait3A_103] : memref<32x128x80xi32, #tpu.memory_space<hbm>> -> memref<1x8x80xi32, #tpu.memory_space<hbm>>
      %dma_wait3A_105 = tpu.memref_squeeze %dma_wait3A_104 : memref<1x8x80xi32, #tpu.memory_space<hbm>> -> memref<8x80xi32, #tpu.memory_space<hbm>>
      %dma_wait3A_106 = arith.constant 0 : i32
      %dma_wait3A_107 = arith.constant 0 : i32
      %dma_wait3A_108 = tpu.memref_slice %arg3[%add3A, %dma_wait3A_106, %dma_wait3A_107] : memref<32x128x80xi32, #tpu.memory_space<hbm>> -> memref<1x8x80xi32, #tpu.memory_space<hbm>>
      %dma_wait3A_109 = tpu.memref_squeeze %dma_wait3A_108 : memref<1x8x80xi32, #tpu.memory_space<hbm>> -> memref<8x80xi32, #tpu.memory_space<hbm>>
      tpu.wait_dma2 semaphore(%run_scoped3A_94 : memref<!tpu.dma_semaphore, #tpu.memory_space<semaphore_mem>>) src(%dma_wait3A_109 : memref<8x80xi32, #tpu.memory_space<hbm>>) dst(%arg6 : memref<8x80xi32, #tpu.memory_space<vmem>>)
      tpu.yield
    }) : () -> ()
    "tpu.region"() ({
      %run_scoped3A_94 = tpu.sem_alloc : memref<!tpu.dma_semaphore, #tpu.memory_space<semaphore_mem>>
      %dma_start3A_95 = arith.constant 0 : i32
      %dma_start3A_96 = arith.constant 0 : i32
      %dma_start3A_97 = tpu.memref_slice %arg4[%add3A, %dma_start3A_95, %dma_start3A_96] : memref<32x128x80xi32, #tpu.memory_space<hbm>> -> memref<1x8x80xi32, #tpu.memory_space<hbm>>
      %dma_start3A_98 = tpu.memref_squeeze %dma_start3A_97 : memref<1x8x80xi32, #tpu.memory_space<hbm>> -> memref<8x80xi32, #tpu.memory_space<hbm>>
      %dma_start3A_99 = arith.constant 0 : i32
      %dma_start3A_100 = arith.constant 0 : i32
      %dma_start3A_101 = tpu.memref_slice %arg4[%add3A, %dma_start3A_99, %dma_start3A_100] : memref<32x128x80xi32, #tpu.memory_space<hbm>> -> memref<1x8x80xi32, #tpu.memory_space<hbm>>
      %dma_start3A_102 = tpu.memref_squeeze %dma_start3A_101 : memref<1x8x80xi32, #tpu.memory_space<hbm>> -> memref<8x80xi32, #tpu.memory_space<hbm>>
      tpu.enqueue_dma source(%dma_start3A_102 : memref<8x80xi32, #tpu.memory_space<hbm>>) target(%arg7 : memref<8x80xi32, #tpu.memory_space<vmem>>) target_semaphore(%run_scoped3A_94 : memref<!tpu.dma_semaphore, #tpu.memory_space<semaphore_mem>>)
      %dma_wait3A = arith.constant 0 : i32
      %dma_wait3A_103 = arith.constant 0 : i32
      %dma_wait3A_104 = tpu.memref_slice %arg4[%add3A, %dma_wait3A, %dma_wait3A_103] : memref<32x128x80xi32, #tpu.memory_space<hbm>> -> memref<1x8x80xi32, #tpu.memory_space<hbm>>
      %dma_wait3A_105 = tpu.memref_squeeze %dma_wait3A_104 : memref<1x8x80xi32, #tpu.memory_space<hbm>> -> memref<8x80xi32, #tpu.memory_space<hbm>>
      %dma_wait3A_106 = arith.constant 0 : i32
      %dma_wait3A_107 = arith.constant 0 : i32
      %dma_wait3A_108 = tpu.memref_slice %arg4[%add3A, %dma_wait3A_106, %dma_wait3A_107] : memref<32x128x80xi32, #tpu.memory_space<hbm>> -> memref<1x8x80xi32, #tpu.memory_space<hbm>>
      %dma_wait3A_109 = tpu.memref_squeeze %dma_wait3A_108 : memref<1x8x80xi32, #tpu.memory_space<hbm>> -> memref<8x80xi32, #tpu.memory_space<hbm>>
      tpu.wait_dma2 semaphore(%run_scoped3A_94 : memref<!tpu.dma_semaphore, #tpu.memory_space<semaphore_mem>>) src(%dma_wait3A_109 : memref<8x80xi32, #tpu.memory_space<hbm>>) dst(%arg7 : memref<8x80xi32, #tpu.memory_space<vmem>>)
      tpu.yield
    }) : () -> ()
    %dma_start3A = arith.constant 8 : i32
    %dma_start3A_1 = arith.constant 0 : i32
    %dma_start3A_2 = tpu.memref_slice %arg3[%add3A, %dma_start3A, %dma_start3A_1] : memref<32x128x80xi32, #tpu.memory_space<hbm>> -> memref<1x8x80xi32, #tpu.memory_space<hbm>>
    %dma_start3A_3 = tpu.memref_squeeze %dma_start3A_2 : memref<1x8x80xi32, #tpu.memory_space<hbm>> -> memref<8x80xi32, #tpu.memory_space<hbm>>
    %dma_start3A_4 = arith.constant 8 : i32
    %dma_start3A_5 = arith.constant 0 : i32
    %dma_start3A_6 = tpu.memref_slice %arg3[%add3A, %dma_start3A_4, %dma_start3A_5] : memref<32x128x80xi32, #tpu.memory_space<hbm>> -> memref<1x8x80xi32, #tpu.memory_space<hbm>>
    %dma_start3A_7 = tpu.memref_squeeze %dma_start3A_6 : memref<1x8x80xi32, #tpu.memory_space<hbm>> -> memref<8x80xi32, #tpu.memory_space<hbm>>
    tpu.enqueue_dma source(%dma_start3A_7 : memref<8x80xi32, #tpu.memory_space<hbm>>) target(%arg8 : memref<8x80xi32, #tpu.memory_space<vmem>>) target_semaphore(%arg17 : memref<!tpu.dma_semaphore, #tpu.memory_space<semaphore_mem>>)
    %dma_start3A_8 = arith.constant 8 : i32
    %dma_start3A_9 = arith.constant 0 : i32
    %dma_start3A_10 = tpu.memref_slice %arg4[%add3A, %dma_start3A_8, %dma_start3A_9] : memref<32x128x80xi32, #tpu.memory_space<hbm>> -> memref<1x8x80xi32, #tpu.memory_space<hbm>>
    %dma_start3A_11 = tpu.memref_squeeze %dma_start3A_10 : memref<1x8x80xi32, #tpu.memory_space<hbm>> -> memref<8x80xi32, #tpu.memory_space<hbm>>
    %dma_start3A_12 = arith.constant 8 : i32
    %dma_start3A_13 = arith.constant 0 : i32
    %dma_start3A_14 = tpu.memref_slice %arg4[%add3A, %dma_start3A_12, %dma_start3A_13] : memref<32x128x80xi32, #tpu.memory_space<hbm>> -> memref<1x8x80xi32, #tpu.memory_space<hbm>>
    %dma_start3A_15 = tpu.memref_squeeze %dma_start3A_14 : memref<1x8x80xi32, #tpu.memory_space<hbm>> -> memref<8x80xi32, #tpu.memory_space<hbm>>
    tpu.enqueue_dma source(%dma_start3A_15 : memref<8x80xi32, #tpu.memory_space<hbm>>) target(%arg9 : memref<8x80xi32, #tpu.memory_space<vmem>>) target_semaphore(%arg17 : memref<!tpu.dma_semaphore, #tpu.memory_space<semaphore_mem>>)
    %dma_start3A_16 = arith.constant 0 : i32
    %dma_start3A_17 = arith.constant 0 : i32
    %dma_start3A_18 = arith.constant 0 : i32
    %dma_start3A_19 = arith.constant 0 : i32
    %dma_start3A_20 = tpu.memref_slice %arg10[%dma_start3A_17, %dma_start3A_18, %dma_start3A_19] : memref<4x80x128xf32, #tpu.memory_space<vmem>> -> memref<1x80x128xf32, #tpu.memory_space<vmem>>
    %dma_start3A_21 = tpu.memref_squeeze %dma_start3A_20 : memref<1x80x128xf32, #tpu.memory_space<vmem>> -> memref<80x128xf32, #tpu.memory_space<vmem>>
    %dma_start3A_22 = arith.constant 0 : i32
    %dma_start3A_23 = tpu.memref_slice %arg6[%dma_start3A_16, %dma_start3A_22] : memref<8x80xi32, #tpu.memory_space<vmem>> -> memref<1x80xi32, #tpu.memory_space<vmem>>
    %dma_start3A_24 = tpu.memref_squeeze %dma_start3A_23 : memref<1x80xi32, #tpu.memory_space<vmem>> -> memref<80xi32, #tpu.memory_space<vmem>>
    %dma_start3A_25 = arith.constant 0 : i32
    %dma_start3A_26 = arith.constant 0 : i32
    %dma_start3A_27 = tpu.memref_slice %arg2[%dma_start3A_25, %dma_start3A_26] : memref<10000x128xf32, #tpu.memory_space<hbm>> -> memref<10000x128xf32, #tpu.memory_space<hbm>>
    tpu.enqueue_indirect_dma source(%dma_start3A_27 : memref<10000x128xf32, #tpu.memory_space<hbm>>) target(%dma_start3A_21 : memref<80x128xf32, #tpu.memory_space<vmem>>) offsets(%dma_start3A_24 : memref<80xi32, #tpu.memory_space<vmem>>) semaphore(%arg12 : memref<!tpu.dma_semaphore, #tpu.memory_space<semaphore_mem>>)
    %dma_start3A_28 = arith.constant 1 : i32
    %dma_start3A_29 = arith.constant 1 : i32
    %dma_start3A_30 = arith.constant 0 : i32
    %dma_start3A_31 = arith.constant 0 : i32
    %dma_start3A_32 = tpu.memref_slice %arg10[%dma_start3A_29, %dma_start3A_30, %dma_start3A_31] : memref<4x80x128xf32, #tpu.memory_space<vmem>> -> memref<1x80x128xf32, #tpu.memory_space<vmem>>
    %dma_start3A_33 = tpu.memref_squeeze %dma_start3A_32 : memref<1x80x128xf32, #tpu.memory_space<vmem>> -> memref<80x128xf32, #tpu.memory_space<vmem>>
    %dma_start3A_34 = arith.constant 0 : i32
    %dma_start3A_35 = tpu.memref_slice %arg6[%dma_start3A_28, %dma_start3A_34] : memref<8x80xi32, #tpu.memory_space<vmem>> -> memref<1x80xi32, #tpu.memory_space<vmem>>
    %dma_start3A_36 = tpu.memref_squeeze %dma_start3A_35 : memref<1x80xi32, #tpu.memory_space<vmem>> -> memref<80xi32, #tpu.memory_space<vmem>>
    %dma_start3A_37 = arith.constant 0 : i32
    %dma_start3A_38 = arith.constant 0 : i32
    %dma_start3A_39 = tpu.memref_slice %arg2[%dma_start3A_37, %dma_start3A_38] : memref<10000x128xf32, #tpu.memory_space<hbm>> -> memref<10000x128xf32, #tpu.memory_space<hbm>>
    tpu.enqueue_indirect_dma source(%dma_start3A_39 : memref<10000x128xf32, #tpu.memory_space<hbm>>) target(%dma_start3A_33 : memref<80x128xf32, #tpu.memory_space<vmem>>) offsets(%dma_start3A_36 : memref<80xi32, #tpu.memory_space<vmem>>) semaphore(%arg13 : memref<!tpu.dma_semaphore, #tpu.memory_space<semaphore_mem>>)
    %dma_start3A_40 = arith.constant 2 : i32
    %dma_start3A_41 = arith.constant 2 : i32
    %dma_start3A_42 = arith.constant 0 : i32
    %dma_start3A_43 = arith.constant 0 : i32
    %dma_start3A_44 = tpu.memref_slice %arg10[%dma_start3A_41, %dma_start3A_42, %dma_start3A_43] : memref<4x80x128xf32, #tpu.memory_space<vmem>> -> memref<1x80x128xf32, #tpu.memory_space<vmem>>
    %dma_start3A_45 = tpu.memref_squeeze %dma_start3A_44 : memref<1x80x128xf32, #tpu.memory_space<vmem>> -> memref<80x128xf32, #tpu.memory_space<vmem>>
    %dma_start3A_46 = arith.constant 0 : i32
    %dma_start3A_47 = tpu.memref_slice %arg6[%dma_start3A_40, %dma_start3A_46] : memref<8x80xi32, #tpu.memory_space<vmem>> -> memref<1x80xi32, #tpu.memory_space<vmem>>
    %dma_start3A_48 = tpu.memref_squeeze %dma_start3A_47 : memref<1x80xi32, #tpu.memory_space<vmem>> -> memref<80xi32, #tpu.memory_space<vmem>>
    %dma_start3A_49 = arith.constant 0 : i32
    %dma_start3A_50 = arith.constant 0 : i32
    %dma_start3A_51 = tpu.memref_slice %arg2[%dma_start3A_49, %dma_start3A_50] : memref<10000x128xf32, #tpu.memory_space<hbm>> -> memref<10000x128xf32, #tpu.memory_space<hbm>>
    tpu.enqueue_indirect_dma source(%dma_start3A_51 : memref<10000x128xf32, #tpu.memory_space<hbm>>) target(%dma_start3A_45 : memref<80x128xf32, #tpu.memory_space<vmem>>) offsets(%dma_start3A_48 : memref<80xi32, #tpu.memory_space<vmem>>) semaphore(%arg14 : memref<!tpu.dma_semaphore, #tpu.memory_space<semaphore_mem>>)
    %scan3A = arith.constant 3 : i32
    %scan3A_52 = arith.constant 0 : i32
    %scan3A_53 = arith.constant 0 : i32
    %scan3A_54 = arith.constant 80 : i32
    %scan3A_55 = arith.addi %scan3A_53, %scan3A_54 : i32
    %scan3A_56 = arith.constant 1 : i32
    %scan3A_57 = scf.for %scan3A_94 = %scan3A_53 to %scan3A_55 step %scan3A_56 iter_args(%scan3A_95 = %scan3A_52) -> (i32)  : i32 {
      %broadcast_in_dim3A = arith.constant 0.000000e+00 : f32
      %broadcast_in_dim3A_96 = vector.broadcast %broadcast_in_dim3A : f32 to vector<16xf32>
      %swap3A = arith.constant 0 : i32
      %swap3A_97 = arith.constant 0 : i32
      %swap3A_98 = tpu.memref_slice %arg10[%scan3A, %swap3A, %swap3A_97] : memref<4x80x128xf32, #tpu.memory_space<vmem>> -> memref<1x80x128xf32, #tpu.memory_space<vmem>>
      %swap3A_99 = tpu.memref_squeeze %swap3A_98 : memref<1x80x128xf32, #tpu.memory_space<vmem>> -> memref<80x128xf32, #tpu.memory_space<vmem>>
      %swap3A_100 = arith.index_cast %scan3A_94 : i32 to index
      %swap3A_101 = arith.constant 0 : index
      %swap3A_102 = tpu.vector_load %swap3A_99[%swap3A_100, %swap3A_101] {strides = array<i32>} : memref<80x128xf32, #tpu.memory_space<vmem>>, vector<1x16xf32>,
      %swap3A_103 = vector.shape_cast %swap3A_102 : vector<1x16xf32> to vector<16xf32>
      %swap3A_104 = vector.shape_cast %broadcast_in_dim3A_96 : vector<16xf32> to vector<1x16xf32>
      tpu.vector_store %swap3A_99[%swap3A_100, %swap3A_101], %swap3A_104 {strides = array<i32>} : memref<80x128xf32, #tpu.memory_space<vmem>>, vector<1x16xf32>,
      %broadcast_in_dim3A_105 = arith.constant 0.000000e+00 : f32
      %broadcast_in_dim3A_106 = vector.broadcast %broadcast_in_dim3A_105 : f32 to vector<16xf32>
      %swap3A_107 = arith.constant 0 : i32
      %swap3A_108 = arith.constant 0 : i32
      %swap3A_109 = tpu.memref_slice %arg10[%scan3A, %swap3A_107, %swap3A_108] : memref<4x80x128xf32, #tpu.memory_space<vmem>> -> memref<1x80x128xf32, #tpu.memory_space<vmem>>
      %swap3A_110 = tpu.memref_squeeze %swap3A_109 : memref<1x80x128xf32, #tpu.memory_space<vmem>> -> memref<80x128xf32, #tpu.memory_space<vmem>>
      %swap3A_111 = arith.index_cast %scan3A_94 : i32 to index
      %swap3A_112 = arith.constant 16 : index
      %swap3A_113 = tpu.vector_load %swap3A_110[%swap3A_111, %swap3A_112] {strides = array<i32>} : memref<80x128xf32, #tpu.memory_space<vmem>>, vector<1x16xf32>,
      %swap3A_114 = vector.shape_cast %swap3A_113 : vector<1x16xf32> to vector<16xf32>
      %swap3A_115 = vector.shape_cast %broadcast_in_dim3A_106 : vector<16xf32> to vector<1x16xf32>
      tpu.vector_store %swap3A_110[%swap3A_111, %swap3A_112], %swap3A_115 {strides = array<i32>} : memref<80x128xf32, #tpu.memory_space<vmem>>, vector<1x16xf32>,
      %broadcast_in_dim3A_116 = arith.constant 0.000000e+00 : f32
      %broadcast_in_dim3A_117 = vector.broadcast %broadcast_in_dim3A_116 : f32 to vector<16xf32>
      %swap3A_118 = arith.constant 0 : i32
      %swap3A_119 = arith.constant 0 : i32
      %swap3A_120 = tpu.memref_slice %arg10[%scan3A, %swap3A_118, %swap3A_119] : memref<4x80x128xf32, #tpu.memory_space<vmem>> -> memref<1x80x128xf32, #tpu.memory_space<vmem>>
      %swap3A_121 = tpu.memref_squeeze %swap3A_120 : memref<1x80x128xf32, #tpu.memory_space<vmem>> -> memref<80x128xf32, #tpu.memory_space<vmem>>
      %swap3A_122 = arith.index_cast %scan3A_94 : i32 to index
      %swap3A_123 = arith.constant 32 : index
      %swap3A_124 = tpu.vector_load %swap3A_121[%swap3A_122, %swap3A_123] {strides = array<i32>} : memref<80x128xf32, #tpu.memory_space<vmem>>, vector<1x16xf32>,
      %swap3A_125 = vector.shape_cast %swap3A_124 : vector<1x16xf32> to vector<16xf32>
      %swap3A_126 = vector.shape_cast %broadcast_in_dim3A_117 : vector<16xf32> to vector<1x16xf32>
      tpu.vector_store %swap3A_121[%swap3A_122, %swap3A_123], %swap3A_126 {strides = array<i32>} : memref<80x128xf32, #tpu.memory_space<vmem>>, vector<1x16xf32>,
      %broadcast_in_dim3A_127 = arith.constant 0.000000e+00 : f32
      %broadcast_in_dim3A_128 = vector.broadcast %broadcast_in_dim3A_127 : f32 to vector<16xf32>
      %swap3A_129 = arith.constant 0 : i32
      %swap3A_130 = arith.constant 0 : i32
      %swap3A_131 = tpu.memref_slice %arg10[%scan3A, %swap3A_129, %swap3A_130] : memref<4x80x128xf32, #tpu.memory_space<vmem>> -> memref<1x80x128xf32, #tpu.memory_space<vmem>>
      %swap3A_132 = tpu.memref_squeeze %swap3A_131 : memref<1x80x128xf32, #tpu.memory_space<vmem>> -> memref<80x128xf32, #tpu.memory_space<vmem>>
      %swap3A_133 = arith.index_cast %scan3A_94 : i32 to index
      %swap3A_134 = arith.constant 48 : index
      %swap3A_135 = tpu.vector_load %swap3A_132[%swap3A_133, %swap3A_134] {strides = array<i32>} : memref<80x128xf32, #tpu.memory_space<vmem>>, vector<1x16xf32>,
      %swap3A_136 = vector.shape_cast %swap3A_135 : vector<1x16xf32> to vector<16xf32>
      %swap3A_137 = vector.shape_cast %broadcast_in_dim3A_128 : vector<16xf32> to vector<1x16xf32>
      tpu.vector_store %swap3A_132[%swap3A_133, %swap3A_134], %swap3A_137 {strides = array<i32>} : memref<80x128xf32, #tpu.memory_space<vmem>>, vector<1x16xf32>,
      %broadcast_in_dim3A_138 = arith.constant 0.000000e+00 : f32
      %broadcast_in_dim3A_139 = vector.broadcast %broadcast_in_dim3A_138 : f32 to vector<16xf32>
      %swap3A_140 = arith.constant 0 : i32
      %swap3A_141 = arith.constant 0 : i32
      %swap3A_142 = tpu.memref_slice %arg10[%scan3A, %swap3A_140, %swap3A_141] : memref<4x80x128xf32, #tpu.memory_space<vmem>> -> memref<1x80x128xf32, #tpu.memory_space<vmem>>
      %swap3A_143 = tpu.memref_squeeze %swap3A_142 : memref<1x80x128xf32, #tpu.memory_space<vmem>> -> memref<80x128xf32, #tpu.memory_space<vmem>>
      %swap3A_144 = arith.index_cast %scan3A_94 : i32 to index
      %swap3A_145 = arith.constant 64 : index
      %swap3A_146 = tpu.vector_load %swap3A_143[%swap3A_144, %swap3A_145] {strides = array<i32>} : memref<80x128xf32, #tpu.memory_space<vmem>>, vector<1x16xf32>,
      %swap3A_147 = vector.shape_cast %swap3A_146 : vector<1x16xf32> to vector<16xf32>
      %swap3A_148 = vector.shape_cast %broadcast_in_dim3A_139 : vector<16xf32> to vector<1x16xf32>
      tpu.vector_store %swap3A_143[%swap3A_144, %swap3A_145], %swap3A_148 {strides = array<i32>} : memref<80x128xf32, #tpu.memory_space<vmem>>, vector<1x16xf32>,
      %broadcast_in_dim3A_149 = arith.constant 0.000000e+00 : f32
      %broadcast_in_dim3A_150 = vector.broadcast %broadcast_in_dim3A_149 : f32 to vector<16xf32>
      %swap3A_151 = arith.constant 0 : i32
      %swap3A_152 = arith.constant 0 : i32
      %swap3A_153 = tpu.memref_slice %arg10[%scan3A, %swap3A_151, %swap3A_152] : memref<4x80x128xf32, #tpu.memory_space<vmem>> -> memref<1x80x128xf32, #tpu.memory_space<vmem>>
      %swap3A_154 = tpu.memref_squeeze %swap3A_153 : memref<1x80x128xf32, #tpu.memory_space<vmem>> -> memref<80x128xf32, #tpu.memory_space<vmem>>
      %swap3A_155 = arith.index_cast %scan3A_94 : i32 to index
      %swap3A_156 = arith.constant 80 : index
      %swap3A_157 = tpu.vector_load %swap3A_154[%swap3A_155, %swap3A_156] {strides = array<i32>} : memref<80x128xf32, #tpu.memory_space<vmem>>, vector<1x16xf32>,
      %swap3A_158 = vector.shape_cast %swap3A_157 : vector<1x16xf32> to vector<16xf32>
      %swap3A_159 = vector.shape_cast %broadcast_in_dim3A_150 : vector<16xf32> to vector<1x16xf32>
      tpu.vector_store %swap3A_154[%swap3A_155, %swap3A_156], %swap3A_159 {strides = array<i32>} : memref<80x128xf32, #tpu.memory_space<vmem>>, vector<1x16xf32>,
      %broadcast_in_dim3A_160 = arith.constant 0.000000e+00 : f32
      %broadcast_in_dim3A_161 = vector.broadcast %broadcast_in_dim3A_160 : f32 to vector<16xf32>
      %swap3A_162 = arith.constant 0 : i32
      %swap3A_163 = arith.constant 0 : i32
      %swap3A_164 = tpu.memref_slice %arg10[%scan3A, %swap3A_162, %swap3A_163] : memref<4x80x128xf32, #tpu.memory_space<vmem>> -> memref<1x80x128xf32, #tpu.memory_space<vmem>>
      %swap3A_165 = tpu.memref_squeeze %swap3A_164 : memref<1x80x128xf32, #tpu.memory_space<vmem>> -> memref<80x128xf32, #tpu.memory_space<vmem>>
      %swap3A_166 = arith.index_cast %scan3A_94 : i32 to index
      %swap3A_167 = arith.constant 96 : index
      %swap3A_168 = tpu.vector_load %swap3A_165[%swap3A_166, %swap3A_167] {strides = array<i32>} : memref<80x128xf32, #tpu.memory_space<vmem>>, vector<1x16xf32>,
      %swap3A_169 = vector.shape_cast %swap3A_168 : vector<1x16xf32> to vector<16xf32>
      %swap3A_170 = vector.shape_cast %broadcast_in_dim3A_161 : vector<16xf32> to vector<1x16xf32>
      tpu.vector_store %swap3A_165[%swap3A_166, %swap3A_167], %swap3A_170 {strides = array<i32>} : memref<80x128xf32, #tpu.memory_space<vmem>>, vector<1x16xf32>,
      %broadcast_in_dim3A_171 = arith.constant 0.000000e+00 : f32
      %broadcast_in_dim3A_172 = vector.broadcast %broadcast_in_dim3A_171 : f32 to vector<16xf32>
      %swap3A_173 = arith.constant 0 : i32
      %swap3A_174 = arith.constant 0 : i32
      %swap3A_175 = tpu.memref_slice %arg10[%scan3A, %swap3A_173, %swap3A_174] : memref<4x80x128xf32, #tpu.memory_space<vmem>> -> memref<1x80x128xf32, #tpu.memory_space<vmem>>
      %swap3A_176 = tpu.memref_squeeze %swap3A_175 : memref<1x80x128xf32, #tpu.memory_space<vmem>> -> memref<80x128xf32, #tpu.memory_space<vmem>>
      %swap3A_177 = arith.index_cast %scan3A_94 : i32 to index
      %swap3A_178 = arith.constant 112 : index
      %swap3A_179 = tpu.vector_load %swap3A_176[%swap3A_177, %swap3A_178] {strides = array<i32>} : memref<80x128xf32, #tpu.memory_space<vmem>>, vector<1x16xf32>,
      %swap3A_180 = vector.shape_cast %swap3A_179 : vector<1x16xf32> to vector<16xf32>
      %swap3A_181 = vector.shape_cast %broadcast_in_dim3A_172 : vector<16xf32> to vector<1x16xf32>
      tpu.vector_store %swap3A_176[%swap3A_177, %swap3A_178], %swap3A_181 {strides = array<i32>} : memref<80x128xf32, #tpu.memory_space<vmem>>, vector<1x16xf32>,
      %scan3A_182 = arith.constant 0 : i32
      scf.yield %scan3A_182 : i32
    }
    %scan3A_58 = arith.constant 80 : i32
    %mul3A_59 = arith.constant 640 : i32
    %mul3A_60 = arith.muli %arg1, %mul3A_59 : i32
    %add3A_61 = arith.constant 0 : i32
    %add3A_62 = arith.addi %mul3A_60, %add3A_61 : i32
    %run_scoped3A = arith.constant 3 : i32
    "tpu.region"() ({
      %run_scoped3A_94 = tpu.sem_alloc : memref<!tpu.dma_semaphore, #tpu.memory_space<semaphore_mem>>
      %dma_start3A_95 = arith.constant 0 : i32
      %dma_start3A_96 = arith.constant 0 : i32
      %dma_start3A_97 = tpu.memref_slice %arg10[%run_scoped3A, %dma_start3A_95, %dma_start3A_96] : memref<4x80x128xf32, #tpu.memory_space<vmem>> -> memref<1x80x128xf32, #tpu.memory_space<vmem>>
      %dma_start3A_98 = tpu.memref_squeeze %dma_start3A_97 : memref<1x80x128xf32, #tpu.memory_space<vmem>> -> memref<80x128xf32, #tpu.memory_space<vmem>>
      %dma_start3A_99 = arith.constant 0 : i32
      %dma_start3A_100 = arith.constant 0 : i32
      %dma_start3A_101 = tpu.memref_slice %dma_start3A_98[%dma_start3A_99, %dma_start3A_100] : memref<80x128xf32, #tpu.memory_space<vmem>> -> memref<80x128xf32, #tpu.memory_space<vmem>>
      %dma_start3A_102 = arith.constant 0 : i32
      %dma_start3A_103 = tpu.memref_slice %arg11[%add3A_62, %dma_start3A_102] : memref<10240x128xf32, #tpu.memory_space<vmem_shared>> -> memref<80x128xf32, #tpu.memory_space<vmem_shared>>
      %dma_start3A_104 = arith.constant 0 : i32
      %dma_start3A_105 = tpu.memref_slice %arg11[%add3A_62, %dma_start3A_104] : memref<10240x128xf32, #tpu.memory_space<vmem_shared>> -> memref<80x128xf32, #tpu.memory_space<vmem_shared>>
      %dma_start3A_106 = arith.constant 0 : i32
      %dma_start3A_107 = arith.constant 0 : i32
      %dma_start3A_108 = tpu.memref_slice %arg10[%run_scoped3A, %dma_start3A_106, %dma_start3A_107] : memref<4x80x128xf32, #tpu.memory_space<vmem>> -> memref<1x80x128xf32, #tpu.memory_space<vmem>>
      %dma_start3A_109 = tpu.memref_squeeze %dma_start3A_108 : memref<1x80x128xf32, #tpu.memory_space<vmem>> -> memref<80x128xf32, #tpu.memory_space<vmem>>
      %dma_start3A_110 = arith.constant 0 : i32
      %dma_start3A_111 = arith.constant 0 : i32
      %dma_start3A_112 = tpu.memref_slice %dma_start3A_109[%dma_start3A_110, %dma_start3A_111] : memref<80x128xf32, #tpu.memory_space<vmem>> -> memref<80x128xf32, #tpu.memory_space<vmem>>
      tpu.enqueue_dma source(%dma_start3A_112 : memref<80x128xf32, #tpu.memory_space<vmem>>) target(%dma_start3A_105 : memref<80x128xf32, #tpu.memory_space<vmem_shared>>) target_semaphore(%run_scoped3A_94 : memref<!tpu.dma_semaphore, #tpu.memory_space<semaphore_mem>>)
      %dma_wait3A = arith.constant 0 : i32
      %dma_wait3A_113 = arith.constant 0 : i32
      %dma_wait3A_114 = tpu.memref_slice %arg10[%run_scoped3A, %dma_wait3A, %dma_wait3A_113] : memref<4x80x128xf32, #tpu.memory_space<vmem>> -> memref<1x80x128xf32, #tpu.memory_space<vmem>>
      %dma_wait3A_115 = tpu.memref_squeeze %dma_wait3A_114 : memref<1x80x128xf32, #tpu.memory_space<vmem>> -> memref<80x128xf32, #tpu.memory_space<vmem>>
      %dma_wait3A_116 = arith.constant 0 : i32
      %dma_wait3A_117 = arith.constant 0 : i32
      %dma_wait3A_118 = tpu.memref_slice %dma_wait3A_115[%dma_wait3A_116, %dma_wait3A_117] : memref<80x128xf32, #tpu.memory_space<vmem>> -> memref<80x128xf32, #tpu.memory_space<vmem>>
      %dma_wait3A_119 = arith.constant 0 : i32
      %dma_wait3A_120 = tpu.memref_slice %arg11[%add3A_62, %dma_wait3A_119] : memref<10240x128xf32, #tpu.memory_space<vmem_shared>> -> memref<80x128xf32, #tpu.memory_space<vmem_shared>>
      %dma_wait3A_121 = arith.constant 0 : i32
      %dma_wait3A_122 = tpu.memref_slice %arg11[%add3A_62, %dma_wait3A_121] : memref<10240x128xf32, #tpu.memory_space<vmem_shared>> -> memref<80x128xf32, #tpu.memory_space<vmem_shared>>
      %dma_wait3A_123 = arith.constant 0 : i32
      %dma_wait3A_124 = arith.constant 0 : i32
      %dma_wait3A_125 = tpu.memref_slice %arg10[%run_scoped3A, %dma_wait3A_123, %dma_wait3A_124] : memref<4x80x128xf32, #tpu.memory_space<vmem>> -> memref<1x80x128xf32, #tpu.memory_space<vmem>>
      %dma_wait3A_126 = tpu.memref_squeeze %dma_wait3A_125 : memref<1x80x128xf32, #tpu.memory_space<vmem>> -> memref<80x128xf32, #tpu.memory_space<vmem>>
      %dma_wait3A_127 = arith.constant 0 : i32
      %dma_wait3A_128 = arith.constant 0 : i32
      %dma_wait3A_129 = tpu.memref_slice %dma_wait3A_126[%dma_wait3A_127, %dma_wait3A_128] : memref<80x128xf32, #tpu.memory_space<vmem>> -> memref<80x128xf32, #tpu.memory_space<vmem>>
      tpu.wait_dma2 semaphore(%run_scoped3A_94 : memref<!tpu.dma_semaphore, #tpu.memory_space<semaphore_mem>>) src(%dma_wait3A_129 : memref<80x128xf32, #tpu.memory_space<vmem>>) dst(%dma_wait3A_122 : memref<80x128xf32, #tpu.memory_space<vmem_shared>>)
      tpu.yield
    }) : () -> ()
    %add3A_63 = arith.constant 80 : i32
    %add3A_64 = arith.addi %mul3A_60, %add3A_63 : i32
    %run_scoped3A_65 = arith.constant 3 : i32
    "tpu.region"() ({
      %run_scoped3A_94 = tpu.sem_alloc : memref<!tpu.dma_semaphore, #tpu.memory_space<semaphore_mem>>
      %dma_start3A_95 = arith.constant 0 : i32
      %dma_start3A_96 = arith.constant 0 : i32
      %dma_start3A_97 = tpu.memref_slice %arg10[%run_scoped3A_65, %dma_start3A_95, %dma_start3A_96] : memref<4x80x128xf32, #tpu.memory_space<vmem>> -> memref<1x80x128xf32, #tpu.memory_space<vmem>>
      %dma_start3A_98 = tpu.memref_squeeze %dma_start3A_97 : memref<1x80x128xf32, #tpu.memory_space<vmem>> -> memref<80x128xf32, #tpu.memory_space<vmem>>
      %dma_start3A_99 = arith.constant 0 : i32
      %dma_start3A_100 = arith.constant 0 : i32
      %dma_start3A_101 = tpu.memref_slice %dma_start3A_98[%dma_start3A_99, %dma_start3A_100] : memref<80x128xf32, #tpu.memory_space<vmem>> -> memref<80x128xf32, #tpu.memory_space<vmem>>
      %dma_start3A_102 = arith.constant 0 : i32
      %dma_start3A_103 = tpu.memref_slice %arg11[%add3A_64, %dma_start3A_102] : memref<10240x128xf32, #tpu.memory_space<vmem_shared>> -> memref<80x128xf32, #tpu.memory_space<vmem_shared>>
      %dma_start3A_104 = arith.constant 0 : i32
      %dma_start3A_105 = tpu.memref_slice %arg11[%add3A_64, %dma_start3A_104] : memref<10240x128xf32, #tpu.memory_space<vmem_shared>> -> memref<80x128xf32, #tpu.memory_space<vmem_shared>>
      %dma_start3A_106 = arith.constant 0 : i32
      %dma_start3A_107 = arith.constant 0 : i32
      %dma_start3A_108 = tpu.memref_slice %arg10[%run_scoped3A_65, %dma_start3A_106, %dma_start3A_107] : memref<4x80x128xf32, #tpu.memory_space<vmem>> -> memref<1x80x128xf32, #tpu.memory_space<vmem>>
      %dma_start3A_109 = tpu.memref_squeeze %dma_start3A_108 : memref<1x80x128xf32, #tpu.memory_space<vmem>> -> memref<80x128xf32, #tpu.memory_space<vmem>>
      %dma_start3A_110 = arith.constant 0 : i32
      %dma_start3A_111 = arith.constant 0 : i32
      %dma_start3A_112 = tpu.memref_slice %dma_start3A_109[%dma_start3A_110, %dma_start3A_111] : memref<80x128xf32, #tpu.memory_space<vmem>> -> memref<80x128xf32, #tpu.memory_space<vmem>>
      tpu.enqueue_dma source(%dma_start3A_112 : memref<80x128xf32, #tpu.memory_space<vmem>>) target(%dma_start3A_105 : memref<80x128xf32, #tpu.memory_space<vmem_shared>>) target_semaphore(%run_scoped3A_94 : memref<!tpu.dma_semaphore, #tpu.memory_space<semaphore_mem>>)
      %dma_wait3A = arith.constant 0 : i32
      %dma_wait3A_113 = arith.constant 0 : i32
      %dma_wait3A_114 = tpu.memref_slice %arg10[%run_scoped3A_65, %dma_wait3A, %dma_wait3A_113] : memref<4x80x128xf32, #tpu.memory_space<vmem>> -> memref<1x80x128xf32, #tpu.memory_space<vmem>>
      %dma_wait3A_115 = tpu.memref_squeeze %dma_wait3A_114 : memref<1x80x128xf32, #tpu.memory_space<vmem>> -> memref<80x128xf32, #tpu.memory_space<vmem>>
      %dma_wait3A_116 = arith.constant 0 : i32
      %dma_wait3A_117 = arith.constant 0 : i32
      %dma_wait3A_118 = tpu.memref_slice %dma_wait3A_115[%dma_wait3A_116, %dma_wait3A_117] : memref<80x128xf32, #tpu.memory_space<vmem>> -> memref<80x128xf32, #tpu.memory_space<vmem>>
      %dma_wait3A_119 = arith.constant 0 : i32
      %dma_wait3A_120 = tpu.memref_slice %arg11[%add3A_64, %dma_wait3A_119] : memref<10240x128xf32, #tpu.memory_space<vmem_shared>> -> memref<80x128xf32, #tpu.memory_space<vmem_shared>>
      %dma_wait3A_121 = arith.constant 0 : i32
      %dma_wait3A_122 = tpu.memref_slice %arg11[%add3A_64, %dma_wait3A_121] : memref<10240x128xf32, #tpu.memory_space<vmem_shared>> -> memref<80x128xf32, #tpu.memory_space<vmem_shared>>
      %dma_wait3A_123 = arith.constant 0 : i32
      %dma_wait3A_124 = arith.constant 0 : i32
      %dma_wait3A_125 = tpu.memref_slice %arg10[%run_scoped3A_65, %dma_wait3A_123, %dma_wait3A_124] : memref<4x80x128xf32, #tpu.memory_space<vmem>> -> memref<1x80x128xf32, #tpu.memory_space<vmem>>
      %dma_wait3A_126 = tpu.memref_squeeze %dma_wait3A_125 : memref<1x80x128xf32, #tpu.memory_space<vmem>> -> memref<80x128xf32, #tpu.memory_space<vmem>>
      %dma_wait3A_127 = arith.constant 0 : i32
      %dma_wait3A_128 = arith.constant 0 : i32
      %dma_wait3A_129 = tpu.memref_slice %dma_wait3A_126[%dma_wait3A_127, %dma_wait3A_128] : memref<80x128xf32, #tpu.memory_space<vmem>> -> memref<80x128xf32, #tpu.memory_space<vmem>>
      tpu.wait_dma2 semaphore(%run_scoped3A_94 : memref<!tpu.dma_semaphore, #tpu.memory_space<semaphore_mem>>) src(%dma_wait3A_129 : memref<80x128xf32, #tpu.memory_space<vmem>>) dst(%dma_wait3A_122 : memref<80x128xf32, #tpu.memory_space<vmem_shared>>)
      tpu.yield
    }) : () -> ()
    %add3A_66 = arith.constant 160 : i32
    %add3A_67 = arith.addi %mul3A_60, %add3A_66 : i32
    %run_scoped3A_68 = arith.constant 3 : i32
    "tpu.region"() ({
      %run_scoped3A_94 = tpu.sem_alloc : memref<!tpu.dma_semaphore, #tpu.memory_space<semaphore_mem>>
      %dma_start3A_95 = arith.constant 0 : i32
      %dma_start3A_96 = arith.constant 0 : i32
      %dma_start3A_97 = tpu.memref_slice %arg10[%run_scoped3A_68, %dma_start3A_95, %dma_start3A_96] : memref<4x80x128xf32, #tpu.memory_space<vmem>> -> memref<1x80x128xf32, #tpu.memory_space<vmem>>
      %dma_start3A_98 = tpu.memref_squeeze %dma_start3A_97 : memref<1x80x128xf32, #tpu.memory_space<vmem>> -> memref<80x128xf32, #tpu.memory_space<vmem>>
      %dma_start3A_99 = arith.constant 0 : i32
      %dma_start3A_100 = arith.constant 0 : i32
      %dma_start3A_101 = tpu.memref_slice %dma_start3A_98[%dma_start3A_99, %dma_start3A_100] : memref<80x128xf32, #tpu.memory_space<vmem>> -> memref<80x128xf32, #tpu.memory_space<vmem>>
      %dma_start3A_102 = arith.constant 0 : i32
      %dma_start3A_103 = tpu.memref_slice %arg11[%add3A_67, %dma_start3A_102] : memref<10240x128xf32, #tpu.memory_space<vmem_shared>> -> memref<80x128xf32, #tpu.memory_space<vmem_shared>>
      %dma_start3A_104 = arith.constant 0 : i32
      %dma_start3A_105 = tpu.memref_slice %arg11[%add3A_67, %dma_start3A_104] : memref<10240x128xf32, #tpu.memory_space<vmem_shared>> -> memref<80x128xf32, #tpu.memory_space<vmem_shared>>
      %dma_start3A_106 = arith.constant 0 : i32
      %dma_start3A_107 = arith.constant 0 : i32
      %dma_start3A_108 = tpu.memref_slice %arg10[%run_scoped3A_68, %dma_start3A_106, %dma_start3A_107] : memref<4x80x128xf32, #tpu.memory_space<vmem>> -> memref<1x80x128xf32, #tpu.memory_space<vmem>>
      %dma_start3A_109 = tpu.memref_squeeze %dma_start3A_108 : memref<1x80x128xf32, #tpu.memory_space<vmem>> -> memref<80x128xf32, #tpu.memory_space<vmem>>
      %dma_start3A_110 = arith.constant 0 : i32
      %dma_start3A_111 = arith.constant 0 : i32
      %dma_start3A_112 = tpu.memref_slice %dma_start3A_109[%dma_start3A_110, %dma_start3A_111] : memref<80x128xf32, #tpu.memory_space<vmem>> -> memref<80x128xf32, #tpu.memory_space<vmem>>
      tpu.enqueue_dma source(%dma_start3A_112 : memref<80x128xf32, #tpu.memory_space<vmem>>) target(%dma_start3A_105 : memref<80x128xf32, #tpu.memory_space<vmem_shared>>) target_semaphore(%run_scoped3A_94 : memref<!tpu.dma_semaphore, #tpu.memory_space<semaphore_mem>>)
      %dma_wait3A = arith.constant 0 : i32
      %dma_wait3A_113 = arith.constant 0 : i32
      %dma_wait3A_114 = tpu.memref_slice %arg10[%run_scoped3A_68, %dma_wait3A, %dma_wait3A_113] : memref<4x80x128xf32, #tpu.memory_space<vmem>> -> memref<1x80x128xf32, #tpu.memory_space<vmem>>
      %dma_wait3A_115 = tpu.memref_squeeze %dma_wait3A_114 : memref<1x80x128xf32, #tpu.memory_space<vmem>> -> memref<80x128xf32, #tpu.memory_space<vmem>>
      %dma_wait3A_116 = arith.constant 0 : i32
      %dma_wait3A_117 = arith.constant 0 : i32
      %dma_wait3A_118 = tpu.memref_slice %dma_wait3A_115[%dma_wait3A_116, %dma_wait3A_117] : memref<80x128xf32, #tpu.memory_space<vmem>> -> memref<80x128xf32, #tpu.memory_space<vmem>>
      %dma_wait3A_119 = arith.constant 0 : i32
      %dma_wait3A_120 = tpu.memref_slice %arg11[%add3A_67, %dma_wait3A_119] : memref<10240x128xf32, #tpu.memory_space<vmem_shared>> -> memref<80x128xf32, #tpu.memory_space<vmem_shared>>
      %dma_wait3A_121 = arith.constant 0 : i32
      %dma_wait3A_122 = tpu.memref_slice %arg11[%add3A_67, %dma_wait3A_121] : memref<10240x128xf32, #tpu.memory_space<vmem_shared>> -> memref<80x128xf32, #tpu.memory_space<vmem_shared>>
      %dma_wait3A_123 = arith.constant 0 : i32
      %dma_wait3A_124 = arith.constant 0 : i32
      %dma_wait3A_125 = tpu.memref_slice %arg10[%run_scoped3A_68, %dma_wait3A_123, %dma_wait3A_124] : memref<4x80x128xf32, #tpu.memory_space<vmem>> -> memref<1x80x128xf32, #tpu.memory_space<vmem>>
      %dma_wait3A_126 = tpu.memref_squeeze %dma_wait3A_125 : memref<1x80x128xf32, #tpu.memory_space<vmem>> -> memref<80x128xf32, #tpu.memory_space<vmem>>
      %dma_wait3A_127 = arith.constant 0 : i32
      %dma_wait3A_128 = arith.constant 0 : i32
      %dma_wait3A_129 = tpu.memref_slice %dma_wait3A_126[%dma_wait3A_127, %dma_wait3A_128] : memref<80x128xf32, #tpu.memory_space<vmem>> -> memref<80x128xf32, #tpu.memory_space<vmem>>
      tpu.wait_dma2 semaphore(%run_scoped3A_94 : memref<!tpu.dma_semaphore, #tpu.memory_space<semaphore_mem>>) src(%dma_wait3A_129 : memref<80x128xf32, #tpu.memory_space<vmem>>) dst(%dma_wait3A_122 : memref<80x128xf32, #tpu.memory_space<vmem_shared>>)
      tpu.yield
    }) : () -> ()
    %add3A_69 = arith.constant 240 : i32
    %add3A_70 = arith.addi %mul3A_60, %add3A_69 : i32
    %run_scoped3A_71 = arith.constant 3 : i32
    "tpu.region"() ({
      %run_scoped3A_94 = tpu.sem_alloc : memref<!tpu.dma_semaphore, #tpu.memory_space<semaphore_mem>>
      %dma_start3A_95 = arith.constant 0 : i32
      %dma_start3A_96 = arith.constant 0 : i32
      %dma_start3A_97 = tpu.memref_slice %arg10[%run_scoped3A_71, %dma_start3A_95, %dma_start3A_96] : memref<4x80x128xf32, #tpu.memory_space<vmem>> -> memref<1x80x128xf32, #tpu.memory_space<vmem>>
      %dma_start3A_98 = tpu.memref_squeeze %dma_start3A_97 : memref<1x80x128xf32, #tpu.memory_space<vmem>> -> memref<80x128xf32, #tpu.memory_space<vmem>>
      %dma_start3A_99 = arith.constant 0 : i32
      %dma_start3A_100 = arith.constant 0 : i32
      %dma_start3A_101 = tpu.memref_slice %dma_start3A_98[%dma_start3A_99, %dma_start3A_100] : memref<80x128xf32, #tpu.memory_space<vmem>> -> memref<80x128xf32, #tpu.memory_space<vmem>>
      %dma_start3A_102 = arith.constant 0 : i32
      %dma_start3A_103 = tpu.memref_slice %arg11[%add3A_70, %dma_start3A_102] : memref<10240x128xf32, #tpu.memory_space<vmem_shared>> -> memref<80x128xf32, #tpu.memory_space<vmem_shared>>
      %dma_start3A_104 = arith.constant 0 : i32
      %dma_start3A_105 = tpu.memref_slice %arg11[%add3A_70, %dma_start3A_104] : memref<10240x128xf32, #tpu.memory_space<vmem_shared>> -> memref<80x128xf32, #tpu.memory_space<vmem_shared>>
      %dma_start3A_106 = arith.constant 0 : i32
      %dma_start3A_107 = arith.constant 0 : i32
      %dma_start3A_108 = tpu.memref_slice %arg10[%run_scoped3A_71, %dma_start3A_106, %dma_start3A_107] : memref<4x80x128xf32, #tpu.memory_space<vmem>> -> memref<1x80x128xf32, #tpu.memory_space<vmem>>
      %dma_start3A_109 = tpu.memref_squeeze %dma_start3A_108 : memref<1x80x128xf32, #tpu.memory_space<vmem>> -> memref<80x128xf32, #tpu.memory_space<vmem>>
      %dma_start3A_110 = arith.constant 0 : i32
      %dma_start3A_111 = arith.constant 0 : i32
      %dma_start3A_112 = tpu.memref_slice %dma_start3A_109[%dma_start3A_110, %dma_start3A_111] : memref<80x128xf32, #tpu.memory_space<vmem>> -> memref<80x128xf32, #tpu.memory_space<vmem>>
      tpu.enqueue_dma source(%dma_start3A_112 : memref<80x128xf32, #tpu.memory_space<vmem>>) target(%dma_start3A_105 : memref<80x128xf32, #tpu.memory_space<vmem_shared>>) target_semaphore(%run_scoped3A_94 : memref<!tpu.dma_semaphore, #tpu.memory_space<semaphore_mem>>)
      %dma_wait3A = arith.constant 0 : i32
      %dma_wait3A_113 = arith.constant 0 : i32
      %dma_wait3A_114 = tpu.memref_slice %arg10[%run_scoped3A_71, %dma_wait3A, %dma_wait3A_113] : memref<4x80x128xf32, #tpu.memory_space<vmem>> -> memref<1x80x128xf32, #tpu.memory_space<vmem>>
      %dma_wait3A_115 = tpu.memref_squeeze %dma_wait3A_114 : memref<1x80x128xf32, #tpu.memory_space<vmem>> -> memref<80x128xf32, #tpu.memory_space<vmem>>
      %dma_wait3A_116 = arith.constant 0 : i32
      %dma_wait3A_117 = arith.constant 0 : i32
      %dma_wait3A_118 = tpu.memref_slice %dma_wait3A_115[%dma_wait3A_116, %dma_wait3A_117] : memref<80x128xf32, #tpu.memory_space<vmem>> -> memref<80x128xf32, #tpu.memory_space<vmem>>
      %dma_wait3A_119 = arith.constant 0 : i32
      %dma_wait3A_120 = tpu.memref_slice %arg11[%add3A_70, %dma_wait3A_119] : memref<10240x128xf32, #tpu.memory_space<vmem_shared>> -> memref<80x128xf32, #tpu.memory_space<vmem_shared>>
      %dma_wait3A_121 = arith.constant 0 : i32
      %dma_wait3A_122 = tpu.memref_slice %arg11[%add3A_70, %dma_wait3A_121] : memref<10240x128xf32, #tpu.memory_space<vmem_shared>> -> memref<80x128xf32, #tpu.memory_space<vmem_shared>>
      %dma_wait3A_123 = arith.constant 0 : i32
      %dma_wait3A_124 = arith.constant 0 : i32
      %dma_wait3A_125 = tpu.memref_slice %arg10[%run_scoped3A_71, %dma_wait3A_123, %dma_wait3A_124] : memref<4x80x128xf32, #tpu.memory_space<vmem>> -> memref<1x80x128xf32, #tpu.memory_space<vmem>>
      %dma_wait3A_126 = tpu.memref_squeeze %dma_wait3A_125 : memref<1x80x128xf32, #tpu.memory_space<vmem>> -> memref<80x128xf32, #tpu.memory_space<vmem>>
      %dma_wait3A_127 = arith.constant 0 : i32
      %dma_wait3A_128 = arith.constant 0 : i32
      %dma_wait3A_129 = tpu.memref_slice %dma_wait3A_126[%dma_wait3A_127, %dma_wait3A_128] : memref<80x128xf32, #tpu.memory_space<vmem>> -> memref<80x128xf32, #tpu.memory_space<vmem>>
      tpu.wait_dma2 semaphore(%run_scoped3A_94 : memref<!tpu.dma_semaphore, #tpu.memory_space<semaphore_mem>>) src(%dma_wait3A_129 : memref<80x128xf32, #tpu.memory_space<vmem>>) dst(%dma_wait3A_122 : memref<80x128xf32, #tpu.memory_space<vmem_shared>>)
      tpu.yield
    }) : () -> ()
    %add3A_72 = arith.constant 320 : i32
    %add3A_73 = arith.addi %mul3A_60, %add3A_72 : i32
    %run_scoped3A_74 = arith.constant 3 : i32
    "tpu.region"() ({
      %run_scoped3A_94 = tpu.sem_alloc : memref<!tpu.dma_semaphore, #tpu.memory_space<semaphore_mem>>
      %dma_start3A_95 = arith.constant 0 : i32
      %dma_start3A_96 = arith.constant 0 : i32
      %dma_start3A_97 = tpu.memref_slice %arg10[%run_scoped3A_74, %dma_start3A_95, %dma_start3A_96] : memref<4x80x128xf32, #tpu.memory_space<vmem>> -> memref<1x80x128xf32, #tpu.memory_space<vmem>>
      %dma_start3A_98 = tpu.memref_squeeze %dma_start3A_97 : memref<1x80x128xf32, #tpu.memory_space<vmem>> -> memref<80x128xf32, #tpu.memory_space<vmem>>
      %dma_start3A_99 = arith.constant 0 : i32
      %dma_start3A_100 = arith.constant 0 : i32
      %dma_start3A_101 = tpu.memref_slice %dma_start3A_98[%dma_start3A_99, %dma_start3A_100] : memref<80x128xf32, #tpu.memory_space<vmem>> -> memref<80x128xf32, #tpu.memory_space<vmem>>
      %dma_start3A_102 = arith.constant 0 : i32
      %dma_start3A_103 = tpu.memref_slice %arg11[%add3A_73, %dma_start3A_102] : memref<10240x128xf32, #tpu.memory_space<vmem_shared>> -> memref<80x128xf32, #tpu.memory_space<vmem_shared>>
      %dma_start3A_104 = arith.constant 0 : i32
      %dma_start3A_105 = tpu.memref_slice %arg11[%add3A_73, %dma_start3A_104] : memref<10240x128xf32, #tpu.memory_space<vmem_shared>> -> memref<80x128xf32, #tpu.memory_space<vmem_shared>>
      %dma_start3A_106 = arith.constant 0 : i32
      %dma_start3A_107 = arith.constant 0 : i32
      %dma_start3A_108 = tpu.memref_slice %arg10[%run_scoped3A_74, %dma_start3A_106, %dma_start3A_107] : memref<4x80x128xf32, #tpu.memory_space<vmem>> -> memref<1x80x128xf32, #tpu.memory_space<vmem>>
      %dma_start3A_109 = tpu.memref_squeeze %dma_start3A_108 : memref<1x80x128xf32, #tpu.memory_space<vmem>> -> memref<80x128xf32, #tpu.memory_space<vmem>>
      %dma_start3A_110 = arith.constant 0 : i32
      %dma_start3A_111 = arith.constant 0 : i32
      %dma_start3A_112 = tpu.memref_slice %dma_start3A_109[%dma_start3A_110, %dma_start3A_111] : memref<80x128xf32, #tpu.memory_space<vmem>> -> memref<80x128xf32, #tpu.memory_space<vmem>>
      tpu.enqueue_dma source(%dma_start3A_112 : memref<80x128xf32, #tpu.memory_space<vmem>>) target(%dma_start3A_105 : memref<80x128xf32, #tpu.memory_space<vmem_shared>>) target_semaphore(%run_scoped3A_94 : memref<!tpu.dma_semaphore, #tpu.memory_space<semaphore_mem>>)
      %dma_wait3A = arith.constant 0 : i32
      %dma_wait3A_113 = arith.constant 0 : i32
      %dma_wait3A_114 = tpu.memref_slice %arg10[%run_scoped3A_74, %dma_wait3A, %dma_wait3A_113] : memref<4x80x128xf32, #tpu.memory_space<vmem>> -> memref<1x80x128xf32, #tpu.memory_space<vmem>>
      %dma_wait3A_115 = tpu.memref_squeeze %dma_wait3A_114 : memref<1x80x128xf32, #tpu.memory_space<vmem>> -> memref<80x128xf32, #tpu.memory_space<vmem>>
      %dma_wait3A_116 = arith.constant 0 : i32
      %dma_wait3A_117 = arith.constant 0 : i32
      %dma_wait3A_118 = tpu.memref_slice %dma_wait3A_115[%dma_wait3A_116, %dma_wait3A_117] : memref<80x128xf32, #tpu.memory_space<vmem>> -> memref<80x128xf32, #tpu.memory_space<vmem>>
      %dma_wait3A_119 = arith.constant 0 : i32
      %dma_wait3A_120 = tpu.memref_slice %arg11[%add3A_73, %dma_wait3A_119] : memref<10240x128xf32, #tpu.memory_space<vmem_shared>> -> memref<80x128xf32, #tpu.memory_space<vmem_shared>>
      %dma_wait3A_121 = arith.constant 0 : i32
      %dma_wait3A_122 = tpu.memref_slice %arg11[%add3A_73, %dma_wait3A_121] : memref<10240x128xf32, #tpu.memory_space<vmem_shared>> -> memref<80x128xf32, #tpu.memory_space<vmem_shared>>
      %dma_wait3A_123 = arith.constant 0 : i32
      %dma_wait3A_124 = arith.constant 0 : i32
      %dma_wait3A_125 = tpu.memref_slice %arg10[%run_scoped3A_74, %dma_wait3A_123, %dma_wait3A_124] : memref<4x80x128xf32, #tpu.memory_space<vmem>> -> memref<1x80x128xf32, #tpu.memory_space<vmem>>
      %dma_wait3A_126 = tpu.memref_squeeze %dma_wait3A_125 : memref<1x80x128xf32, #tpu.memory_space<vmem>> -> memref<80x128xf32, #tpu.memory_space<vmem>>
      %dma_wait3A_127 = arith.constant 0 : i32
      %dma_wait3A_128 = arith.constant 0 : i32
      %dma_wait3A_129 = tpu.memref_slice %dma_wait3A_126[%dma_wait3A_127, %dma_wait3A_128] : memref<80x128xf32, #tpu.memory_space<vmem>> -> memref<80x128xf32, #tpu.memory_space<vmem>>
      tpu.wait_dma2 semaphore(%run_scoped3A_94 : memref<!tpu.dma_semaphore, #tpu.memory_space<semaphore_mem>>) src(%dma_wait3A_129 : memref<80x128xf32, #tpu.memory_space<vmem>>) dst(%dma_wait3A_122 : memref<80x128xf32, #tpu.memory_space<vmem_shared>>)
      tpu.yield
    }) : () -> ()
    %add3A_75 = arith.constant 400 : i32
    %add3A_76 = arith.addi %mul3A_60, %add3A_75 : i32
    %run_scoped3A_77 = arith.constant 3 : i32
    "tpu.region"() ({
      %run_scoped3A_94 = tpu.sem_alloc : memref<!tpu.dma_semaphore, #tpu.memory_space<semaphore_mem>>
      %dma_start3A_95 = arith.constant 0 : i32
      %dma_start3A_96 = arith.constant 0 : i32
      %dma_start3A_97 = tpu.memref_slice %arg10[%run_scoped3A_77, %dma_start3A_95, %dma_start3A_96] : memref<4x80x128xf32, #tpu.memory_space<vmem>> -> memref<1x80x128xf32, #tpu.memory_space<vmem>>
      %dma_start3A_98 = tpu.memref_squeeze %dma_start3A_97 : memref<1x80x128xf32, #tpu.memory_space<vmem>> -> memref<80x128xf32, #tpu.memory_space<vmem>>
      %dma_start3A_99 = arith.constant 0 : i32
      %dma_start3A_100 = arith.constant 0 : i32
      %dma_start3A_101 = tpu.memref_slice %dma_start3A_98[%dma_start3A_99, %dma_start3A_100] : memref<80x128xf32, #tpu.memory_space<vmem>> -> memref<80x128xf32, #tpu.memory_space<vmem>>
      %dma_start3A_102 = arith.constant 0 : i32
      %dma_start3A_103 = tpu.memref_slice %arg11[%add3A_76, %dma_start3A_102] : memref<10240x128xf32, #tpu.memory_space<vmem_shared>> -> memref<80x128xf32, #tpu.memory_space<vmem_shared>>
      %dma_start3A_104 = arith.constant 0 : i32
      %dma_start3A_105 = tpu.memref_slice %arg11[%add3A_76, %dma_start3A_104] : memref<10240x128xf32, #tpu.memory_space<vmem_shared>> -> memref<80x128xf32, #tpu.memory_space<vmem_shared>>
      %dma_start3A_106 = arith.constant 0 : i32
      %dma_start3A_107 = arith.constant 0 : i32
      %dma_start3A_108 = tpu.memref_slice %arg10[%run_scoped3A_77, %dma_start3A_106, %dma_start3A_107] : memref<4x80x128xf32, #tpu.memory_space<vmem>> -> memref<1x80x128xf32, #tpu.memory_space<vmem>>
      %dma_start3A_109 = tpu.memref_squeeze %dma_start3A_108 : memref<1x80x128xf32, #tpu.memory_space<vmem>> -> memref<80x128xf32, #tpu.memory_space<vmem>>
      %dma_start3A_110 = arith.constant 0 : i32
      %dma_start3A_111 = arith.constant 0 : i32
      %dma_start3A_112 = tpu.memref_slice %dma_start3A_109[%dma_start3A_110, %dma_start3A_111] : memref<80x128xf32, #tpu.memory_space<vmem>> -> memref<80x128xf32, #tpu.memory_space<vmem>>
      tpu.enqueue_dma source(%dma_start3A_112 : memref<80x128xf32, #tpu.memory_space<vmem>>) target(%dma_start3A_105 : memref<80x128xf32, #tpu.memory_space<vmem_shared>>) target_semaphore(%run_scoped3A_94 : memref<!tpu.dma_semaphore, #tpu.memory_space<semaphore_mem>>)
      %dma_wait3A = arith.constant 0 : i32
      %dma_wait3A_113 = arith.constant 0 : i32
      %dma_wait3A_114 = tpu.memref_slice %arg10[%run_scoped3A_77, %dma_wait3A, %dma_wait3A_113] : memref<4x80x128xf32, #tpu.memory_space<vmem>> -> memref<1x80x128xf32, #tpu.memory_space<vmem>>
      %dma_wait3A_115 = tpu.memref_squeeze %dma_wait3A_114 : memref<1x80x128xf32, #tpu.memory_space<vmem>> -> memref<80x128xf32, #tpu.memory_space<vmem>>
      %dma_wait3A_116 = arith.constant 0 : i32
      %dma_wait3A_117 = arith.constant 0 : i32
      %dma_wait3A_118 = tpu.memref_slice %dma_wait3A_115[%dma_wait3A_116, %dma_wait3A_117] : memref<80x128xf32, #tpu.memory_space<vmem>> -> memref<80x128xf32, #tpu.memory_space<vmem>>
      %dma_wait3A_119 = arith.constant 0 : i32
      %dma_wait3A_120 = tpu.memref_slice %arg11[%add3A_76, %dma_wait3A_119] : memref<10240x128xf32, #tpu.memory_space<vmem_shared>> -> memref<80x128xf32, #tpu.memory_space<vmem_shared>>
      %dma_wait3A_121 = arith.constant 0 : i32
      %dma_wait3A_122 = tpu.memref_slice %arg11[%add3A_76, %dma_wait3A_121] : memref<10240x128xf32, #tpu.memory_space<vmem_shared>> -> memref<80x128xf32, #tpu.memory_space<vmem_shared>>
      %dma_wait3A_123 = arith.constant 0 : i32
      %dma_wait3A_124 = arith.constant 0 : i32
      %dma_wait3A_125 = tpu.memref_slice %arg10[%run_scoped3A_77, %dma_wait3A_123, %dma_wait3A_124] : memref<4x80x128xf32, #tpu.memory_space<vmem>> -> memref<1x80x128xf32, #tpu.memory_space<vmem>>
      %dma_wait3A_126 = tpu.memref_squeeze %dma_wait3A_125 : memref<1x80x128xf32, #tpu.memory_space<vmem>> -> memref<80x128xf32, #tpu.memory_space<vmem>>
      %dma_wait3A_127 = arith.constant 0 : i32
      %dma_wait3A_128 = arith.constant 0 : i32
      %dma_wait3A_129 = tpu.memref_slice %dma_wait3A_126[%dma_wait3A_127, %dma_wait3A_128] : memref<80x128xf32, #tpu.memory_space<vmem>> -> memref<80x128xf32, #tpu.memory_space<vmem>>
      tpu.wait_dma2 semaphore(%run_scoped3A_94 : memref<!tpu.dma_semaphore, #tpu.memory_space<semaphore_mem>>) src(%dma_wait3A_129 : memref<80x128xf32, #tpu.memory_space<vmem>>) dst(%dma_wait3A_122 : memref<80x128xf32, #tpu.memory_space<vmem_shared>>)
      tpu.yield
    }) : () -> ()
    %add3A_78 = arith.constant 480 : i32
    %add3A_79 = arith.addi %mul3A_60, %add3A_78 : i32
    %run_scoped3A_80 = arith.constant 3 : i32
    "tpu.region"() ({
      %run_scoped3A_94 = tpu.sem_alloc : memref<!tpu.dma_semaphore, #tpu.memory_space<semaphore_mem>>
      %dma_start3A_95 = arith.constant 0 : i32
      %dma_start3A_96 = arith.constant 0 : i32
      %dma_start3A_97 = tpu.memref_slice %arg10[%run_scoped3A_80, %dma_start3A_95, %dma_start3A_96] : memref<4x80x128xf32, #tpu.memory_space<vmem>> -> memref<1x80x128xf32, #tpu.memory_space<vmem>>
      %dma_start3A_98 = tpu.memref_squeeze %dma_start3A_97 : memref<1x80x128xf32, #tpu.memory_space<vmem>> -> memref<80x128xf32, #tpu.memory_space<vmem>>
      %dma_start3A_99 = arith.constant 0 : i32
      %dma_start3A_100 = arith.constant 0 : i32
      %dma_start3A_101 = tpu.memref_slice %dma_start3A_98[%dma_start3A_99, %dma_start3A_100] : memref<80x128xf32, #tpu.memory_space<vmem>> -> memref<80x128xf32, #tpu.memory_space<vmem>>
      %dma_start3A_102 = arith.constant 0 : i32
      %dma_start3A_103 = tpu.memref_slice %arg11[%add3A_79, %dma_start3A_102] : memref<10240x128xf32, #tpu.memory_space<vmem_shared>> -> memref<80x128xf32, #tpu.memory_space<vmem_shared>>
      %dma_start3A_104 = arith.constant 0 : i32
      %dma_start3A_105 = tpu.memref_slice %arg11[%add3A_79, %dma_start3A_104] : memref<10240x128xf32, #tpu.memory_space<vmem_shared>> -> memref<80x128xf32, #tpu.memory_space<vmem_shared>>
      %dma_start3A_106 = arith.constant 0 : i32
      %dma_start3A_107 = arith.constant 0 : i32
      %dma_start3A_108 = tpu.memref_slice %arg10[%run_scoped3A_80, %dma_start3A_106, %dma_start3A_107] : memref<4x80x128xf32, #tpu.memory_space<vmem>> -> memref<1x80x128xf32, #tpu.memory_space<vmem>>
      %dma_start3A_109 = tpu.memref_squeeze %dma_start3A_108 : memref<1x80x128xf32, #tpu.memory_space<vmem>> -> memref<80x128xf32, #tpu.memory_space<vmem>>
      %dma_start3A_110 = arith.constant 0 : i32
      %dma_start3A_111 = arith.constant 0 : i32
      %dma_start3A_112 = tpu.memref_slice %dma_start3A_109[%dma_start3A_110, %dma_start3A_111] : memref<80x128xf32, #tpu.memory_space<vmem>> -> memref<80x128xf32, #tpu.memory_space<vmem>>
      tpu.enqueue_dma source(%dma_start3A_112 : memref<80x128xf32, #tpu.memory_space<vmem>>) target(%dma_start3A_105 : memref<80x128xf32, #tpu.memory_space<vmem_shared>>) target_semaphore(%run_scoped3A_94 : memref<!tpu.dma_semaphore, #tpu.memory_space<semaphore_mem>>)
      %dma_wait3A = arith.constant 0 : i32
      %dma_wait3A_113 = arith.constant 0 : i32
      %dma_wait3A_114 = tpu.memref_slice %arg10[%run_scoped3A_80, %dma_wait3A, %dma_wait3A_113] : memref<4x80x128xf32, #tpu.memory_space<vmem>> -> memref<1x80x128xf32, #tpu.memory_space<vmem>>
      %dma_wait3A_115 = tpu.memref_squeeze %dma_wait3A_114 : memref<1x80x128xf32, #tpu.memory_space<vmem>> -> memref<80x128xf32, #tpu.memory_space<vmem>>
      %dma_wait3A_116 = arith.constant 0 : i32
      %dma_wait3A_117 = arith.constant 0 : i32
      %dma_wait3A_118 = tpu.memref_slice %dma_wait3A_115[%dma_wait3A_116, %dma_wait3A_117] : memref<80x128xf32, #tpu.memory_space<vmem>> -> memref<80x128xf32, #tpu.memory_space<vmem>>
      %dma_wait3A_119 = arith.constant 0 : i32
      %dma_wait3A_120 = tpu.memref_slice %arg11[%add3A_79, %dma_wait3A_119] : memref<10240x128xf32, #tpu.memory_space<vmem_shared>> -> memref<80x128xf32, #tpu.memory_space<vmem_shared>>
      %dma_wait3A_121 = arith.constant 0 : i32
      %dma_wait3A_122 = tpu.memref_slice %arg11[%add3A_79, %dma_wait3A_121] : memref<10240x128xf32, #tpu.memory_space<vmem_shared>> -> memref<80x128xf32, #tpu.memory_space<vmem_shared>>
      %dma_wait3A_123 = arith.constant 0 : i32
      %dma_wait3A_124 = arith.constant 0 : i32
      %dma_wait3A_125 = tpu.memref_slice %arg10[%run_scoped3A_80, %dma_wait3A_123, %dma_wait3A_124] : memref<4x80x128xf32, #tpu.memory_space<vmem>> -> memref<1x80x128xf32, #tpu.memory_space<vmem>>
      %dma_wait3A_126 = tpu.memref_squeeze %dma_wait3A_125 : memref<1x80x128xf32, #tpu.memory_space<vmem>> -> memref<80x128xf32, #tpu.memory_space<vmem>>
      %dma_wait3A_127 = arith.constant 0 : i32
      %dma_wait3A_128 = arith.constant 0 : i32
      %dma_wait3A_129 = tpu.memref_slice %dma_wait3A_126[%dma_wait3A_127, %dma_wait3A_128] : memref<80x128xf32, #tpu.memory_space<vmem>> -> memref<80x128xf32, #tpu.memory_space<vmem>>
      tpu.wait_dma2 semaphore(%run_scoped3A_94 : memref<!tpu.dma_semaphore, #tpu.memory_space<semaphore_mem>>) src(%dma_wait3A_129 : memref<80x128xf32, #tpu.memory_space<vmem>>) dst(%dma_wait3A_122 : memref<80x128xf32, #tpu.memory_space<vmem_shared>>)
      tpu.yield
    }) : () -> ()
    %add3A_81 = arith.constant 560 : i32
    %add3A_82 = arith.addi %mul3A_60, %add3A_81 : i32
    %run_scoped3A_83 = arith.constant 3 : i32
    "tpu.region"() ({
      %run_scoped3A_94 = tpu.sem_alloc : memref<!tpu.dma_semaphore, #tpu.memory_space<semaphore_mem>>
      %dma_start3A_95 = arith.constant 0 : i32
      %dma_start3A_96 = arith.constant 0 : i32
      %dma_start3A_97 = tpu.memref_slice %arg10[%run_scoped3A_83, %dma_start3A_95, %dma_start3A_96] : memref<4x80x128xf32, #tpu.memory_space<vmem>> -> memref<1x80x128xf32, #tpu.memory_space<vmem>>
      %dma_start3A_98 = tpu.memref_squeeze %dma_start3A_97 : memref<1x80x128xf32, #tpu.memory_space<vmem>> -> memref<80x128xf32, #tpu.memory_space<vmem>>
      %dma_start3A_99 = arith.constant 0 : i32
      %dma_start3A_100 = arith.constant 0 : i32
      %dma_start3A_101 = tpu.memref_slice %dma_start3A_98[%dma_start3A_99, %dma_start3A_100] : memref<80x128xf32, #tpu.memory_space<vmem>> -> memref<80x128xf32, #tpu.memory_space<vmem>>
      %dma_start3A_102 = arith.constant 0 : i32
      %dma_start3A_103 = tpu.memref_slice %arg11[%add3A_82, %dma_start3A_102] : memref<10240x128xf32, #tpu.memory_space<vmem_shared>> -> memref<80x128xf32, #tpu.memory_space<vmem_shared>>
      %dma_start3A_104 = arith.constant 0 : i32
      %dma_start3A_105 = tpu.memref_slice %arg11[%add3A_82, %dma_start3A_104] : memref<10240x128xf32, #tpu.memory_space<vmem_shared>> -> memref<80x128xf32, #tpu.memory_space<vmem_shared>>
      %dma_start3A_106 = arith.constant 0 : i32
      %dma_start3A_107 = arith.constant 0 : i32
      %dma_start3A_108 = tpu.memref_slice %arg10[%run_scoped3A_83, %dma_start3A_106, %dma_start3A_107] : memref<4x80x128xf32, #tpu.memory_space<vmem>> -> memref<1x80x128xf32, #tpu.memory_space<vmem>>
      %dma_start3A_109 = tpu.memref_squeeze %dma_start3A_108 : memref<1x80x128xf32, #tpu.memory_space<vmem>> -> memref<80x128xf32, #tpu.memory_space<vmem>>
      %dma_start3A_110 = arith.constant 0 : i32
      %dma_start3A_111 = arith.constant 0 : i32
      %dma_start3A_112 = tpu.memref_slice %dma_start3A_109[%dma_start3A_110, %dma_start3A_111] : memref<80x128xf32, #tpu.memory_space<vmem>> -> memref<80x128xf32, #tpu.memory_space<vmem>>
      tpu.enqueue_dma source(%dma_start3A_112 : memref<80x128xf32, #tpu.memory_space<vmem>>) target(%dma_start3A_105 : memref<80x128xf32, #tpu.memory_space<vmem_shared>>) target_semaphore(%run_scoped3A_94 : memref<!tpu.dma_semaphore, #tpu.memory_space<semaphore_mem>>)
      %dma_wait3A = arith.constant 0 : i32
      %dma_wait3A_113 = arith.constant 0 : i32
      %dma_wait3A_114 = tpu.memref_slice %arg10[%run_scoped3A_83, %dma_wait3A, %dma_wait3A_113] : memref<4x80x128xf32, #tpu.memory_space<vmem>> -> memref<1x80x128xf32, #tpu.memory_space<vmem>>
      %dma_wait3A_115 = tpu.memref_squeeze %dma_wait3A_114 : memref<1x80x128xf32, #tpu.memory_space<vmem>> -> memref<80x128xf32, #tpu.memory_space<vmem>>
      %dma_wait3A_116 = arith.constant 0 : i32
      %dma_wait3A_117 = arith.constant 0 : i32
      %dma_wait3A_118 = tpu.memref_slice %dma_wait3A_115[%dma_wait3A_116, %dma_wait3A_117] : memref<80x128xf32, #tpu.memory_space<vmem>> -> memref<80x128xf32, #tpu.memory_space<vmem>>
      %dma_wait3A_119 = arith.constant 0 : i32
      %dma_wait3A_120 = tpu.memref_slice %arg11[%add3A_82, %dma_wait3A_119] : memref<10240x128xf32, #tpu.memory_space<vmem_shared>> -> memref<80x128xf32, #tpu.memory_space<vmem_shared>>
      %dma_wait3A_121 = arith.constant 0 : i32
      %dma_wait3A_122 = tpu.memref_slice %arg11[%add3A_82, %dma_wait3A_121] : memref<10240x128xf32, #tpu.memory_space<vmem_shared>> -> memref<80x128xf32, #tpu.memory_space<vmem_shared>>
      %dma_wait3A_123 = arith.constant 0 : i32
      %dma_wait3A_124 = arith.constant 0 : i32
      %dma_wait3A_125 = tpu.memref_slice %arg10[%run_scoped3A_83, %dma_wait3A_123, %dma_wait3A_124] : memref<4x80x128xf32, #tpu.memory_space<vmem>> -> memref<1x80x128xf32, #tpu.memory_space<vmem>>
      %dma_wait3A_126 = tpu.memref_squeeze %dma_wait3A_125 : memref<1x80x128xf32, #tpu.memory_space<vmem>> -> memref<80x128xf32, #tpu.memory_space<vmem>>
      %dma_wait3A_127 = arith.constant 0 : i32
      %dma_wait3A_128 = arith.constant 0 : i32
      %dma_wait3A_129 = tpu.memref_slice %dma_wait3A_126[%dma_wait3A_127, %dma_wait3A_128] : memref<80x128xf32, #tpu.memory_space<vmem>> -> memref<80x128xf32, #tpu.memory_space<vmem>>
      tpu.wait_dma2 semaphore(%run_scoped3A_94 : memref<!tpu.dma_semaphore, #tpu.memory_space<semaphore_mem>>) src(%dma_wait3A_129 : memref<80x128xf32, #tpu.memory_space<vmem>>) dst(%dma_wait3A_122 : memref<80x128xf32, #tpu.memory_space<vmem_shared>>)
      tpu.yield
    }) : () -> ()
    %barrier3A = arith.constant 0 : index
    tpu.barrier barrier_id(%barrier3A)
    %scan3A_84 = arith.constant 0 : i32
    %scan3A_85 = arith.constant 0 : i32
    %scan3A_86 = arith.constant 8 : i32
    %scan3A_87 = arith.addi %scan3A_85, %scan3A_86 : i32
    %scan3A_88 = arith.constant 1 : i32
    %scan3A_89 = scf.for %scan3A_94 = %scan3A_85 to %scan3A_87 step %scan3A_88 iter_args(%scan3A_95 = %scan3A_84) -> (i32)  : i32 {
      %dma_wait3A = arith.constant 0 : i32
      %dma_wait3A_96 = arith.constant 0 : i32
      %dma_wait3A_97 = arith.constant 0 : i32
      %dma_wait3A_98 = arith.constant 0 : i32
      %dma_wait3A_99 = tpu.memref_slice %arg10[%dma_wait3A_96, %dma_wait3A_97, %dma_wait3A_98] : memref<4x80x128xf32, #tpu.memory_space<vmem>> -> memref<1x80x128xf32, #tpu.memory_space<vmem>>
      %dma_wait3A_100 = tpu.memref_squeeze %dma_wait3A_99 : memref<1x80x128xf32, #tpu.memory_space<vmem>> -> memref<80x128xf32, #tpu.memory_space<vmem>>
      %dma_wait3A_101 = arith.constant 0 : i32
      %dma_wait3A_102 = tpu.memref_slice %arg6[%dma_wait3A, %dma_wait3A_101] : memref<8x80xi32, #tpu.memory_space<vmem>> -> memref<1x80xi32, #tpu.memory_space<vmem>>
      %dma_wait3A_103 = tpu.memref_squeeze %dma_wait3A_102 : memref<1x80xi32, #tpu.memory_space<vmem>> -> memref<80xi32, #tpu.memory_space<vmem>>
      %dma_wait3A_104 = arith.constant 0 : i32
      %dma_wait3A_105 = arith.constant 0 : i32
      %dma_wait3A_106 = tpu.memref_slice %arg2[%dma_wait3A_104, %dma_wait3A_105] : memref<10000x128xf32, #tpu.memory_space<hbm>> -> memref<10000x128xf32, #tpu.memory_space<hbm>>
      tpu.wait_indirect_dma semaphore(%arg12 : memref<!tpu.dma_semaphore, #tpu.memory_space<semaphore_mem>>) src(%dma_wait3A_106 : memref<10000x128xf32, #tpu.memory_space<hbm>>) dst(%dma_wait3A_100 : memref<80x128xf32, #tpu.memory_space<vmem>>)
      %dma_start3A_107 = arith.constant 3 : i32
      %dma_start3A_108 = arith.constant 3 : i32
      %dma_start3A_109 = arith.constant 0 : i32
      %dma_start3A_110 = arith.constant 0 : i32
      %dma_start3A_111 = tpu.memref_slice %arg10[%dma_start3A_108, %dma_start3A_109, %dma_start3A_110] : memref<4x80x128xf32, #tpu.memory_space<vmem>> -> memref<1x80x128xf32, #tpu.memory_space<vmem>>
      %dma_start3A_112 = tpu.memref_squeeze %dma_start3A_111 : memref<1x80x128xf32, #tpu.memory_space<vmem>> -> memref<80x128xf32, #tpu.memory_space<vmem>>
      %dma_start3A_113 = arith.constant 0 : i32
      %dma_start3A_114 = tpu.memref_slice %arg6[%dma_start3A_107, %dma_start3A_113] : memref<8x80xi32, #tpu.memory_space<vmem>> -> memref<1x80xi32, #tpu.memory_space<vmem>>
      %dma_start3A_115 = tpu.memref_squeeze %dma_start3A_114 : memref<1x80xi32, #tpu.memory_space<vmem>> -> memref<80xi32, #tpu.memory_space<vmem>>
      %dma_start3A_116 = arith.constant 0 : i32
      %dma_start3A_117 = arith.constant 0 : i32
      %dma_start3A_118 = tpu.memref_slice %arg2[%dma_start3A_116, %dma_start3A_117] : memref<10000x128xf32, #tpu.memory_space<hbm>> -> memref<10000x128xf32, #tpu.memory_space<hbm>>
      tpu.enqueue_indirect_dma source(%dma_start3A_118 : memref<10000x128xf32, #tpu.memory_space<hbm>>) target(%dma_start3A_112 : memref<80x128xf32, #tpu.memory_space<vmem>>) offsets(%dma_start3A_115 : memref<80xi32, #tpu.memory_space<vmem>>) semaphore(%arg15 : memref<!tpu.dma_semaphore, #tpu.memory_space<semaphore_mem>>)
      %run_scoped3A_119 = arith.constant 0 : i32
      %run_scoped3A_120 = arith.constant 0 : i32
      "tpu.region"() ({
        %run_scoped3A_523 = tpu.sem_alloc : memref<!tpu.dma_semaphore, #tpu.memory_space<semaphore_mem>>
        %dma_start3A_524 = arith.constant 0 : i32
        %dma_start3A_525 = arith.constant 0 : i32
        %dma_start3A_526 = tpu.memref_slice %arg10[%run_scoped3A_119, %dma_start3A_524, %dma_start3A_525] : memref<4x80x128xf32, #tpu.memory_space<vmem>> -> memref<1x80x128xf32, #tpu.memory_space<vmem>>
        %dma_start3A_527 = tpu.memref_squeeze %dma_start3A_526 : memref<1x80x128xf32, #tpu.memory_space<vmem>> -> memref<80x128xf32, #tpu.memory_space<vmem>>
        %dma_start3A_528 = arith.constant 0 : i32
        %dma_start3A_529 = tpu.memref_slice %arg7[%run_scoped3A_120, %dma_start3A_528] : memref<8x80xi32, #tpu.memory_space<vmem>> -> memref<1x80xi32, #tpu.memory_space<vmem>>
        %dma_start3A_530 = tpu.memref_squeeze %dma_start3A_529 : memref<1x80xi32, #tpu.memory_space<vmem>> -> memref<80xi32, #tpu.memory_space<vmem>>
        %dma_start3A_531 = arith.constant 0 : i32
        %dma_start3A_532 = arith.constant 0 : i32
        %dma_start3A_533 = tpu.memref_slice %arg11[%dma_start3A_531, %dma_start3A_532] : memref<10240x128xf32, #tpu.memory_space<vmem_shared>> -> memref<10240x128xf32, #tpu.memory_space<vmem_shared>>
        tpu.enqueue_indirect_dma source(%dma_start3A_527 : memref<80x128xf32, #tpu.memory_space<vmem>>) target(%dma_start3A_533 : memref<10240x128xf32, #tpu.memory_space<vmem_shared>>) offsets(%dma_start3A_530 : memref<80xi32, #tpu.memory_space<vmem>>) semaphore(%run_scoped3A_523 : memref<!tpu.dma_semaphore, #tpu.memory_space<semaphore_mem>>) {add = true}
        %dma_wait3A_534 = arith.constant 0 : i32
        %dma_wait3A_535 = arith.constant 0 : i32
        %dma_wait3A_536 = tpu.memref_slice %arg10[%run_scoped3A_119, %dma_wait3A_534, %dma_wait3A_535] : memref<4x80x128xf32, #tpu.memory_space<vmem>> -> memref<1x80x128xf32, #tpu.memory_space<vmem>>
        %dma_wait3A_537 = tpu.memref_squeeze %dma_wait3A_536 : memref<1x80x128xf32, #tpu.memory_space<vmem>> -> memref<80x128xf32, #tpu.memory_space<vmem>>
        %dma_wait3A_538 = arith.constant 0 : i32
        %dma_wait3A_539 = tpu.memref_slice %arg7[%run_scoped3A_120, %dma_wait3A_538] : memref<8x80xi32, #tpu.memory_space<vmem>> -> memref<1x80xi32, #tpu.memory_space<vmem>>
        %dma_wait3A_540 = tpu.memref_squeeze %dma_wait3A_539 : memref<1x80xi32, #tpu.memory_space<vmem>> -> memref<80xi32, #tpu.memory_space<vmem>>
        %dma_wait3A_541 = arith.constant 0 : i32
        %dma_wait3A_542 = arith.constant 0 : i32
        %dma_wait3A_543 = tpu.memref_slice %arg11[%dma_wait3A_541, %dma_wait3A_542] : memref<10240x128xf32, #tpu.memory_space<vmem_shared>> -> memref<10240x128xf32, #tpu.memory_space<vmem_shared>>
        tpu.wait_indirect_dma semaphore(%run_scoped3A_523 : memref<!tpu.dma_semaphore, #tpu.memory_space<semaphore_mem>>) src(%dma_wait3A_537 : memref<80x128xf32, #tpu.memory_space<vmem>>) dst(%dma_wait3A_543 : memref<10240x128xf32, #tpu.memory_space<vmem_shared>>)
        tpu.yield
      }) : () -> ()
      %dma_wait3A_121 = arith.constant 1 : i32
      %dma_wait3A_122 = arith.constant 1 : i32
      %dma_wait3A_123 = arith.constant 0 : i32
      %dma_wait3A_124 = arith.constant 0 : i32
      %dma_wait3A_125 = tpu.memref_slice %arg10[%dma_wait3A_122, %dma_wait3A_123, %dma_wait3A_124] : memref<4x80x128xf32, #tpu.memory_space<vmem>> -> memref<1x80x128xf32, #tpu.memory_space<vmem>>
      %dma_wait3A_126 = tpu.memref_squeeze %dma_wait3A_125 : memref<1x80x128xf32, #tpu.memory_space<vmem>> -> memref<80x128xf32, #tpu.memory_space<vmem>>
      %dma_wait3A_127 = arith.constant 0 : i32
      %dma_wait3A_128 = tpu.memref_slice %arg6[%dma_wait3A_121, %dma_wait3A_127] : memref<8x80xi32, #tpu.memory_space<vmem>> -> memref<1x80xi32, #tpu.memory_space<vmem>>
      %dma_wait3A_129 = tpu.memref_squeeze %dma_wait3A_128 : memref<1x80xi32, #tpu.memory_space<vmem>> -> memref<80xi32, #tpu.memory_space<vmem>>
      %dma_wait3A_130 = arith.constant 0 : i32
      %dma_wait3A_131 = arith.constant 0 : i32
      %dma_wait3A_132 = tpu.memref_slice %arg2[%dma_wait3A_130, %dma_wait3A_131] : memref<10000x128xf32, #tpu.memory_space<hbm>> -> memref<10000x128xf32, #tpu.memory_space<hbm>>
      tpu.wait_indirect_dma semaphore(%arg13 : memref<!tpu.dma_semaphore, #tpu.memory_space<semaphore_mem>>) src(%dma_wait3A_132 : memref<10000x128xf32, #tpu.memory_space<hbm>>) dst(%dma_wait3A_126 : memref<80x128xf32, #tpu.memory_space<vmem>>)
      %dma_start3A_133 = arith.constant 4 : i32
      %dma_start3A_134 = arith.constant 0 : i32
      %dma_start3A_135 = arith.constant 0 : i32
      %dma_start3A_136 = arith.constant 0 : i32
      %dma_start3A_137 = tpu.memref_slice %arg10[%dma_start3A_134, %dma_start3A_135, %dma_start3A_136] : memref<4x80x128xf32, #tpu.memory_space<vmem>> -> memref<1x80x128xf32, #tpu.memory_space<vmem>>
      %dma_start3A_138 = tpu.memref_squeeze %dma_start3A_137 : memref<1x80x128xf32, #tpu.memory_space<vmem>> -> memref<80x128xf32, #tpu.memory_space<vmem>>
      %dma_start3A_139 = arith.constant 0 : i32
      %dma_start3A_140 = tpu.memref_slice %arg6[%dma_start3A_133, %dma_start3A_139] : memref<8x80xi32, #tpu.memory_space<vmem>> -> memref<1x80xi32, #tpu.memory_space<vmem>>
      %dma_start3A_141 = tpu.memref_squeeze %dma_start3A_140 : memref<1x80xi32, #tpu.memory_space<vmem>> -> memref<80xi32, #tpu.memory_space<vmem>>
      %dma_start3A_142 = arith.constant 0 : i32
      %dma_start3A_143 = arith.constant 0 : i32
      %dma_start3A_144 = tpu.memref_slice %arg2[%dma_start3A_142, %dma_start3A_143] : memref<10000x128xf32, #tpu.memory_space<hbm>> -> memref<10000x128xf32, #tpu.memory_space<hbm>>
      tpu.enqueue_indirect_dma source(%dma_start3A_144 : memref<10000x128xf32, #tpu.memory_space<hbm>>) target(%dma_start3A_138 : memref<80x128xf32, #tpu.memory_space<vmem>>) offsets(%dma_start3A_141 : memref<80xi32, #tpu.memory_space<vmem>>) semaphore(%arg12 : memref<!tpu.dma_semaphore, #tpu.memory_space<semaphore_mem>>)
      %run_scoped3A_145 = arith.constant 1 : i32
      %run_scoped3A_146 = arith.constant 1 : i32
      "tpu.region"() ({
        %run_scoped3A_523 = tpu.sem_alloc : memref<!tpu.dma_semaphore, #tpu.memory_space<semaphore_mem>>
        %dma_start3A_524 = arith.constant 0 : i32
        %dma_start3A_525 = arith.constant 0 : i32
        %dma_start3A_526 = tpu.memref_slice %arg10[%run_scoped3A_145, %dma_start3A_524, %dma_start3A_525] : memref<4x80x128xf32, #tpu.memory_space<vmem>> -> memref<1x80x128xf32, #tpu.memory_space<vmem>>
        %dma_start3A_527 = tpu.memref_squeeze %dma_start3A_526 : memref<1x80x128xf32, #tpu.memory_space<vmem>> -> memref<80x128xf32, #tpu.memory_space<vmem>>
        %dma_start3A_528 = arith.constant 0 : i32
        %dma_start3A_529 = tpu.memref_slice %arg7[%run_scoped3A_146, %dma_start3A_528] : memref<8x80xi32, #tpu.memory_space<vmem>> -> memref<1x80xi32, #tpu.memory_space<vmem>>
        %dma_start3A_530 = tpu.memref_squeeze %dma_start3A_529 : memref<1x80xi32, #tpu.memory_space<vmem>> -> memref<80xi32, #tpu.memory_space<vmem>>
        %dma_start3A_531 = arith.constant 0 : i32
        %dma_start3A_532 = arith.constant 0 : i32
        %dma_start3A_533 = tpu.memref_slice %arg11[%dma_start3A_531, %dma_start3A_532] : memref<10240x128xf32, #tpu.memory_space<vmem_shared>> -> memref<10240x128xf32, #tpu.memory_space<vmem_shared>>
        tpu.enqueue_indirect_dma source(%dma_start3A_527 : memref<80x128xf32, #tpu.memory_space<vmem>>) target(%dma_start3A_533 : memref<10240x128xf32, #tpu.memory_space<vmem_shared>>) offsets(%dma_start3A_530 : memref<80xi32, #tpu.memory_space<vmem>>) semaphore(%run_scoped3A_523 : memref<!tpu.dma_semaphore, #tpu.memory_space<semaphore_mem>>) {add = true}
        %dma_wait3A_534 = arith.constant 0 : i32
        %dma_wait3A_535 = arith.constant 0 : i32
        %dma_wait3A_536 = tpu.memref_slice %arg10[%run_scoped3A_145, %dma_wait3A_534, %dma_wait3A_535] : memref<4x80x128xf32, #tpu.memory_space<vmem>> -> memref<1x80x128xf32, #tpu.memory_space<vmem>>
        %dma_wait3A_537 = tpu.memref_squeeze %dma_wait3A_536 : memref<1x80x128xf32, #tpu.memory_space<vmem>> -> memref<80x128xf32, #tpu.memory_space<vmem>>
        %dma_wait3A_538 = arith.constant 0 : i32
        %dma_wait3A_539 = tpu.memref_slice %arg7[%run_scoped3A_146, %dma_wait3A_538] : memref<8x80xi32, #tpu.memory_space<vmem>> -> memref<1x80xi32, #tpu.memory_space<vmem>>
        %dma_wait3A_540 = tpu.memref_squeeze %dma_wait3A_539 : memref<1x80xi32, #tpu.memory_space<vmem>> -> memref<80xi32, #tpu.memory_space<vmem>>
        %dma_wait3A_541 = arith.constant 0 : i32
        %dma_wait3A_542 = arith.constant 0 : i32
        %dma_wait3A_543 = tpu.memref_slice %arg11[%dma_wait3A_541, %dma_wait3A_542] : memref<10240x128xf32, #tpu.memory_space<vmem_shared>> -> memref<10240x128xf32, #tpu.memory_space<vmem_shared>>
        tpu.wait_indirect_dma semaphore(%run_scoped3A_523 : memref<!tpu.dma_semaphore, #tpu.memory_space<semaphore_mem>>) src(%dma_wait3A_537 : memref<80x128xf32, #tpu.memory_space<vmem>>) dst(%dma_wait3A_543 : memref<10240x128xf32, #tpu.memory_space<vmem_shared>>)
        tpu.yield
      }) : () -> ()
      %dma_wait3A_147 = arith.constant 2 : i32
      %dma_wait3A_148 = arith.constant 2 : i32
      %dma_wait3A_149 = arith.constant 0 : i32
      %dma_wait3A_150 = arith.constant 0 : i32
      %dma_wait3A_151 = tpu.memref_slice %arg10[%dma_wait3A_148, %dma_wait3A_149, %dma_wait3A_150] : memref<4x80x128xf32, #tpu.memory_space<vmem>> -> memref<1x80x128xf32, #tpu.memory_space<vmem>>
      %dma_wait3A_152 = tpu.memref_squeeze %dma_wait3A_151 : memref<1x80x128xf32, #tpu.memory_space<vmem>> -> memref<80x128xf32, #tpu.memory_space<vmem>>
      %dma_wait3A_153 = arith.constant 0 : i32
      %dma_wait3A_154 = tpu.memref_slice %arg6[%dma_wait3A_147, %dma_wait3A_153] : memref<8x80xi32, #tpu.memory_space<vmem>> -> memref<1x80xi32, #tpu.memory_space<vmem>>
      %dma_wait3A_155 = tpu.memref_squeeze %dma_wait3A_154 : memref<1x80xi32, #tpu.memory_space<vmem>> -> memref<80xi32, #tpu.memory_space<vmem>>
      %dma_wait3A_156 = arith.constant 0 : i32
      %dma_wait3A_157 = arith.constant 0 : i32
      %dma_wait3A_158 = tpu.memref_slice %arg2[%dma_wait3A_156, %dma_wait3A_157] : memref<10000x128xf32, #tpu.memory_space<hbm>> -> memref<10000x128xf32, #tpu.memory_space<hbm>>
      tpu.wait_indirect_dma semaphore(%arg14 : memref<!tpu.dma_semaphore, #tpu.memory_space<semaphore_mem>>) src(%dma_wait3A_158 : memref<10000x128xf32, #tpu.memory_space<hbm>>) dst(%dma_wait3A_152 : memref<80x128xf32, #tpu.memory_space<vmem>>)
      %dma_start3A_159 = arith.constant 5 : i32
      %dma_start3A_160 = arith.constant 1 : i32
      %dma_start3A_161 = arith.constant 0 : i32
      %dma_start3A_162 = arith.constant 0 : i32
      %dma_start3A_163 = tpu.memref_slice %arg10[%dma_start3A_160, %dma_start3A_161, %dma_start3A_162] : memref<4x80x128xf32, #tpu.memory_space<vmem>> -> memref<1x80x128xf32, #tpu.memory_space<vmem>>
      %dma_start3A_164 = tpu.memref_squeeze %dma_start3A_163 : memref<1x80x128xf32, #tpu.memory_space<vmem>> -> memref<80x128xf32, #tpu.memory_space<vmem>>
      %dma_start3A_165 = arith.constant 0 : i32
      %dma_start3A_166 = tpu.memref_slice %arg6[%dma_start3A_159, %dma_start3A_165] : memref<8x80xi32, #tpu.memory_space<vmem>> -> memref<1x80xi32, #tpu.memory_space<vmem>>
      %dma_start3A_167 = tpu.memref_squeeze %dma_start3A_166 : memref<1x80xi32, #tpu.memory_space<vmem>> -> memref<80xi32, #tpu.memory_space<vmem>>
      %dma_start3A_168 = arith.constant 0 : i32
      %dma_start3A_169 = arith.constant 0 : i32
      %dma_start3A_170 = tpu.memref_slice %arg2[%dma_start3A_168, %dma_start3A_169] : memref<10000x128xf32, #tpu.memory_space<hbm>> -> memref<10000x128xf32, #tpu.memory_space<hbm>>
      tpu.enqueue_indirect_dma source(%dma_start3A_170 : memref<10000x128xf32, #tpu.memory_space<hbm>>) target(%dma_start3A_164 : memref<80x128xf32, #tpu.memory_space<vmem>>) offsets(%dma_start3A_167 : memref<80xi32, #tpu.memory_space<vmem>>) semaphore(%arg13 : memref<!tpu.dma_semaphore, #tpu.memory_space<semaphore_mem>>)
      %run_scoped3A_171 = arith.constant 2 : i32
      %run_scoped3A_172 = arith.constant 2 : i32
      "tpu.region"() ({
        %run_scoped3A_523 = tpu.sem_alloc : memref<!tpu.dma_semaphore, #tpu.memory_space<semaphore_mem>>
        %dma_start3A_524 = arith.constant 0 : i32
        %dma_start3A_525 = arith.constant 0 : i32
        %dma_start3A_526 = tpu.memref_slice %arg10[%run_scoped3A_171, %dma_start3A_524, %dma_start3A_525] : memref<4x80x128xf32, #tpu.memory_space<vmem>> -> memref<1x80x128xf32, #tpu.memory_space<vmem>>
        %dma_start3A_527 = tpu.memref_squeeze %dma_start3A_526 : memref<1x80x128xf32, #tpu.memory_space<vmem>> -> memref<80x128xf32, #tpu.memory_space<vmem>>
        %dma_start3A_528 = arith.constant 0 : i32
        %dma_start3A_529 = tpu.memref_slice %arg7[%run_scoped3A_172, %dma_start3A_528] : memref<8x80xi32, #tpu.memory_space<vmem>> -> memref<1x80xi32, #tpu.memory_space<vmem>>
        %dma_start3A_530 = tpu.memref_squeeze %dma_start3A_529 : memref<1x80xi32, #tpu.memory_space<vmem>> -> memref<80xi32, #tpu.memory_space<vmem>>
        %dma_start3A_531 = arith.constant 0 : i32
        %dma_start3A_532 = arith.constant 0 : i32
        %dma_start3A_533 = tpu.memref_slice %arg11[%dma_start3A_531, %dma_start3A_532] : memref<10240x128xf32, #tpu.memory_space<vmem_shared>> -> memref<10240x128xf32, #tpu.memory_space<vmem_shared>>
        tpu.enqueue_indirect_dma source(%dma_start3A_527 : memref<80x128xf32, #tpu.memory_space<vmem>>) target(%dma_start3A_533 : memref<10240x128xf32, #tpu.memory_space<vmem_shared>>) offsets(%dma_start3A_530 : memref<80xi32, #tpu.memory_space<vmem>>) semaphore(%run_scoped3A_523 : memref<!tpu.dma_semaphore, #tpu.memory_space<semaphore_mem>>) {add = true}
        %dma_wait3A_534 = arith.constant 0 : i32
        %dma_wait3A_535 = arith.constant 0 : i32
        %dma_wait3A_536 = tpu.memref_slice %arg10[%run_scoped3A_171, %dma_wait3A_534, %dma_wait3A_535] : memref<4x80x128xf32, #tpu.memory_space<vmem>> -> memref<1x80x128xf32, #tpu.memory_space<vmem>>
        %dma_wait3A_537 = tpu.memref_squeeze %dma_wait3A_536 : memref<1x80x128xf32, #tpu.memory_space<vmem>> -> memref<80x128xf32, #tpu.memory_space<vmem>>
        %dma_wait3A_538 = arith.constant 0 : i32
        %dma_wait3A_539 = tpu.memref_slice %arg7[%run_scoped3A_172, %dma_wait3A_538] : memref<8x80xi32, #tpu.memory_space<vmem>> -> memref<1x80xi32, #tpu.memory_space<vmem>>
        %dma_wait3A_540 = tpu.memref_squeeze %dma_wait3A_539 : memref<1x80xi32, #tpu.memory_space<vmem>> -> memref<80xi32, #tpu.memory_space<vmem>>
        %dma_wait3A_541 = arith.constant 0 : i32
        %dma_wait3A_542 = arith.constant 0 : i32
        %dma_wait3A_543 = tpu.memref_slice %arg11[%dma_wait3A_541, %dma_wait3A_542] : memref<10240x128xf32, #tpu.memory_space<vmem_shared>> -> memref<10240x128xf32, #tpu.memory_space<vmem_shared>>
        tpu.wait_indirect_dma semaphore(%run_scoped3A_523 : memref<!tpu.dma_semaphore, #tpu.memory_space<semaphore_mem>>) src(%dma_wait3A_537 : memref<80x128xf32, #tpu.memory_space<vmem>>) dst(%dma_wait3A_543 : memref<10240x128xf32, #tpu.memory_space<vmem_shared>>)
        tpu.yield
      }) : () -> ()
      %dma_wait3A_173 = arith.constant 3 : i32
      %dma_wait3A_174 = arith.constant 3 : i32
      %dma_wait3A_175 = arith.constant 0 : i32
      %dma_wait3A_176 = arith.constant 0 : i32
      %dma_wait3A_177 = tpu.memref_slice %arg10[%dma_wait3A_174, %dma_wait3A_175, %dma_wait3A_176] : memref<4x80x128xf32, #tpu.memory_space<vmem>> -> memref<1x80x128xf32, #tpu.memory_space<vmem>>
      %dma_wait3A_178 = tpu.memref_squeeze %dma_wait3A_177 : memref<1x80x128xf32, #tpu.memory_space<vmem>> -> memref<80x128xf32, #tpu.memory_space<vmem>>
      %dma_wait3A_179 = arith.constant 0 : i32
      %dma_wait3A_180 = tpu.memref_slice %arg6[%dma_wait3A_173, %dma_wait3A_179] : memref<8x80xi32, #tpu.memory_space<vmem>> -> memref<1x80xi32, #tpu.memory_space<vmem>>
      %dma_wait3A_181 = tpu.memref_squeeze %dma_wait3A_180 : memref<1x80xi32, #tpu.memory_space<vmem>> -> memref<80xi32, #tpu.memory_space<vmem>>
      %dma_wait3A_182 = arith.constant 0 : i32
      %dma_wait3A_183 = arith.constant 0 : i32
      %dma_wait3A_184 = tpu.memref_slice %arg2[%dma_wait3A_182, %dma_wait3A_183] : memref<10000x128xf32, #tpu.memory_space<hbm>> -> memref<10000x128xf32, #tpu.memory_space<hbm>>
      tpu.wait_indirect_dma semaphore(%arg15 : memref<!tpu.dma_semaphore, #tpu.memory_space<semaphore_mem>>) src(%dma_wait3A_184 : memref<10000x128xf32, #tpu.memory_space<hbm>>) dst(%dma_wait3A_178 : memref<80x128xf32, #tpu.memory_space<vmem>>)
      %dma_start3A_185 = arith.constant 6 : i32
      %dma_start3A_186 = arith.constant 2 : i32
      %dma_start3A_187 = arith.constant 0 : i32
      %dma_start3A_188 = arith.constant 0 : i32
      %dma_start3A_189 = tpu.memref_slice %arg10[%dma_start3A_186, %dma_start3A_187, %dma_start3A_188] : memref<4x80x128xf32, #tpu.memory_space<vmem>> -> memref<1x80x128xf32, #tpu.memory_space<vmem>>
      %dma_start3A_190 = tpu.memref_squeeze %dma_start3A_189 : memref<1x80x128xf32, #tpu.memory_space<vmem>> -> memref<80x128xf32, #tpu.memory_space<vmem>>
      %dma_start3A_191 = arith.constant 0 : i32
      %dma_start3A_192 = tpu.memref_slice %arg6[%dma_start3A_185, %dma_start3A_191] : memref<8x80xi32, #tpu.memory_space<vmem>> -> memref<1x80xi32, #tpu.memory_space<vmem>>
      %dma_start3A_193 = tpu.memref_squeeze %dma_start3A_192 : memref<1x80xi32, #tpu.memory_space<vmem>> -> memref<80xi32, #tpu.memory_space<vmem>>
      %dma_start3A_194 = arith.constant 0 : i32
      %dma_start3A_195 = arith.constant 0 : i32
      %dma_start3A_196 = tpu.memref_slice %arg2[%dma_start3A_194, %dma_start3A_195] : memref<10000x128xf32, #tpu.memory_space<hbm>> -> memref<10000x128xf32, #tpu.memory_space<hbm>>
      tpu.enqueue_indirect_dma source(%dma_start3A_196 : memref<10000x128xf32, #tpu.memory_space<hbm>>) target(%dma_start3A_190 : memref<80x128xf32, #tpu.memory_space<vmem>>) offsets(%dma_start3A_193 : memref<80xi32, #tpu.memory_space<vmem>>) semaphore(%arg14 : memref<!tpu.dma_semaphore, #tpu.memory_space<semaphore_mem>>)
      %run_scoped3A_197 = arith.constant 3 : i32
      %run_scoped3A_198 = arith.constant 3 : i32
      "tpu.region"() ({
        %run_scoped3A_523 = tpu.sem_alloc : memref<!tpu.dma_semaphore, #tpu.memory_space<semaphore_mem>>
        %dma_start3A_524 = arith.constant 0 : i32
        %dma_start3A_525 = arith.constant 0 : i32
        %dma_start3A_526 = tpu.memref_slice %arg10[%run_scoped3A_197, %dma_start3A_524, %dma_start3A_525] : memref<4x80x128xf32, #tpu.memory_space<vmem>> -> memref<1x80x128xf32, #tpu.memory_space<vmem>>
        %dma_start3A_527 = tpu.memref_squeeze %dma_start3A_526 : memref<1x80x128xf32, #tpu.memory_space<vmem>> -> memref<80x128xf32, #tpu.memory_space<vmem>>
        %dma_start3A_528 = arith.constant 0 : i32
        %dma_start3A_529 = tpu.memref_slice %arg7[%run_scoped3A_198, %dma_start3A_528] : memref<8x80xi32, #tpu.memory_space<vmem>> -> memref<1x80xi32, #tpu.memory_space<vmem>>
        %dma_start3A_530 = tpu.memref_squeeze %dma_start3A_529 : memref<1x80xi32, #tpu.memory_space<vmem>> -> memref<80xi32, #tpu.memory_space<vmem>>
        %dma_start3A_531 = arith.constant 0 : i32
        %dma_start3A_532 = arith.constant 0 : i32
        %dma_start3A_533 = tpu.memref_slice %arg11[%dma_start3A_531, %dma_start3A_532] : memref<10240x128xf32, #tpu.memory_space<vmem_shared>> -> memref<10240x128xf32, #tpu.memory_space<vmem_shared>>
        tpu.enqueue_indirect_dma source(%dma_start3A_527 : memref<80x128xf32, #tpu.memory_space<vmem>>) target(%dma_start3A_533 : memref<10240x128xf32, #tpu.memory_space<vmem_shared>>) offsets(%dma_start3A_530 : memref<80xi32, #tpu.memory_space<vmem>>) semaphore(%run_scoped3A_523 : memref<!tpu.dma_semaphore, #tpu.memory_space<semaphore_mem>>) {add = true}
        %dma_wait3A_534 = arith.constant 0 : i32
        %dma_wait3A_535 = arith.constant 0 : i32
        %dma_wait3A_536 = tpu.memref_slice %arg10[%run_scoped3A_197, %dma_wait3A_534, %dma_wait3A_535] : memref<4x80x128xf32, #tpu.memory_space<vmem>> -> memref<1x80x128xf32, #tpu.memory_space<vmem>>
        %dma_wait3A_537 = tpu.memref_squeeze %dma_wait3A_536 : memref<1x80x128xf32, #tpu.memory_space<vmem>> -> memref<80x128xf32, #tpu.memory_space<vmem>>
        %dma_wait3A_538 = arith.constant 0 : i32
        %dma_wait3A_539 = tpu.memref_slice %arg7[%run_scoped3A_198, %dma_wait3A_538] : memref<8x80xi32, #tpu.memory_space<vmem>> -> memref<1x80xi32, #tpu.memory_space<vmem>>
        %dma_wait3A_540 = tpu.memref_squeeze %dma_wait3A_539 : memref<1x80xi32, #tpu.memory_space<vmem>> -> memref<80xi32, #tpu.memory_space<vmem>>
        %dma_wait3A_541 = arith.constant 0 : i32
        %dma_wait3A_542 = arith.constant 0 : i32
        %dma_wait3A_543 = tpu.memref_slice %arg11[%dma_wait3A_541, %dma_wait3A_542] : memref<10240x128xf32, #tpu.memory_space<vmem_shared>> -> memref<10240x128xf32, #tpu.memory_space<vmem_shared>>
        tpu.wait_indirect_dma semaphore(%run_scoped3A_523 : memref<!tpu.dma_semaphore, #tpu.memory_space<semaphore_mem>>) src(%dma_wait3A_537 : memref<80x128xf32, #tpu.memory_space<vmem>>) dst(%dma_wait3A_543 : memref<10240x128xf32, #tpu.memory_space<vmem_shared>>)
        tpu.yield
      }) : () -> ()
      %dma_wait3A_199 = arith.constant 4 : i32
      %dma_wait3A_200 = arith.constant 0 : i32
      %dma_wait3A_201 = arith.constant 0 : i32
      %dma_wait3A_202 = arith.constant 0 : i32
      %dma_wait3A_203 = tpu.memref_slice %arg10[%dma_wait3A_200, %dma_wait3A_201, %dma_wait3A_202] : memref<4x80x128xf32, #tpu.memory_space<vmem>> -> memref<1x80x128xf32, #tpu.memory_space<vmem>>
      %dma_wait3A_204 = tpu.memref_squeeze %dma_wait3A_203 : memref<1x80x128xf32, #tpu.memory_space<vmem>> -> memref<80x128xf32, #tpu.memory_space<vmem>>
      %dma_wait3A_205 = arith.constant 0 : i32
      %dma_wait3A_206 = tpu.memref_slice %arg6[%dma_wait3A_199, %dma_wait3A_205] : memref<8x80xi32, #tpu.memory_space<vmem>> -> memref<1x80xi32, #tpu.memory_space<vmem>>
      %dma_wait3A_207 = tpu.memref_squeeze %dma_wait3A_206 : memref<1x80xi32, #tpu.memory_space<vmem>> -> memref<80xi32, #tpu.memory_space<vmem>>
      %dma_wait3A_208 = arith.constant 0 : i32
      %dma_wait3A_209 = arith.constant 0 : i32
      %dma_wait3A_210 = tpu.memref_slice %arg2[%dma_wait3A_208, %dma_wait3A_209] : memref<10000x128xf32, #tpu.memory_space<hbm>> -> memref<10000x128xf32, #tpu.memory_space<hbm>>
      tpu.wait_indirect_dma semaphore(%arg12 : memref<!tpu.dma_semaphore, #tpu.memory_space<semaphore_mem>>) src(%dma_wait3A_210 : memref<10000x128xf32, #tpu.memory_space<hbm>>) dst(%dma_wait3A_204 : memref<80x128xf32, #tpu.memory_space<vmem>>)
      %dma_start3A_211 = arith.constant 7 : i32
      %dma_start3A_212 = arith.constant 3 : i32
      %dma_start3A_213 = arith.constant 0 : i32
      %dma_start3A_214 = arith.constant 0 : i32
      %dma_start3A_215 = tpu.memref_slice %arg10[%dma_start3A_212, %dma_start3A_213, %dma_start3A_214] : memref<4x80x128xf32, #tpu.memory_space<vmem>> -> memref<1x80x128xf32, #tpu.memory_space<vmem>>
      %dma_start3A_216 = tpu.memref_squeeze %dma_start3A_215 : memref<1x80x128xf32, #tpu.memory_space<vmem>> -> memref<80x128xf32, #tpu.memory_space<vmem>>
      %dma_start3A_217 = arith.constant 0 : i32
      %dma_start3A_218 = tpu.memref_slice %arg6[%dma_start3A_211, %dma_start3A_217] : memref<8x80xi32, #tpu.memory_space<vmem>> -> memref<1x80xi32, #tpu.memory_space<vmem>>
      %dma_start3A_219 = tpu.memref_squeeze %dma_start3A_218 : memref<1x80xi32, #tpu.memory_space<vmem>> -> memref<80xi32, #tpu.memory_space<vmem>>
      %dma_start3A_220 = arith.constant 0 : i32
      %dma_start3A_221 = arith.constant 0 : i32
      %dma_start3A_222 = tpu.memref_slice %arg2[%dma_start3A_220, %dma_start3A_221] : memref<10000x128xf32, #tpu.memory_space<hbm>> -> memref<10000x128xf32, #tpu.memory_space<hbm>>
      tpu.enqueue_indirect_dma source(%dma_start3A_222 : memref<10000x128xf32, #tpu.memory_space<hbm>>) target(%dma_start3A_216 : memref<80x128xf32, #tpu.memory_space<vmem>>) offsets(%dma_start3A_219 : memref<80xi32, #tpu.memory_space<vmem>>) semaphore(%arg15 : memref<!tpu.dma_semaphore, #tpu.memory_space<semaphore_mem>>)
      %run_scoped3A_223 = arith.constant 0 : i32
      %run_scoped3A_224 = arith.constant 4 : i32
      "tpu.region"() ({
        %run_scoped3A_523 = tpu.sem_alloc : memref<!tpu.dma_semaphore, #tpu.memory_space<semaphore_mem>>
        %dma_start3A_524 = arith.constant 0 : i32
        %dma_start3A_525 = arith.constant 0 : i32
        %dma_start3A_526 = tpu.memref_slice %arg10[%run_scoped3A_223, %dma_start3A_524, %dma_start3A_525] : memref<4x80x128xf32, #tpu.memory_space<vmem>> -> memref<1x80x128xf32, #tpu.memory_space<vmem>>
        %dma_start3A_527 = tpu.memref_squeeze %dma_start3A_526 : memref<1x80x128xf32, #tpu.memory_space<vmem>> -> memref<80x128xf32, #tpu.memory_space<vmem>>
        %dma_start3A_528 = arith.constant 0 : i32
        %dma_start3A_529 = tpu.memref_slice %arg7[%run_scoped3A_224, %dma_start3A_528] : memref<8x80xi32, #tpu.memory_space<vmem>> -> memref<1x80xi32, #tpu.memory_space<vmem>>
        %dma_start3A_530 = tpu.memref_squeeze %dma_start3A_529 : memref<1x80xi32, #tpu.memory_space<vmem>> -> memref<80xi32, #tpu.memory_space<vmem>>
        %dma_start3A_531 = arith.constant 0 : i32
        %dma_start3A_532 = arith.constant 0 : i32
        %dma_start3A_533 = tpu.memref_slice %arg11[%dma_start3A_531, %dma_start3A_532] : memref<10240x128xf32, #tpu.memory_space<vmem_shared>> -> memref<10240x128xf32, #tpu.memory_space<vmem_shared>>
        tpu.enqueue_indirect_dma source(%dma_start3A_527 : memref<80x128xf32, #tpu.memory_space<vmem>>) target(%dma_start3A_533 : memref<10240x128xf32, #tpu.memory_space<vmem_shared>>) offsets(%dma_start3A_530 : memref<80xi32, #tpu.memory_space<vmem>>) semaphore(%run_scoped3A_523 : memref<!tpu.dma_semaphore, #tpu.memory_space<semaphore_mem>>) {add = true}
        %dma_wait3A_534 = arith.constant 0 : i32
        %dma_wait3A_535 = arith.constant 0 : i32
        %dma_wait3A_536 = tpu.memref_slice %arg10[%run_scoped3A_223, %dma_wait3A_534, %dma_wait3A_535] : memref<4x80x128xf32, #tpu.memory_space<vmem>> -> memref<1x80x128xf32, #tpu.memory_space<vmem>>
        %dma_wait3A_537 = tpu.memref_squeeze %dma_wait3A_536 : memref<1x80x128xf32, #tpu.memory_space<vmem>> -> memref<80x128xf32, #tpu.memory_space<vmem>>
        %dma_wait3A_538 = arith.constant 0 : i32
        %dma_wait3A_539 = tpu.memref_slice %arg7[%run_scoped3A_224, %dma_wait3A_538] : memref<8x80xi32, #tpu.memory_space<vmem>> -> memref<1x80xi32, #tpu.memory_space<vmem>>
        %dma_wait3A_540 = tpu.memref_squeeze %dma_wait3A_539 : memref<1x80xi32, #tpu.memory_space<vmem>> -> memref<80xi32, #tpu.memory_space<vmem>>
        %dma_wait3A_541 = arith.constant 0 : i32
        %dma_wait3A_542 = arith.constant 0 : i32
        %dma_wait3A_543 = tpu.memref_slice %arg11[%dma_wait3A_541, %dma_wait3A_542] : memref<10240x128xf32, #tpu.memory_space<vmem_shared>> -> memref<10240x128xf32, #tpu.memory_space<vmem_shared>>
        tpu.wait_indirect_dma semaphore(%run_scoped3A_523 : memref<!tpu.dma_semaphore, #tpu.memory_space<semaphore_mem>>) src(%dma_wait3A_537 : memref<80x128xf32, #tpu.memory_space<vmem>>) dst(%dma_wait3A_543 : memref<10240x128xf32, #tpu.memory_space<vmem_shared>>)
        tpu.yield
      }) : () -> ()
      %mul3A_225 = arith.constant 2 : i32
      %mul3A_226 = arith.muli %mul3A_225, %scan3A_94 : i32
      %add3A_227 = arith.constant 1 : i32
      %add3A_228 = arith.addi %mul3A_226, %add3A_227 : i32
      %mul3A_229 = arith.constant 8 : i32
      %mul3A_230 = arith.muli %add3A_228, %mul3A_229 : i32
      %dma_wait3A_231 = arith.constant 0 : i32
      %dma_wait3A_232 = tpu.memref_slice %arg3[%add3A, %mul3A_230, %dma_wait3A_231] : memref<32x128x80xi32, #tpu.memory_space<hbm>> -> memref<1x8x80xi32, #tpu.memory_space<hbm>>
      %dma_wait3A_233 = tpu.memref_squeeze %dma_wait3A_232 : memref<1x8x80xi32, #tpu.memory_space<hbm>> -> memref<8x80xi32, #tpu.memory_space<hbm>>
      %dma_wait3A_234 = arith.constant 0 : i32
      %dma_wait3A_235 = tpu.memref_slice %arg3[%add3A, %mul3A_230, %dma_wait3A_234] : memref<32x128x80xi32, #tpu.memory_space<hbm>> -> memref<1x8x80xi32, #tpu.memory_space<hbm>>
      %dma_wait3A_236 = tpu.memref_squeeze %dma_wait3A_235 : memref<1x8x80xi32, #tpu.memory_space<hbm>> -> memref<8x80xi32, #tpu.memory_space<hbm>>
      tpu.wait_dma2 semaphore(%arg17 : memref<!tpu.dma_semaphore, #tpu.memory_space<semaphore_mem>>) src(%dma_wait3A_236 : memref<8x80xi32, #tpu.memory_space<hbm>>) dst(%arg8 : memref<8x80xi32, #tpu.memory_space<vmem>>)
      %mul3A_237 = arith.constant 8 : i32
      %mul3A_238 = arith.muli %add3A_228, %mul3A_237 : i32
      %dma_wait3A_239 = arith.constant 0 : i32
      %dma_wait3A_240 = tpu.memref_slice %arg4[%add3A, %mul3A_238, %dma_wait3A_239] : memref<32x128x80xi32, #tpu.memory_space<hbm>> -> memref<1x8x80xi32, #tpu.memory_space<hbm>>
      %dma_wait3A_241 = tpu.memref_squeeze %dma_wait3A_240 : memref<1x8x80xi32, #tpu.memory_space<hbm>> -> memref<8x80xi32, #tpu.memory_space<hbm>>
      %dma_wait3A_242 = arith.constant 0 : i32
      %dma_wait3A_243 = tpu.memref_slice %arg4[%add3A, %mul3A_238, %dma_wait3A_242] : memref<32x128x80xi32, #tpu.memory_space<hbm>> -> memref<1x8x80xi32, #tpu.memory_space<hbm>>
      %dma_wait3A_244 = tpu.memref_squeeze %dma_wait3A_243 : memref<1x8x80xi32, #tpu.memory_space<hbm>> -> memref<8x80xi32, #tpu.memory_space<hbm>>
      tpu.wait_dma2 semaphore(%arg17 : memref<!tpu.dma_semaphore, #tpu.memory_space<semaphore_mem>>) src(%dma_wait3A_244 : memref<8x80xi32, #tpu.memory_space<hbm>>) dst(%arg9 : memref<8x80xi32, #tpu.memory_space<vmem>>)
      %dma_wait3A_245 = arith.constant 5 : i32
      %dma_wait3A_246 = arith.constant 1 : i32
      %dma_wait3A_247 = arith.constant 0 : i32
      %dma_wait3A_248 = arith.constant 0 : i32
      %dma_wait3A_249 = tpu.memref_slice %arg10[%dma_wait3A_246, %dma_wait3A_247, %dma_wait3A_248] : memref<4x80x128xf32, #tpu.memory_space<vmem>> -> memref<1x80x128xf32, #tpu.memory_space<vmem>>
      %dma_wait3A_250 = tpu.memref_squeeze %dma_wait3A_249 : memref<1x80x128xf32, #tpu.memory_space<vmem>> -> memref<80x128xf32, #tpu.memory_space<vmem>>
      %dma_wait3A_251 = arith.constant 0 : i32
      %dma_wait3A_252 = tpu.memref_slice %arg6[%dma_wait3A_245, %dma_wait3A_251] : memref<8x80xi32, #tpu.memory_space<vmem>> -> memref<1x80xi32, #tpu.memory_space<vmem>>
      %dma_wait3A_253 = tpu.memref_squeeze %dma_wait3A_252 : memref<1x80xi32, #tpu.memory_space<vmem>> -> memref<80xi32, #tpu.memory_space<vmem>>
      %dma_wait3A_254 = arith.constant 0 : i32
      %dma_wait3A_255 = arith.constant 0 : i32
      %dma_wait3A_256 = tpu.memref_slice %arg2[%dma_wait3A_254, %dma_wait3A_255] : memref<10000x128xf32, #tpu.memory_space<hbm>> -> memref<10000x128xf32, #tpu.memory_space<hbm>>
      tpu.wait_indirect_dma semaphore(%arg13 : memref<!tpu.dma_semaphore, #tpu.memory_space<semaphore_mem>>) src(%dma_wait3A_256 : memref<10000x128xf32, #tpu.memory_space<hbm>>) dst(%dma_wait3A_250 : memref<80x128xf32, #tpu.memory_space<vmem>>)
      %dma_start3A_257 = arith.constant 0 : i32
      %dma_start3A_258 = arith.constant 0 : i32
      %dma_start3A_259 = arith.constant 0 : i32
      %dma_start3A_260 = arith.constant 0 : i32
      %dma_start3A_261 = tpu.memref_slice %arg10[%dma_start3A_258, %dma_start3A_259, %dma_start3A_260] : memref<4x80x128xf32, #tpu.memory_space<vmem>> -> memref<1x80x128xf32, #tpu.memory_space<vmem>>
      %dma_start3A_262 = tpu.memref_squeeze %dma_start3A_261 : memref<1x80x128xf32, #tpu.memory_space<vmem>> -> memref<80x128xf32, #tpu.memory_space<vmem>>
      %dma_start3A_263 = arith.constant 0 : i32
      %dma_start3A_264 = tpu.memref_slice %arg8[%dma_start3A_257, %dma_start3A_263] : memref<8x80xi32, #tpu.memory_space<vmem>> -> memref<1x80xi32, #tpu.memory_space<vmem>>
      %dma_start3A_265 = tpu.memref_squeeze %dma_start3A_264 : memref<1x80xi32, #tpu.memory_space<vmem>> -> memref<80xi32, #tpu.memory_space<vmem>>
      %dma_start3A_266 = arith.constant 0 : i32
      %dma_start3A_267 = arith.constant 0 : i32
      %dma_start3A_268 = tpu.memref_slice %arg2[%dma_start3A_266, %dma_start3A_267] : memref<10000x128xf32, #tpu.memory_space<hbm>> -> memref<10000x128xf32, #tpu.memory_space<hbm>>
      tpu.enqueue_indirect_dma source(%dma_start3A_268 : memref<10000x128xf32, #tpu.memory_space<hbm>>) target(%dma_start3A_262 : memref<80x128xf32, #tpu.memory_space<vmem>>) offsets(%dma_start3A_265 : memref<80xi32, #tpu.memory_space<vmem>>) semaphore(%arg12 : memref<!tpu.dma_semaphore, #tpu.memory_space<semaphore_mem>>)
      %run_scoped3A_269 = arith.constant 1 : i32
      %run_scoped3A_270 = arith.constant 5 : i32
      "tpu.region"() ({
        %run_scoped3A_523 = tpu.sem_alloc : memref<!tpu.dma_semaphore, #tpu.memory_space<semaphore_mem>>
        %dma_start3A_524 = arith.constant 0 : i32
        %dma_start3A_525 = arith.constant 0 : i32
        %dma_start3A_526 = tpu.memref_slice %arg10[%run_scoped3A_269, %dma_start3A_524, %dma_start3A_525] : memref<4x80x128xf32, #tpu.memory_space<vmem>> -> memref<1x80x128xf32, #tpu.memory_space<vmem>>
        %dma_start3A_527 = tpu.memref_squeeze %dma_start3A_526 : memref<1x80x128xf32, #tpu.memory_space<vmem>> -> memref<80x128xf32, #tpu.memory_space<vmem>>
        %dma_start3A_528 = arith.constant 0 : i32
        %dma_start3A_529 = tpu.memref_slice %arg7[%run_scoped3A_270, %dma_start3A_528] : memref<8x80xi32, #tpu.memory_space<vmem>> -> memref<1x80xi32, #tpu.memory_space<vmem>>
        %dma_start3A_530 = tpu.memref_squeeze %dma_start3A_529 : memref<1x80xi32, #tpu.memory_space<vmem>> -> memref<80xi32, #tpu.memory_space<vmem>>
        %dma_start3A_531 = arith.constant 0 : i32
        %dma_start3A_532 = arith.constant 0 : i32
        %dma_start3A_533 = tpu.memref_slice %arg11[%dma_start3A_531, %dma_start3A_532] : memref<10240x128xf32, #tpu.memory_space<vmem_shared>> -> memref<10240x128xf32, #tpu.memory_space<vmem_shared>>
        tpu.enqueue_indirect_dma source(%dma_start3A_527 : memref<80x128xf32, #tpu.memory_space<vmem>>) target(%dma_start3A_533 : memref<10240x128xf32, #tpu.memory_space<vmem_shared>>) offsets(%dma_start3A_530 : memref<80xi32, #tpu.memory_space<vmem>>) semaphore(%run_scoped3A_523 : memref<!tpu.dma_semaphore, #tpu.memory_space<semaphore_mem>>) {add = true}
        %dma_wait3A_534 = arith.constant 0 : i32
        %dma_wait3A_535 = arith.constant 0 : i32
        %dma_wait3A_536 = tpu.memref_slice %arg10[%run_scoped3A_269, %dma_wait3A_534, %dma_wait3A_535] : memref<4x80x128xf32, #tpu.memory_space<vmem>> -> memref<1x80x128xf32, #tpu.memory_space<vmem>>
        %dma_wait3A_537 = tpu.memref_squeeze %dma_wait3A_536 : memref<1x80x128xf32, #tpu.memory_space<vmem>> -> memref<80x128xf32, #tpu.memory_space<vmem>>
        %dma_wait3A_538 = arith.constant 0 : i32
        %dma_wait3A_539 = tpu.memref_slice %arg7[%run_scoped3A_270, %dma_wait3A_538] : memref<8x80xi32, #tpu.memory_space<vmem>> -> memref<1x80xi32, #tpu.memory_space<vmem>>
        %dma_wait3A_540 = tpu.memref_squeeze %dma_wait3A_539 : memref<1x80xi32, #tpu.memory_space<vmem>> -> memref<80xi32, #tpu.memory_space<vmem>>
        %dma_wait3A_541 = arith.constant 0 : i32
        %dma_wait3A_542 = arith.constant 0 : i32
        %dma_wait3A_543 = tpu.memref_slice %arg11[%dma_wait3A_541, %dma_wait3A_542] : memref<10240x128xf32, #tpu.memory_space<vmem_shared>> -> memref<10240x128xf32, #tpu.memory_space<vmem_shared>>
        tpu.wait_indirect_dma semaphore(%run_scoped3A_523 : memref<!tpu.dma_semaphore, #tpu.memory_space<semaphore_mem>>) src(%dma_wait3A_537 : memref<80x128xf32, #tpu.memory_space<vmem>>) dst(%dma_wait3A_543 : memref<10240x128xf32, #tpu.memory_space<vmem_shared>>)
        tpu.yield
      }) : () -> ()
      %dma_wait3A_271 = arith.constant 6 : i32
      %dma_wait3A_272 = arith.constant 2 : i32
      %dma_wait3A_273 = arith.constant 0 : i32
      %dma_wait3A_274 = arith.constant 0 : i32
      %dma_wait3A_275 = tpu.memref_slice %arg10[%dma_wait3A_272, %dma_wait3A_273, %dma_wait3A_274] : memref<4x80x128xf32, #tpu.memory_space<vmem>> -> memref<1x80x128xf32, #tpu.memory_space<vmem>>
      %dma_wait3A_276 = tpu.memref_squeeze %dma_wait3A_275 : memref<1x80x128xf32, #tpu.memory_space<vmem>> -> memref<80x128xf32, #tpu.memory_space<vmem>>
      %dma_wait3A_277 = arith.constant 0 : i32
      %dma_wait3A_278 = tpu.memref_slice %arg6[%dma_wait3A_271, %dma_wait3A_277] : memref<8x80xi32, #tpu.memory_space<vmem>> -> memref<1x80xi32, #tpu.memory_space<vmem>>
      %dma_wait3A_279 = tpu.memref_squeeze %dma_wait3A_278 : memref<1x80xi32, #tpu.memory_space<vmem>> -> memref<80xi32, #tpu.memory_space<vmem>>
      %dma_wait3A_280 = arith.constant 0 : i32
      %dma_wait3A_281 = arith.constant 0 : i32
      %dma_wait3A_282 = tpu.memref_slice %arg2[%dma_wait3A_280, %dma_wait3A_281] : memref<10000x128xf32, #tpu.memory_space<hbm>> -> memref<10000x128xf32, #tpu.memory_space<hbm>>
      tpu.wait_indirect_dma semaphore(%arg14 : memref<!tpu.dma_semaphore, #tpu.memory_space<semaphore_mem>>) src(%dma_wait3A_282 : memref<10000x128xf32, #tpu.memory_space<hbm>>) dst(%dma_wait3A_276 : memref<80x128xf32, #tpu.memory_space<vmem>>)
      %dma_start3A_283 = arith.constant 1 : i32
      %dma_start3A_284 = arith.constant 1 : i32
      %dma_start3A_285 = arith.constant 0 : i32
      %dma_start3A_286 = arith.constant 0 : i32
      %dma_start3A_287 = tpu.memref_slice %arg10[%dma_start3A_284, %dma_start3A_285, %dma_start3A_286] : memref<4x80x128xf32, #tpu.memory_space<vmem>> -> memref<1x80x128xf32, #tpu.memory_space<vmem>>
      %dma_start3A_288 = tpu.memref_squeeze %dma_start3A_287 : memref<1x80x128xf32, #tpu.memory_space<vmem>> -> memref<80x128xf32, #tpu.memory_space<vmem>>
      %dma_start3A_289 = arith.constant 0 : i32
      %dma_start3A_290 = tpu.memref_slice %arg8[%dma_start3A_283, %dma_start3A_289] : memref<8x80xi32, #tpu.memory_space<vmem>> -> memref<1x80xi32, #tpu.memory_space<vmem>>
      %dma_start3A_291 = tpu.memref_squeeze %dma_start3A_290 : memref<1x80xi32, #tpu.memory_space<vmem>> -> memref<80xi32, #tpu.memory_space<vmem>>
      %dma_start3A_292 = arith.constant 0 : i32
      %dma_start3A_293 = arith.constant 0 : i32
      %dma_start3A_294 = tpu.memref_slice %arg2[%dma_start3A_292, %dma_start3A_293] : memref<10000x128xf32, #tpu.memory_space<hbm>> -> memref<10000x128xf32, #tpu.memory_space<hbm>>
      tpu.enqueue_indirect_dma source(%dma_start3A_294 : memref<10000x128xf32, #tpu.memory_space<hbm>>) target(%dma_start3A_288 : memref<80x128xf32, #tpu.memory_space<vmem>>) offsets(%dma_start3A_291 : memref<80xi32, #tpu.memory_space<vmem>>) semaphore(%arg13 : memref<!tpu.dma_semaphore, #tpu.memory_space<semaphore_mem>>)
      %run_scoped3A_295 = arith.constant 2 : i32
      %run_scoped3A_296 = arith.constant 6 : i32
      "tpu.region"() ({
        %run_scoped3A_523 = tpu.sem_alloc : memref<!tpu.dma_semaphore, #tpu.memory_space<semaphore_mem>>
        %dma_start3A_524 = arith.constant 0 : i32
        %dma_start3A_525 = arith.constant 0 : i32
        %dma_start3A_526 = tpu.memref_slice %arg10[%run_scoped3A_295, %dma_start3A_524, %dma_start3A_525] : memref<4x80x128xf32, #tpu.memory_space<vmem>> -> memref<1x80x128xf32, #tpu.memory_space<vmem>>
        %dma_start3A_527 = tpu.memref_squeeze %dma_start3A_526 : memref<1x80x128xf32, #tpu.memory_space<vmem>> -> memref<80x128xf32, #tpu.memory_space<vmem>>
        %dma_start3A_528 = arith.constant 0 : i32
        %dma_start3A_529 = tpu.memref_slice %arg7[%run_scoped3A_296, %dma_start3A_528] : memref<8x80xi32, #tpu.memory_space<vmem>> -> memref<1x80xi32, #tpu.memory_space<vmem>>
        %dma_start3A_530 = tpu.memref_squeeze %dma_start3A_529 : memref<1x80xi32, #tpu.memory_space<vmem>> -> memref<80xi32, #tpu.memory_space<vmem>>
        %dma_start3A_531 = arith.constant 0 : i32
        %dma_start3A_532 = arith.constant 0 : i32
        %dma_start3A_533 = tpu.memref_slice %arg11[%dma_start3A_531, %dma_start3A_532] : memref<10240x128xf32, #tpu.memory_space<vmem_shared>> -> memref<10240x128xf32, #tpu.memory_space<vmem_shared>>
        tpu.enqueue_indirect_dma source(%dma_start3A_527 : memref<80x128xf32, #tpu.memory_space<vmem>>) target(%dma_start3A_533 : memref<10240x128xf32, #tpu.memory_space<vmem_shared>>) offsets(%dma_start3A_530 : memref<80xi32, #tpu.memory_space<vmem>>) semaphore(%run_scoped3A_523 : memref<!tpu.dma_semaphore, #tpu.memory_space<semaphore_mem>>) {add = true}
        %dma_wait3A_534 = arith.constant 0 : i32
        %dma_wait3A_535 = arith.constant 0 : i32
        %dma_wait3A_536 = tpu.memref_slice %arg10[%run_scoped3A_295, %dma_wait3A_534, %dma_wait3A_535] : memref<4x80x128xf32, #tpu.memory_space<vmem>> -> memref<1x80x128xf32, #tpu.memory_space<vmem>>
        %dma_wait3A_537 = tpu.memref_squeeze %dma_wait3A_536 : memref<1x80x128xf32, #tpu.memory_space<vmem>> -> memref<80x128xf32, #tpu.memory_space<vmem>>
        %dma_wait3A_538 = arith.constant 0 : i32
        %dma_wait3A_539 = tpu.memref_slice %arg7[%run_scoped3A_296, %dma_wait3A_538] : memref<8x80xi32, #tpu.memory_space<vmem>> -> memref<1x80xi32, #tpu.memory_space<vmem>>
        %dma_wait3A_540 = tpu.memref_squeeze %dma_wait3A_539 : memref<1x80xi32, #tpu.memory_space<vmem>> -> memref<80xi32, #tpu.memory_space<vmem>>
        %dma_wait3A_541 = arith.constant 0 : i32
        %dma_wait3A_542 = arith.constant 0 : i32
        %dma_wait3A_543 = tpu.memref_slice %arg11[%dma_wait3A_541, %dma_wait3A_542] : memref<10240x128xf32, #tpu.memory_space<vmem_shared>> -> memref<10240x128xf32, #tpu.memory_space<vmem_shared>>
        tpu.wait_indirect_dma semaphore(%run_scoped3A_523 : memref<!tpu.dma_semaphore, #tpu.memory_space<semaphore_mem>>) src(%dma_wait3A_537 : memref<80x128xf32, #tpu.memory_space<vmem>>) dst(%dma_wait3A_543 : memref<10240x128xf32, #tpu.memory_space<vmem_shared>>)
        tpu.yield
      }) : () -> ()
      %dma_wait3A_297 = arith.constant 7 : i32
      %dma_wait3A_298 = arith.constant 3 : i32
      %dma_wait3A_299 = arith.constant 0 : i32
      %dma_wait3A_300 = arith.constant 0 : i32
      %dma_wait3A_301 = tpu.memref_slice %arg10[%dma_wait3A_298, %dma_wait3A_299, %dma_wait3A_300] : memref<4x80x128xf32, #tpu.memory_space<vmem>> -> memref<1x80x128xf32, #tpu.memory_space<vmem>>
      %dma_wait3A_302 = tpu.memref_squeeze %dma_wait3A_301 : memref<1x80x128xf32, #tpu.memory_space<vmem>> -> memref<80x128xf32, #tpu.memory_space<vmem>>
      %dma_wait3A_303 = arith.constant 0 : i32
      %dma_wait3A_304 = tpu.memref_slice %arg6[%dma_wait3A_297, %dma_wait3A_303] : memref<8x80xi32, #tpu.memory_space<vmem>> -> memref<1x80xi32, #tpu.memory_space<vmem>>
      %dma_wait3A_305 = tpu.memref_squeeze %dma_wait3A_304 : memref<1x80xi32, #tpu.memory_space<vmem>> -> memref<80xi32, #tpu.memory_space<vmem>>
      %dma_wait3A_306 = arith.constant 0 : i32
      %dma_wait3A_307 = arith.constant 0 : i32
      %dma_wait3A_308 = tpu.memref_slice %arg2[%dma_wait3A_306, %dma_wait3A_307] : memref<10000x128xf32, #tpu.memory_space<hbm>> -> memref<10000x128xf32, #tpu.memory_space<hbm>>
      tpu.wait_indirect_dma semaphore(%arg15 : memref<!tpu.dma_semaphore, #tpu.memory_space<semaphore_mem>>) src(%dma_wait3A_308 : memref<10000x128xf32, #tpu.memory_space<hbm>>) dst(%dma_wait3A_302 : memref<80x128xf32, #tpu.memory_space<vmem>>)
      %dma_start3A_309 = arith.constant 2 : i32
      %dma_start3A_310 = arith.constant 2 : i32
      %dma_start3A_311 = arith.constant 0 : i32
      %dma_start3A_312 = arith.constant 0 : i32
      %dma_start3A_313 = tpu.memref_slice %arg10[%dma_start3A_310, %dma_start3A_311, %dma_start3A_312] : memref<4x80x128xf32, #tpu.memory_space<vmem>> -> memref<1x80x128xf32, #tpu.memory_space<vmem>>
      %dma_start3A_314 = tpu.memref_squeeze %dma_start3A_313 : memref<1x80x128xf32, #tpu.memory_space<vmem>> -> memref<80x128xf32, #tpu.memory_space<vmem>>
      %dma_start3A_315 = arith.constant 0 : i32
      %dma_start3A_316 = tpu.memref_slice %arg8[%dma_start3A_309, %dma_start3A_315] : memref<8x80xi32, #tpu.memory_space<vmem>> -> memref<1x80xi32, #tpu.memory_space<vmem>>
      %dma_start3A_317 = tpu.memref_squeeze %dma_start3A_316 : memref<1x80xi32, #tpu.memory_space<vmem>> -> memref<80xi32, #tpu.memory_space<vmem>>
      %dma_start3A_318 = arith.constant 0 : i32
      %dma_start3A_319 = arith.constant 0 : i32
      %dma_start3A_320 = tpu.memref_slice %arg2[%dma_start3A_318, %dma_start3A_319] : memref<10000x128xf32, #tpu.memory_space<hbm>> -> memref<10000x128xf32, #tpu.memory_space<hbm>>
      tpu.enqueue_indirect_dma source(%dma_start3A_320 : memref<10000x128xf32, #tpu.memory_space<hbm>>) target(%dma_start3A_314 : memref<80x128xf32, #tpu.memory_space<vmem>>) offsets(%dma_start3A_317 : memref<80xi32, #tpu.memory_space<vmem>>) semaphore(%arg14 : memref<!tpu.dma_semaphore, #tpu.memory_space<semaphore_mem>>)
      %run_scoped3A_321 = arith.constant 3 : i32
      %run_scoped3A_322 = arith.constant 7 : i32
      "tpu.region"() ({
        %run_scoped3A_523 = tpu.sem_alloc : memref<!tpu.dma_semaphore, #tpu.memory_space<semaphore_mem>>
        %dma_start3A_524 = arith.constant 0 : i32
        %dma_start3A_525 = arith.constant 0 : i32
        %dma_start3A_526 = tpu.memref_slice %arg10[%run_scoped3A_321, %dma_start3A_524, %dma_start3A_525] : memref<4x80x128xf32, #tpu.memory_space<vmem>> -> memref<1x80x128xf32, #tpu.memory_space<vmem>>
        %dma_start3A_527 = tpu.memref_squeeze %dma_start3A_526 : memref<1x80x128xf32, #tpu.memory_space<vmem>> -> memref<80x128xf32, #tpu.memory_space<vmem>>
        %dma_start3A_528 = arith.constant 0 : i32
        %dma_start3A_529 = tpu.memref_slice %arg7[%run_scoped3A_322, %dma_start3A_528] : memref<8x80xi32, #tpu.memory_space<vmem>> -> memref<1x80xi32, #tpu.memory_space<vmem>>
        %dma_start3A_530 = tpu.memref_squeeze %dma_start3A_529 : memref<1x80xi32, #tpu.memory_space<vmem>> -> memref<80xi32, #tpu.memory_space<vmem>>
        %dma_start3A_531 = arith.constant 0 : i32
        %dma_start3A_532 = arith.constant 0 : i32
        %dma_start3A_533 = tpu.memref_slice %arg11[%dma_start3A_531, %dma_start3A_532] : memref<10240x128xf32, #tpu.memory_space<vmem_shared>> -> memref<10240x128xf32, #tpu.memory_space<vmem_shared>>
        tpu.enqueue_indirect_dma source(%dma_start3A_527 : memref<80x128xf32, #tpu.memory_space<vmem>>) target(%dma_start3A_533 : memref<10240x128xf32, #tpu.memory_space<vmem_shared>>) offsets(%dma_start3A_530 : memref<80xi32, #tpu.memory_space<vmem>>) semaphore(%run_scoped3A_523 : memref<!tpu.dma_semaphore, #tpu.memory_space<semaphore_mem>>) {add = true}
        %dma_wait3A_534 = arith.constant 0 : i32
        %dma_wait3A_535 = arith.constant 0 : i32
        %dma_wait3A_536 = tpu.memref_slice %arg10[%run_scoped3A_321, %dma_wait3A_534, %dma_wait3A_535] : memref<4x80x128xf32, #tpu.memory_space<vmem>> -> memref<1x80x128xf32, #tpu.memory_space<vmem>>
        %dma_wait3A_537 = tpu.memref_squeeze %dma_wait3A_536 : memref<1x80x128xf32, #tpu.memory_space<vmem>> -> memref<80x128xf32, #tpu.memory_space<vmem>>
        %dma_wait3A_538 = arith.constant 0 : i32
        %dma_wait3A_539 = tpu.memref_slice %arg7[%run_scoped3A_322, %dma_wait3A_538] : memref<8x80xi32, #tpu.memory_space<vmem>> -> memref<1x80xi32, #tpu.memory_space<vmem>>
        %dma_wait3A_540 = tpu.memref_squeeze %dma_wait3A_539 : memref<1x80xi32, #tpu.memory_space<vmem>> -> memref<80xi32, #tpu.memory_space<vmem>>
        %dma_wait3A_541 = arith.constant 0 : i32
        %dma_wait3A_542 = arith.constant 0 : i32
        %dma_wait3A_543 = tpu.memref_slice %arg11[%dma_wait3A_541, %dma_wait3A_542] : memref<10240x128xf32, #tpu.memory_space<vmem_shared>> -> memref<10240x128xf32, #tpu.memory_space<vmem_shared>>
        tpu.wait_indirect_dma semaphore(%run_scoped3A_523 : memref<!tpu.dma_semaphore, #tpu.memory_space<semaphore_mem>>) src(%dma_wait3A_537 : memref<80x128xf32, #tpu.memory_space<vmem>>) dst(%dma_wait3A_543 : memref<10240x128xf32, #tpu.memory_space<vmem_shared>>)
        tpu.yield
      }) : () -> ()
      %dma_wait3A_323 = arith.constant 0 : i32
      %dma_wait3A_324 = arith.constant 0 : i32
      %dma_wait3A_325 = arith.constant 0 : i32
      %dma_wait3A_326 = arith.constant 0 : i32
      %dma_wait3A_327 = tpu.memref_slice %arg10[%dma_wait3A_324, %dma_wait3A_325, %dma_wait3A_326] : memref<4x80x128xf32, #tpu.memory_space<vmem>> -> memref<1x80x128xf32, #tpu.memory_space<vmem>>
      %dma_wait3A_328 = tpu.memref_squeeze %dma_wait3A_327 : memref<1x80x128xf32, #tpu.memory_space<vmem>> -> memref<80x128xf32, #tpu.memory_space<vmem>>
      %dma_wait3A_329 = arith.constant 0 : i32
      %dma_wait3A_330 = tpu.memref_slice %arg8[%dma_wait3A_323, %dma_wait3A_329] : memref<8x80xi32, #tpu.memory_space<vmem>> -> memref<1x80xi32, #tpu.memory_space<vmem>>
      %dma_wait3A_331 = tpu.memref_squeeze %dma_wait3A_330 : memref<1x80xi32, #tpu.memory_space<vmem>> -> memref<80xi32, #tpu.memory_space<vmem>>
      %dma_wait3A_332 = arith.constant 0 : i32
      %dma_wait3A_333 = arith.constant 0 : i32
      %dma_wait3A_334 = tpu.memref_slice %arg2[%dma_wait3A_332, %dma_wait3A_333] : memref<10000x128xf32, #tpu.memory_space<hbm>> -> memref<10000x128xf32, #tpu.memory_space<hbm>>
      tpu.wait_indirect_dma semaphore(%arg12 : memref<!tpu.dma_semaphore, #tpu.memory_space<semaphore_mem>>) src(%dma_wait3A_334 : memref<10000x128xf32, #tpu.memory_space<hbm>>) dst(%dma_wait3A_328 : memref<80x128xf32, #tpu.memory_space<vmem>>)
      %dma_start3A_335 = arith.constant 3 : i32
      %dma_start3A_336 = arith.constant 3 : i32
      %dma_start3A_337 = arith.constant 0 : i32
      %dma_start3A_338 = arith.constant 0 : i32
      %dma_start3A_339 = tpu.memref_slice %arg10[%dma_start3A_336, %dma_start3A_337, %dma_start3A_338] : memref<4x80x128xf32, #tpu.memory_space<vmem>> -> memref<1x80x128xf32, #tpu.memory_space<vmem>>
      %dma_start3A_340 = tpu.memref_squeeze %dma_start3A_339 : memref<1x80x128xf32, #tpu.memory_space<vmem>> -> memref<80x128xf32, #tpu.memory_space<vmem>>
      %dma_start3A_341 = arith.constant 0 : i32
      %dma_start3A_342 = tpu.memref_slice %arg8[%dma_start3A_335, %dma_start3A_341] : memref<8x80xi32, #tpu.memory_space<vmem>> -> memref<1x80xi32, #tpu.memory_space<vmem>>
      %dma_start3A_343 = tpu.memref_squeeze %dma_start3A_342 : memref<1x80xi32, #tpu.memory_space<vmem>> -> memref<80xi32, #tpu.memory_space<vmem>>
      %dma_start3A_344 = arith.constant 0 : i32
      %dma_start3A_345 = arith.constant 0 : i32
      %dma_start3A_346 = tpu.memref_slice %arg2[%dma_start3A_344, %dma_start3A_345] : memref<10000x128xf32, #tpu.memory_space<hbm>> -> memref<10000x128xf32, #tpu.memory_space<hbm>>
      tpu.enqueue_indirect_dma source(%dma_start3A_346 : memref<10000x128xf32, #tpu.memory_space<hbm>>) target(%dma_start3A_340 : memref<80x128xf32, #tpu.memory_space<vmem>>) offsets(%dma_start3A_343 : memref<80xi32, #tpu.memory_space<vmem>>) semaphore(%arg15 : memref<!tpu.dma_semaphore, #tpu.memory_space<semaphore_mem>>)
      %run_scoped3A_347 = arith.constant 0 : i32
      %run_scoped3A_348 = arith.constant 0 : i32
      "tpu.region"() ({
        %run_scoped3A_523 = tpu.sem_alloc : memref<!tpu.dma_semaphore, #tpu.memory_space<semaphore_mem>>
        %dma_start3A_524 = arith.constant 0 : i32
        %dma_start3A_525 = arith.constant 0 : i32
        %dma_start3A_526 = tpu.memref_slice %arg10[%run_scoped3A_347, %dma_start3A_524, %dma_start3A_525] : memref<4x80x128xf32, #tpu.memory_space<vmem>> -> memref<1x80x128xf32, #tpu.memory_space<vmem>>
        %dma_start3A_527 = tpu.memref_squeeze %dma_start3A_526 : memref<1x80x128xf32, #tpu.memory_space<vmem>> -> memref<80x128xf32, #tpu.memory_space<vmem>>
        %dma_start3A_528 = arith.constant 0 : i32
        %dma_start3A_529 = tpu.memref_slice %arg9[%run_scoped3A_348, %dma_start3A_528] : memref<8x80xi32, #tpu.memory_space<vmem>> -> memref<1x80xi32, #tpu.memory_space<vmem>>
        %dma_start3A_530 = tpu.memref_squeeze %dma_start3A_529 : memref<1x80xi32, #tpu.memory_space<vmem>> -> memref<80xi32, #tpu.memory_space<vmem>>
        %dma_start3A_531 = arith.constant 0 : i32
        %dma_start3A_532 = arith.constant 0 : i32
        %dma_start3A_533 = tpu.memref_slice %arg11[%dma_start3A_531, %dma_start3A_532] : memref<10240x128xf32, #tpu.memory_space<vmem_shared>> -> memref<10240x128xf32, #tpu.memory_space<vmem_shared>>
        tpu.enqueue_indirect_dma source(%dma_start3A_527 : memref<80x128xf32, #tpu.memory_space<vmem>>) target(%dma_start3A_533 : memref<10240x128xf32, #tpu.memory_space<vmem_shared>>) offsets(%dma_start3A_530 : memref<80xi32, #tpu.memory_space<vmem>>) semaphore(%run_scoped3A_523 : memref<!tpu.dma_semaphore, #tpu.memory_space<semaphore_mem>>) {add = true}
        %dma_wait3A_534 = arith.constant 0 : i32
        %dma_wait3A_535 = arith.constant 0 : i32
        %dma_wait3A_536 = tpu.memref_slice %arg10[%run_scoped3A_347, %dma_wait3A_534, %dma_wait3A_535] : memref<4x80x128xf32, #tpu.memory_space<vmem>> -> memref<1x80x128xf32, #tpu.memory_space<vmem>>
        %dma_wait3A_537 = tpu.memref_squeeze %dma_wait3A_536 : memref<1x80x128xf32, #tpu.memory_space<vmem>> -> memref<80x128xf32, #tpu.memory_space<vmem>>
        %dma_wait3A_538 = arith.constant 0 : i32
        %dma_wait3A_539 = tpu.memref_slice %arg9[%run_scoped3A_348, %dma_wait3A_538] : memref<8x80xi32, #tpu.memory_space<vmem>> -> memref<1x80xi32, #tpu.memory_space<vmem>>
        %dma_wait3A_540 = tpu.memref_squeeze %dma_wait3A_539 : memref<1x80xi32, #tpu.memory_space<vmem>> -> memref<80xi32, #tpu.memory_space<vmem>>
        %dma_wait3A_541 = arith.constant 0 : i32
        %dma_wait3A_542 = arith.constant 0 : i32
        %dma_wait3A_543 = tpu.memref_slice %arg11[%dma_wait3A_541, %dma_wait3A_542] : memref<10240x128xf32, #tpu.memory_space<vmem_shared>> -> memref<10240x128xf32, #tpu.memory_space<vmem_shared>>
        tpu.wait_indirect_dma semaphore(%run_scoped3A_523 : memref<!tpu.dma_semaphore, #tpu.memory_space<semaphore_mem>>) src(%dma_wait3A_537 : memref<80x128xf32, #tpu.memory_space<vmem>>) dst(%dma_wait3A_543 : memref<10240x128xf32, #tpu.memory_space<vmem_shared>>)
        tpu.yield
      }) : () -> ()
      %lt3A = arith.constant 7 : i32
      %lt3A_349 = arith.cmpi slt, %scan3A_94, %lt3A : i32
      %convert_element_type3A = arith.extui %lt3A_349 : i1 to i32
      %cond3A = arith.constant 0 : i32
      %cond3A_350 = arith.cmpi ne, %convert_element_type3A, %cond3A : i32
      scf.if %cond3A_350 {
        %mul3A_523 = arith.constant 2 : i32
        %mul3A_524 = arith.muli %mul3A_523, %scan3A_94 : i32
        %add3A_525 = arith.constant 2 : i32
        %add3A_526 = arith.addi %mul3A_524, %add3A_525 : i32
        %mul3A_527 = arith.constant 8 : i32
        %mul3A_528 = arith.muli %add3A_526, %mul3A_527 : i32
        %dma_start3A_529 = arith.constant 0 : i32
        %dma_start3A_530 = tpu.memref_slice %arg3[%add3A, %mul3A_528, %dma_start3A_529] : memref<32x128x80xi32, #tpu.memory_space<hbm>> -> memref<1x8x80xi32, #tpu.memory_space<hbm>>
        %dma_start3A_531 = tpu.memref_squeeze %dma_start3A_530 : memref<1x8x80xi32, #tpu.memory_space<hbm>> -> memref<8x80xi32, #tpu.memory_space<hbm>>
        %dma_start3A_532 = arith.constant 0 : i32
        %dma_start3A_533 = tpu.memref_slice %arg3[%add3A, %mul3A_528, %dma_start3A_532] : memref<32x128x80xi32, #tpu.memory_space<hbm>> -> memref<1x8x80xi32, #tpu.memory_space<hbm>>
        %dma_start3A_534 = tpu.memref_squeeze %dma_start3A_533 : memref<1x8x80xi32, #tpu.memory_space<hbm>> -> memref<8x80xi32, #tpu.memory_space<hbm>>
        tpu.enqueue_dma source(%dma_start3A_534 : memref<8x80xi32, #tpu.memory_space<hbm>>) target(%arg6 : memref<8x80xi32, #tpu.memory_space<vmem>>) target_semaphore(%arg16 : memref<!tpu.dma_semaphore, #tpu.memory_space<semaphore_mem>>)
        %mul3A_535 = arith.constant 8 : i32
        %mul3A_536 = arith.muli %add3A_526, %mul3A_535 : i32
        %dma_start3A_537 = arith.constant 0 : i32
        %dma_start3A_538 = tpu.memref_slice %arg4[%add3A, %mul3A_536, %dma_start3A_537] : memref<32x128x80xi32, #tpu.memory_space<hbm>> -> memref<1x8x80xi32, #tpu.memory_space<hbm>>
        %dma_start3A_539 = tpu.memref_squeeze %dma_start3A_538 : memref<1x8x80xi32, #tpu.memory_space<hbm>> -> memref<8x80xi32, #tpu.memory_space<hbm>>
        %dma_start3A_540 = arith.constant 0 : i32
        %dma_start3A_541 = tpu.memref_slice %arg4[%add3A, %mul3A_536, %dma_start3A_540] : memref<32x128x80xi32, #tpu.memory_space<hbm>> -> memref<1x8x80xi32, #tpu.memory_space<hbm>>
        %dma_start3A_542 = tpu.memref_squeeze %dma_start3A_541 : memref<1x8x80xi32, #tpu.memory_space<hbm>> -> memref<8x80xi32, #tpu.memory_space<hbm>>
        tpu.enqueue_dma source(%dma_start3A_542 : memref<8x80xi32, #tpu.memory_space<hbm>>) target(%arg7 : memref<8x80xi32, #tpu.memory_space<vmem>>) target_semaphore(%arg16 : memref<!tpu.dma_semaphore, #tpu.memory_space<semaphore_mem>>)
      } else {
      }
      %dma_wait3A_351 = arith.constant 1 : i32
      %dma_wait3A_352 = arith.constant 1 : i32
      %dma_wait3A_353 = arith.constant 0 : i32
      %dma_wait3A_354 = arith.constant 0 : i32
      %dma_wait3A_355 = tpu.memref_slice %arg10[%dma_wait3A_352, %dma_wait3A_353, %dma_wait3A_354] : memref<4x80x128xf32, #tpu.memory_space<vmem>> -> memref<1x80x128xf32, #tpu.memory_space<vmem>>
      %dma_wait3A_356 = tpu.memref_squeeze %dma_wait3A_355 : memref<1x80x128xf32, #tpu.memory_space<vmem>> -> memref<80x128xf32, #tpu.memory_space<vmem>>
      %dma_wait3A_357 = arith.constant 0 : i32
      %dma_wait3A_358 = tpu.memref_slice %arg8[%dma_wait3A_351, %dma_wait3A_357] : memref<8x80xi32, #tpu.memory_space<vmem>> -> memref<1x80xi32, #tpu.memory_space<vmem>>
      %dma_wait3A_359 = tpu.memref_squeeze %dma_wait3A_358 : memref<1x80xi32, #tpu.memory_space<vmem>> -> memref<80xi32, #tpu.memory_space<vmem>>
      %dma_wait3A_360 = arith.constant 0 : i32
      %dma_wait3A_361 = arith.constant 0 : i32
      %dma_wait3A_362 = tpu.memref_slice %arg2[%dma_wait3A_360, %dma_wait3A_361] : memref<10000x128xf32, #tpu.memory_space<hbm>> -> memref<10000x128xf32, #tpu.memory_space<hbm>>
      tpu.wait_indirect_dma semaphore(%arg13 : memref<!tpu.dma_semaphore, #tpu.memory_space<semaphore_mem>>) src(%dma_wait3A_362 : memref<10000x128xf32, #tpu.memory_space<hbm>>) dst(%dma_wait3A_356 : memref<80x128xf32, #tpu.memory_space<vmem>>)
      %dma_start3A_363 = arith.constant 4 : i32
      %dma_start3A_364 = arith.constant 0 : i32
      %dma_start3A_365 = arith.constant 0 : i32
      %dma_start3A_366 = arith.constant 0 : i32
      %dma_start3A_367 = tpu.memref_slice %arg10[%dma_start3A_364, %dma_start3A_365, %dma_start3A_366] : memref<4x80x128xf32, #tpu.memory_space<vmem>> -> memref<1x80x128xf32, #tpu.memory_space<vmem>>
      %dma_start3A_368 = tpu.memref_squeeze %dma_start3A_367 : memref<1x80x128xf32, #tpu.memory_space<vmem>> -> memref<80x128xf32, #tpu.memory_space<vmem>>
      %dma_start3A_369 = arith.constant 0 : i32
      %dma_start3A_370 = tpu.memref_slice %arg8[%dma_start3A_363, %dma_start3A_369] : memref<8x80xi32, #tpu.memory_space<vmem>> -> memref<1x80xi32, #tpu.memory_space<vmem>>
      %dma_start3A_371 = tpu.memref_squeeze %dma_start3A_370 : memref<1x80xi32, #tpu.memory_space<vmem>> -> memref<80xi32, #tpu.memory_space<vmem>>
      %dma_start3A_372 = arith.constant 0 : i32
      %dma_start3A_373 = arith.constant 0 : i32
      %dma_start3A_374 = tpu.memref_slice %arg2[%dma_start3A_372, %dma_start3A_373] : memref<10000x128xf32, #tpu.memory_space<hbm>> -> memref<10000x128xf32, #tpu.memory_space<hbm>>
      tpu.enqueue_indirect_dma source(%dma_start3A_374 : memref<10000x128xf32, #tpu.memory_space<hbm>>) target(%dma_start3A_368 : memref<80x128xf32, #tpu.memory_space<vmem>>) offsets(%dma_start3A_371 : memref<80xi32, #tpu.memory_space<vmem>>) semaphore(%arg12 : memref<!tpu.dma_semaphore, #tpu.memory_space<semaphore_mem>>)
      %run_scoped3A_375 = arith.constant 1 : i32
      %run_scoped3A_376 = arith.constant 1 : i32
      "tpu.region"() ({
        %run_scoped3A_523 = tpu.sem_alloc : memref<!tpu.dma_semaphore, #tpu.memory_space<semaphore_mem>>
        %dma_start3A_524 = arith.constant 0 : i32
        %dma_start3A_525 = arith.constant 0 : i32
        %dma_start3A_526 = tpu.memref_slice %arg10[%run_scoped3A_375, %dma_start3A_524, %dma_start3A_525] : memref<4x80x128xf32, #tpu.memory_space<vmem>> -> memref<1x80x128xf32, #tpu.memory_space<vmem>>
        %dma_start3A_527 = tpu.memref_squeeze %dma_start3A_526 : memref<1x80x128xf32, #tpu.memory_space<vmem>> -> memref<80x128xf32, #tpu.memory_space<vmem>>
        %dma_start3A_528 = arith.constant 0 : i32
        %dma_start3A_529 = tpu.memref_slice %arg9[%run_scoped3A_376, %dma_start3A_528] : memref<8x80xi32, #tpu.memory_space<vmem>> -> memref<1x80xi32, #tpu.memory_space<vmem>>
        %dma_start3A_530 = tpu.memref_squeeze %dma_start3A_529 : memref<1x80xi32, #tpu.memory_space<vmem>> -> memref<80xi32, #tpu.memory_space<vmem>>
        %dma_start3A_531 = arith.constant 0 : i32
        %dma_start3A_532 = arith.constant 0 : i32
        %dma_start3A_533 = tpu.memref_slice %arg11[%dma_start3A_531, %dma_start3A_532] : memref<10240x128xf32, #tpu.memory_space<vmem_shared>> -> memref<10240x128xf32, #tpu.memory_space<vmem_shared>>
        tpu.enqueue_indirect_dma source(%dma_start3A_527 : memref<80x128xf32, #tpu.memory_space<vmem>>) target(%dma_start3A_533 : memref<10240x128xf32, #tpu.memory_space<vmem_shared>>) offsets(%dma_start3A_530 : memref<80xi32, #tpu.memory_space<vmem>>) semaphore(%run_scoped3A_523 : memref<!tpu.dma_semaphore, #tpu.memory_space<semaphore_mem>>) {add = true}
        %dma_wait3A_534 = arith.constant 0 : i32
        %dma_wait3A_535 = arith.constant 0 : i32
        %dma_wait3A_536 = tpu.memref_slice %arg10[%run_scoped3A_375, %dma_wait3A_534, %dma_wait3A_535] : memref<4x80x128xf32, #tpu.memory_space<vmem>> -> memref<1x80x128xf32, #tpu.memory_space<vmem>>
        %dma_wait3A_537 = tpu.memref_squeeze %dma_wait3A_536 : memref<1x80x128xf32, #tpu.memory_space<vmem>> -> memref<80x128xf32, #tpu.memory_space<vmem>>
        %dma_wait3A_538 = arith.constant 0 : i32
        %dma_wait3A_539 = tpu.memref_slice %arg9[%run_scoped3A_376, %dma_wait3A_538] : memref<8x80xi32, #tpu.memory_space<vmem>> -> memref<1x80xi32, #tpu.memory_space<vmem>>
        %dma_wait3A_540 = tpu.memref_squeeze %dma_wait3A_539 : memref<1x80xi32, #tpu.memory_space<vmem>> -> memref<80xi32, #tpu.memory_space<vmem>>
        %dma_wait3A_541 = arith.constant 0 : i32
        %dma_wait3A_542 = arith.constant 0 : i32
        %dma_wait3A_543 = tpu.memref_slice %arg11[%dma_wait3A_541, %dma_wait3A_542] : memref<10240x128xf32, #tpu.memory_space<vmem_shared>> -> memref<10240x128xf32, #tpu.memory_space<vmem_shared>>
        tpu.wait_indirect_dma semaphore(%run_scoped3A_523 : memref<!tpu.dma_semaphore, #tpu.memory_space<semaphore_mem>>) src(%dma_wait3A_537 : memref<80x128xf32, #tpu.memory_space<vmem>>) dst(%dma_wait3A_543 : memref<10240x128xf32, #tpu.memory_space<vmem_shared>>)
        tpu.yield
      }) : () -> ()
      %dma_wait3A_377 = arith.constant 2 : i32
      %dma_wait3A_378 = arith.constant 2 : i32
      %dma_wait3A_379 = arith.constant 0 : i32
      %dma_wait3A_380 = arith.constant 0 : i32
      %dma_wait3A_381 = tpu.memref_slice %arg10[%dma_wait3A_378, %dma_wait3A_379, %dma_wait3A_380] : memref<4x80x128xf32, #tpu.memory_space<vmem>> -> memref<1x80x128xf32, #tpu.memory_space<vmem>>
      %dma_wait3A_382 = tpu.memref_squeeze %dma_wait3A_381 : memref<1x80x128xf32, #tpu.memory_space<vmem>> -> memref<80x128xf32, #tpu.memory_space<vmem>>
      %dma_wait3A_383 = arith.constant 0 : i32
      %dma_wait3A_384 = tpu.memref_slice %arg8[%dma_wait3A_377, %dma_wait3A_383] : memref<8x80xi32, #tpu.memory_space<vmem>> -> memref<1x80xi32, #tpu.memory_space<vmem>>
      %dma_wait3A_385 = tpu.memref_squeeze %dma_wait3A_384 : memref<1x80xi32, #tpu.memory_space<vmem>> -> memref<80xi32, #tpu.memory_space<vmem>>
      %dma_wait3A_386 = arith.constant 0 : i32
      %dma_wait3A_387 = arith.constant 0 : i32
      %dma_wait3A_388 = tpu.memref_slice %arg2[%dma_wait3A_386, %dma_wait3A_387] : memref<10000x128xf32, #tpu.memory_space<hbm>> -> memref<10000x128xf32, #tpu.memory_space<hbm>>
      tpu.wait_indirect_dma semaphore(%arg14 : memref<!tpu.dma_semaphore, #tpu.memory_space<semaphore_mem>>) src(%dma_wait3A_388 : memref<10000x128xf32, #tpu.memory_space<hbm>>) dst(%dma_wait3A_382 : memref<80x128xf32, #tpu.memory_space<vmem>>)
      %dma_start3A_389 = arith.constant 5 : i32
      %dma_start3A_390 = arith.constant 1 : i32
      %dma_start3A_391 = arith.constant 0 : i32
      %dma_start3A_392 = arith.constant 0 : i32
      %dma_start3A_393 = tpu.memref_slice %arg10[%dma_start3A_390, %dma_start3A_391, %dma_start3A_392] : memref<4x80x128xf32, #tpu.memory_space<vmem>> -> memref<1x80x128xf32, #tpu.memory_space<vmem>>
      %dma_start3A_394 = tpu.memref_squeeze %dma_start3A_393 : memref<1x80x128xf32, #tpu.memory_space<vmem>> -> memref<80x128xf32, #tpu.memory_space<vmem>>
      %dma_start3A_395 = arith.constant 0 : i32
      %dma_start3A_396 = tpu.memref_slice %arg8[%dma_start3A_389, %dma_start3A_395] : memref<8x80xi32, #tpu.memory_space<vmem>> -> memref<1x80xi32, #tpu.memory_space<vmem>>
      %dma_start3A_397 = tpu.memref_squeeze %dma_start3A_396 : memref<1x80xi32, #tpu.memory_space<vmem>> -> memref<80xi32, #tpu.memory_space<vmem>>
      %dma_start3A_398 = arith.constant 0 : i32
      %dma_start3A_399 = arith.constant 0 : i32
      %dma_start3A_400 = tpu.memref_slice %arg2[%dma_start3A_398, %dma_start3A_399] : memref<10000x128xf32, #tpu.memory_space<hbm>> -> memref<10000x128xf32, #tpu.memory_space<hbm>>
      tpu.enqueue_indirect_dma source(%dma_start3A_400 : memref<10000x128xf32, #tpu.memory_space<hbm>>) target(%dma_start3A_394 : memref<80x128xf32, #tpu.memory_space<vmem>>) offsets(%dma_start3A_397 : memref<80xi32, #tpu.memory_space<vmem>>) semaphore(%arg13 : memref<!tpu.dma_semaphore, #tpu.memory_space<semaphore_mem>>)
      %run_scoped3A_401 = arith.constant 2 : i32
      %run_scoped3A_402 = arith.constant 2 : i32
      "tpu.region"() ({
        %run_scoped3A_523 = tpu.sem_alloc : memref<!tpu.dma_semaphore, #tpu.memory_space<semaphore_mem>>
        %dma_start3A_524 = arith.constant 0 : i32
        %dma_start3A_525 = arith.constant 0 : i32
        %dma_start3A_526 = tpu.memref_slice %arg10[%run_scoped3A_401, %dma_start3A_524, %dma_start3A_525] : memref<4x80x128xf32, #tpu.memory_space<vmem>> -> memref<1x80x128xf32, #tpu.memory_space<vmem>>
        %dma_start3A_527 = tpu.memref_squeeze %dma_start3A_526 : memref<1x80x128xf32, #tpu.memory_space<vmem>> -> memref<80x128xf32, #tpu.memory_space<vmem>>
        %dma_start3A_528 = arith.constant 0 : i32
        %dma_start3A_529 = tpu.memref_slice %arg9[%run_scoped3A_402, %dma_start3A_528] : memref<8x80xi32, #tpu.memory_space<vmem>> -> memref<1x80xi32, #tpu.memory_space<vmem>>
        %dma_start3A_530 = tpu.memref_squeeze %dma_start3A_529 : memref<1x80xi32, #tpu.memory_space<vmem>> -> memref<80xi32, #tpu.memory_space<vmem>>
        %dma_start3A_531 = arith.constant 0 : i32
        %dma_start3A_532 = arith.constant 0 : i32
        %dma_start3A_533 = tpu.memref_slice %arg11[%dma_start3A_531, %dma_start3A_532] : memref<10240x128xf32, #tpu.memory_space<vmem_shared>> -> memref<10240x128xf32, #tpu.memory_space<vmem_shared>>
        tpu.enqueue_indirect_dma source(%dma_start3A_527 : memref<80x128xf32, #tpu.memory_space<vmem>>) target(%dma_start3A_533 : memref<10240x128xf32, #tpu.memory_space<vmem_shared>>) offsets(%dma_start3A_530 : memref<80xi32, #tpu.memory_space<vmem>>) semaphore(%run_scoped3A_523 : memref<!tpu.dma_semaphore, #tpu.memory_space<semaphore_mem>>) {add = true}
        %dma_wait3A_534 = arith.constant 0 : i32
        %dma_wait3A_535 = arith.constant 0 : i32
        %dma_wait3A_536 = tpu.memref_slice %arg10[%run_scoped3A_401, %dma_wait3A_534, %dma_wait3A_535] : memref<4x80x128xf32, #tpu.memory_space<vmem>> -> memref<1x80x128xf32, #tpu.memory_space<vmem>>
        %dma_wait3A_537 = tpu.memref_squeeze %dma_wait3A_536 : memref<1x80x128xf32, #tpu.memory_space<vmem>> -> memref<80x128xf32, #tpu.memory_space<vmem>>
        %dma_wait3A_538 = arith.constant 0 : i32
        %dma_wait3A_539 = tpu.memref_slice %arg9[%run_scoped3A_402, %dma_wait3A_538] : memref<8x80xi32, #tpu.memory_space<vmem>> -> memref<1x80xi32, #tpu.memory_space<vmem>>
        %dma_wait3A_540 = tpu.memref_squeeze %dma_wait3A_539 : memref<1x80xi32, #tpu.memory_space<vmem>> -> memref<80xi32, #tpu.memory_space<vmem>>
        %dma_wait3A_541 = arith.constant 0 : i32
        %dma_wait3A_542 = arith.constant 0 : i32
        %dma_wait3A_543 = tpu.memref_slice %arg11[%dma_wait3A_541, %dma_wait3A_542] : memref<10240x128xf32, #tpu.memory_space<vmem_shared>> -> memref<10240x128xf32, #tpu.memory_space<vmem_shared>>
        tpu.wait_indirect_dma semaphore(%run_scoped3A_523 : memref<!tpu.dma_semaphore, #tpu.memory_space<semaphore_mem>>) src(%dma_wait3A_537 : memref<80x128xf32, #tpu.memory_space<vmem>>) dst(%dma_wait3A_543 : memref<10240x128xf32, #tpu.memory_space<vmem_shared>>)
        tpu.yield
      }) : () -> ()
      %dma_wait3A_403 = arith.constant 3 : i32
      %dma_wait3A_404 = arith.constant 3 : i32
      %dma_wait3A_405 = arith.constant 0 : i32
      %dma_wait3A_406 = arith.constant 0 : i32
      %dma_wait3A_407 = tpu.memref_slice %arg10[%dma_wait3A_404, %dma_wait3A_405, %dma_wait3A_406] : memref<4x80x128xf32, #tpu.memory_space<vmem>> -> memref<1x80x128xf32, #tpu.memory_space<vmem>>
      %dma_wait3A_408 = tpu.memref_squeeze %dma_wait3A_407 : memref<1x80x128xf32, #tpu.memory_space<vmem>> -> memref<80x128xf32, #tpu.memory_space<vmem>>
      %dma_wait3A_409 = arith.constant 0 : i32
      %dma_wait3A_410 = tpu.memref_slice %arg8[%dma_wait3A_403, %dma_wait3A_409] : memref<8x80xi32, #tpu.memory_space<vmem>> -> memref<1x80xi32, #tpu.memory_space<vmem>>
      %dma_wait3A_411 = tpu.memref_squeeze %dma_wait3A_410 : memref<1x80xi32, #tpu.memory_space<vmem>> -> memref<80xi32, #tpu.memory_space<vmem>>
      %dma_wait3A_412 = arith.constant 0 : i32
      %dma_wait3A_413 = arith.constant 0 : i32
      %dma_wait3A_414 = tpu.memref_slice %arg2[%dma_wait3A_412, %dma_wait3A_413] : memref<10000x128xf32, #tpu.memory_space<hbm>> -> memref<10000x128xf32, #tpu.memory_space<hbm>>
      tpu.wait_indirect_dma semaphore(%arg15 : memref<!tpu.dma_semaphore, #tpu.memory_space<semaphore_mem>>) src(%dma_wait3A_414 : memref<10000x128xf32, #tpu.memory_space<hbm>>) dst(%dma_wait3A_408 : memref<80x128xf32, #tpu.memory_space<vmem>>)
      %dma_start3A_415 = arith.constant 6 : i32
      %dma_start3A_416 = arith.constant 2 : i32
      %dma_start3A_417 = arith.constant 0 : i32
      %dma_start3A_418 = arith.constant 0 : i32
      %dma_start3A_419 = tpu.memref_slice %arg10[%dma_start3A_416, %dma_start3A_417, %dma_start3A_418] : memref<4x80x128xf32, #tpu.memory_space<vmem>> -> memref<1x80x128xf32, #tpu.memory_space<vmem>>
      %dma_start3A_420 = tpu.memref_squeeze %dma_start3A_419 : memref<1x80x128xf32, #tpu.memory_space<vmem>> -> memref<80x128xf32, #tpu.memory_space<vmem>>
      %dma_start3A_421 = arith.constant 0 : i32
      %dma_start3A_422 = tpu.memref_slice %arg8[%dma_start3A_415, %dma_start3A_421] : memref<8x80xi32, #tpu.memory_space<vmem>> -> memref<1x80xi32, #tpu.memory_space<vmem>>
      %dma_start3A_423 = tpu.memref_squeeze %dma_start3A_422 : memref<1x80xi32, #tpu.memory_space<vmem>> -> memref<80xi32, #tpu.memory_space<vmem>>
      %dma_start3A_424 = arith.constant 0 : i32
      %dma_start3A_425 = arith.constant 0 : i32
      %dma_start3A_426 = tpu.memref_slice %arg2[%dma_start3A_424, %dma_start3A_425] : memref<10000x128xf32, #tpu.memory_space<hbm>> -> memref<10000x128xf32, #tpu.memory_space<hbm>>
      tpu.enqueue_indirect_dma source(%dma_start3A_426 : memref<10000x128xf32, #tpu.memory_space<hbm>>) target(%dma_start3A_420 : memref<80x128xf32, #tpu.memory_space<vmem>>) offsets(%dma_start3A_423 : memref<80xi32, #tpu.memory_space<vmem>>) semaphore(%arg14 : memref<!tpu.dma_semaphore, #tpu.memory_space<semaphore_mem>>)
      %run_scoped3A_427 = arith.constant 3 : i32
      %run_scoped3A_428 = arith.constant 3 : i32
      "tpu.region"() ({
        %run_scoped3A_523 = tpu.sem_alloc : memref<!tpu.dma_semaphore, #tpu.memory_space<semaphore_mem>>
        %dma_start3A_524 = arith.constant 0 : i32
        %dma_start3A_525 = arith.constant 0 : i32
        %dma_start3A_526 = tpu.memref_slice %arg10[%run_scoped3A_427, %dma_start3A_524, %dma_start3A_525] : memref<4x80x128xf32, #tpu.memory_space<vmem>> -> memref<1x80x128xf32, #tpu.memory_space<vmem>>
        %dma_start3A_527 = tpu.memref_squeeze %dma_start3A_526 : memref<1x80x128xf32, #tpu.memory_space<vmem>> -> memref<80x128xf32, #tpu.memory_space<vmem>>
        %dma_start3A_528 = arith.constant 0 : i32
        %dma_start3A_529 = tpu.memref_slice %arg9[%run_scoped3A_428, %dma_start3A_528] : memref<8x80xi32, #tpu.memory_space<vmem>> -> memref<1x80xi32, #tpu.memory_space<vmem>>
        %dma_start3A_530 = tpu.memref_squeeze %dma_start3A_529 : memref<1x80xi32, #tpu.memory_space<vmem>> -> memref<80xi32, #tpu.memory_space<vmem>>
        %dma_start3A_531 = arith.constant 0 : i32
        %dma_start3A_532 = arith.constant 0 : i32
        %dma_start3A_533 = tpu.memref_slice %arg11[%dma_start3A_531, %dma_start3A_532] : memref<10240x128xf32, #tpu.memory_space<vmem_shared>> -> memref<10240x128xf32, #tpu.memory_space<vmem_shared>>
        tpu.enqueue_indirect_dma source(%dma_start3A_527 : memref<80x128xf32, #tpu.memory_space<vmem>>) target(%dma_start3A_533 : memref<10240x128xf32, #tpu.memory_space<vmem_shared>>) offsets(%dma_start3A_530 : memref<80xi32, #tpu.memory_space<vmem>>) semaphore(%run_scoped3A_523 : memref<!tpu.dma_semaphore, #tpu.memory_space<semaphore_mem>>) {add = true}
        %dma_wait3A_534 = arith.constant 0 : i32
        %dma_wait3A_535 = arith.constant 0 : i32
        %dma_wait3A_536 = tpu.memref_slice %arg10[%run_scoped3A_427, %dma_wait3A_534, %dma_wait3A_535] : memref<4x80x128xf32, #tpu.memory_space<vmem>> -> memref<1x80x128xf32, #tpu.memory_space<vmem>>
        %dma_wait3A_537 = tpu.memref_squeeze %dma_wait3A_536 : memref<1x80x128xf32, #tpu.memory_space<vmem>> -> memref<80x128xf32, #tpu.memory_space<vmem>>
        %dma_wait3A_538 = arith.constant 0 : i32
        %dma_wait3A_539 = tpu.memref_slice %arg9[%run_scoped3A_428, %dma_wait3A_538] : memref<8x80xi32, #tpu.memory_space<vmem>> -> memref<1x80xi32, #tpu.memory_space<vmem>>
        %dma_wait3A_540 = tpu.memref_squeeze %dma_wait3A_539 : memref<1x80xi32, #tpu.memory_space<vmem>> -> memref<80xi32, #tpu.memory_space<vmem>>
        %dma_wait3A_541 = arith.constant 0 : i32
        %dma_wait3A_542 = arith.constant 0 : i32
        %dma_wait3A_543 = tpu.memref_slice %arg11[%dma_wait3A_541, %dma_wait3A_542] : memref<10240x128xf32, #tpu.memory_space<vmem_shared>> -> memref<10240x128xf32, #tpu.memory_space<vmem_shared>>
        tpu.wait_indirect_dma semaphore(%run_scoped3A_523 : memref<!tpu.dma_semaphore, #tpu.memory_space<semaphore_mem>>) src(%dma_wait3A_537 : memref<80x128xf32, #tpu.memory_space<vmem>>) dst(%dma_wait3A_543 : memref<10240x128xf32, #tpu.memory_space<vmem_shared>>)
        tpu.yield
      }) : () -> ()
      %dma_wait3A_429 = arith.constant 4 : i32
      %dma_wait3A_430 = arith.constant 0 : i32
      %dma_wait3A_431 = arith.constant 0 : i32
      %dma_wait3A_432 = arith.constant 0 : i32
      %dma_wait3A_433 = tpu.memref_slice %arg10[%dma_wait3A_430, %dma_wait3A_431, %dma_wait3A_432] : memref<4x80x128xf32, #tpu.memory_space<vmem>> -> memref<1x80x128xf32, #tpu.memory_space<vmem>>
      %dma_wait3A_434 = tpu.memref_squeeze %dma_wait3A_433 : memref<1x80x128xf32, #tpu.memory_space<vmem>> -> memref<80x128xf32, #tpu.memory_space<vmem>>
      %dma_wait3A_435 = arith.constant 0 : i32
      %dma_wait3A_436 = tpu.memref_slice %arg8[%dma_wait3A_429, %dma_wait3A_435] : memref<8x80xi32, #tpu.memory_space<vmem>> -> memref<1x80xi32, #tpu.memory_space<vmem>>
      %dma_wait3A_437 = tpu.memref_squeeze %dma_wait3A_436 : memref<1x80xi32, #tpu.memory_space<vmem>> -> memref<80xi32, #tpu.memory_space<vmem>>
      %dma_wait3A_438 = arith.constant 0 : i32
      %dma_wait3A_439 = arith.constant 0 : i32
      %dma_wait3A_440 = tpu.memref_slice %arg2[%dma_wait3A_438, %dma_wait3A_439] : memref<10000x128xf32, #tpu.memory_space<hbm>> -> memref<10000x128xf32, #tpu.memory_space<hbm>>
      tpu.wait_indirect_dma semaphore(%arg12 : memref<!tpu.dma_semaphore, #tpu.memory_space<semaphore_mem>>) src(%dma_wait3A_440 : memref<10000x128xf32, #tpu.memory_space<hbm>>) dst(%dma_wait3A_434 : memref<80x128xf32, #tpu.memory_space<vmem>>)
      %dma_start3A_441 = arith.constant 7 : i32
      %dma_start3A_442 = arith.constant 3 : i32
      %dma_start3A_443 = arith.constant 0 : i32
      %dma_start3A_444 = arith.constant 0 : i32
      %dma_start3A_445 = tpu.memref_slice %arg10[%dma_start3A_442, %dma_start3A_443, %dma_start3A_444] : memref<4x80x128xf32, #tpu.memory_space<vmem>> -> memref<1x80x128xf32, #tpu.memory_space<vmem>>
      %dma_start3A_446 = tpu.memref_squeeze %dma_start3A_445 : memref<1x80x128xf32, #tpu.memory_space<vmem>> -> memref<80x128xf32, #tpu.memory_space<vmem>>
      %dma_start3A_447 = arith.constant 0 : i32
      %dma_start3A_448 = tpu.memref_slice %arg8[%dma_start3A_441, %dma_start3A_447] : memref<8x80xi32, #tpu.memory_space<vmem>> -> memref<1x80xi32, #tpu.memory_space<vmem>>
      %dma_start3A_449 = tpu.memref_squeeze %dma_start3A_448 : memref<1x80xi32, #tpu.memory_space<vmem>> -> memref<80xi32, #tpu.memory_space<vmem>>
      %dma_start3A_450 = arith.constant 0 : i32
      %dma_start3A_451 = arith.constant 0 : i32
      %dma_start3A_452 = tpu.memref_slice %arg2[%dma_start3A_450, %dma_start3A_451] : memref<10000x128xf32, #tpu.memory_space<hbm>> -> memref<10000x128xf32, #tpu.memory_space<hbm>>
      tpu.enqueue_indirect_dma source(%dma_start3A_452 : memref<10000x128xf32, #tpu.memory_space<hbm>>) target(%dma_start3A_446 : memref<80x128xf32, #tpu.memory_space<vmem>>) offsets(%dma_start3A_449 : memref<80xi32, #tpu.memory_space<vmem>>) semaphore(%arg15 : memref<!tpu.dma_semaphore, #tpu.memory_space<semaphore_mem>>)
      %run_scoped3A_453 = arith.constant 0 : i32
      %run_scoped3A_454 = arith.constant 4 : i32
      "tpu.region"() ({
        %run_scoped3A_523 = tpu.sem_alloc : memref<!tpu.dma_semaphore, #tpu.memory_space<semaphore_mem>>
        %dma_start3A_524 = arith.constant 0 : i32
        %dma_start3A_525 = arith.constant 0 : i32
        %dma_start3A_526 = tpu.memref_slice %arg10[%run_scoped3A_453, %dma_start3A_524, %dma_start3A_525] : memref<4x80x128xf32, #tpu.memory_space<vmem>> -> memref<1x80x128xf32, #tpu.memory_space<vmem>>
        %dma_start3A_527 = tpu.memref_squeeze %dma_start3A_526 : memref<1x80x128xf32, #tpu.memory_space<vmem>> -> memref<80x128xf32, #tpu.memory_space<vmem>>
        %dma_start3A_528 = arith.constant 0 : i32
        %dma_start3A_529 = tpu.memref_slice %arg9[%run_scoped3A_454, %dma_start3A_528] : memref<8x80xi32, #tpu.memory_space<vmem>> -> memref<1x80xi32, #tpu.memory_space<vmem>>
        %dma_start3A_530 = tpu.memref_squeeze %dma_start3A_529 : memref<1x80xi32, #tpu.memory_space<vmem>> -> memref<80xi32, #tpu.memory_space<vmem>>
        %dma_start3A_531 = arith.constant 0 : i32
        %dma_start3A_532 = arith.constant 0 : i32
        %dma_start3A_533 = tpu.memref_slice %arg11[%dma_start3A_531, %dma_start3A_532] : memref<10240x128xf32, #tpu.memory_space<vmem_shared>> -> memref<10240x128xf32, #tpu.memory_space<vmem_shared>>
        tpu.enqueue_indirect_dma source(%dma_start3A_527 : memref<80x128xf32, #tpu.memory_space<vmem>>) target(%dma_start3A_533 : memref<10240x128xf32, #tpu.memory_space<vmem_shared>>) offsets(%dma_start3A_530 : memref<80xi32, #tpu.memory_space<vmem>>) semaphore(%run_scoped3A_523 : memref<!tpu.dma_semaphore, #tpu.memory_space<semaphore_mem>>) {add = true}
        %dma_wait3A_534 = arith.constant 0 : i32
        %dma_wait3A_535 = arith.constant 0 : i32
        %dma_wait3A_536 = tpu.memref_slice %arg10[%run_scoped3A_453, %dma_wait3A_534, %dma_wait3A_535] : memref<4x80x128xf32, #tpu.memory_space<vmem>> -> memref<1x80x128xf32, #tpu.memory_space<vmem>>
        %dma_wait3A_537 = tpu.memref_squeeze %dma_wait3A_536 : memref<1x80x128xf32, #tpu.memory_space<vmem>> -> memref<80x128xf32, #tpu.memory_space<vmem>>
        %dma_wait3A_538 = arith.constant 0 : i32
        %dma_wait3A_539 = tpu.memref_slice %arg9[%run_scoped3A_454, %dma_wait3A_538] : memref<8x80xi32, #tpu.memory_space<vmem>> -> memref<1x80xi32, #tpu.memory_space<vmem>>
        %dma_wait3A_540 = tpu.memref_squeeze %dma_wait3A_539 : memref<1x80xi32, #tpu.memory_space<vmem>> -> memref<80xi32, #tpu.memory_space<vmem>>
        %dma_wait3A_541 = arith.constant 0 : i32
        %dma_wait3A_542 = arith.constant 0 : i32
        %dma_wait3A_543 = tpu.memref_slice %arg11[%dma_wait3A_541, %dma_wait3A_542] : memref<10240x128xf32, #tpu.memory_space<vmem_shared>> -> memref<10240x128xf32, #tpu.memory_space<vmem_shared>>
        tpu.wait_indirect_dma semaphore(%run_scoped3A_523 : memref<!tpu.dma_semaphore, #tpu.memory_space<semaphore_mem>>) src(%dma_wait3A_537 : memref<80x128xf32, #tpu.memory_space<vmem>>) dst(%dma_wait3A_543 : memref<10240x128xf32, #tpu.memory_space<vmem_shared>>)
        tpu.yield
      }) : () -> ()
      %dma_wait3A_455 = arith.constant 5 : i32
      %dma_wait3A_456 = arith.constant 1 : i32
      %dma_wait3A_457 = arith.constant 0 : i32
      %dma_wait3A_458 = arith.constant 0 : i32
      %dma_wait3A_459 = tpu.memref_slice %arg10[%dma_wait3A_456, %dma_wait3A_457, %dma_wait3A_458] : memref<4x80x128xf32, #tpu.memory_space<vmem>> -> memref<1x80x128xf32, #tpu.memory_space<vmem>>
      %dma_wait3A_460 = tpu.memref_squeeze %dma_wait3A_459 : memref<1x80x128xf32, #tpu.memory_space<vmem>> -> memref<80x128xf32, #tpu.memory_space<vmem>>
      %dma_wait3A_461 = arith.constant 0 : i32
      %dma_wait3A_462 = tpu.memref_slice %arg8[%dma_wait3A_455, %dma_wait3A_461] : memref<8x80xi32, #tpu.memory_space<vmem>> -> memref<1x80xi32, #tpu.memory_space<vmem>>
      %dma_wait3A_463 = tpu.memref_squeeze %dma_wait3A_462 : memref<1x80xi32, #tpu.memory_space<vmem>> -> memref<80xi32, #tpu.memory_space<vmem>>
      %dma_wait3A_464 = arith.constant 0 : i32
      %dma_wait3A_465 = arith.constant 0 : i32
      %dma_wait3A_466 = tpu.memref_slice %arg2[%dma_wait3A_464, %dma_wait3A_465] : memref<10000x128xf32, #tpu.memory_space<hbm>> -> memref<10000x128xf32, #tpu.memory_space<hbm>>
      tpu.wait_indirect_dma semaphore(%arg13 : memref<!tpu.dma_semaphore, #tpu.memory_space<semaphore_mem>>) src(%dma_wait3A_466 : memref<10000x128xf32, #tpu.memory_space<hbm>>) dst(%dma_wait3A_460 : memref<80x128xf32, #tpu.memory_space<vmem>>)
      %lt3A_467 = arith.constant 7 : i32
      %lt3A_468 = arith.cmpi slt, %scan3A_94, %lt3A_467 : i32
      %convert_element_type3A_469 = arith.extui %lt3A_468 : i1 to i32
      %cond3A_470 = arith.constant 0 : i32
      %cond3A_471 = arith.cmpi ne, %convert_element_type3A_469, %cond3A_470 : i32
      scf.if %cond3A_471 {
        %mul3A_523 = arith.constant 2 : i32
        %mul3A_524 = arith.muli %mul3A_523, %scan3A_94 : i32
        %add3A_525 = arith.constant 2 : i32
        %add3A_526 = arith.addi %mul3A_524, %add3A_525 : i32
        %mul3A_527 = arith.constant 8 : i32
        %mul3A_528 = arith.muli %add3A_526, %mul3A_527 : i32
        %dma_wait3A_529 = arith.constant 0 : i32
        %dma_wait3A_530 = tpu.memref_slice %arg3[%add3A, %mul3A_528, %dma_wait3A_529] : memref<32x128x80xi32, #tpu.memory_space<hbm>> -> memref<1x8x80xi32, #tpu.memory_space<hbm>>
        %dma_wait3A_531 = tpu.memref_squeeze %dma_wait3A_530 : memref<1x8x80xi32, #tpu.memory_space<hbm>> -> memref<8x80xi32, #tpu.memory_space<hbm>>
        %dma_wait3A_532 = arith.constant 0 : i32
        %dma_wait3A_533 = tpu.memref_slice %arg3[%add3A, %mul3A_528, %dma_wait3A_532] : memref<32x128x80xi32, #tpu.memory_space<hbm>> -> memref<1x8x80xi32, #tpu.memory_space<hbm>>
        %dma_wait3A_534 = tpu.memref_squeeze %dma_wait3A_533 : memref<1x8x80xi32, #tpu.memory_space<hbm>> -> memref<8x80xi32, #tpu.memory_space<hbm>>
        tpu.wait_dma2 semaphore(%arg16 : memref<!tpu.dma_semaphore, #tpu.memory_space<semaphore_mem>>) src(%dma_wait3A_534 : memref<8x80xi32, #tpu.memory_space<hbm>>) dst(%arg6 : memref<8x80xi32, #tpu.memory_space<vmem>>)
        %mul3A_535 = arith.constant 8 : i32
        %mul3A_536 = arith.muli %add3A_526, %mul3A_535 : i32
        %dma_wait3A_537 = arith.constant 0 : i32
        %dma_wait3A_538 = tpu.memref_slice %arg4[%add3A, %mul3A_536, %dma_wait3A_537] : memref<32x128x80xi32, #tpu.memory_space<hbm>> -> memref<1x8x80xi32, #tpu.memory_space<hbm>>
        %dma_wait3A_539 = tpu.memref_squeeze %dma_wait3A_538 : memref<1x8x80xi32, #tpu.memory_space<hbm>> -> memref<8x80xi32, #tpu.memory_space<hbm>>
        %dma_wait3A_540 = arith.constant 0 : i32
        %dma_wait3A_541 = tpu.memref_slice %arg4[%add3A, %mul3A_536, %dma_wait3A_540] : memref<32x128x80xi32, #tpu.memory_space<hbm>> -> memref<1x8x80xi32, #tpu.memory_space<hbm>>
        %dma_wait3A_542 = tpu.memref_squeeze %dma_wait3A_541 : memref<1x8x80xi32, #tpu.memory_space<hbm>> -> memref<8x80xi32, #tpu.memory_space<hbm>>
        tpu.wait_dma2 semaphore(%arg16 : memref<!tpu.dma_semaphore, #tpu.memory_space<semaphore_mem>>) src(%dma_wait3A_542 : memref<8x80xi32, #tpu.memory_space<hbm>>) dst(%arg7 : memref<8x80xi32, #tpu.memory_space<vmem>>)
      } else {
      }
      %lt3A_472 = arith.constant 7 : i32
      %lt3A_473 = arith.cmpi slt, %scan3A_94, %lt3A_472 : i32
      %convert_element_type3A_474 = arith.extui %lt3A_473 : i1 to i32
      %cond3A_475 = arith.constant 0 : i32
      %cond3A_476 = arith.cmpi ne, %convert_element_type3A_474, %cond3A_475 : i32
      scf.if %cond3A_476 {
        %dma_start3A_523 = arith.constant 0 : i32
        %dma_start3A_524 = arith.constant 0 : i32
        %dma_start3A_525 = arith.constant 0 : i32
        %dma_start3A_526 = arith.constant 0 : i32
        %dma_start3A_527 = tpu.memref_slice %arg10[%dma_start3A_524, %dma_start3A_525, %dma_start3A_526] : memref<4x80x128xf32, #tpu.memory_space<vmem>> -> memref<1x80x128xf32, #tpu.memory_space<vmem>>
        %dma_start3A_528 = tpu.memref_squeeze %dma_start3A_527 : memref<1x80x128xf32, #tpu.memory_space<vmem>> -> memref<80x128xf32, #tpu.memory_space<vmem>>
        %dma_start3A_529 = arith.constant 0 : i32
        %dma_start3A_530 = tpu.memref_slice %arg6[%dma_start3A_523, %dma_start3A_529] : memref<8x80xi32, #tpu.memory_space<vmem>> -> memref<1x80xi32, #tpu.memory_space<vmem>>
        %dma_start3A_531 = tpu.memref_squeeze %dma_start3A_530 : memref<1x80xi32, #tpu.memory_space<vmem>> -> memref<80xi32, #tpu.memory_space<vmem>>
        %dma_start3A_532 = arith.constant 0 : i32
        %dma_start3A_533 = arith.constant 0 : i32
        %dma_start3A_534 = tpu.memref_slice %arg2[%dma_start3A_532, %dma_start3A_533] : memref<10000x128xf32, #tpu.memory_space<hbm>> -> memref<10000x128xf32, #tpu.memory_space<hbm>>
        tpu.enqueue_indirect_dma source(%dma_start3A_534 : memref<10000x128xf32, #tpu.memory_space<hbm>>) target(%dma_start3A_528 : memref<80x128xf32, #tpu.memory_space<vmem>>) offsets(%dma_start3A_531 : memref<80xi32, #tpu.memory_space<vmem>>) semaphore(%arg12 : memref<!tpu.dma_semaphore, #tpu.memory_space<semaphore_mem>>)
      } else {
      }
      %run_scoped3A_477 = arith.constant 1 : i32
      %run_scoped3A_478 = arith.constant 5 : i32
      "tpu.region"() ({
        %run_scoped3A_523 = tpu.sem_alloc : memref<!tpu.dma_semaphore, #tpu.memory_space<semaphore_mem>>
        %dma_start3A_524 = arith.constant 0 : i32
        %dma_start3A_525 = arith.constant 0 : i32
        %dma_start3A_526 = tpu.memref_slice %arg10[%run_scoped3A_477, %dma_start3A_524, %dma_start3A_525] : memref<4x80x128xf32, #tpu.memory_space<vmem>> -> memref<1x80x128xf32, #tpu.memory_space<vmem>>
        %dma_start3A_527 = tpu.memref_squeeze %dma_start3A_526 : memref<1x80x128xf32, #tpu.memory_space<vmem>> -> memref<80x128xf32, #tpu.memory_space<vmem>>
        %dma_start3A_528 = arith.constant 0 : i32
        %dma_start3A_529 = tpu.memref_slice %arg9[%run_scoped3A_478, %dma_start3A_528] : memref<8x80xi32, #tpu.memory_space<vmem>> -> memref<1x80xi32, #tpu.memory_space<vmem>>
        %dma_start3A_530 = tpu.memref_squeeze %dma_start3A_529 : memref<1x80xi32, #tpu.memory_space<vmem>> -> memref<80xi32, #tpu.memory_space<vmem>>
        %dma_start3A_531 = arith.constant 0 : i32
        %dma_start3A_532 = arith.constant 0 : i32
        %dma_start3A_533 = tpu.memref_slice %arg11[%dma_start3A_531, %dma_start3A_532] : memref<10240x128xf32, #tpu.memory_space<vmem_shared>> -> memref<10240x128xf32, #tpu.memory_space<vmem_shared>>
        tpu.enqueue_indirect_dma source(%dma_start3A_527 : memref<80x128xf32, #tpu.memory_space<vmem>>) target(%dma_start3A_533 : memref<10240x128xf32, #tpu.memory_space<vmem_shared>>) offsets(%dma_start3A_530 : memref<80xi32, #tpu.memory_space<vmem>>) semaphore(%run_scoped3A_523 : memref<!tpu.dma_semaphore, #tpu.memory_space<semaphore_mem>>) {add = true}
        %dma_wait3A_534 = arith.constant 0 : i32
        %dma_wait3A_535 = arith.constant 0 : i32
        %dma_wait3A_536 = tpu.memref_slice %arg10[%run_scoped3A_477, %dma_wait3A_534, %dma_wait3A_535] : memref<4x80x128xf32, #tpu.memory_space<vmem>> -> memref<1x80x128xf32, #tpu.memory_space<vmem>>
        %dma_wait3A_537 = tpu.memref_squeeze %dma_wait3A_536 : memref<1x80x128xf32, #tpu.memory_space<vmem>> -> memref<80x128xf32, #tpu.memory_space<vmem>>
        %dma_wait3A_538 = arith.constant 0 : i32
        %dma_wait3A_539 = tpu.memref_slice %arg9[%run_scoped3A_478, %dma_wait3A_538] : memref<8x80xi32, #tpu.memory_space<vmem>> -> memref<1x80xi32, #tpu.memory_space<vmem>>
        %dma_wait3A_540 = tpu.memref_squeeze %dma_wait3A_539 : memref<1x80xi32, #tpu.memory_space<vmem>> -> memref<80xi32, #tpu.memory_space<vmem>>
        %dma_wait3A_541 = arith.constant 0 : i32
        %dma_wait3A_542 = arith.constant 0 : i32
        %dma_wait3A_543 = tpu.memref_slice %arg11[%dma_wait3A_541, %dma_wait3A_542] : memref<10240x128xf32, #tpu.memory_space<vmem_shared>> -> memref<10240x128xf32, #tpu.memory_space<vmem_shared>>
        tpu.wait_indirect_dma semaphore(%run_scoped3A_523 : memref<!tpu.dma_semaphore, #tpu.memory_space<semaphore_mem>>) src(%dma_wait3A_537 : memref<80x128xf32, #tpu.memory_space<vmem>>) dst(%dma_wait3A_543 : memref<10240x128xf32, #tpu.memory_space<vmem_shared>>)
        tpu.yield
      }) : () -> ()
      %dma_wait3A_479 = arith.constant 6 : i32
      %dma_wait3A_480 = arith.constant 2 : i32
      %dma_wait3A_481 = arith.constant 0 : i32
      %dma_wait3A_482 = arith.constant 0 : i32
      %dma_wait3A_483 = tpu.memref_slice %arg10[%dma_wait3A_480, %dma_wait3A_481, %dma_wait3A_482] : memref<4x80x128xf32, #tpu.memory_space<vmem>> -> memref<1x80x128xf32, #tpu.memory_space<vmem>>
      %dma_wait3A_484 = tpu.memref_squeeze %dma_wait3A_483 : memref<1x80x128xf32, #tpu.memory_space<vmem>> -> memref<80x128xf32, #tpu.memory_space<vmem>>
      %dma_wait3A_485 = arith.constant 0 : i32
      %dma_wait3A_486 = tpu.memref_slice %arg8[%dma_wait3A_479, %dma_wait3A_485] : memref<8x80xi32, #tpu.memory_space<vmem>> -> memref<1x80xi32, #tpu.memory_space<vmem>>
      %dma_wait3A_487 = tpu.memref_squeeze %dma_wait3A_486 : memref<1x80xi32, #tpu.memory_space<vmem>> -> memref<80xi32, #tpu.memory_space<vmem>>
      %dma_wait3A_488 = arith.constant 0 : i32
      %dma_wait3A_489 = arith.constant 0 : i32
      %dma_wait3A_490 = tpu.memref_slice %arg2[%dma_wait3A_488, %dma_wait3A_489] : memref<10000x128xf32, #tpu.memory_space<hbm>> -> memref<10000x128xf32, #tpu.memory_space<hbm>>
      tpu.wait_indirect_dma semaphore(%arg14 : memref<!tpu.dma_semaphore, #tpu.memory_space<semaphore_mem>>) src(%dma_wait3A_490 : memref<10000x128xf32, #tpu.memory_space<hbm>>) dst(%dma_wait3A_484 : memref<80x128xf32, #tpu.memory_space<vmem>>)
      %lt3A_491 = arith.constant 7 : i32
      %lt3A_492 = arith.cmpi slt, %scan3A_94, %lt3A_491 : i32
      %convert_element_type3A_493 = arith.extui %lt3A_492 : i1 to i32
      %cond3A_494 = arith.constant 0 : i32
      %cond3A_495 = arith.cmpi ne, %convert_element_type3A_493, %cond3A_494 : i32
      scf.if %cond3A_495 {
        %dma_start3A_523 = arith.constant 1 : i32
        %dma_start3A_524 = arith.constant 1 : i32
        %dma_start3A_525 = arith.constant 0 : i32
        %dma_start3A_526 = arith.constant 0 : i32
        %dma_start3A_527 = tpu.memref_slice %arg10[%dma_start3A_524, %dma_start3A_525, %dma_start3A_526] : memref<4x80x128xf32, #tpu.memory_space<vmem>> -> memref<1x80x128xf32, #tpu.memory_space<vmem>>
        %dma_start3A_528 = tpu.memref_squeeze %dma_start3A_527 : memref<1x80x128xf32, #tpu.memory_space<vmem>> -> memref<80x128xf32, #tpu.memory_space<vmem>>
        %dma_start3A_529 = arith.constant 0 : i32
        %dma_start3A_530 = tpu.memref_slice %arg6[%dma_start3A_523, %dma_start3A_529] : memref<8x80xi32, #tpu.memory_space<vmem>> -> memref<1x80xi32, #tpu.memory_space<vmem>>
        %dma_start3A_531 = tpu.memref_squeeze %dma_start3A_530 : memref<1x80xi32, #tpu.memory_space<vmem>> -> memref<80xi32, #tpu.memory_space<vmem>>
        %dma_start3A_532 = arith.constant 0 : i32
        %dma_start3A_533 = arith.constant 0 : i32
        %dma_start3A_534 = tpu.memref_slice %arg2[%dma_start3A_532, %dma_start3A_533] : memref<10000x128xf32, #tpu.memory_space<hbm>> -> memref<10000x128xf32, #tpu.memory_space<hbm>>
        tpu.enqueue_indirect_dma source(%dma_start3A_534 : memref<10000x128xf32, #tpu.memory_space<hbm>>) target(%dma_start3A_528 : memref<80x128xf32, #tpu.memory_space<vmem>>) offsets(%dma_start3A_531 : memref<80xi32, #tpu.memory_space<vmem>>) semaphore(%arg13 : memref<!tpu.dma_semaphore, #tpu.memory_space<semaphore_mem>>)
      } else {
      }
      %run_scoped3A_496 = arith.constant 2 : i32
      %run_scoped3A_497 = arith.constant 6 : i32
      "tpu.region"() ({
        %run_scoped3A_523 = tpu.sem_alloc : memref<!tpu.dma_semaphore, #tpu.memory_space<semaphore_mem>>
        %dma_start3A_524 = arith.constant 0 : i32
        %dma_start3A_525 = arith.constant 0 : i32
        %dma_start3A_526 = tpu.memref_slice %arg10[%run_scoped3A_496, %dma_start3A_524, %dma_start3A_525] : memref<4x80x128xf32, #tpu.memory_space<vmem>> -> memref<1x80x128xf32, #tpu.memory_space<vmem>>
        %dma_start3A_527 = tpu.memref_squeeze %dma_start3A_526 : memref<1x80x128xf32, #tpu.memory_space<vmem>> -> memref<80x128xf32, #tpu.memory_space<vmem>>
        %dma_start3A_528 = arith.constant 0 : i32
        %dma_start3A_529 = tpu.memref_slice %arg9[%run_scoped3A_497, %dma_start3A_528] : memref<8x80xi32, #tpu.memory_space<vmem>> -> memref<1x80xi32, #tpu.memory_space<vmem>>
        %dma_start3A_530 = tpu.memref_squeeze %dma_start3A_529 : memref<1x80xi32, #tpu.memory_space<vmem>> -> memref<80xi32, #tpu.memory_space<vmem>>
        %dma_start3A_531 = arith.constant 0 : i32
        %dma_start3A_532 = arith.constant 0 : i32
        %dma_start3A_533 = tpu.memref_slice %arg11[%dma_start3A_531, %dma_start3A_532] : memref<10240x128xf32, #tpu.memory_space<vmem_shared>> -> memref<10240x128xf32, #tpu.memory_space<vmem_shared>>
        tpu.enqueue_indirect_dma source(%dma_start3A_527 : memref<80x128xf32, #tpu.memory_space<vmem>>) target(%dma_start3A_533 : memref<10240x128xf32, #tpu.memory_space<vmem_shared>>) offsets(%dma_start3A_530 : memref<80xi32, #tpu.memory_space<vmem>>) semaphore(%run_scoped3A_523 : memref<!tpu.dma_semaphore, #tpu.memory_space<semaphore_mem>>) {add = true}
        %dma_wait3A_534 = arith.constant 0 : i32
        %dma_wait3A_535 = arith.constant 0 : i32
        %dma_wait3A_536 = tpu.memref_slice %arg10[%run_scoped3A_496, %dma_wait3A_534, %dma_wait3A_535] : memref<4x80x128xf32, #tpu.memory_space<vmem>> -> memref<1x80x128xf32, #tpu.memory_space<vmem>>
        %dma_wait3A_537 = tpu.memref_squeeze %dma_wait3A_536 : memref<1x80x128xf32, #tpu.memory_space<vmem>> -> memref<80x128xf32, #tpu.memory_space<vmem>>
        %dma_wait3A_538 = arith.constant 0 : i32
        %dma_wait3A_539 = tpu.memref_slice %arg9[%run_scoped3A_497, %dma_wait3A_538] : memref<8x80xi32, #tpu.memory_space<vmem>> -> memref<1x80xi32, #tpu.memory_space<vmem>>
        %dma_wait3A_540 = tpu.memref_squeeze %dma_wait3A_539 : memref<1x80xi32, #tpu.memory_space<vmem>> -> memref<80xi32, #tpu.memory_space<vmem>>
        %dma_wait3A_541 = arith.constant 0 : i32
        %dma_wait3A_542 = arith.constant 0 : i32
        %dma_wait3A_543 = tpu.memref_slice %arg11[%dma_wait3A_541, %dma_wait3A_542] : memref<10240x128xf32, #tpu.memory_space<vmem_shared>> -> memref<10240x128xf32, #tpu.memory_space<vmem_shared>>
        tpu.wait_indirect_dma semaphore(%run_scoped3A_523 : memref<!tpu.dma_semaphore, #tpu.memory_space<semaphore_mem>>) src(%dma_wait3A_537 : memref<80x128xf32, #tpu.memory_space<vmem>>) dst(%dma_wait3A_543 : memref<10240x128xf32, #tpu.memory_space<vmem_shared>>)
        tpu.yield
      }) : () -> ()
      %dma_wait3A_498 = arith.constant 7 : i32
      %dma_wait3A_499 = arith.constant 3 : i32
      %dma_wait3A_500 = arith.constant 0 : i32
      %dma_wait3A_501 = arith.constant 0 : i32
      %dma_wait3A_502 = tpu.memref_slice %arg10[%dma_wait3A_499, %dma_wait3A_500, %dma_wait3A_501] : memref<4x80x128xf32, #tpu.memory_space<vmem>> -> memref<1x80x128xf32, #tpu.memory_space<vmem>>
      %dma_wait3A_503 = tpu.memref_squeeze %dma_wait3A_502 : memref<1x80x128xf32, #tpu.memory_space<vmem>> -> memref<80x128xf32, #tpu.memory_space<vmem>>
      %dma_wait3A_504 = arith.constant 0 : i32
      %dma_wait3A_505 = tpu.memref_slice %arg8[%dma_wait3A_498, %dma_wait3A_504] : memref<8x80xi32, #tpu.memory_space<vmem>> -> memref<1x80xi32, #tpu.memory_space<vmem>>
      %dma_wait3A_506 = tpu.memref_squeeze %dma_wait3A_505 : memref<1x80xi32, #tpu.memory_space<vmem>> -> memref<80xi32, #tpu.memory_space<vmem>>
      %dma_wait3A_507 = arith.constant 0 : i32
      %dma_wait3A_508 = arith.constant 0 : i32
      %dma_wait3A_509 = tpu.memref_slice %arg2[%dma_wait3A_507, %dma_wait3A_508] : memref<10000x128xf32, #tpu.memory_space<hbm>> -> memref<10000x128xf32, #tpu.memory_space<hbm>>
      tpu.wait_indirect_dma semaphore(%arg15 : memref<!tpu.dma_semaphore, #tpu.memory_space<semaphore_mem>>) src(%dma_wait3A_509 : memref<10000x128xf32, #tpu.memory_space<hbm>>) dst(%dma_wait3A_503 : memref<80x128xf32, #tpu.memory_space<vmem>>)
      %lt3A_510 = arith.constant 7 : i32
      %lt3A_511 = arith.cmpi slt, %scan3A_94, %lt3A_510 : i32
      %convert_element_type3A_512 = arith.extui %lt3A_511 : i1 to i32
      %cond3A_513 = arith.constant 0 : i32
      %cond3A_514 = arith.cmpi ne, %convert_element_type3A_512, %cond3A_513 : i32
      scf.if %cond3A_514 {
        %dma_start3A_523 = arith.constant 2 : i32
        %dma_start3A_524 = arith.constant 2 : i32
        %dma_start3A_525 = arith.constant 0 : i32
        %dma_start3A_526 = arith.constant 0 : i32
        %dma_start3A_527 = tpu.memref_slice %arg10[%dma_start3A_524, %dma_start3A_525, %dma_start3A_526] : memref<4x80x128xf32, #tpu.memory_space<vmem>> -> memref<1x80x128xf32, #tpu.memory_space<vmem>>
        %dma_start3A_528 = tpu.memref_squeeze %dma_start3A_527 : memref<1x80x128xf32, #tpu.memory_space<vmem>> -> memref<80x128xf32, #tpu.memory_space<vmem>>
        %dma_start3A_529 = arith.constant 0 : i32
        %dma_start3A_530 = tpu.memref_slice %arg6[%dma_start3A_523, %dma_start3A_529] : memref<8x80xi32, #tpu.memory_space<vmem>> -> memref<1x80xi32, #tpu.memory_space<vmem>>
        %dma_start3A_531 = tpu.memref_squeeze %dma_start3A_530 : memref<1x80xi32, #tpu.memory_space<vmem>> -> memref<80xi32, #tpu.memory_space<vmem>>
        %dma_start3A_532 = arith.constant 0 : i32
        %dma_start3A_533 = arith.constant 0 : i32
        %dma_start3A_534 = tpu.memref_slice %arg2[%dma_start3A_532, %dma_start3A_533] : memref<10000x128xf32, #tpu.memory_space<hbm>> -> memref<10000x128xf32, #tpu.memory_space<hbm>>
        tpu.enqueue_indirect_dma source(%dma_start3A_534 : memref<10000x128xf32, #tpu.memory_space<hbm>>) target(%dma_start3A_528 : memref<80x128xf32, #tpu.memory_space<vmem>>) offsets(%dma_start3A_531 : memref<80xi32, #tpu.memory_space<vmem>>) semaphore(%arg14 : memref<!tpu.dma_semaphore, #tpu.memory_space<semaphore_mem>>)
      } else {
      }
      %run_scoped3A_515 = arith.constant 3 : i32
      %run_scoped3A_516 = arith.constant 7 : i32
      "tpu.region"() ({
        %run_scoped3A_523 = tpu.sem_alloc : memref<!tpu.dma_semaphore, #tpu.memory_space<semaphore_mem>>
        %dma_start3A_524 = arith.constant 0 : i32
        %dma_start3A_525 = arith.constant 0 : i32
        %dma_start3A_526 = tpu.memref_slice %arg10[%run_scoped3A_515, %dma_start3A_524, %dma_start3A_525] : memref<4x80x128xf32, #tpu.memory_space<vmem>> -> memref<1x80x128xf32, #tpu.memory_space<vmem>>
        %dma_start3A_527 = tpu.memref_squeeze %dma_start3A_526 : memref<1x80x128xf32, #tpu.memory_space<vmem>> -> memref<80x128xf32, #tpu.memory_space<vmem>>
        %dma_start3A_528 = arith.constant 0 : i32
        %dma_start3A_529 = tpu.memref_slice %arg9[%run_scoped3A_516, %dma_start3A_528] : memref<8x80xi32, #tpu.memory_space<vmem>> -> memref<1x80xi32, #tpu.memory_space<vmem>>
        %dma_start3A_530 = tpu.memref_squeeze %dma_start3A_529 : memref<1x80xi32, #tpu.memory_space<vmem>> -> memref<80xi32, #tpu.memory_space<vmem>>
        %dma_start3A_531 = arith.constant 0 : i32
        %dma_start3A_532 = arith.constant 0 : i32
        %dma_start3A_533 = tpu.memref_slice %arg11[%dma_start3A_531, %dma_start3A_532] : memref<10240x128xf32, #tpu.memory_space<vmem_shared>> -> memref<10240x128xf32, #tpu.memory_space<vmem_shared>>
        tpu.enqueue_indirect_dma source(%dma_start3A_527 : memref<80x128xf32, #tpu.memory_space<vmem>>) target(%dma_start3A_533 : memref<10240x128xf32, #tpu.memory_space<vmem_shared>>) offsets(%dma_start3A_530 : memref<80xi32, #tpu.memory_space<vmem>>) semaphore(%run_scoped3A_523 : memref<!tpu.dma_semaphore, #tpu.memory_space<semaphore_mem>>) {add = true}
        %dma_wait3A_534 = arith.constant 0 : i32
        %dma_wait3A_535 = arith.constant 0 : i32
        %dma_wait3A_536 = tpu.memref_slice %arg10[%run_scoped3A_515, %dma_wait3A_534, %dma_wait3A_535] : memref<4x80x128xf32, #tpu.memory_space<vmem>> -> memref<1x80x128xf32, #tpu.memory_space<vmem>>
        %dma_wait3A_537 = tpu.memref_squeeze %dma_wait3A_536 : memref<1x80x128xf32, #tpu.memory_space<vmem>> -> memref<80x128xf32, #tpu.memory_space<vmem>>
        %dma_wait3A_538 = arith.constant 0 : i32
        %dma_wait3A_539 = tpu.memref_slice %arg9[%run_scoped3A_516, %dma_wait3A_538] : memref<8x80xi32, #tpu.memory_space<vmem>> -> memref<1x80xi32, #tpu.memory_space<vmem>>
        %dma_wait3A_540 = tpu.memref_squeeze %dma_wait3A_539 : memref<1x80xi32, #tpu.memory_space<vmem>> -> memref<80xi32, #tpu.memory_space<vmem>>
        %dma_wait3A_541 = arith.constant 0 : i32
        %dma_wait3A_542 = arith.constant 0 : i32
        %dma_wait3A_543 = tpu.memref_slice %arg11[%dma_wait3A_541, %dma_wait3A_542] : memref<10240x128xf32, #tpu.memory_space<vmem_shared>> -> memref<10240x128xf32, #tpu.memory_space<vmem_shared>>
        tpu.wait_indirect_dma semaphore(%run_scoped3A_523 : memref<!tpu.dma_semaphore, #tpu.memory_space<semaphore_mem>>) src(%dma_wait3A_537 : memref<80x128xf32, #tpu.memory_space<vmem>>) dst(%dma_wait3A_543 : memref<10240x128xf32, #tpu.memory_space<vmem_shared>>)
        tpu.yield
      }) : () -> ()
      %lt3A_517 = arith.constant 7 : i32
      %lt3A_518 = arith.cmpi slt, %scan3A_94, %lt3A_517 : i32
      %convert_element_type3A_519 = arith.extui %lt3A_518 : i1 to i32
      %cond3A_520 = arith.constant 0 : i32
      %cond3A_521 = arith.cmpi ne, %convert_element_type3A_519, %cond3A_520 : i32
      scf.if %cond3A_521 {
        %mul3A_523 = arith.constant 2 : i32
        %mul3A_524 = arith.muli %mul3A_523, %scan3A_94 : i32
        %add3A_525 = arith.constant 3 : i32
        %add3A_526 = arith.addi %mul3A_524, %add3A_525 : i32
        %mul3A_527 = arith.constant 8 : i32
        %mul3A_528 = arith.muli %add3A_526, %mul3A_527 : i32
        %dma_start3A_529 = arith.constant 0 : i32
        %dma_start3A_530 = tpu.memref_slice %arg3[%add3A, %mul3A_528, %dma_start3A_529] : memref<32x128x80xi32, #tpu.memory_space<hbm>> -> memref<1x8x80xi32, #tpu.memory_space<hbm>>
        %dma_start3A_531 = tpu.memref_squeeze %dma_start3A_530 : memref<1x8x80xi32, #tpu.memory_space<hbm>> -> memref<8x80xi32, #tpu.memory_space<hbm>>
        %dma_start3A_532 = arith.constant 0 : i32
        %dma_start3A_533 = tpu.memref_slice %arg3[%add3A, %mul3A_528, %dma_start3A_532] : memref<32x128x80xi32, #tpu.memory_space<hbm>> -> memref<1x8x80xi32, #tpu.memory_space<hbm>>
        %dma_start3A_534 = tpu.memref_squeeze %dma_start3A_533 : memref<1x8x80xi32, #tpu.memory_space<hbm>> -> memref<8x80xi32, #tpu.memory_space<hbm>>
        tpu.enqueue_dma source(%dma_start3A_534 : memref<8x80xi32, #tpu.memory_space<hbm>>) target(%arg8 : memref<8x80xi32, #tpu.memory_space<vmem>>) target_semaphore(%arg17 : memref<!tpu.dma_semaphore, #tpu.memory_space<semaphore_mem>>)
        %mul3A_535 = arith.constant 8 : i32
        %mul3A_536 = arith.muli %add3A_526, %mul3A_535 : i32
        %dma_start3A_537 = arith.constant 0 : i32
        %dma_start3A_538 = tpu.memref_slice %arg4[%add3A, %mul3A_536, %dma_start3A_537] : memref<32x128x80xi32, #tpu.memory_space<hbm>> -> memref<1x8x80xi32, #tpu.memory_space<hbm>>
        %dma_start3A_539 = tpu.memref_squeeze %dma_start3A_538 : memref<1x8x80xi32, #tpu.memory_space<hbm>> -> memref<8x80xi32, #tpu.memory_space<hbm>>
        %dma_start3A_540 = arith.constant 0 : i32
        %dma_start3A_541 = tpu.memref_slice %arg4[%add3A, %mul3A_536, %dma_start3A_540] : memref<32x128x80xi32, #tpu.memory_space<hbm>> -> memref<1x8x80xi32, #tpu.memory_space<hbm>>
        %dma_start3A_542 = tpu.memref_squeeze %dma_start3A_541 : memref<1x8x80xi32, #tpu.memory_space<hbm>> -> memref<8x80xi32, #tpu.memory_space<hbm>>
        tpu.enqueue_dma source(%dma_start3A_542 : memref<8x80xi32, #tpu.memory_space<hbm>>) target(%arg9 : memref<8x80xi32, #tpu.memory_space<vmem>>) target_semaphore(%arg17 : memref<!tpu.dma_semaphore, #tpu.memory_space<semaphore_mem>>)
      } else {
      }
      %scan3A_522 = arith.constant 0 : i32
      scf.yield %scan3A_522 : i32
    }
    %scan3A_90 = arith.constant 8 : i32
    %barrier3A_91 = arith.constant 0 : index
    tpu.barrier barrier_id(%barrier3A_91)
    %mul3A_92 = arith.constant 640 : i32
    %mul3A_93 = arith.muli %arg1, %mul3A_92 : i32
    "tpu.region"() ({
      %run_scoped3A_94 = tpu.sem_alloc : memref<!tpu.dma_semaphore, #tpu.memory_space<semaphore_mem>>
      %dma_start3A_95 = arith.constant 0 : i32
      %dma_start3A_96 = tpu.memref_slice %arg5[%arg0, %mul3A_93, %dma_start3A_95] : memref<2x10240x128xf32, #tpu.memory_space<hbm>> -> memref<1x640x128xf32, #tpu.memory_space<hbm>>
      %dma_start3A_97 = tpu.memref_squeeze %dma_start3A_96 : memref<1x640x128xf32, #tpu.memory_space<hbm>> -> memref<640x128xf32, #tpu.memory_space<hbm>>
      %dma_start3A_98 = arith.constant 0 : i32
      %dma_start3A_99 = tpu.memref_slice %arg11[%mul3A_93, %dma_start3A_98] : memref<10240x128xf32, #tpu.memory_space<vmem_shared>> -> memref<640x128xf32, #tpu.memory_space<vmem_shared>>
      tpu.enqueue_dma source(%dma_start3A_99 : memref<640x128xf32, #tpu.memory_space<vmem_shared>>) target(%dma_start3A_97 : memref<640x128xf32, #tpu.memory_space<hbm>>) target_semaphore(%run_scoped3A_94 : memref<!tpu.dma_semaphore, #tpu.memory_space<semaphore_mem>>)
      %dma_wait3A = arith.constant 0 : i32
      %dma_wait3A_100 = tpu.memref_slice %arg5[%arg0, %mul3A_93, %dma_wait3A] : memref<2x10240x128xf32, #tpu.memory_space<hbm>> -> memref<1x640x128xf32, #tpu.memory_space<hbm>>
      %dma_wait3A_101 = tpu.memref_squeeze %dma_wait3A_100 : memref<1x640x128xf32, #tpu.memory_space<hbm>> -> memref<640x128xf32, #tpu.memory_space<hbm>>
      %dma_wait3A_102 = arith.constant 0 : i32
      %dma_wait3A_103 = tpu.memref_slice %arg11[%mul3A_93, %dma_wait3A_102] : memref<10240x128xf32, #tpu.memory_space<vmem_shared>> -> memref<640x128xf32, #tpu.memory_space<vmem_shared>>
      tpu.wait_dma2 semaphore(%run_scoped3A_94 : memref<!tpu.dma_semaphore, #tpu.memory_space<semaphore_mem>>) src(%dma_wait3A_103 : memref<640x128xf32, #tpu.memory_space<vmem_shared>>) dst(%dma_wait3A_101 : memref<640x128xf32, #tpu.memory_space<hbm>>)
      tpu.yield
    }) : () -> ()
    return
  }
}

#map = affine_map<(d0, d1) -> (0, 0)>
#map1 = affine_map<(d0, d1) -> (0, 0, 0)>
module attributes {stable_mosaic.version = 14 : i64} {
  func.func @_agg(%arg0: i32, %arg1: i32, %arg2: memref<10000x128xf32, #tpu.memory_space<hbm>>, %arg3: memref<32x128x80xi32, #tpu.memory_space<hbm>>, %arg4: memref<32x128x80xi32, #tpu.memory_space<hbm>>, %arg5: memref<2x10240x128xf32, #tpu.memory_space<hbm>>, %arg6: memref<8x80xi32, #tpu.memory_space<vmem>>, %arg7: memref<8x80xi32, #tpu.memory_space<vmem>>, %arg8: memref<8x80xi32, #tpu.memory_space<vmem>>, %arg9: memref<8x80xi32, #tpu.memory_space<vmem>>, %arg10: memref<4x80x128xf32, #tpu.memory_space<vmem>>, %arg11: memref<10240x128xf32, #tpu.memory_space<vmem_shared>>, %arg12: memref<!tpu.dma_semaphore, #tpu.memory_space<semaphore_mem>>, %arg13: memref<!tpu.dma_semaphore, #tpu.memory_space<semaphore_mem>>, %arg14: memref<!tpu.dma_semaphore, #tpu.memory_space<semaphore_mem>>, %arg15: memref<!tpu.dma_semaphore, #tpu.memory_space<semaphore_mem>>, %arg16: memref<!tpu.dma_semaphore, #tpu.memory_space<semaphore_mem>>, %arg17: memref<!tpu.dma_semaphore, #tpu.memory_space<semaphore_mem>>) attributes {dimension_semantics = [#tpu.dimension_semantics<core_parallel>, #tpu.dimension_semantics<subcore_parallel>], iteration_bounds = array<i64: 2, 16>, scalar_prefetch = 0 : i64, scratch_operands = 12 : i64, tpu.core_type = #tpu.core_type<sc_vector_subcore>, window_params = [{transform_indices = #map}, {transform_indices = #map1}, {transform_indices = #map1}, {transform_indices = #map1}]} {
    %mul3A = arith.constant 2 : i32
    %mul3A_0 = arith.muli %arg1, %mul3A : i32
    %add3A = arith.addi %mul3A_0, %arg0 : i32
    "tpu.region"() ({
      %run_scoped3A_94 = tpu.sem_alloc : memref<!tpu.dma_semaphore, #tpu.memory_space<semaphore_mem>>
      %dma_start3A_95 = arith.constant 0 : i32
      %dma_start3A_96 = arith.constant 0 : i32
      %dma_start3A_97 = tpu.memref_slice %arg3[%add3A, %dma_start3A_95, %dma_start3A_96] : memref<32x128x80xi32, #tpu.memory_space<hbm>> -> memref<1x8x80xi32, #tpu.memory_space<hbm>>
      %dma_start3A_98 = tpu.memref_squeeze %dma_start3A_97 : memref<1x8x80xi32, #tpu.memory_space<hbm>> -> memref<8x80xi32, #tpu.memory_space<hbm>>
      %dma_start3A_99 = arith.constant 0 : i32
      %dma_start3A_100 = arith.constant 0 : i32
      %dma_start3A_101 = tpu.memref_slice %arg3[%add3A, %dma_start3A_99, %dma_start3A_100] : memref<32x128x80xi32, #tpu.memory_space<hbm>> -> memref<1x8x80xi32, #tpu.memory_space<hbm>>
      %dma_start3A_102 = tpu.memref_squeeze %dma_start3A_101 : memref<1x8x80xi32, #tpu.memory_space<hbm>> -> memref<8x80xi32, #tpu.memory_space<hbm>>
      tpu.enqueue_dma source(%dma_start3A_102 : memref<8x80xi32, #tpu.memory_space<hbm>>) target(%arg6 : memref<8x80xi32, #tpu.memory_space<vmem>>) target_semaphore(%run_scoped3A_94 : memref<!tpu.dma_semaphore, #tpu.memory_space<semaphore_mem>>)
      %dma_wait3A = arith.constant 0 : i32
      %dma_wait3A_103 = arith.constant 0 : i32
      %dma_wait3A_104 = tpu.memref_slice %arg3[%add3A, %dma_wait3A, %dma_wait3A_103] : memref<32x128x80xi32, #tpu.memory_space<hbm>> -> memref<1x8x80xi32, #tpu.memory_space<hbm>>
      %dma_wait3A_105 = tpu.memref_squeeze %dma_wait3A_104 : memref<1x8x80xi32, #tpu.memory_space<hbm>> -> memref<8x80xi32, #tpu.memory_space<hbm>>
      %dma_wait3A_106 = arith.constant 0 : i32
      %dma_wait3A_107 = arith.constant 0 : i32
      %dma_wait3A_108 = tpu.memref_slice %arg3[%add3A, %dma_wait3A_106, %dma_wait3A_107] : memref<32x128x80xi32, #tpu.memory_space<hbm>> -> memref<1x8x80xi32, #tpu.memory_space<hbm>>
      %dma_wait3A_109 = tpu.memref_squeeze %dma_wait3A_108 : memref<1x8x80xi32, #tpu.memory_space<hbm>> -> memref<8x80xi32, #tpu.memory_space<hbm>>
      tpu.wait_dma2 semaphore(%run_scoped3A_94 : memref<!tpu.dma_semaphore, #tpu.memory_space<semaphore_mem>>) src(%dma_wait3A_109 : memref<8x80xi32, #tpu.memory_space<hbm>>) dst(%arg6 : memref<8x80xi32, #tpu.memory_space<vmem>>)
      tpu.yield
    }) : () -> ()
    "tpu.region"() ({
      %run_scoped3A_94 = tpu.sem_alloc : memref<!tpu.dma_semaphore, #tpu.memory_space<semaphore_mem>>
      %dma_start3A_95 = arith.constant 0 : i32
      %dma_start3A_96 = arith.constant 0 : i32
      %dma_start3A_97 = tpu.memref_slice %arg4[%add3A, %dma_start3A_95, %dma_start3A_96] : memref<32x128x80xi32, #tpu.memory_space<hbm>> -> memref<1x8x80xi32, #tpu.memory_space<hbm>>
      %dma_start3A_98 = tpu.memref_squeeze %dma_start3A_97 : memref<1x8x80xi32, #tpu.memory_space<hbm>> -> memref<8x80xi32, #tpu.memory_space<hbm>>
      %dma_start3A_99 = arith.constant 0 : i32
      %dma_start3A_100 = arith.constant 0 : i32
      %dma_start3A_101 = tpu.memref_slice %arg4[%add3A, %dma_start3A_99, %dma_start3A_100] : memref<32x128x80xi32, #tpu.memory_space<hbm>> -> memref<1x8x80xi32, #tpu.memory_space<hbm>>
      %dma_start3A_102 = tpu.memref_squeeze %dma_start3A_101 : memref<1x8x80xi32, #tpu.memory_space<hbm>> -> memref<8x80xi32, #tpu.memory_space<hbm>>
      tpu.enqueue_dma source(%dma_start3A_102 : memref<8x80xi32, #tpu.memory_space<hbm>>) target(%arg7 : memref<8x80xi32, #tpu.memory_space<vmem>>) target_semaphore(%run_scoped3A_94 : memref<!tpu.dma_semaphore, #tpu.memory_space<semaphore_mem>>)
      %dma_wait3A = arith.constant 0 : i32
      %dma_wait3A_103 = arith.constant 0 : i32
      %dma_wait3A_104 = tpu.memref_slice %arg4[%add3A, %dma_wait3A, %dma_wait3A_103] : memref<32x128x80xi32, #tpu.memory_space<hbm>> -> memref<1x8x80xi32, #tpu.memory_space<hbm>>
      %dma_wait3A_105 = tpu.memref_squeeze %dma_wait3A_104 : memref<1x8x80xi32, #tpu.memory_space<hbm>> -> memref<8x80xi32, #tpu.memory_space<hbm>>
      %dma_wait3A_106 = arith.constant 0 : i32
      %dma_wait3A_107 = arith.constant 0 : i32
      %dma_wait3A_108 = tpu.memref_slice %arg4[%add3A, %dma_wait3A_106, %dma_wait3A_107] : memref<32x128x80xi32, #tpu.memory_space<hbm>> -> memref<1x8x80xi32, #tpu.memory_space<hbm>>
      %dma_wait3A_109 = tpu.memref_squeeze %dma_wait3A_108 : memref<1x8x80xi32, #tpu.memory_space<hbm>> -> memref<8x80xi32, #tpu.memory_space<hbm>>
      tpu.wait_dma2 semaphore(%run_scoped3A_94 : memref<!tpu.dma_semaphore, #tpu.memory_space<semaphore_mem>>) src(%dma_wait3A_109 : memref<8x80xi32, #tpu.memory_space<hbm>>) dst(%arg7 : memref<8x80xi32, #tpu.memory_space<vmem>>)
      tpu.yield
    }) : () -> ()
    %dma_start3A = arith.constant 8 : i32
    %dma_start3A_1 = arith.constant 0 : i32
    %dma_start3A_2 = tpu.memref_slice %arg3[%add3A, %dma_start3A, %dma_start3A_1] : memref<32x128x80xi32, #tpu.memory_space<hbm>> -> memref<1x8x80xi32, #tpu.memory_space<hbm>>
    %dma_start3A_3 = tpu.memref_squeeze %dma_start3A_2 : memref<1x8x80xi32, #tpu.memory_space<hbm>> -> memref<8x80xi32, #tpu.memory_space<hbm>>
    %dma_start3A_4 = arith.constant 8 : i32
    %dma_start3A_5 = arith.constant 0 : i32
    %dma_start3A_6 = tpu.memref_slice %arg3[%add3A, %dma_start3A_4, %dma_start3A_5] : memref<32x128x80xi32, #tpu.memory_space<hbm>> -> memref<1x8x80xi32, #tpu.memory_space<hbm>>
    %dma_start3A_7 = tpu.memref_squeeze %dma_start3A_6 : memref<1x8x80xi32, #tpu.memory_space<hbm>> -> memref<8x80xi32, #tpu.memory_space<hbm>>
    tpu.enqueue_dma source(%dma_start3A_7 : memref<8x80xi32, #tpu.memory_space<hbm>>) target(%arg8 : memref<8x80xi32, #tpu.memory_space<vmem>>) target_semaphore(%arg17 : memref<!tpu.dma_semaphore, #tpu.memory_space<semaphore_mem>>)
    %dma_start3A_8 = arith.constant 8 : i32
    %dma_start3A_9 = arith.constant 0 : i32
    %dma_start3A_10 = tpu.memref_slice %arg4[%add3A, %dma_start3A_8, %dma_start3A_9] : memref<32x128x80xi32, #tpu.memory_space<hbm>> -> memref<1x8x80xi32, #tpu.memory_space<hbm>>
    %dma_start3A_11 = tpu.memref_squeeze %dma_start3A_10 : memref<1x8x80xi32, #tpu.memory_space<hbm>> -> memref<8x80xi32, #tpu.memory_space<hbm>>
    %dma_start3A_12 = arith.constant 8 : i32
    %dma_start3A_13 = arith.constant 0 : i32
    %dma_start3A_14 = tpu.memref_slice %arg4[%add3A, %dma_start3A_12, %dma_start3A_13] : memref<32x128x80xi32, #tpu.memory_space<hbm>> -> memref<1x8x80xi32, #tpu.memory_space<hbm>>
    %dma_start3A_15 = tpu.memref_squeeze %dma_start3A_14 : memref<1x8x80xi32, #tpu.memory_space<hbm>> -> memref<8x80xi32, #tpu.memory_space<hbm>>
    tpu.enqueue_dma source(%dma_start3A_15 : memref<8x80xi32, #tpu.memory_space<hbm>>) target(%arg9 : memref<8x80xi32, #tpu.memory_space<vmem>>) target_semaphore(%arg17 : memref<!tpu.dma_semaphore, #tpu.memory_space<semaphore_mem>>)
    %dma_start3A_16 = arith.constant 0 : i32
    %dma_start3A_17 = arith.constant 0 : i32
    %dma_start3A_18 = arith.constant 0 : i32
    %dma_start3A_19 = arith.constant 0 : i32
    %dma_start3A_20 = tpu.memref_slice %arg10[%dma_start3A_17, %dma_start3A_18, %dma_start3A_19] : memref<4x80x128xf32, #tpu.memory_space<vmem>> -> memref<1x80x128xf32, #tpu.memory_space<vmem>>
    %dma_start3A_21 = tpu.memref_squeeze %dma_start3A_20 : memref<1x80x128xf32, #tpu.memory_space<vmem>> -> memref<80x128xf32, #tpu.memory_space<vmem>>
    %dma_start3A_22 = arith.constant 0 : i32
    %dma_start3A_23 = tpu.memref_slice %arg6[%dma_start3A_16, %dma_start3A_22] : memref<8x80xi32, #tpu.memory_space<vmem>> -> memref<1x80xi32, #tpu.memory_space<vmem>>
    %dma_start3A_24 = tpu.memref_squeeze %dma_start3A_23 : memref<1x80xi32, #tpu.memory_space<vmem>> -> memref<80xi32, #tpu.memory_space<vmem>>
    %dma_start3A_25 = arith.constant 0 : i32
    %dma_start3A_26 = arith.constant 0 : i32
    %dma_start3A_27 = tpu.memref_slice %arg2[%dma_start3A_25, %dma_start3A_26] : memref<10000x128xf32, #tpu.memory_space<hbm>> -> memref<10000x128xf32, #tpu.memory_space<hbm>>
    tpu.enqueue_indirect_dma source(%dma_start3A_27 : memref<10000x128xf32, #tpu.memory_space<hbm>>) target(%dma_start3A_21 : memref<80x128xf32, #tpu.memory_space<vmem>>) offsets(%dma_start3A_24 : memref<80xi32, #tpu.memory_space<vmem>>) semaphore(%arg12 : memref<!tpu.dma_semaphore, #tpu.memory_space<semaphore_mem>>)
    %dma_start3A_28 = arith.constant 1 : i32
    %dma_start3A_29 = arith.constant 1 : i32
    %dma_start3A_30 = arith.constant 0 : i32
    %dma_start3A_31 = arith.constant 0 : i32
    %dma_start3A_32 = tpu.memref_slice %arg10[%dma_start3A_29, %dma_start3A_30, %dma_start3A_31] : memref<4x80x128xf32, #tpu.memory_space<vmem>> -> memref<1x80x128xf32, #tpu.memory_space<vmem>>
    %dma_start3A_33 = tpu.memref_squeeze %dma_start3A_32 : memref<1x80x128xf32, #tpu.memory_space<vmem>> -> memref<80x128xf32, #tpu.memory_space<vmem>>
    %dma_start3A_34 = arith.constant 0 : i32
    %dma_start3A_35 = tpu.memref_slice %arg6[%dma_start3A_28, %dma_start3A_34] : memref<8x80xi32, #tpu.memory_space<vmem>> -> memref<1x80xi32, #tpu.memory_space<vmem>>
    %dma_start3A_36 = tpu.memref_squeeze %dma_start3A_35 : memref<1x80xi32, #tpu.memory_space<vmem>> -> memref<80xi32, #tpu.memory_space<vmem>>
    %dma_start3A_37 = arith.constant 0 : i32
    %dma_start3A_38 = arith.constant 0 : i32
    %dma_start3A_39 = tpu.memref_slice %arg2[%dma_start3A_37, %dma_start3A_38] : memref<10000x128xf32, #tpu.memory_space<hbm>> -> memref<10000x128xf32, #tpu.memory_space<hbm>>
    tpu.enqueue_indirect_dma source(%dma_start3A_39 : memref<10000x128xf32, #tpu.memory_space<hbm>>) target(%dma_start3A_33 : memref<80x128xf32, #tpu.memory_space<vmem>>) offsets(%dma_start3A_36 : memref<80xi32, #tpu.memory_space<vmem>>) semaphore(%arg13 : memref<!tpu.dma_semaphore, #tpu.memory_space<semaphore_mem>>)
    %dma_start3A_40 = arith.constant 2 : i32
    %dma_start3A_41 = arith.constant 2 : i32
    %dma_start3A_42 = arith.constant 0 : i32
    %dma_start3A_43 = arith.constant 0 : i32
    %dma_start3A_44 = tpu.memref_slice %arg10[%dma_start3A_41, %dma_start3A_42, %dma_start3A_43] : memref<4x80x128xf32, #tpu.memory_space<vmem>> -> memref<1x80x128xf32, #tpu.memory_space<vmem>>
    %dma_start3A_45 = tpu.memref_squeeze %dma_start3A_44 : memref<1x80x128xf32, #tpu.memory_space<vmem>> -> memref<80x128xf32, #tpu.memory_space<vmem>>
    %dma_start3A_46 = arith.constant 0 : i32
    %dma_start3A_47 = tpu.memref_slice %arg6[%dma_start3A_40, %dma_start3A_46] : memref<8x80xi32, #tpu.memory_space<vmem>> -> memref<1x80xi32, #tpu.memory_space<vmem>>
    %dma_start3A_48 = tpu.memref_squeeze %dma_start3A_47 : memref<1x80xi32, #tpu.memory_space<vmem>> -> memref<80xi32, #tpu.memory_space<vmem>>
    %dma_start3A_49 = arith.constant 0 : i32
    %dma_start3A_50 = arith.constant 0 : i32
    %dma_start3A_51 = tpu.memref_slice %arg2[%dma_start3A_49, %dma_start3A_50] : memref<10000x128xf32, #tpu.memory_space<hbm>> -> memref<10000x128xf32, #tpu.memory_space<hbm>>
    tpu.enqueue_indirect_dma source(%dma_start3A_51 : memref<10000x128xf32, #tpu.memory_space<hbm>>) target(%dma_start3A_45 : memref<80x128xf32, #tpu.memory_space<vmem>>) offsets(%dma_start3A_48 : memref<80xi32, #tpu.memory_space<vmem>>) semaphore(%arg14 : memref<!tpu.dma_semaphore, #tpu.memory_space<semaphore_mem>>)
    %scan3A = arith.constant 3 : i32
    %scan3A_52 = arith.constant 0 : i32
    %scan3A_53 = arith.constant 0 : i32
    %scan3A_54 = arith.constant 80 : i32
    %scan3A_55 = arith.addi %scan3A_53, %scan3A_54 : i32
    %scan3A_56 = arith.constant 1 : i32
    %scan3A_57 = scf.for %scan3A_94 = %scan3A_53 to %scan3A_55 step %scan3A_56 iter_args(%scan3A_95 = %scan3A_52) -> (i32)  : i32 {
      %broadcast_in_dim3A = arith.constant 0.000000e+00 : f32
      %broadcast_in_dim3A_96 = vector.broadcast %broadcast_in_dim3A : f32 to vector<16xf32>
      %swap3A = arith.constant 0 : i32
      %swap3A_97 = arith.constant 0 : i32
      %swap3A_98 = tpu.memref_slice %arg10[%scan3A, %swap3A, %swap3A_97] : memref<4x80x128xf32, #tpu.memory_space<vmem>> -> memref<1x80x128xf32, #tpu.memory_space<vmem>>
      %swap3A_99 = tpu.memref_squeeze %swap3A_98 : memref<1x80x128xf32, #tpu.memory_space<vmem>> -> memref<80x128xf32, #tpu.memory_space<vmem>>
      %swap3A_100 = arith.index_cast %scan3A_94 : i32 to index
      %swap3A_101 = arith.constant 0 : index
      %swap3A_102 = tpu.vector_load %swap3A_99[%swap3A_100, %swap3A_101] {strides = array<i32>} : memref<80x128xf32, #tpu.memory_space<vmem>>, vector<1x16xf32>,
      %swap3A_103 = vector.shape_cast %swap3A_102 : vector<1x16xf32> to vector<16xf32>
      %swap3A_104 = vector.shape_cast %broadcast_in_dim3A_96 : vector<16xf32> to vector<1x16xf32>
      tpu.vector_store %swap3A_99[%swap3A_100, %swap3A_101], %swap3A_104 {strides = array<i32>} : memref<80x128xf32, #tpu.memory_space<vmem>>, vector<1x16xf32>,
      %broadcast_in_dim3A_105 = arith.constant 0.000000e+00 : f32
      %broadcast_in_dim3A_106 = vector.broadcast %broadcast_in_dim3A_105 : f32 to vector<16xf32>
      %swap3A_107 = arith.constant 0 : i32
      %swap3A_108 = arith.constant 0 : i32
      %swap3A_109 = tpu.memref_slice %arg10[%scan3A, %swap3A_107, %swap3A_108] : memref<4x80x128xf32, #tpu.memory_space<vmem>> -> memref<1x80x128xf32, #tpu.memory_space<vmem>>
      %swap3A_110 = tpu.memref_squeeze %swap3A_109 : memref<1x80x128xf32, #tpu.memory_space<vmem>> -> memref<80x128xf32, #tpu.memory_space<vmem>>
      %swap3A_111 = arith.index_cast %scan3A_94 : i32 to index
      %swap3A_112 = arith.constant 16 : index
      %swap3A_113 = tpu.vector_load %swap3A_110[%swap3A_111, %swap3A_112] {strides = array<i32>} : memref<80x128xf32, #tpu.memory_space<vmem>>, vector<1x16xf32>,
      %swap3A_114 = vector.shape_cast %swap3A_113 : vector<1x16xf32> to vector<16xf32>
      %swap3A_115 = vector.shape_cast %broadcast_in_dim3A_106 : vector<16xf32> to vector<1x16xf32>
      tpu.vector_store %swap3A_110[%swap3A_111, %swap3A_112], %swap3A_115 {strides = array<i32>} : memref<80x128xf32, #tpu.memory_space<vmem>>, vector<1x16xf32>,
      %broadcast_in_dim3A_116 = arith.constant 0.000000e+00 : f32
      %broadcast_in_dim3A_117 = vector.broadcast %broadcast_in_dim3A_116 : f32 to vector<16xf32>
      %swap3A_118 = arith.constant 0 : i32
      %swap3A_119 = arith.constant 0 : i32
      %swap3A_120 = tpu.memref_slice %arg10[%scan3A, %swap3A_118, %swap3A_119] : memref<4x80x128xf32, #tpu.memory_space<vmem>> -> memref<1x80x128xf32, #tpu.memory_space<vmem>>
      %swap3A_121 = tpu.memref_squeeze %swap3A_120 : memref<1x80x128xf32, #tpu.memory_space<vmem>> -> memref<80x128xf32, #tpu.memory_space<vmem>>
      %swap3A_122 = arith.index_cast %scan3A_94 : i32 to index
      %swap3A_123 = arith.constant 32 : index
      %swap3A_124 = tpu.vector_load %swap3A_121[%swap3A_122, %swap3A_123] {strides = array<i32>} : memref<80x128xf32, #tpu.memory_space<vmem>>, vector<1x16xf32>,
      %swap3A_125 = vector.shape_cast %swap3A_124 : vector<1x16xf32> to vector<16xf32>
      %swap3A_126 = vector.shape_cast %broadcast_in_dim3A_117 : vector<16xf32> to vector<1x16xf32>
      tpu.vector_store %swap3A_121[%swap3A_122, %swap3A_123], %swap3A_126 {strides = array<i32>} : memref<80x128xf32, #tpu.memory_space<vmem>>, vector<1x16xf32>,
      %broadcast_in_dim3A_127 = arith.constant 0.000000e+00 : f32
      %broadcast_in_dim3A_128 = vector.broadcast %broadcast_in_dim3A_127 : f32 to vector<16xf32>
      %swap3A_129 = arith.constant 0 : i32
      %swap3A_130 = arith.constant 0 : i32
      %swap3A_131 = tpu.memref_slice %arg10[%scan3A, %swap3A_129, %swap3A_130] : memref<4x80x128xf32, #tpu.memory_space<vmem>> -> memref<1x80x128xf32, #tpu.memory_space<vmem>>
      %swap3A_132 = tpu.memref_squeeze %swap3A_131 : memref<1x80x128xf32, #tpu.memory_space<vmem>> -> memref<80x128xf32, #tpu.memory_space<vmem>>
      %swap3A_133 = arith.index_cast %scan3A_94 : i32 to index
      %swap3A_134 = arith.constant 48 : index
      %swap3A_135 = tpu.vector_load %swap3A_132[%swap3A_133, %swap3A_134] {strides = array<i32>} : memref<80x128xf32, #tpu.memory_space<vmem>>, vector<1x16xf32>,
      %swap3A_136 = vector.shape_cast %swap3A_135 : vector<1x16xf32> to vector<16xf32>
      %swap3A_137 = vector.shape_cast %broadcast_in_dim3A_128 : vector<16xf32> to vector<1x16xf32>
      tpu.vector_store %swap3A_132[%swap3A_133, %swap3A_134], %swap3A_137 {strides = array<i32>} : memref<80x128xf32, #tpu.memory_space<vmem>>, vector<1x16xf32>,
      %broadcast_in_dim3A_138 = arith.constant 0.000000e+00 : f32
      %broadcast_in_dim3A_139 = vector.broadcast %broadcast_in_dim3A_138 : f32 to vector<16xf32>
      %swap3A_140 = arith.constant 0 : i32
      %swap3A_141 = arith.constant 0 : i32
      %swap3A_142 = tpu.memref_slice %arg10[%scan3A, %swap3A_140, %swap3A_141] : memref<4x80x128xf32, #tpu.memory_space<vmem>> -> memref<1x80x128xf32, #tpu.memory_space<vmem>>
      %swap3A_143 = tpu.memref_squeeze %swap3A_142 : memref<1x80x128xf32, #tpu.memory_space<vmem>> -> memref<80x128xf32, #tpu.memory_space<vmem>>
      %swap3A_144 = arith.index_cast %scan3A_94 : i32 to index
      %swap3A_145 = arith.constant 64 : index
      %swap3A_146 = tpu.vector_load %swap3A_143[%swap3A_144, %swap3A_145] {strides = array<i32>} : memref<80x128xf32, #tpu.memory_space<vmem>>, vector<1x16xf32>,
      %swap3A_147 = vector.shape_cast %swap3A_146 : vector<1x16xf32> to vector<16xf32>
      %swap3A_148 = vector.shape_cast %broadcast_in_dim3A_139 : vector<16xf32> to vector<1x16xf32>
      tpu.vector_store %swap3A_143[%swap3A_144, %swap3A_145], %swap3A_148 {strides = array<i32>} : memref<80x128xf32, #tpu.memory_space<vmem>>, vector<1x16xf32>,
      %broadcast_in_dim3A_149 = arith.constant 0.000000e+00 : f32
      %broadcast_in_dim3A_150 = vector.broadcast %broadcast_in_dim3A_149 : f32 to vector<16xf32>
      %swap3A_151 = arith.constant 0 : i32
      %swap3A_152 = arith.constant 0 : i32
      %swap3A_153 = tpu.memref_slice %arg10[%scan3A, %swap3A_151, %swap3A_152] : memref<4x80x128xf32, #tpu.memory_space<vmem>> -> memref<1x80x128xf32, #tpu.memory_space<vmem>>
      %swap3A_154 = tpu.memref_squeeze %swap3A_153 : memref<1x80x128xf32, #tpu.memory_space<vmem>> -> memref<80x128xf32, #tpu.memory_space<vmem>>
      %swap3A_155 = arith.index_cast %scan3A_94 : i32 to index
      %swap3A_156 = arith.constant 80 : index
      %swap3A_157 = tpu.vector_load %swap3A_154[%swap3A_155, %swap3A_156] {strides = array<i32>} : memref<80x128xf32, #tpu.memory_space<vmem>>, vector<1x16xf32>,
      %swap3A_158 = vector.shape_cast %swap3A_157 : vector<1x16xf32> to vector<16xf32>
      %swap3A_159 = vector.shape_cast %broadcast_in_dim3A_150 : vector<16xf32> to vector<1x16xf32>
      tpu.vector_store %swap3A_154[%swap3A_155, %swap3A_156], %swap3A_159 {strides = array<i32>} : memref<80x128xf32, #tpu.memory_space<vmem>>, vector<1x16xf32>,
      %broadcast_in_dim3A_160 = arith.constant 0.000000e+00 : f32
      %broadcast_in_dim3A_161 = vector.broadcast %broadcast_in_dim3A_160 : f32 to vector<16xf32>
      %swap3A_162 = arith.constant 0 : i32
      %swap3A_163 = arith.constant 0 : i32
      %swap3A_164 = tpu.memref_slice %arg10[%scan3A, %swap3A_162, %swap3A_163] : memref<4x80x128xf32, #tpu.memory_space<vmem>> -> memref<1x80x128xf32, #tpu.memory_space<vmem>>
      %swap3A_165 = tpu.memref_squeeze %swap3A_164 : memref<1x80x128xf32, #tpu.memory_space<vmem>> -> memref<80x128xf32, #tpu.memory_space<vmem>>
      %swap3A_166 = arith.index_cast %scan3A_94 : i32 to index
      %swap3A_167 = arith.constant 96 : index
      %swap3A_168 = tpu.vector_load %swap3A_165[%swap3A_166, %swap3A_167] {strides = array<i32>} : memref<80x128xf32, #tpu.memory_space<vmem>>, vector<1x16xf32>,
      %swap3A_169 = vector.shape_cast %swap3A_168 : vector<1x16xf32> to vector<16xf32>
      %swap3A_170 = vector.shape_cast %broadcast_in_dim3A_161 : vector<16xf32> to vector<1x16xf32>
      tpu.vector_store %swap3A_165[%swap3A_166, %swap3A_167], %swap3A_170 {strides = array<i32>} : memref<80x128xf32, #tpu.memory_space<vmem>>, vector<1x16xf32>,
      %broadcast_in_dim3A_171 = arith.constant 0.000000e+00 : f32
      %broadcast_in_dim3A_172 = vector.broadcast %broadcast_in_dim3A_171 : f32 to vector<16xf32>
      %swap3A_173 = arith.constant 0 : i32
      %swap3A_174 = arith.constant 0 : i32
      %swap3A_175 = tpu.memref_slice %arg10[%scan3A, %swap3A_173, %swap3A_174] : memref<4x80x128xf32, #tpu.memory_space<vmem>> -> memref<1x80x128xf32, #tpu.memory_space<vmem>>
      %swap3A_176 = tpu.memref_squeeze %swap3A_175 : memref<1x80x128xf32, #tpu.memory_space<vmem>> -> memref<80x128xf32, #tpu.memory_space<vmem>>
      %swap3A_177 = arith.index_cast %scan3A_94 : i32 to index
      %swap3A_178 = arith.constant 112 : index
      %swap3A_179 = tpu.vector_load %swap3A_176[%swap3A_177, %swap3A_178] {strides = array<i32>} : memref<80x128xf32, #tpu.memory_space<vmem>>, vector<1x16xf32>,
      %swap3A_180 = vector.shape_cast %swap3A_179 : vector<1x16xf32> to vector<16xf32>
      %swap3A_181 = vector.shape_cast %broadcast_in_dim3A_172 : vector<16xf32> to vector<1x16xf32>
      tpu.vector_store %swap3A_176[%swap3A_177, %swap3A_178], %swap3A_181 {strides = array<i32>} : memref<80x128xf32, #tpu.memory_space<vmem>>, vector<1x16xf32>,
      %scan3A_182 = arith.constant 0 : i32
      scf.yield %scan3A_182 : i32
    }
    %scan3A_58 = arith.constant 80 : i32
    %mul3A_59 = arith.constant 640 : i32
    %mul3A_60 = arith.muli %arg1, %mul3A_59 : i32
    %add3A_61 = arith.constant 0 : i32
    %add3A_62 = arith.addi %mul3A_60, %add3A_61 : i32
    %run_scoped3A = arith.constant 3 : i32
    "tpu.region"() ({
      %run_scoped3A_94 = tpu.sem_alloc : memref<!tpu.dma_semaphore, #tpu.memory_space<semaphore_mem>>
      %dma_start3A_95 = arith.constant 0 : i32
      %dma_start3A_96 = arith.constant 0 : i32
      %dma_start3A_97 = tpu.memref_slice %arg10[%run_scoped3A, %dma_start3A_95, %dma_start3A_96] : memref<4x80x128xf32, #tpu.memory_space<vmem>> -> memref<1x80x128xf32, #tpu.memory_space<vmem>>
      %dma_start3A_98 = tpu.memref_squeeze %dma_start3A_97 : memref<1x80x128xf32, #tpu.memory_space<vmem>> -> memref<80x128xf32, #tpu.memory_space<vmem>>
      %dma_start3A_99 = arith.constant 0 : i32
      %dma_start3A_100 = arith.constant 0 : i32
      %dma_start3A_101 = tpu.memref_slice %dma_start3A_98[%dma_start3A_99, %dma_start3A_100] : memref<80x128xf32, #tpu.memory_space<vmem>> -> memref<80x128xf32, #tpu.memory_space<vmem>>
      %dma_start3A_102 = arith.constant 0 : i32
      %dma_start3A_103 = tpu.memref_slice %arg11[%add3A_62, %dma_start3A_102] : memref<10240x128xf32, #tpu.memory_space<vmem_shared>> -> memref<80x128xf32, #tpu.memory_space<vmem_shared>>
      %dma_start3A_104 = arith.constant 0 : i32
      %dma_start3A_105 = tpu.memref_slice %arg11[%add3A_62, %dma_start3A_104] : memref<10240x128xf32, #tpu.memory_space<vmem_shared>> -> memref<80x128xf32, #tpu.memory_space<vmem_shared>>
      %dma_start3A_106 = arith.constant 0 : i32
      %dma_start3A_107 = arith.constant 0 : i32
      %dma_start3A_108 = tpu.memref_slice %arg10[%run_scoped3A, %dma_start3A_106, %dma_start3A_107] : memref<4x80x128xf32, #tpu.memory_space<vmem>> -> memref<1x80x128xf32, #tpu.memory_space<vmem>>
      %dma_start3A_109 = tpu.memref_squeeze %dma_start3A_108 : memref<1x80x128xf32, #tpu.memory_space<vmem>> -> memref<80x128xf32, #tpu.memory_space<vmem>>
      %dma_start3A_110 = arith.constant 0 : i32
      %dma_start3A_111 = arith.constant 0 : i32
      %dma_start3A_112 = tpu.memref_slice %dma_start3A_109[%dma_start3A_110, %dma_start3A_111] : memref<80x128xf32, #tpu.memory_space<vmem>> -> memref<80x128xf32, #tpu.memory_space<vmem>>
      tpu.enqueue_dma source(%dma_start3A_112 : memref<80x128xf32, #tpu.memory_space<vmem>>) target(%dma_start3A_105 : memref<80x128xf32, #tpu.memory_space<vmem_shared>>) target_semaphore(%run_scoped3A_94 : memref<!tpu.dma_semaphore, #tpu.memory_space<semaphore_mem>>)
      %dma_wait3A = arith.constant 0 : i32
      %dma_wait3A_113 = arith.constant 0 : i32
      %dma_wait3A_114 = tpu.memref_slice %arg10[%run_scoped3A, %dma_wait3A, %dma_wait3A_113] : memref<4x80x128xf32, #tpu.memory_space<vmem>> -> memref<1x80x128xf32, #tpu.memory_space<vmem>>
      %dma_wait3A_115 = tpu.memref_squeeze %dma_wait3A_114 : memref<1x80x128xf32, #tpu.memory_space<vmem>> -> memref<80x128xf32, #tpu.memory_space<vmem>>
      %dma_wait3A_116 = arith.constant 0 : i32
      %dma_wait3A_117 = arith.constant 0 : i32
      %dma_wait3A_118 = tpu.memref_slice %dma_wait3A_115[%dma_wait3A_116, %dma_wait3A_117] : memref<80x128xf32, #tpu.memory_space<vmem>> -> memref<80x128xf32, #tpu.memory_space<vmem>>
      %dma_wait3A_119 = arith.constant 0 : i32
      %dma_wait3A_120 = tpu.memref_slice %arg11[%add3A_62, %dma_wait3A_119] : memref<10240x128xf32, #tpu.memory_space<vmem_shared>> -> memref<80x128xf32, #tpu.memory_space<vmem_shared>>
      %dma_wait3A_121 = arith.constant 0 : i32
      %dma_wait3A_122 = tpu.memref_slice %arg11[%add3A_62, %dma_wait3A_121] : memref<10240x128xf32, #tpu.memory_space<vmem_shared>> -> memref<80x128xf32, #tpu.memory_space<vmem_shared>>
      %dma_wait3A_123 = arith.constant 0 : i32
      %dma_wait3A_124 = arith.constant 0 : i32
      %dma_wait3A_125 = tpu.memref_slice %arg10[%run_scoped3A, %dma_wait3A_123, %dma_wait3A_124] : memref<4x80x128xf32, #tpu.memory_space<vmem>> -> memref<1x80x128xf32, #tpu.memory_space<vmem>>
      %dma_wait3A_126 = tpu.memref_squeeze %dma_wait3A_125 : memref<1x80x128xf32, #tpu.memory_space<vmem>> -> memref<80x128xf32, #tpu.memory_space<vmem>>
      %dma_wait3A_127 = arith.constant 0 : i32
      %dma_wait3A_128 = arith.constant 0 : i32
      %dma_wait3A_129 = tpu.memref_slice %dma_wait3A_126[%dma_wait3A_127, %dma_wait3A_128] : memref<80x128xf32, #tpu.memory_space<vmem>> -> memref<80x128xf32, #tpu.memory_space<vmem>>
      tpu.wait_dma2 semaphore(%run_scoped3A_94 : memref<!tpu.dma_semaphore, #tpu.memory_space<semaphore_mem>>) src(%dma_wait3A_129 : memref<80x128xf32, #tpu.memory_space<vmem>>) dst(%dma_wait3A_122 : memref<80x128xf32, #tpu.memory_space<vmem_shared>>)
      tpu.yield
    }) : () -> ()
    %add3A_63 = arith.constant 80 : i32
    %add3A_64 = arith.addi %mul3A_60, %add3A_63 : i32
    %run_scoped3A_65 = arith.constant 3 : i32
    "tpu.region"() ({
      %run_scoped3A_94 = tpu.sem_alloc : memref<!tpu.dma_semaphore, #tpu.memory_space<semaphore_mem>>
      %dma_start3A_95 = arith.constant 0 : i32
      %dma_start3A_96 = arith.constant 0 : i32
      %dma_start3A_97 = tpu.memref_slice %arg10[%run_scoped3A_65, %dma_start3A_95, %dma_start3A_96] : memref<4x80x128xf32, #tpu.memory_space<vmem>> -> memref<1x80x128xf32, #tpu.memory_space<vmem>>
      %dma_start3A_98 = tpu.memref_squeeze %dma_start3A_97 : memref<1x80x128xf32, #tpu.memory_space<vmem>> -> memref<80x128xf32, #tpu.memory_space<vmem>>
      %dma_start3A_99 = arith.constant 0 : i32
      %dma_start3A_100 = arith.constant 0 : i32
      %dma_start3A_101 = tpu.memref_slice %dma_start3A_98[%dma_start3A_99, %dma_start3A_100] : memref<80x128xf32, #tpu.memory_space<vmem>> -> memref<80x128xf32, #tpu.memory_space<vmem>>
      %dma_start3A_102 = arith.constant 0 : i32
      %dma_start3A_103 = tpu.memref_slice %arg11[%add3A_64, %dma_start3A_102] : memref<10240x128xf32, #tpu.memory_space<vmem_shared>> -> memref<80x128xf32, #tpu.memory_space<vmem_shared>>
      %dma_start3A_104 = arith.constant 0 : i32
      %dma_start3A_105 = tpu.memref_slice %arg11[%add3A_64, %dma_start3A_104] : memref<10240x128xf32, #tpu.memory_space<vmem_shared>> -> memref<80x128xf32, #tpu.memory_space<vmem_shared>>
      %dma_start3A_106 = arith.constant 0 : i32
      %dma_start3A_107 = arith.constant 0 : i32
      %dma_start3A_108 = tpu.memref_slice %arg10[%run_scoped3A_65, %dma_start3A_106, %dma_start3A_107] : memref<4x80x128xf32, #tpu.memory_space<vmem>> -> memref<1x80x128xf32, #tpu.memory_space<vmem>>
      %dma_start3A_109 = tpu.memref_squeeze %dma_start3A_108 : memref<1x80x128xf32, #tpu.memory_space<vmem>> -> memref<80x128xf32, #tpu.memory_space<vmem>>
      %dma_start3A_110 = arith.constant 0 : i32
      %dma_start3A_111 = arith.constant 0 : i32
      %dma_start3A_112 = tpu.memref_slice %dma_start3A_109[%dma_start3A_110, %dma_start3A_111] : memref<80x128xf32, #tpu.memory_space<vmem>> -> memref<80x128xf32, #tpu.memory_space<vmem>>
      tpu.enqueue_dma source(%dma_start3A_112 : memref<80x128xf32, #tpu.memory_space<vmem>>) target(%dma_start3A_105 : memref<80x128xf32, #tpu.memory_space<vmem_shared>>) target_semaphore(%run_scoped3A_94 : memref<!tpu.dma_semaphore, #tpu.memory_space<semaphore_mem>>)
      %dma_wait3A = arith.constant 0 : i32
      %dma_wait3A_113 = arith.constant 0 : i32
      %dma_wait3A_114 = tpu.memref_slice %arg10[%run_scoped3A_65, %dma_wait3A, %dma_wait3A_113] : memref<4x80x128xf32, #tpu.memory_space<vmem>> -> memref<1x80x128xf32, #tpu.memory_space<vmem>>
      %dma_wait3A_115 = tpu.memref_squeeze %dma_wait3A_114 : memref<1x80x128xf32, #tpu.memory_space<vmem>> -> memref<80x128xf32, #tpu.memory_space<vmem>>
      %dma_wait3A_116 = arith.constant 0 : i32
      %dma_wait3A_117 = arith.constant 0 : i32
      %dma_wait3A_118 = tpu.memref_slice %dma_wait3A_115[%dma_wait3A_116, %dma_wait3A_117] : memref<80x128xf32, #tpu.memory_space<vmem>> -> memref<80x128xf32, #tpu.memory_space<vmem>>
      %dma_wait3A_119 = arith.constant 0 : i32
      %dma_wait3A_120 = tpu.memref_slice %arg11[%add3A_64, %dma_wait3A_119] : memref<10240x128xf32, #tpu.memory_space<vmem_shared>> -> memref<80x128xf32, #tpu.memory_space<vmem_shared>>
      %dma_wait3A_121 = arith.constant 0 : i32
      %dma_wait3A_122 = tpu.memref_slice %arg11[%add3A_64, %dma_wait3A_121] : memref<10240x128xf32, #tpu.memory_space<vmem_shared>> -> memref<80x128xf32, #tpu.memory_space<vmem_shared>>
      %dma_wait3A_123 = arith.constant 0 : i32
      %dma_wait3A_124 = arith.constant 0 : i32
      %dma_wait3A_125 = tpu.memref_slice %arg10[%run_scoped3A_65, %dma_wait3A_123, %dma_wait3A_124] : memref<4x80x128xf32, #tpu.memory_space<vmem>> -> memref<1x80x128xf32, #tpu.memory_space<vmem>>
      %dma_wait3A_126 = tpu.memref_squeeze %dma_wait3A_125 : memref<1x80x128xf32, #tpu.memory_space<vmem>> -> memref<80x128xf32, #tpu.memory_space<vmem>>
      %dma_wait3A_127 = arith.constant 0 : i32
      %dma_wait3A_128 = arith.constant 0 : i32
      %dma_wait3A_129 = tpu.memref_slice %dma_wait3A_126[%dma_wait3A_127, %dma_wait3A_128] : memref<80x128xf32, #tpu.memory_space<vmem>> -> memref<80x128xf32, #tpu.memory_space<vmem>>
      tpu.wait_dma2 semaphore(%run_scoped3A_94 : memref<!tpu.dma_semaphore, #tpu.memory_space<semaphore_mem>>) src(%dma_wait3A_129 : memref<80x128xf32, #tpu.memory_space<vmem>>) dst(%dma_wait3A_122 : memref<80x128xf32, #tpu.memory_space<vmem_shared>>)
      tpu.yield
    }) : () -> ()
    %add3A_66 = arith.constant 160 : i32
    %add3A_67 = arith.addi %mul3A_60, %add3A_66 : i32
    %run_scoped3A_68 = arith.constant 3 : i32
    "tpu.region"() ({
      %run_scoped3A_94 = tpu.sem_alloc : memref<!tpu.dma_semaphore, #tpu.memory_space<semaphore_mem>>
      %dma_start3A_95 = arith.constant 0 : i32
      %dma_start3A_96 = arith.constant 0 : i32
      %dma_start3A_97 = tpu.memref_slice %arg10[%run_scoped3A_68, %dma_start3A_95, %dma_start3A_96] : memref<4x80x128xf32, #tpu.memory_space<vmem>> -> memref<1x80x128xf32, #tpu.memory_space<vmem>>
      %dma_start3A_98 = tpu.memref_squeeze %dma_start3A_97 : memref<1x80x128xf32, #tpu.memory_space<vmem>> -> memref<80x128xf32, #tpu.memory_space<vmem>>
      %dma_start3A_99 = arith.constant 0 : i32
      %dma_start3A_100 = arith.constant 0 : i32
      %dma_start3A_101 = tpu.memref_slice %dma_start3A_98[%dma_start3A_99, %dma_start3A_100] : memref<80x128xf32, #tpu.memory_space<vmem>> -> memref<80x128xf32, #tpu.memory_space<vmem>>
      %dma_start3A_102 = arith.constant 0 : i32
      %dma_start3A_103 = tpu.memref_slice %arg11[%add3A_67, %dma_start3A_102] : memref<10240x128xf32, #tpu.memory_space<vmem_shared>> -> memref<80x128xf32, #tpu.memory_space<vmem_shared>>
      %dma_start3A_104 = arith.constant 0 : i32
      %dma_start3A_105 = tpu.memref_slice %arg11[%add3A_67, %dma_start3A_104] : memref<10240x128xf32, #tpu.memory_space<vmem_shared>> -> memref<80x128xf32, #tpu.memory_space<vmem_shared>>
      %dma_start3A_106 = arith.constant 0 : i32
      %dma_start3A_107 = arith.constant 0 : i32
      %dma_start3A_108 = tpu.memref_slice %arg10[%run_scoped3A_68, %dma_start3A_106, %dma_start3A_107] : memref<4x80x128xf32, #tpu.memory_space<vmem>> -> memref<1x80x128xf32, #tpu.memory_space<vmem>>
      %dma_start3A_109 = tpu.memref_squeeze %dma_start3A_108 : memref<1x80x128xf32, #tpu.memory_space<vmem>> -> memref<80x128xf32, #tpu.memory_space<vmem>>
      %dma_start3A_110 = arith.constant 0 : i32
      %dma_start3A_111 = arith.constant 0 : i32
      %dma_start3A_112 = tpu.memref_slice %dma_start3A_109[%dma_start3A_110, %dma_start3A_111] : memref<80x128xf32, #tpu.memory_space<vmem>> -> memref<80x128xf32, #tpu.memory_space<vmem>>
      tpu.enqueue_dma source(%dma_start3A_112 : memref<80x128xf32, #tpu.memory_space<vmem>>) target(%dma_start3A_105 : memref<80x128xf32, #tpu.memory_space<vmem_shared>>) target_semaphore(%run_scoped3A_94 : memref<!tpu.dma_semaphore, #tpu.memory_space<semaphore_mem>>)
      %dma_wait3A = arith.constant 0 : i32
      %dma_wait3A_113 = arith.constant 0 : i32
      %dma_wait3A_114 = tpu.memref_slice %arg10[%run_scoped3A_68, %dma_wait3A, %dma_wait3A_113] : memref<4x80x128xf32, #tpu.memory_space<vmem>> -> memref<1x80x128xf32, #tpu.memory_space<vmem>>
      %dma_wait3A_115 = tpu.memref_squeeze %dma_wait3A_114 : memref<1x80x128xf32, #tpu.memory_space<vmem>> -> memref<80x128xf32, #tpu.memory_space<vmem>>
      %dma_wait3A_116 = arith.constant 0 : i32
      %dma_wait3A_117 = arith.constant 0 : i32
      %dma_wait3A_118 = tpu.memref_slice %dma_wait3A_115[%dma_wait3A_116, %dma_wait3A_117] : memref<80x128xf32, #tpu.memory_space<vmem>> -> memref<80x128xf32, #tpu.memory_space<vmem>>
      %dma_wait3A_119 = arith.constant 0 : i32
      %dma_wait3A_120 = tpu.memref_slice %arg11[%add3A_67, %dma_wait3A_119] : memref<10240x128xf32, #tpu.memory_space<vmem_shared>> -> memref<80x128xf32, #tpu.memory_space<vmem_shared>>
      %dma_wait3A_121 = arith.constant 0 : i32
      %dma_wait3A_122 = tpu.memref_slice %arg11[%add3A_67, %dma_wait3A_121] : memref<10240x128xf32, #tpu.memory_space<vmem_shared>> -> memref<80x128xf32, #tpu.memory_space<vmem_shared>>
      %dma_wait3A_123 = arith.constant 0 : i32
      %dma_wait3A_124 = arith.constant 0 : i32
      %dma_wait3A_125 = tpu.memref_slice %arg10[%run_scoped3A_68, %dma_wait3A_123, %dma_wait3A_124] : memref<4x80x128xf32, #tpu.memory_space<vmem>> -> memref<1x80x128xf32, #tpu.memory_space<vmem>>
      %dma_wait3A_126 = tpu.memref_squeeze %dma_wait3A_125 : memref<1x80x128xf32, #tpu.memory_space<vmem>> -> memref<80x128xf32, #tpu.memory_space<vmem>>
      %dma_wait3A_127 = arith.constant 0 : i32
      %dma_wait3A_128 = arith.constant 0 : i32
      %dma_wait3A_129 = tpu.memref_slice %dma_wait3A_126[%dma_wait3A_127, %dma_wait3A_128] : memref<80x128xf32, #tpu.memory_space<vmem>> -> memref<80x128xf32, #tpu.memory_space<vmem>>
      tpu.wait_dma2 semaphore(%run_scoped3A_94 : memref<!tpu.dma_semaphore, #tpu.memory_space<semaphore_mem>>) src(%dma_wait3A_129 : memref<80x128xf32, #tpu.memory_space<vmem>>) dst(%dma_wait3A_122 : memref<80x128xf32, #tpu.memory_space<vmem_shared>>)
      tpu.yield
    }) : () -> ()
    %add3A_69 = arith.constant 240 : i32
    %add3A_70 = arith.addi %mul3A_60, %add3A_69 : i32
    %run_scoped3A_71 = arith.constant 3 : i32
    "tpu.region"() ({
      %run_scoped3A_94 = tpu.sem_alloc : memref<!tpu.dma_semaphore, #tpu.memory_space<semaphore_mem>>
      %dma_start3A_95 = arith.constant 0 : i32
      %dma_start3A_96 = arith.constant 0 : i32
      %dma_start3A_97 = tpu.memref_slice %arg10[%run_scoped3A_71, %dma_start3A_95, %dma_start3A_96] : memref<4x80x128xf32, #tpu.memory_space<vmem>> -> memref<1x80x128xf32, #tpu.memory_space<vmem>>
      %dma_start3A_98 = tpu.memref_squeeze %dma_start3A_97 : memref<1x80x128xf32, #tpu.memory_space<vmem>> -> memref<80x128xf32, #tpu.memory_space<vmem>>
      %dma_start3A_99 = arith.constant 0 : i32
      %dma_start3A_100 = arith.constant 0 : i32
      %dma_start3A_101 = tpu.memref_slice %dma_start3A_98[%dma_start3A_99, %dma_start3A_100] : memref<80x128xf32, #tpu.memory_space<vmem>> -> memref<80x128xf32, #tpu.memory_space<vmem>>
      %dma_start3A_102 = arith.constant 0 : i32
      %dma_start3A_103 = tpu.memref_slice %arg11[%add3A_70, %dma_start3A_102] : memref<10240x128xf32, #tpu.memory_space<vmem_shared>> -> memref<80x128xf32, #tpu.memory_space<vmem_shared>>
      %dma_start3A_104 = arith.constant 0 : i32
      %dma_start3A_105 = tpu.memref_slice %arg11[%add3A_70, %dma_start3A_104] : memref<10240x128xf32, #tpu.memory_space<vmem_shared>> -> memref<80x128xf32, #tpu.memory_space<vmem_shared>>
      %dma_start3A_106 = arith.constant 0 : i32
      %dma_start3A_107 = arith.constant 0 : i32
      %dma_start3A_108 = tpu.memref_slice %arg10[%run_scoped3A_71, %dma_start3A_106, %dma_start3A_107] : memref<4x80x128xf32, #tpu.memory_space<vmem>> -> memref<1x80x128xf32, #tpu.memory_space<vmem>>
      %dma_start3A_109 = tpu.memref_squeeze %dma_start3A_108 : memref<1x80x128xf32, #tpu.memory_space<vmem>> -> memref<80x128xf32, #tpu.memory_space<vmem>>
      %dma_start3A_110 = arith.constant 0 : i32
      %dma_start3A_111 = arith.constant 0 : i32
      %dma_start3A_112 = tpu.memref_slice %dma_start3A_109[%dma_start3A_110, %dma_start3A_111] : memref<80x128xf32, #tpu.memory_space<vmem>> -> memref<80x128xf32, #tpu.memory_space<vmem>>
      tpu.enqueue_dma source(%dma_start3A_112 : memref<80x128xf32, #tpu.memory_space<vmem>>) target(%dma_start3A_105 : memref<80x128xf32, #tpu.memory_space<vmem_shared>>) target_semaphore(%run_scoped3A_94 : memref<!tpu.dma_semaphore, #tpu.memory_space<semaphore_mem>>)
      %dma_wait3A = arith.constant 0 : i32
      %dma_wait3A_113 = arith.constant 0 : i32
      %dma_wait3A_114 = tpu.memref_slice %arg10[%run_scoped3A_71, %dma_wait3A, %dma_wait3A_113] : memref<4x80x128xf32, #tpu.memory_space<vmem>> -> memref<1x80x128xf32, #tpu.memory_space<vmem>>
      %dma_wait3A_115 = tpu.memref_squeeze %dma_wait3A_114 : memref<1x80x128xf32, #tpu.memory_space<vmem>> -> memref<80x128xf32, #tpu.memory_space<vmem>>
      %dma_wait3A_116 = arith.constant 0 : i32
      %dma_wait3A_117 = arith.constant 0 : i32
      %dma_wait3A_118 = tpu.memref_slice %dma_wait3A_115[%dma_wait3A_116, %dma_wait3A_117] : memref<80x128xf32, #tpu.memory_space<vmem>> -> memref<80x128xf32, #tpu.memory_space<vmem>>
      %dma_wait3A_119 = arith.constant 0 : i32
      %dma_wait3A_120 = tpu.memref_slice %arg11[%add3A_70, %dma_wait3A_119] : memref<10240x128xf32, #tpu.memory_space<vmem_shared>> -> memref<80x128xf32, #tpu.memory_space<vmem_shared>>
      %dma_wait3A_121 = arith.constant 0 : i32
      %dma_wait3A_122 = tpu.memref_slice %arg11[%add3A_70, %dma_wait3A_121] : memref<10240x128xf32, #tpu.memory_space<vmem_shared>> -> memref<80x128xf32, #tpu.memory_space<vmem_shared>>
      %dma_wait3A_123 = arith.constant 0 : i32
      %dma_wait3A_124 = arith.constant 0 : i32
      %dma_wait3A_125 = tpu.memref_slice %arg10[%run_scoped3A_71, %dma_wait3A_123, %dma_wait3A_124] : memref<4x80x128xf32, #tpu.memory_space<vmem>> -> memref<1x80x128xf32, #tpu.memory_space<vmem>>
      %dma_wait3A_126 = tpu.memref_squeeze %dma_wait3A_125 : memref<1x80x128xf32, #tpu.memory_space<vmem>> -> memref<80x128xf32, #tpu.memory_space<vmem>>
      %dma_wait3A_127 = arith.constant 0 : i32
      %dma_wait3A_128 = arith.constant 0 : i32
      %dma_wait3A_129 = tpu.memref_slice %dma_wait3A_126[%dma_wait3A_127, %dma_wait3A_128] : memref<80x128xf32, #tpu.memory_space<vmem>> -> memref<80x128xf32, #tpu.memory_space<vmem>>
      tpu.wait_dma2 semaphore(%run_scoped3A_94 : memref<!tpu.dma_semaphore, #tpu.memory_space<semaphore_mem>>) src(%dma_wait3A_129 : memref<80x128xf32, #tpu.memory_space<vmem>>) dst(%dma_wait3A_122 : memref<80x128xf32, #tpu.memory_space<vmem_shared>>)
      tpu.yield
    }) : () -> ()
    %add3A_72 = arith.constant 320 : i32
    %add3A_73 = arith.addi %mul3A_60, %add3A_72 : i32
    %run_scoped3A_74 = arith.constant 3 : i32
    "tpu.region"() ({
      %run_scoped3A_94 = tpu.sem_alloc : memref<!tpu.dma_semaphore, #tpu.memory_space<semaphore_mem>>
      %dma_start3A_95 = arith.constant 0 : i32
      %dma_start3A_96 = arith.constant 0 : i32
      %dma_start3A_97 = tpu.memref_slice %arg10[%run_scoped3A_74, %dma_start3A_95, %dma_start3A_96] : memref<4x80x128xf32, #tpu.memory_space<vmem>> -> memref<1x80x128xf32, #tpu.memory_space<vmem>>
      %dma_start3A_98 = tpu.memref_squeeze %dma_start3A_97 : memref<1x80x128xf32, #tpu.memory_space<vmem>> -> memref<80x128xf32, #tpu.memory_space<vmem>>
      %dma_start3A_99 = arith.constant 0 : i32
      %dma_start3A_100 = arith.constant 0 : i32
      %dma_start3A_101 = tpu.memref_slice %dma_start3A_98[%dma_start3A_99, %dma_start3A_100] : memref<80x128xf32, #tpu.memory_space<vmem>> -> memref<80x128xf32, #tpu.memory_space<vmem>>
      %dma_start3A_102 = arith.constant 0 : i32
      %dma_start3A_103 = tpu.memref_slice %arg11[%add3A_73, %dma_start3A_102] : memref<10240x128xf32, #tpu.memory_space<vmem_shared>> -> memref<80x128xf32, #tpu.memory_space<vmem_shared>>
      %dma_start3A_104 = arith.constant 0 : i32
      %dma_start3A_105 = tpu.memref_slice %arg11[%add3A_73, %dma_start3A_104] : memref<10240x128xf32, #tpu.memory_space<vmem_shared>> -> memref<80x128xf32, #tpu.memory_space<vmem_shared>>
      %dma_start3A_106 = arith.constant 0 : i32
      %dma_start3A_107 = arith.constant 0 : i32
      %dma_start3A_108 = tpu.memref_slice %arg10[%run_scoped3A_74, %dma_start3A_106, %dma_start3A_107] : memref<4x80x128xf32, #tpu.memory_space<vmem>> -> memref<1x80x128xf32, #tpu.memory_space<vmem>>
      %dma_start3A_109 = tpu.memref_squeeze %dma_start3A_108 : memref<1x80x128xf32, #tpu.memory_space<vmem>> -> memref<80x128xf32, #tpu.memory_space<vmem>>
      %dma_start3A_110 = arith.constant 0 : i32
      %dma_start3A_111 = arith.constant 0 : i32
      %dma_start3A_112 = tpu.memref_slice %dma_start3A_109[%dma_start3A_110, %dma_start3A_111] : memref<80x128xf32, #tpu.memory_space<vmem>> -> memref<80x128xf32, #tpu.memory_space<vmem>>
      tpu.enqueue_dma source(%dma_start3A_112 : memref<80x128xf32, #tpu.memory_space<vmem>>) target(%dma_start3A_105 : memref<80x128xf32, #tpu.memory_space<vmem_shared>>) target_semaphore(%run_scoped3A_94 : memref<!tpu.dma_semaphore, #tpu.memory_space<semaphore_mem>>)
      %dma_wait3A = arith.constant 0 : i32
      %dma_wait3A_113 = arith.constant 0 : i32
      %dma_wait3A_114 = tpu.memref_slice %arg10[%run_scoped3A_74, %dma_wait3A, %dma_wait3A_113] : memref<4x80x128xf32, #tpu.memory_space<vmem>> -> memref<1x80x128xf32, #tpu.memory_space<vmem>>
      %dma_wait3A_115 = tpu.memref_squeeze %dma_wait3A_114 : memref<1x80x128xf32, #tpu.memory_space<vmem>> -> memref<80x128xf32, #tpu.memory_space<vmem>>
      %dma_wait3A_116 = arith.constant 0 : i32
      %dma_wait3A_117 = arith.constant 0 : i32
      %dma_wait3A_118 = tpu.memref_slice %dma_wait3A_115[%dma_wait3A_116, %dma_wait3A_117] : memref<80x128xf32, #tpu.memory_space<vmem>> -> memref<80x128xf32, #tpu.memory_space<vmem>>
      %dma_wait3A_119 = arith.constant 0 : i32
      %dma_wait3A_120 = tpu.memref_slice %arg11[%add3A_73, %dma_wait3A_119] : memref<10240x128xf32, #tpu.memory_space<vmem_shared>> -> memref<80x128xf32, #tpu.memory_space<vmem_shared>>
      %dma_wait3A_121 = arith.constant 0 : i32
      %dma_wait3A_122 = tpu.memref_slice %arg11[%add3A_73, %dma_wait3A_121] : memref<10240x128xf32, #tpu.memory_space<vmem_shared>> -> memref<80x128xf32, #tpu.memory_space<vmem_shared>>
      %dma_wait3A_123 = arith.constant 0 : i32
      %dma_wait3A_124 = arith.constant 0 : i32
      %dma_wait3A_125 = tpu.memref_slice %arg10[%run_scoped3A_74, %dma_wait3A_123, %dma_wait3A_124] : memref<4x80x128xf32, #tpu.memory_space<vmem>> -> memref<1x80x128xf32, #tpu.memory_space<vmem>>
      %dma_wait3A_126 = tpu.memref_squeeze %dma_wait3A_125 : memref<1x80x128xf32, #tpu.memory_space<vmem>> -> memref<80x128xf32, #tpu.memory_space<vmem>>
      %dma_wait3A_127 = arith.constant 0 : i32
      %dma_wait3A_128 = arith.constant 0 : i32
      %dma_wait3A_129 = tpu.memref_slice %dma_wait3A_126[%dma_wait3A_127, %dma_wait3A_128] : memref<80x128xf32, #tpu.memory_space<vmem>> -> memref<80x128xf32, #tpu.memory_space<vmem>>
      tpu.wait_dma2 semaphore(%run_scoped3A_94 : memref<!tpu.dma_semaphore, #tpu.memory_space<semaphore_mem>>) src(%dma_wait3A_129 : memref<80x128xf32, #tpu.memory_space<vmem>>) dst(%dma_wait3A_122 : memref<80x128xf32, #tpu.memory_space<vmem_shared>>)
      tpu.yield
    }) : () -> ()
    %add3A_75 = arith.constant 400 : i32
    %add3A_76 = arith.addi %mul3A_60, %add3A_75 : i32
    %run_scoped3A_77 = arith.constant 3 : i32
    "tpu.region"() ({
      %run_scoped3A_94 = tpu.sem_alloc : memref<!tpu.dma_semaphore, #tpu.memory_space<semaphore_mem>>
      %dma_start3A_95 = arith.constant 0 : i32
      %dma_start3A_96 = arith.constant 0 : i32
      %dma_start3A_97 = tpu.memref_slice %arg10[%run_scoped3A_77, %dma_start3A_95, %dma_start3A_96] : memref<4x80x128xf32, #tpu.memory_space<vmem>> -> memref<1x80x128xf32, #tpu.memory_space<vmem>>
      %dma_start3A_98 = tpu.memref_squeeze %dma_start3A_97 : memref<1x80x128xf32, #tpu.memory_space<vmem>> -> memref<80x128xf32, #tpu.memory_space<vmem>>
      %dma_start3A_99 = arith.constant 0 : i32
      %dma_start3A_100 = arith.constant 0 : i32
      %dma_start3A_101 = tpu.memref_slice %dma_start3A_98[%dma_start3A_99, %dma_start3A_100] : memref<80x128xf32, #tpu.memory_space<vmem>> -> memref<80x128xf32, #tpu.memory_space<vmem>>
      %dma_start3A_102 = arith.constant 0 : i32
      %dma_start3A_103 = tpu.memref_slice %arg11[%add3A_76, %dma_start3A_102] : memref<10240x128xf32, #tpu.memory_space<vmem_shared>> -> memref<80x128xf32, #tpu.memory_space<vmem_shared>>
      %dma_start3A_104 = arith.constant 0 : i32
      %dma_start3A_105 = tpu.memref_slice %arg11[%add3A_76, %dma_start3A_104] : memref<10240x128xf32, #tpu.memory_space<vmem_shared>> -> memref<80x128xf32, #tpu.memory_space<vmem_shared>>
      %dma_start3A_106 = arith.constant 0 : i32
      %dma_start3A_107 = arith.constant 0 : i32
      %dma_start3A_108 = tpu.memref_slice %arg10[%run_scoped3A_77, %dma_start3A_106, %dma_start3A_107] : memref<4x80x128xf32, #tpu.memory_space<vmem>> -> memref<1x80x128xf32, #tpu.memory_space<vmem>>
      %dma_start3A_109 = tpu.memref_squeeze %dma_start3A_108 : memref<1x80x128xf32, #tpu.memory_space<vmem>> -> memref<80x128xf32, #tpu.memory_space<vmem>>
      %dma_start3A_110 = arith.constant 0 : i32
      %dma_start3A_111 = arith.constant 0 : i32
      %dma_start3A_112 = tpu.memref_slice %dma_start3A_109[%dma_start3A_110, %dma_start3A_111] : memref<80x128xf32, #tpu.memory_space<vmem>> -> memref<80x128xf32, #tpu.memory_space<vmem>>
      tpu.enqueue_dma source(%dma_start3A_112 : memref<80x128xf32, #tpu.memory_space<vmem>>) target(%dma_start3A_105 : memref<80x128xf32, #tpu.memory_space<vmem_shared>>) target_semaphore(%run_scoped3A_94 : memref<!tpu.dma_semaphore, #tpu.memory_space<semaphore_mem>>)
      %dma_wait3A = arith.constant 0 : i32
      %dma_wait3A_113 = arith.constant 0 : i32
      %dma_wait3A_114 = tpu.memref_slice %arg10[%run_scoped3A_77, %dma_wait3A, %dma_wait3A_113] : memref<4x80x128xf32, #tpu.memory_space<vmem>> -> memref<1x80x128xf32, #tpu.memory_space<vmem>>
      %dma_wait3A_115 = tpu.memref_squeeze %dma_wait3A_114 : memref<1x80x128xf32, #tpu.memory_space<vmem>> -> memref<80x128xf32, #tpu.memory_space<vmem>>
      %dma_wait3A_116 = arith.constant 0 : i32
      %dma_wait3A_117 = arith.constant 0 : i32
      %dma_wait3A_118 = tpu.memref_slice %dma_wait3A_115[%dma_wait3A_116, %dma_wait3A_117] : memref<80x128xf32, #tpu.memory_space<vmem>> -> memref<80x128xf32, #tpu.memory_space<vmem>>
      %dma_wait3A_119 = arith.constant 0 : i32
      %dma_wait3A_120 = tpu.memref_slice %arg11[%add3A_76, %dma_wait3A_119] : memref<10240x128xf32, #tpu.memory_space<vmem_shared>> -> memref<80x128xf32, #tpu.memory_space<vmem_shared>>
      %dma_wait3A_121 = arith.constant 0 : i32
      %dma_wait3A_122 = tpu.memref_slice %arg11[%add3A_76, %dma_wait3A_121] : memref<10240x128xf32, #tpu.memory_space<vmem_shared>> -> memref<80x128xf32, #tpu.memory_space<vmem_shared>>
      %dma_wait3A_123 = arith.constant 0 : i32
      %dma_wait3A_124 = arith.constant 0 : i32
      %dma_wait3A_125 = tpu.memref_slice %arg10[%run_scoped3A_77, %dma_wait3A_123, %dma_wait3A_124] : memref<4x80x128xf32, #tpu.memory_space<vmem>> -> memref<1x80x128xf32, #tpu.memory_space<vmem>>
      %dma_wait3A_126 = tpu.memref_squeeze %dma_wait3A_125 : memref<1x80x128xf32, #tpu.memory_space<vmem>> -> memref<80x128xf32, #tpu.memory_space<vmem>>
      %dma_wait3A_127 = arith.constant 0 : i32
      %dma_wait3A_128 = arith.constant 0 : i32
      %dma_wait3A_129 = tpu.memref_slice %dma_wait3A_126[%dma_wait3A_127, %dma_wait3A_128] : memref<80x128xf32, #tpu.memory_space<vmem>> -> memref<80x128xf32, #tpu.memory_space<vmem>>
      tpu.wait_dma2 semaphore(%run_scoped3A_94 : memref<!tpu.dma_semaphore, #tpu.memory_space<semaphore_mem>>) src(%dma_wait3A_129 : memref<80x128xf32, #tpu.memory_space<vmem>>) dst(%dma_wait3A_122 : memref<80x128xf32, #tpu.memory_space<vmem_shared>>)
      tpu.yield
    }) : () -> ()
    %add3A_78 = arith.constant 480 : i32
    %add3A_79 = arith.addi %mul3A_60, %add3A_78 : i32
    %run_scoped3A_80 = arith.constant 3 : i32
    "tpu.region"() ({
      %run_scoped3A_94 = tpu.sem_alloc : memref<!tpu.dma_semaphore, #tpu.memory_space<semaphore_mem>>
      %dma_start3A_95 = arith.constant 0 : i32
      %dma_start3A_96 = arith.constant 0 : i32
      %dma_start3A_97 = tpu.memref_slice %arg10[%run_scoped3A_80, %dma_start3A_95, %dma_start3A_96] : memref<4x80x128xf32, #tpu.memory_space<vmem>> -> memref<1x80x128xf32, #tpu.memory_space<vmem>>
      %dma_start3A_98 = tpu.memref_squeeze %dma_start3A_97 : memref<1x80x128xf32, #tpu.memory_space<vmem>> -> memref<80x128xf32, #tpu.memory_space<vmem>>
      %dma_start3A_99 = arith.constant 0 : i32
      %dma_start3A_100 = arith.constant 0 : i32
      %dma_start3A_101 = tpu.memref_slice %dma_start3A_98[%dma_start3A_99, %dma_start3A_100] : memref<80x128xf32, #tpu.memory_space<vmem>> -> memref<80x128xf32, #tpu.memory_space<vmem>>
      %dma_start3A_102 = arith.constant 0 : i32
      %dma_start3A_103 = tpu.memref_slice %arg11[%add3A_79, %dma_start3A_102] : memref<10240x128xf32, #tpu.memory_space<vmem_shared>> -> memref<80x128xf32, #tpu.memory_space<vmem_shared>>
      %dma_start3A_104 = arith.constant 0 : i32
      %dma_start3A_105 = tpu.memref_slice %arg11[%add3A_79, %dma_start3A_104] : memref<10240x128xf32, #tpu.memory_space<vmem_shared>> -> memref<80x128xf32, #tpu.memory_space<vmem_shared>>
      %dma_start3A_106 = arith.constant 0 : i32
      %dma_start3A_107 = arith.constant 0 : i32
      %dma_start3A_108 = tpu.memref_slice %arg10[%run_scoped3A_80, %dma_start3A_106, %dma_start3A_107] : memref<4x80x128xf32, #tpu.memory_space<vmem>> -> memref<1x80x128xf32, #tpu.memory_space<vmem>>
      %dma_start3A_109 = tpu.memref_squeeze %dma_start3A_108 : memref<1x80x128xf32, #tpu.memory_space<vmem>> -> memref<80x128xf32, #tpu.memory_space<vmem>>
      %dma_start3A_110 = arith.constant 0 : i32
      %dma_start3A_111 = arith.constant 0 : i32
      %dma_start3A_112 = tpu.memref_slice %dma_start3A_109[%dma_start3A_110, %dma_start3A_111] : memref<80x128xf32, #tpu.memory_space<vmem>> -> memref<80x128xf32, #tpu.memory_space<vmem>>
      tpu.enqueue_dma source(%dma_start3A_112 : memref<80x128xf32, #tpu.memory_space<vmem>>) target(%dma_start3A_105 : memref<80x128xf32, #tpu.memory_space<vmem_shared>>) target_semaphore(%run_scoped3A_94 : memref<!tpu.dma_semaphore, #tpu.memory_space<semaphore_mem>>)
      %dma_wait3A = arith.constant 0 : i32
      %dma_wait3A_113 = arith.constant 0 : i32
      %dma_wait3A_114 = tpu.memref_slice %arg10[%run_scoped3A_80, %dma_wait3A, %dma_wait3A_113] : memref<4x80x128xf32, #tpu.memory_space<vmem>> -> memref<1x80x128xf32, #tpu.memory_space<vmem>>
      %dma_wait3A_115 = tpu.memref_squeeze %dma_wait3A_114 : memref<1x80x128xf32, #tpu.memory_space<vmem>> -> memref<80x128xf32, #tpu.memory_space<vmem>>
      %dma_wait3A_116 = arith.constant 0 : i32
      %dma_wait3A_117 = arith.constant 0 : i32
      %dma_wait3A_118 = tpu.memref_slice %dma_wait3A_115[%dma_wait3A_116, %dma_wait3A_117] : memref<80x128xf32, #tpu.memory_space<vmem>> -> memref<80x128xf32, #tpu.memory_space<vmem>>
      %dma_wait3A_119 = arith.constant 0 : i32
      %dma_wait3A_120 = tpu.memref_slice %arg11[%add3A_79, %dma_wait3A_119] : memref<10240x128xf32, #tpu.memory_space<vmem_shared>> -> memref<80x128xf32, #tpu.memory_space<vmem_shared>>
      %dma_wait3A_121 = arith.constant 0 : i32
      %dma_wait3A_122 = tpu.memref_slice %arg11[%add3A_79, %dma_wait3A_121] : memref<10240x128xf32, #tpu.memory_space<vmem_shared>> -> memref<80x128xf32, #tpu.memory_space<vmem_shared>>
      %dma_wait3A_123 = arith.constant 0 : i32
      %dma_wait3A_124 = arith.constant 0 : i32
      %dma_wait3A_125 = tpu.memref_slice %arg10[%run_scoped3A_80, %dma_wait3A_123, %dma_wait3A_124] : memref<4x80x128xf32, #tpu.memory_space<vmem>> -> memref<1x80x128xf32, #tpu.memory_space<vmem>>
      %dma_wait3A_126 = tpu.memref_squeeze %dma_wait3A_125 : memref<1x80x128xf32, #tpu.memory_space<vmem>> -> memref<80x128xf32, #tpu.memory_space<vmem>>
      %dma_wait3A_127 = arith.constant 0 : i32
      %dma_wait3A_128 = arith.constant 0 : i32
      %dma_wait3A_129 = tpu.memref_slice %dma_wait3A_126[%dma_wait3A_127, %dma_wait3A_128] : memref<80x128xf32, #tpu.memory_space<vmem>> -> memref<80x128xf32, #tpu.memory_space<vmem>>
      tpu.wait_dma2 semaphore(%run_scoped3A_94 : memref<!tpu.dma_semaphore, #tpu.memory_space<semaphore_mem>>) src(%dma_wait3A_129 : memref<80x128xf32, #tpu.memory_space<vmem>>) dst(%dma_wait3A_122 : memref<80x128xf32, #tpu.memory_space<vmem_shared>>)
      tpu.yield
    }) : () -> ()
    %add3A_81 = arith.constant 560 : i32
    %add3A_82 = arith.addi %mul3A_60, %add3A_81 : i32
    %run_scoped3A_83 = arith.constant 3 : i32
    "tpu.region"() ({
      %run_scoped3A_94 = tpu.sem_alloc : memref<!tpu.dma_semaphore, #tpu.memory_space<semaphore_mem>>
      %dma_start3A_95 = arith.constant 0 : i32
      %dma_start3A_96 = arith.constant 0 : i32
      %dma_start3A_97 = tpu.memref_slice %arg10[%run_scoped3A_83, %dma_start3A_95, %dma_start3A_96] : memref<4x80x128xf32, #tpu.memory_space<vmem>> -> memref<1x80x128xf32, #tpu.memory_space<vmem>>
      %dma_start3A_98 = tpu.memref_squeeze %dma_start3A_97 : memref<1x80x128xf32, #tpu.memory_space<vmem>> -> memref<80x128xf32, #tpu.memory_space<vmem>>
      %dma_start3A_99 = arith.constant 0 : i32
      %dma_start3A_100 = arith.constant 0 : i32
      %dma_start3A_101 = tpu.memref_slice %dma_start3A_98[%dma_start3A_99, %dma_start3A_100] : memref<80x128xf32, #tpu.memory_space<vmem>> -> memref<80x128xf32, #tpu.memory_space<vmem>>
      %dma_start3A_102 = arith.constant 0 : i32
      %dma_start3A_103 = tpu.memref_slice %arg11[%add3A_82, %dma_start3A_102] : memref<10240x128xf32, #tpu.memory_space<vmem_shared>> -> memref<80x128xf32, #tpu.memory_space<vmem_shared>>
      %dma_start3A_104 = arith.constant 0 : i32
      %dma_start3A_105 = tpu.memref_slice %arg11[%add3A_82, %dma_start3A_104] : memref<10240x128xf32, #tpu.memory_space<vmem_shared>> -> memref<80x128xf32, #tpu.memory_space<vmem_shared>>
      %dma_start3A_106 = arith.constant 0 : i32
      %dma_start3A_107 = arith.constant 0 : i32
      %dma_start3A_108 = tpu.memref_slice %arg10[%run_scoped3A_83, %dma_start3A_106, %dma_start3A_107] : memref<4x80x128xf32, #tpu.memory_space<vmem>> -> memref<1x80x128xf32, #tpu.memory_space<vmem>>
      %dma_start3A_109 = tpu.memref_squeeze %dma_start3A_108 : memref<1x80x128xf32, #tpu.memory_space<vmem>> -> memref<80x128xf32, #tpu.memory_space<vmem>>
      %dma_start3A_110 = arith.constant 0 : i32
      %dma_start3A_111 = arith.constant 0 : i32
      %dma_start3A_112 = tpu.memref_slice %dma_start3A_109[%dma_start3A_110, %dma_start3A_111] : memref<80x128xf32, #tpu.memory_space<vmem>> -> memref<80x128xf32, #tpu.memory_space<vmem>>
      tpu.enqueue_dma source(%dma_start3A_112 : memref<80x128xf32, #tpu.memory_space<vmem>>) target(%dma_start3A_105 : memref<80x128xf32, #tpu.memory_space<vmem_shared>>) target_semaphore(%run_scoped3A_94 : memref<!tpu.dma_semaphore, #tpu.memory_space<semaphore_mem>>)
      %dma_wait3A = arith.constant 0 : i32
      %dma_wait3A_113 = arith.constant 0 : i32
      %dma_wait3A_114 = tpu.memref_slice %arg10[%run_scoped3A_83, %dma_wait3A, %dma_wait3A_113] : memref<4x80x128xf32, #tpu.memory_space<vmem>> -> memref<1x80x128xf32, #tpu.memory_space<vmem>>
      %dma_wait3A_115 = tpu.memref_squeeze %dma_wait3A_114 : memref<1x80x128xf32, #tpu.memory_space<vmem>> -> memref<80x128xf32, #tpu.memory_space<vmem>>
      %dma_wait3A_116 = arith.constant 0 : i32
      %dma_wait3A_117 = arith.constant 0 : i32
      %dma_wait3A_118 = tpu.memref_slice %dma_wait3A_115[%dma_wait3A_116, %dma_wait3A_117] : memref<80x128xf32, #tpu.memory_space<vmem>> -> memref<80x128xf32, #tpu.memory_space<vmem>>
      %dma_wait3A_119 = arith.constant 0 : i32
      %dma_wait3A_120 = tpu.memref_slice %arg11[%add3A_82, %dma_wait3A_119] : memref<10240x128xf32, #tpu.memory_space<vmem_shared>> -> memref<80x128xf32, #tpu.memory_space<vmem_shared>>
      %dma_wait3A_121 = arith.constant 0 : i32
      %dma_wait3A_122 = tpu.memref_slice %arg11[%add3A_82, %dma_wait3A_121] : memref<10240x128xf32, #tpu.memory_space<vmem_shared>> -> memref<80x128xf32, #tpu.memory_space<vmem_shared>>
      %dma_wait3A_123 = arith.constant 0 : i32
      %dma_wait3A_124 = arith.constant 0 : i32
      %dma_wait3A_125 = tpu.memref_slice %arg10[%run_scoped3A_83, %dma_wait3A_123, %dma_wait3A_124] : memref<4x80x128xf32, #tpu.memory_space<vmem>> -> memref<1x80x128xf32, #tpu.memory_space<vmem>>
      %dma_wait3A_126 = tpu.memref_squeeze %dma_wait3A_125 : memref<1x80x128xf32, #tpu.memory_space<vmem>> -> memref<80x128xf32, #tpu.memory_space<vmem>>
      %dma_wait3A_127 = arith.constant 0 : i32
      %dma_wait3A_128 = arith.constant 0 : i32
      %dma_wait3A_129 = tpu.memref_slice %dma_wait3A_126[%dma_wait3A_127, %dma_wait3A_128] : memref<80x128xf32, #tpu.memory_space<vmem>> -> memref<80x128xf32, #tpu.memory_space<vmem>>
      tpu.wait_dma2 semaphore(%run_scoped3A_94 : memref<!tpu.dma_semaphore, #tpu.memory_space<semaphore_mem>>) src(%dma_wait3A_129 : memref<80x128xf32, #tpu.memory_space<vmem>>) dst(%dma_wait3A_122 : memref<80x128xf32, #tpu.memory_space<vmem_shared>>)
      tpu.yield
    }) : () -> ()
    %barrier3A = arith.constant 0 : index
    tpu.barrier barrier_id(%barrier3A)
    %scan3A_84 = arith.constant 0 : i32
    %scan3A_85 = arith.constant 0 : i32
    %scan3A_86 = arith.constant 8 : i32
    %scan3A_87 = arith.addi %scan3A_85, %scan3A_86 : i32
    %scan3A_88 = arith.constant 1 : i32
    %scan3A_89 = scf.for %scan3A_94 = %scan3A_85 to %scan3A_87 step %scan3A_88 iter_args(%scan3A_95 = %scan3A_84) -> (i32)  : i32 {
      %dma_wait3A = arith.constant 0 : i32
      %dma_wait3A_96 = arith.constant 0 : i32
      %dma_wait3A_97 = arith.constant 0 : i32
      %dma_wait3A_98 = arith.constant 0 : i32
      %dma_wait3A_99 = tpu.memref_slice %arg10[%dma_wait3A_96, %dma_wait3A_97, %dma_wait3A_98] : memref<4x80x128xf32, #tpu.memory_space<vmem>> -> memref<1x80x128xf32, #tpu.memory_space<vmem>>
      %dma_wait3A_100 = tpu.memref_squeeze %dma_wait3A_99 : memref<1x80x128xf32, #tpu.memory_space<vmem>> -> memref<80x128xf32, #tpu.memory_space<vmem>>
      %dma_wait3A_101 = arith.constant 0 : i32
      %dma_wait3A_102 = tpu.memref_slice %arg6[%dma_wait3A, %dma_wait3A_101] : memref<8x80xi32, #tpu.memory_space<vmem>> -> memref<1x80xi32, #tpu.memory_space<vmem>>
      %dma_wait3A_103 = tpu.memref_squeeze %dma_wait3A_102 : memref<1x80xi32, #tpu.memory_space<vmem>> -> memref<80xi32, #tpu.memory_space<vmem>>
      %dma_wait3A_104 = arith.constant 0 : i32
      %dma_wait3A_105 = arith.constant 0 : i32
      %dma_wait3A_106 = tpu.memref_slice %arg2[%dma_wait3A_104, %dma_wait3A_105] : memref<10000x128xf32, #tpu.memory_space<hbm>> -> memref<10000x128xf32, #tpu.memory_space<hbm>>
      tpu.wait_indirect_dma semaphore(%arg12 : memref<!tpu.dma_semaphore, #tpu.memory_space<semaphore_mem>>) src(%dma_wait3A_106 : memref<10000x128xf32, #tpu.memory_space<hbm>>) dst(%dma_wait3A_100 : memref<80x128xf32, #tpu.memory_space<vmem>>)
      %dma_start3A_107 = arith.constant 3 : i32
      %dma_start3A_108 = arith.constant 3 : i32
      %dma_start3A_109 = arith.constant 0 : i32
      %dma_start3A_110 = arith.constant 0 : i32
      %dma_start3A_111 = tpu.memref_slice %arg10[%dma_start3A_108, %dma_start3A_109, %dma_start3A_110] : memref<4x80x128xf32, #tpu.memory_space<vmem>> -> memref<1x80x128xf32, #tpu.memory_space<vmem>>
      %dma_start3A_112 = tpu.memref_squeeze %dma_start3A_111 : memref<1x80x128xf32, #tpu.memory_space<vmem>> -> memref<80x128xf32, #tpu.memory_space<vmem>>
      %dma_start3A_113 = arith.constant 0 : i32
      %dma_start3A_114 = tpu.memref_slice %arg6[%dma_start3A_107, %dma_start3A_113] : memref<8x80xi32, #tpu.memory_space<vmem>> -> memref<1x80xi32, #tpu.memory_space<vmem>>
      %dma_start3A_115 = tpu.memref_squeeze %dma_start3A_114 : memref<1x80xi32, #tpu.memory_space<vmem>> -> memref<80xi32, #tpu.memory_space<vmem>>
      %dma_start3A_116 = arith.constant 0 : i32
      %dma_start3A_117 = arith.constant 0 : i32
      %dma_start3A_118 = tpu.memref_slice %arg2[%dma_start3A_116, %dma_start3A_117] : memref<10000x128xf32, #tpu.memory_space<hbm>> -> memref<10000x128xf32, #tpu.memory_space<hbm>>
      tpu.enqueue_indirect_dma source(%dma_start3A_118 : memref<10000x128xf32, #tpu.memory_space<hbm>>) target(%dma_start3A_112 : memref<80x128xf32, #tpu.memory_space<vmem>>) offsets(%dma_start3A_115 : memref<80xi32, #tpu.memory_space<vmem>>) semaphore(%arg15 : memref<!tpu.dma_semaphore, #tpu.memory_space<semaphore_mem>>)
      %run_scoped3A_119 = arith.constant 0 : i32
      %run_scoped3A_120 = arith.constant 0 : i32
      "tpu.region"() ({
        %run_scoped3A_523 = tpu.sem_alloc : memref<!tpu.dma_semaphore, #tpu.memory_space<semaphore_mem>>
        %dma_start3A_524 = arith.constant 0 : i32
        %dma_start3A_525 = arith.constant 0 : i32
        %dma_start3A_526 = tpu.memref_slice %arg10[%run_scoped3A_119, %dma_start3A_524, %dma_start3A_525] : memref<4x80x128xf32, #tpu.memory_space<vmem>> -> memref<1x80x128xf32, #tpu.memory_space<vmem>>
        %dma_start3A_527 = tpu.memref_squeeze %dma_start3A_526 : memref<1x80x128xf32, #tpu.memory_space<vmem>> -> memref<80x128xf32, #tpu.memory_space<vmem>>
        %dma_start3A_528 = arith.constant 0 : i32
        %dma_start3A_529 = tpu.memref_slice %arg7[%run_scoped3A_120, %dma_start3A_528] : memref<8x80xi32, #tpu.memory_space<vmem>> -> memref<1x80xi32, #tpu.memory_space<vmem>>
        %dma_start3A_530 = tpu.memref_squeeze %dma_start3A_529 : memref<1x80xi32, #tpu.memory_space<vmem>> -> memref<80xi32, #tpu.memory_space<vmem>>
        %dma_start3A_531 = arith.constant 0 : i32
        %dma_start3A_532 = arith.constant 0 : i32
        %dma_start3A_533 = tpu.memref_slice %arg11[%dma_start3A_531, %dma_start3A_532] : memref<10240x128xf32, #tpu.memory_space<vmem_shared>> -> memref<10240x128xf32, #tpu.memory_space<vmem_shared>>
        tpu.enqueue_indirect_dma source(%dma_start3A_527 : memref<80x128xf32, #tpu.memory_space<vmem>>) target(%dma_start3A_533 : memref<10240x128xf32, #tpu.memory_space<vmem_shared>>) offsets(%dma_start3A_530 : memref<80xi32, #tpu.memory_space<vmem>>) semaphore(%run_scoped3A_523 : memref<!tpu.dma_semaphore, #tpu.memory_space<semaphore_mem>>) {add = true}
        %dma_wait3A_534 = arith.constant 0 : i32
        %dma_wait3A_535 = arith.constant 0 : i32
        %dma_wait3A_536 = tpu.memref_slice %arg10[%run_scoped3A_119, %dma_wait3A_534, %dma_wait3A_535] : memref<4x80x128xf32, #tpu.memory_space<vmem>> -> memref<1x80x128xf32, #tpu.memory_space<vmem>>
        %dma_wait3A_537 = tpu.memref_squeeze %dma_wait3A_536 : memref<1x80x128xf32, #tpu.memory_space<vmem>> -> memref<80x128xf32, #tpu.memory_space<vmem>>
        %dma_wait3A_538 = arith.constant 0 : i32
        %dma_wait3A_539 = tpu.memref_slice %arg7[%run_scoped3A_120, %dma_wait3A_538] : memref<8x80xi32, #tpu.memory_space<vmem>> -> memref<1x80xi32, #tpu.memory_space<vmem>>
        %dma_wait3A_540 = tpu.memref_squeeze %dma_wait3A_539 : memref<1x80xi32, #tpu.memory_space<vmem>> -> memref<80xi32, #tpu.memory_space<vmem>>
        %dma_wait3A_541 = arith.constant 0 : i32
        %dma_wait3A_542 = arith.constant 0 : i32
        %dma_wait3A_543 = tpu.memref_slice %arg11[%dma_wait3A_541, %dma_wait3A_542] : memref<10240x128xf32, #tpu.memory_space<vmem_shared>> -> memref<10240x128xf32, #tpu.memory_space<vmem_shared>>
        tpu.wait_indirect_dma semaphore(%run_scoped3A_523 : memref<!tpu.dma_semaphore, #tpu.memory_space<semaphore_mem>>) src(%dma_wait3A_537 : memref<80x128xf32, #tpu.memory_space<vmem>>) dst(%dma_wait3A_543 : memref<10240x128xf32, #tpu.memory_space<vmem_shared>>)
        tpu.yield
      }) : () -> ()
      %dma_wait3A_121 = arith.constant 1 : i32
      %dma_wait3A_122 = arith.constant 1 : i32
      %dma_wait3A_123 = arith.constant 0 : i32
      %dma_wait3A_124 = arith.constant 0 : i32
      %dma_wait3A_125 = tpu.memref_slice %arg10[%dma_wait3A_122, %dma_wait3A_123, %dma_wait3A_124] : memref<4x80x128xf32, #tpu.memory_space<vmem>> -> memref<1x80x128xf32, #tpu.memory_space<vmem>>
      %dma_wait3A_126 = tpu.memref_squeeze %dma_wait3A_125 : memref<1x80x128xf32, #tpu.memory_space<vmem>> -> memref<80x128xf32, #tpu.memory_space<vmem>>
      %dma_wait3A_127 = arith.constant 0 : i32
      %dma_wait3A_128 = tpu.memref_slice %arg6[%dma_wait3A_121, %dma_wait3A_127] : memref<8x80xi32, #tpu.memory_space<vmem>> -> memref<1x80xi32, #tpu.memory_space<vmem>>
      %dma_wait3A_129 = tpu.memref_squeeze %dma_wait3A_128 : memref<1x80xi32, #tpu.memory_space<vmem>> -> memref<80xi32, #tpu.memory_space<vmem>>
      %dma_wait3A_130 = arith.constant 0 : i32
      %dma_wait3A_131 = arith.constant 0 : i32
      %dma_wait3A_132 = tpu.memref_slice %arg2[%dma_wait3A_130, %dma_wait3A_131] : memref<10000x128xf32, #tpu.memory_space<hbm>> -> memref<10000x128xf32, #tpu.memory_space<hbm>>
      tpu.wait_indirect_dma semaphore(%arg13 : memref<!tpu.dma_semaphore, #tpu.memory_space<semaphore_mem>>) src(%dma_wait3A_132 : memref<10000x128xf32, #tpu.memory_space<hbm>>) dst(%dma_wait3A_126 : memref<80x128xf32, #tpu.memory_space<vmem>>)
      %dma_start3A_133 = arith.constant 4 : i32
      %dma_start3A_134 = arith.constant 0 : i32
      %dma_start3A_135 = arith.constant 0 : i32
      %dma_start3A_136 = arith.constant 0 : i32
      %dma_start3A_137 = tpu.memref_slice %arg10[%dma_start3A_134, %dma_start3A_135, %dma_start3A_136] : memref<4x80x128xf32, #tpu.memory_space<vmem>> -> memref<1x80x128xf32, #tpu.memory_space<vmem>>
      %dma_start3A_138 = tpu.memref_squeeze %dma_start3A_137 : memref<1x80x128xf32, #tpu.memory_space<vmem>> -> memref<80x128xf32, #tpu.memory_space<vmem>>
      %dma_start3A_139 = arith.constant 0 : i32
      %dma_start3A_140 = tpu.memref_slice %arg6[%dma_start3A_133, %dma_start3A_139] : memref<8x80xi32, #tpu.memory_space<vmem>> -> memref<1x80xi32, #tpu.memory_space<vmem>>
      %dma_start3A_141 = tpu.memref_squeeze %dma_start3A_140 : memref<1x80xi32, #tpu.memory_space<vmem>> -> memref<80xi32, #tpu.memory_space<vmem>>
      %dma_start3A_142 = arith.constant 0 : i32
      %dma_start3A_143 = arith.constant 0 : i32
      %dma_start3A_144 = tpu.memref_slice %arg2[%dma_start3A_142, %dma_start3A_143] : memref<10000x128xf32, #tpu.memory_space<hbm>> -> memref<10000x128xf32, #tpu.memory_space<hbm>>
      tpu.enqueue_indirect_dma source(%dma_start3A_144 : memref<10000x128xf32, #tpu.memory_space<hbm>>) target(%dma_start3A_138 : memref<80x128xf32, #tpu.memory_space<vmem>>) offsets(%dma_start3A_141 : memref<80xi32, #tpu.memory_space<vmem>>) semaphore(%arg12 : memref<!tpu.dma_semaphore, #tpu.memory_space<semaphore_mem>>)
      %run_scoped3A_145 = arith.constant 1 : i32
      %run_scoped3A_146 = arith.constant 1 : i32
      "tpu.region"() ({
        %run_scoped3A_523 = tpu.sem_alloc : memref<!tpu.dma_semaphore, #tpu.memory_space<semaphore_mem>>
        %dma_start3A_524 = arith.constant 0 : i32
        %dma_start3A_525 = arith.constant 0 : i32
        %dma_start3A_526 = tpu.memref_slice %arg10[%run_scoped3A_145, %dma_start3A_524, %dma_start3A_525] : memref<4x80x128xf32, #tpu.memory_space<vmem>> -> memref<1x80x128xf32, #tpu.memory_space<vmem>>
        %dma_start3A_527 = tpu.memref_squeeze %dma_start3A_526 : memref<1x80x128xf32, #tpu.memory_space<vmem>> -> memref<80x128xf32, #tpu.memory_space<vmem>>
        %dma_start3A_528 = arith.constant 0 : i32
        %dma_start3A_529 = tpu.memref_slice %arg7[%run_scoped3A_146, %dma_start3A_528] : memref<8x80xi32, #tpu.memory_space<vmem>> -> memref<1x80xi32, #tpu.memory_space<vmem>>
        %dma_start3A_530 = tpu.memref_squeeze %dma_start3A_529 : memref<1x80xi32, #tpu.memory_space<vmem>> -> memref<80xi32, #tpu.memory_space<vmem>>
        %dma_start3A_531 = arith.constant 0 : i32
        %dma_start3A_532 = arith.constant 0 : i32
        %dma_start3A_533 = tpu.memref_slice %arg11[%dma_start3A_531, %dma_start3A_532] : memref<10240x128xf32, #tpu.memory_space<vmem_shared>> -> memref<10240x128xf32, #tpu.memory_space<vmem_shared>>
        tpu.enqueue_indirect_dma source(%dma_start3A_527 : memref<80x128xf32, #tpu.memory_space<vmem>>) target(%dma_start3A_533 : memref<10240x128xf32, #tpu.memory_space<vmem_shared>>) offsets(%dma_start3A_530 : memref<80xi32, #tpu.memory_space<vmem>>) semaphore(%run_scoped3A_523 : memref<!tpu.dma_semaphore, #tpu.memory_space<semaphore_mem>>) {add = true}
        %dma_wait3A_534 = arith.constant 0 : i32
        %dma_wait3A_535 = arith.constant 0 : i32
        %dma_wait3A_536 = tpu.memref_slice %arg10[%run_scoped3A_145, %dma_wait3A_534, %dma_wait3A_535] : memref<4x80x128xf32, #tpu.memory_space<vmem>> -> memref<1x80x128xf32, #tpu.memory_space<vmem>>
        %dma_wait3A_537 = tpu.memref_squeeze %dma_wait3A_536 : memref<1x80x128xf32, #tpu.memory_space<vmem>> -> memref<80x128xf32, #tpu.memory_space<vmem>>
        %dma_wait3A_538 = arith.constant 0 : i32
        %dma_wait3A_539 = tpu.memref_slice %arg7[%run_scoped3A_146, %dma_wait3A_538] : memref<8x80xi32, #tpu.memory_space<vmem>> -> memref<1x80xi32, #tpu.memory_space<vmem>>
        %dma_wait3A_540 = tpu.memref_squeeze %dma_wait3A_539 : memref<1x80xi32, #tpu.memory_space<vmem>> -> memref<80xi32, #tpu.memory_space<vmem>>
        %dma_wait3A_541 = arith.constant 0 : i32
        %dma_wait3A_542 = arith.constant 0 : i32
        %dma_wait3A_543 = tpu.memref_slice %arg11[%dma_wait3A_541, %dma_wait3A_542] : memref<10240x128xf32, #tpu.memory_space<vmem_shared>> -> memref<10240x128xf32, #tpu.memory_space<vmem_shared>>
        tpu.wait_indirect_dma semaphore(%run_scoped3A_523 : memref<!tpu.dma_semaphore, #tpu.memory_space<semaphore_mem>>) src(%dma_wait3A_537 : memref<80x128xf32, #tpu.memory_space<vmem>>) dst(%dma_wait3A_543 : memref<10240x128xf32, #tpu.memory_space<vmem_shared>>)
        tpu.yield
      }) : () -> ()
      %dma_wait3A_147 = arith.constant 2 : i32
      %dma_wait3A_148 = arith.constant 2 : i32
      %dma_wait3A_149 = arith.constant 0 : i32
      %dma_wait3A_150 = arith.constant 0 : i32
      %dma_wait3A_151 = tpu.memref_slice %arg10[%dma_wait3A_148, %dma_wait3A_149, %dma_wait3A_150] : memref<4x80x128xf32, #tpu.memory_space<vmem>> -> memref<1x80x128xf32, #tpu.memory_space<vmem>>
      %dma_wait3A_152 = tpu.memref_squeeze %dma_wait3A_151 : memref<1x80x128xf32, #tpu.memory_space<vmem>> -> memref<80x128xf32, #tpu.memory_space<vmem>>
      %dma_wait3A_153 = arith.constant 0 : i32
      %dma_wait3A_154 = tpu.memref_slice %arg6[%dma_wait3A_147, %dma_wait3A_153] : memref<8x80xi32, #tpu.memory_space<vmem>> -> memref<1x80xi32, #tpu.memory_space<vmem>>
      %dma_wait3A_155 = tpu.memref_squeeze %dma_wait3A_154 : memref<1x80xi32, #tpu.memory_space<vmem>> -> memref<80xi32, #tpu.memory_space<vmem>>
      %dma_wait3A_156 = arith.constant 0 : i32
      %dma_wait3A_157 = arith.constant 0 : i32
      %dma_wait3A_158 = tpu.memref_slice %arg2[%dma_wait3A_156, %dma_wait3A_157] : memref<10000x128xf32, #tpu.memory_space<hbm>> -> memref<10000x128xf32, #tpu.memory_space<hbm>>
      tpu.wait_indirect_dma semaphore(%arg14 : memref<!tpu.dma_semaphore, #tpu.memory_space<semaphore_mem>>) src(%dma_wait3A_158 : memref<10000x128xf32, #tpu.memory_space<hbm>>) dst(%dma_wait3A_152 : memref<80x128xf32, #tpu.memory_space<vmem>>)
      %dma_start3A_159 = arith.constant 5 : i32
      %dma_start3A_160 = arith.constant 1 : i32
      %dma_start3A_161 = arith.constant 0 : i32
      %dma_start3A_162 = arith.constant 0 : i32
      %dma_start3A_163 = tpu.memref_slice %arg10[%dma_start3A_160, %dma_start3A_161, %dma_start3A_162] : memref<4x80x128xf32, #tpu.memory_space<vmem>> -> memref<1x80x128xf32, #tpu.memory_space<vmem>>
      %dma_start3A_164 = tpu.memref_squeeze %dma_start3A_163 : memref<1x80x128xf32, #tpu.memory_space<vmem>> -> memref<80x128xf32, #tpu.memory_space<vmem>>
      %dma_start3A_165 = arith.constant 0 : i32
      %dma_start3A_166 = tpu.memref_slice %arg6[%dma_start3A_159, %dma_start3A_165] : memref<8x80xi32, #tpu.memory_space<vmem>> -> memref<1x80xi32, #tpu.memory_space<vmem>>
      %dma_start3A_167 = tpu.memref_squeeze %dma_start3A_166 : memref<1x80xi32, #tpu.memory_space<vmem>> -> memref<80xi32, #tpu.memory_space<vmem>>
      %dma_start3A_168 = arith.constant 0 : i32
      %dma_start3A_169 = arith.constant 0 : i32
      %dma_start3A_170 = tpu.memref_slice %arg2[%dma_start3A_168, %dma_start3A_169] : memref<10000x128xf32, #tpu.memory_space<hbm>> -> memref<10000x128xf32, #tpu.memory_space<hbm>>
      tpu.enqueue_indirect_dma source(%dma_start3A_170 : memref<10000x128xf32, #tpu.memory_space<hbm>>) target(%dma_start3A_164 : memref<80x128xf32, #tpu.memory_space<vmem>>) offsets(%dma_start3A_167 : memref<80xi32, #tpu.memory_space<vmem>>) semaphore(%arg13 : memref<!tpu.dma_semaphore, #tpu.memory_space<semaphore_mem>>)
      %run_scoped3A_171 = arith.constant 2 : i32
      %run_scoped3A_172 = arith.constant 2 : i32
      "tpu.region"() ({
        %run_scoped3A_523 = tpu.sem_alloc : memref<!tpu.dma_semaphore, #tpu.memory_space<semaphore_mem>>
        %dma_start3A_524 = arith.constant 0 : i32
        %dma_start3A_525 = arith.constant 0 : i32
        %dma_start3A_526 = tpu.memref_slice %arg10[%run_scoped3A_171, %dma_start3A_524, %dma_start3A_525] : memref<4x80x128xf32, #tpu.memory_space<vmem>> -> memref<1x80x128xf32, #tpu.memory_space<vmem>>
        %dma_start3A_527 = tpu.memref_squeeze %dma_start3A_526 : memref<1x80x128xf32, #tpu.memory_space<vmem>> -> memref<80x128xf32, #tpu.memory_space<vmem>>
        %dma_start3A_528 = arith.constant 0 : i32
        %dma_start3A_529 = tpu.memref_slice %arg7[%run_scoped3A_172, %dma_start3A_528] : memref<8x80xi32, #tpu.memory_space<vmem>> -> memref<1x80xi32, #tpu.memory_space<vmem>>
        %dma_start3A_530 = tpu.memref_squeeze %dma_start3A_529 : memref<1x80xi32, #tpu.memory_space<vmem>> -> memref<80xi32, #tpu.memory_space<vmem>>
        %dma_start3A_531 = arith.constant 0 : i32
        %dma_start3A_532 = arith.constant 0 : i32
        %dma_start3A_533 = tpu.memref_slice %arg11[%dma_start3A_531, %dma_start3A_532] : memref<10240x128xf32, #tpu.memory_space<vmem_shared>> -> memref<10240x128xf32, #tpu.memory_space<vmem_shared>>
        tpu.enqueue_indirect_dma source(%dma_start3A_527 : memref<80x128xf32, #tpu.memory_space<vmem>>) target(%dma_start3A_533 : memref<10240x128xf32, #tpu.memory_space<vmem_shared>>) offsets(%dma_start3A_530 : memref<80xi32, #tpu.memory_space<vmem>>) semaphore(%run_scoped3A_523 : memref<!tpu.dma_semaphore, #tpu.memory_space<semaphore_mem>>) {add = true}
        %dma_wait3A_534 = arith.constant 0 : i32
        %dma_wait3A_535 = arith.constant 0 : i32
        %dma_wait3A_536 = tpu.memref_slice %arg10[%run_scoped3A_171, %dma_wait3A_534, %dma_wait3A_535] : memref<4x80x128xf32, #tpu.memory_space<vmem>> -> memref<1x80x128xf32, #tpu.memory_space<vmem>>
        %dma_wait3A_537 = tpu.memref_squeeze %dma_wait3A_536 : memref<1x80x128xf32, #tpu.memory_space<vmem>> -> memref<80x128xf32, #tpu.memory_space<vmem>>
        %dma_wait3A_538 = arith.constant 0 : i32
        %dma_wait3A_539 = tpu.memref_slice %arg7[%run_scoped3A_172, %dma_wait3A_538] : memref<8x80xi32, #tpu.memory_space<vmem>> -> memref<1x80xi32, #tpu.memory_space<vmem>>
        %dma_wait3A_540 = tpu.memref_squeeze %dma_wait3A_539 : memref<1x80xi32, #tpu.memory_space<vmem>> -> memref<80xi32, #tpu.memory_space<vmem>>
        %dma_wait3A_541 = arith.constant 0 : i32
        %dma_wait3A_542 = arith.constant 0 : i32
        %dma_wait3A_543 = tpu.memref_slice %arg11[%dma_wait3A_541, %dma_wait3A_542] : memref<10240x128xf32, #tpu.memory_space<vmem_shared>> -> memref<10240x128xf32, #tpu.memory_space<vmem_shared>>
        tpu.wait_indirect_dma semaphore(%run_scoped3A_523 : memref<!tpu.dma_semaphore, #tpu.memory_space<semaphore_mem>>) src(%dma_wait3A_537 : memref<80x128xf32, #tpu.memory_space<vmem>>) dst(%dma_wait3A_543 : memref<10240x128xf32, #tpu.memory_space<vmem_shared>>)
        tpu.yield
      }) : () -> ()
      %dma_wait3A_173 = arith.constant 3 : i32
      %dma_wait3A_174 = arith.constant 3 : i32
      %dma_wait3A_175 = arith.constant 0 : i32
      %dma_wait3A_176 = arith.constant 0 : i32
      %dma_wait3A_177 = tpu.memref_slice %arg10[%dma_wait3A_174, %dma_wait3A_175, %dma_wait3A_176] : memref<4x80x128xf32, #tpu.memory_space<vmem>> -> memref<1x80x128xf32, #tpu.memory_space<vmem>>
      %dma_wait3A_178 = tpu.memref_squeeze %dma_wait3A_177 : memref<1x80x128xf32, #tpu.memory_space<vmem>> -> memref<80x128xf32, #tpu.memory_space<vmem>>
      %dma_wait3A_179 = arith.constant 0 : i32
      %dma_wait3A_180 = tpu.memref_slice %arg6[%dma_wait3A_173, %dma_wait3A_179] : memref<8x80xi32, #tpu.memory_space<vmem>> -> memref<1x80xi32, #tpu.memory_space<vmem>>
      %dma_wait3A_181 = tpu.memref_squeeze %dma_wait3A_180 : memref<1x80xi32, #tpu.memory_space<vmem>> -> memref<80xi32, #tpu.memory_space<vmem>>
      %dma_wait3A_182 = arith.constant 0 : i32
      %dma_wait3A_183 = arith.constant 0 : i32
      %dma_wait3A_184 = tpu.memref_slice %arg2[%dma_wait3A_182, %dma_wait3A_183] : memref<10000x128xf32, #tpu.memory_space<hbm>> -> memref<10000x128xf32, #tpu.memory_space<hbm>>
      tpu.wait_indirect_dma semaphore(%arg15 : memref<!tpu.dma_semaphore, #tpu.memory_space<semaphore_mem>>) src(%dma_wait3A_184 : memref<10000x128xf32, #tpu.memory_space<hbm>>) dst(%dma_wait3A_178 : memref<80x128xf32, #tpu.memory_space<vmem>>)
      %dma_start3A_185 = arith.constant 6 : i32
      %dma_start3A_186 = arith.constant 2 : i32
      %dma_start3A_187 = arith.constant 0 : i32
      %dma_start3A_188 = arith.constant 0 : i32
      %dma_start3A_189 = tpu.memref_slice %arg10[%dma_start3A_186, %dma_start3A_187, %dma_start3A_188] : memref<4x80x128xf32, #tpu.memory_space<vmem>> -> memref<1x80x128xf32, #tpu.memory_space<vmem>>
      %dma_start3A_190 = tpu.memref_squeeze %dma_start3A_189 : memref<1x80x128xf32, #tpu.memory_space<vmem>> -> memref<80x128xf32, #tpu.memory_space<vmem>>
      %dma_start3A_191 = arith.constant 0 : i32
      %dma_start3A_192 = tpu.memref_slice %arg6[%dma_start3A_185, %dma_start3A_191] : memref<8x80xi32, #tpu.memory_space<vmem>> -> memref<1x80xi32, #tpu.memory_space<vmem>>
      %dma_start3A_193 = tpu.memref_squeeze %dma_start3A_192 : memref<1x80xi32, #tpu.memory_space<vmem>> -> memref<80xi32, #tpu.memory_space<vmem>>
      %dma_start3A_194 = arith.constant 0 : i32
      %dma_start3A_195 = arith.constant 0 : i32
      %dma_start3A_196 = tpu.memref_slice %arg2[%dma_start3A_194, %dma_start3A_195] : memref<10000x128xf32, #tpu.memory_space<hbm>> -> memref<10000x128xf32, #tpu.memory_space<hbm>>
      tpu.enqueue_indirect_dma source(%dma_start3A_196 : memref<10000x128xf32, #tpu.memory_space<hbm>>) target(%dma_start3A_190 : memref<80x128xf32, #tpu.memory_space<vmem>>) offsets(%dma_start3A_193 : memref<80xi32, #tpu.memory_space<vmem>>) semaphore(%arg14 : memref<!tpu.dma_semaphore, #tpu.memory_space<semaphore_mem>>)
      %run_scoped3A_197 = arith.constant 3 : i32
      %run_scoped3A_198 = arith.constant 3 : i32
      "tpu.region"() ({
        %run_scoped3A_523 = tpu.sem_alloc : memref<!tpu.dma_semaphore, #tpu.memory_space<semaphore_mem>>
        %dma_start3A_524 = arith.constant 0 : i32
        %dma_start3A_525 = arith.constant 0 : i32
        %dma_start3A_526 = tpu.memref_slice %arg10[%run_scoped3A_197, %dma_start3A_524, %dma_start3A_525] : memref<4x80x128xf32, #tpu.memory_space<vmem>> -> memref<1x80x128xf32, #tpu.memory_space<vmem>>
        %dma_start3A_527 = tpu.memref_squeeze %dma_start3A_526 : memref<1x80x128xf32, #tpu.memory_space<vmem>> -> memref<80x128xf32, #tpu.memory_space<vmem>>
        %dma_start3A_528 = arith.constant 0 : i32
        %dma_start3A_529 = tpu.memref_slice %arg7[%run_scoped3A_198, %dma_start3A_528] : memref<8x80xi32, #tpu.memory_space<vmem>> -> memref<1x80xi32, #tpu.memory_space<vmem>>
        %dma_start3A_530 = tpu.memref_squeeze %dma_start3A_529 : memref<1x80xi32, #tpu.memory_space<vmem>> -> memref<80xi32, #tpu.memory_space<vmem>>
        %dma_start3A_531 = arith.constant 0 : i32
        %dma_start3A_532 = arith.constant 0 : i32
        %dma_start3A_533 = tpu.memref_slice %arg11[%dma_start3A_531, %dma_start3A_532] : memref<10240x128xf32, #tpu.memory_space<vmem_shared>> -> memref<10240x128xf32, #tpu.memory_space<vmem_shared>>
        tpu.enqueue_indirect_dma source(%dma_start3A_527 : memref<80x128xf32, #tpu.memory_space<vmem>>) target(%dma_start3A_533 : memref<10240x128xf32, #tpu.memory_space<vmem_shared>>) offsets(%dma_start3A_530 : memref<80xi32, #tpu.memory_space<vmem>>) semaphore(%run_scoped3A_523 : memref<!tpu.dma_semaphore, #tpu.memory_space<semaphore_mem>>) {add = true}
        %dma_wait3A_534 = arith.constant 0 : i32
        %dma_wait3A_535 = arith.constant 0 : i32
        %dma_wait3A_536 = tpu.memref_slice %arg10[%run_scoped3A_197, %dma_wait3A_534, %dma_wait3A_535] : memref<4x80x128xf32, #tpu.memory_space<vmem>> -> memref<1x80x128xf32, #tpu.memory_space<vmem>>
        %dma_wait3A_537 = tpu.memref_squeeze %dma_wait3A_536 : memref<1x80x128xf32, #tpu.memory_space<vmem>> -> memref<80x128xf32, #tpu.memory_space<vmem>>
        %dma_wait3A_538 = arith.constant 0 : i32
        %dma_wait3A_539 = tpu.memref_slice %arg7[%run_scoped3A_198, %dma_wait3A_538] : memref<8x80xi32, #tpu.memory_space<vmem>> -> memref<1x80xi32, #tpu.memory_space<vmem>>
        %dma_wait3A_540 = tpu.memref_squeeze %dma_wait3A_539 : memref<1x80xi32, #tpu.memory_space<vmem>> -> memref<80xi32, #tpu.memory_space<vmem>>
        %dma_wait3A_541 = arith.constant 0 : i32
        %dma_wait3A_542 = arith.constant 0 : i32
        %dma_wait3A_543 = tpu.memref_slice %arg11[%dma_wait3A_541, %dma_wait3A_542] : memref<10240x128xf32, #tpu.memory_space<vmem_shared>> -> memref<10240x128xf32, #tpu.memory_space<vmem_shared>>
        tpu.wait_indirect_dma semaphore(%run_scoped3A_523 : memref<!tpu.dma_semaphore, #tpu.memory_space<semaphore_mem>>) src(%dma_wait3A_537 : memref<80x128xf32, #tpu.memory_space<vmem>>) dst(%dma_wait3A_543 : memref<10240x128xf32, #tpu.memory_space<vmem_shared>>)
        tpu.yield
      }) : () -> ()
      %dma_wait3A_199 = arith.constant 4 : i32
      %dma_wait3A_200 = arith.constant 0 : i32
      %dma_wait3A_201 = arith.constant 0 : i32
      %dma_wait3A_202 = arith.constant 0 : i32
      %dma_wait3A_203 = tpu.memref_slice %arg10[%dma_wait3A_200, %dma_wait3A_201, %dma_wait3A_202] : memref<4x80x128xf32, #tpu.memory_space<vmem>> -> memref<1x80x128xf32, #tpu.memory_space<vmem>>
      %dma_wait3A_204 = tpu.memref_squeeze %dma_wait3A_203 : memref<1x80x128xf32, #tpu.memory_space<vmem>> -> memref<80x128xf32, #tpu.memory_space<vmem>>
      %dma_wait3A_205 = arith.constant 0 : i32
      %dma_wait3A_206 = tpu.memref_slice %arg6[%dma_wait3A_199, %dma_wait3A_205] : memref<8x80xi32, #tpu.memory_space<vmem>> -> memref<1x80xi32, #tpu.memory_space<vmem>>
      %dma_wait3A_207 = tpu.memref_squeeze %dma_wait3A_206 : memref<1x80xi32, #tpu.memory_space<vmem>> -> memref<80xi32, #tpu.memory_space<vmem>>
      %dma_wait3A_208 = arith.constant 0 : i32
      %dma_wait3A_209 = arith.constant 0 : i32
      %dma_wait3A_210 = tpu.memref_slice %arg2[%dma_wait3A_208, %dma_wait3A_209] : memref<10000x128xf32, #tpu.memory_space<hbm>> -> memref<10000x128xf32, #tpu.memory_space<hbm>>
      tpu.wait_indirect_dma semaphore(%arg12 : memref<!tpu.dma_semaphore, #tpu.memory_space<semaphore_mem>>) src(%dma_wait3A_210 : memref<10000x128xf32, #tpu.memory_space<hbm>>) dst(%dma_wait3A_204 : memref<80x128xf32, #tpu.memory_space<vmem>>)
      %dma_start3A_211 = arith.constant 7 : i32
      %dma_start3A_212 = arith.constant 3 : i32
      %dma_start3A_213 = arith.constant 0 : i32
      %dma_start3A_214 = arith.constant 0 : i32
      %dma_start3A_215 = tpu.memref_slice %arg10[%dma_start3A_212, %dma_start3A_213, %dma_start3A_214] : memref<4x80x128xf32, #tpu.memory_space<vmem>> -> memref<1x80x128xf32, #tpu.memory_space<vmem>>
      %dma_start3A_216 = tpu.memref_squeeze %dma_start3A_215 : memref<1x80x128xf32, #tpu.memory_space<vmem>> -> memref<80x128xf32, #tpu.memory_space<vmem>>
      %dma_start3A_217 = arith.constant 0 : i32
      %dma_start3A_218 = tpu.memref_slice %arg6[%dma_start3A_211, %dma_start3A_217] : memref<8x80xi32, #tpu.memory_space<vmem>> -> memref<1x80xi32, #tpu.memory_space<vmem>>
      %dma_start3A_219 = tpu.memref_squeeze %dma_start3A_218 : memref<1x80xi32, #tpu.memory_space<vmem>> -> memref<80xi32, #tpu.memory_space<vmem>>
      %dma_start3A_220 = arith.constant 0 : i32
      %dma_start3A_221 = arith.constant 0 : i32
      %dma_start3A_222 = tpu.memref_slice %arg2[%dma_start3A_220, %dma_start3A_221] : memref<10000x128xf32, #tpu.memory_space<hbm>> -> memref<10000x128xf32, #tpu.memory_space<hbm>>
      tpu.enqueue_indirect_dma source(%dma_start3A_222 : memref<10000x128xf32, #tpu.memory_space<hbm>>) target(%dma_start3A_216 : memref<80x128xf32, #tpu.memory_space<vmem>>) offsets(%dma_start3A_219 : memref<80xi32, #tpu.memory_space<vmem>>) semaphore(%arg15 : memref<!tpu.dma_semaphore, #tpu.memory_space<semaphore_mem>>)
      %run_scoped3A_223 = arith.constant 0 : i32
      %run_scoped3A_224 = arith.constant 4 : i32
      "tpu.region"() ({
        %run_scoped3A_523 = tpu.sem_alloc : memref<!tpu.dma_semaphore, #tpu.memory_space<semaphore_mem>>
        %dma_start3A_524 = arith.constant 0 : i32
        %dma_start3A_525 = arith.constant 0 : i32
        %dma_start3A_526 = tpu.memref_slice %arg10[%run_scoped3A_223, %dma_start3A_524, %dma_start3A_525] : memref<4x80x128xf32, #tpu.memory_space<vmem>> -> memref<1x80x128xf32, #tpu.memory_space<vmem>>
        %dma_start3A_527 = tpu.memref_squeeze %dma_start3A_526 : memref<1x80x128xf32, #tpu.memory_space<vmem>> -> memref<80x128xf32, #tpu.memory_space<vmem>>
        %dma_start3A_528 = arith.constant 0 : i32
        %dma_start3A_529 = tpu.memref_slice %arg7[%run_scoped3A_224, %dma_start3A_528] : memref<8x80xi32, #tpu.memory_space<vmem>> -> memref<1x80xi32, #tpu.memory_space<vmem>>
        %dma_start3A_530 = tpu.memref_squeeze %dma_start3A_529 : memref<1x80xi32, #tpu.memory_space<vmem>> -> memref<80xi32, #tpu.memory_space<vmem>>
        %dma_start3A_531 = arith.constant 0 : i32
        %dma_start3A_532 = arith.constant 0 : i32
        %dma_start3A_533 = tpu.memref_slice %arg11[%dma_start3A_531, %dma_start3A_532] : memref<10240x128xf32, #tpu.memory_space<vmem_shared>> -> memref<10240x128xf32, #tpu.memory_space<vmem_shared>>
        tpu.enqueue_indirect_dma source(%dma_start3A_527 : memref<80x128xf32, #tpu.memory_space<vmem>>) target(%dma_start3A_533 : memref<10240x128xf32, #tpu.memory_space<vmem_shared>>) offsets(%dma_start3A_530 : memref<80xi32, #tpu.memory_space<vmem>>) semaphore(%run_scoped3A_523 : memref<!tpu.dma_semaphore, #tpu.memory_space<semaphore_mem>>) {add = true}
        %dma_wait3A_534 = arith.constant 0 : i32
        %dma_wait3A_535 = arith.constant 0 : i32
        %dma_wait3A_536 = tpu.memref_slice %arg10[%run_scoped3A_223, %dma_wait3A_534, %dma_wait3A_535] : memref<4x80x128xf32, #tpu.memory_space<vmem>> -> memref<1x80x128xf32, #tpu.memory_space<vmem>>
        %dma_wait3A_537 = tpu.memref_squeeze %dma_wait3A_536 : memref<1x80x128xf32, #tpu.memory_space<vmem>> -> memref<80x128xf32, #tpu.memory_space<vmem>>
        %dma_wait3A_538 = arith.constant 0 : i32
        %dma_wait3A_539 = tpu.memref_slice %arg7[%run_scoped3A_224, %dma_wait3A_538] : memref<8x80xi32, #tpu.memory_space<vmem>> -> memref<1x80xi32, #tpu.memory_space<vmem>>
        %dma_wait3A_540 = tpu.memref_squeeze %dma_wait3A_539 : memref<1x80xi32, #tpu.memory_space<vmem>> -> memref<80xi32, #tpu.memory_space<vmem>>
        %dma_wait3A_541 = arith.constant 0 : i32
        %dma_wait3A_542 = arith.constant 0 : i32
        %dma_wait3A_543 = tpu.memref_slice %arg11[%dma_wait3A_541, %dma_wait3A_542] : memref<10240x128xf32, #tpu.memory_space<vmem_shared>> -> memref<10240x128xf32, #tpu.memory_space<vmem_shared>>
        tpu.wait_indirect_dma semaphore(%run_scoped3A_523 : memref<!tpu.dma_semaphore, #tpu.memory_space<semaphore_mem>>) src(%dma_wait3A_537 : memref<80x128xf32, #tpu.memory_space<vmem>>) dst(%dma_wait3A_543 : memref<10240x128xf32, #tpu.memory_space<vmem_shared>>)
        tpu.yield
      }) : () -> ()
      %mul3A_225 = arith.constant 2 : i32
      %mul3A_226 = arith.muli %mul3A_225, %scan3A_94 : i32
      %add3A_227 = arith.constant 1 : i32
      %add3A_228 = arith.addi %mul3A_226, %add3A_227 : i32
      %mul3A_229 = arith.constant 8 : i32
      %mul3A_230 = arith.muli %add3A_228, %mul3A_229 : i32
      %dma_wait3A_231 = arith.constant 0 : i32
      %dma_wait3A_232 = tpu.memref_slice %arg3[%add3A, %mul3A_230, %dma_wait3A_231] : memref<32x128x80xi32, #tpu.memory_space<hbm>> -> memref<1x8x80xi32, #tpu.memory_space<hbm>>
      %dma_wait3A_233 = tpu.memref_squeeze %dma_wait3A_232 : memref<1x8x80xi32, #tpu.memory_space<hbm>> -> memref<8x80xi32, #tpu.memory_space<hbm>>
      %dma_wait3A_234 = arith.constant 0 : i32
      %dma_wait3A_235 = tpu.memref_slice %arg3[%add3A, %mul3A_230, %dma_wait3A_234] : memref<32x128x80xi32, #tpu.memory_space<hbm>> -> memref<1x8x80xi32, #tpu.memory_space<hbm>>
      %dma_wait3A_236 = tpu.memref_squeeze %dma_wait3A_235 : memref<1x8x80xi32, #tpu.memory_space<hbm>> -> memref<8x80xi32, #tpu.memory_space<hbm>>
      tpu.wait_dma2 semaphore(%arg17 : memref<!tpu.dma_semaphore, #tpu.memory_space<semaphore_mem>>) src(%dma_wait3A_236 : memref<8x80xi32, #tpu.memory_space<hbm>>) dst(%arg8 : memref<8x80xi32, #tpu.memory_space<vmem>>)
      %mul3A_237 = arith.constant 8 : i32
      %mul3A_238 = arith.muli %add3A_228, %mul3A_237 : i32
      %dma_wait3A_239 = arith.constant 0 : i32
      %dma_wait3A_240 = tpu.memref_slice %arg4[%add3A, %mul3A_238, %dma_wait3A_239] : memref<32x128x80xi32, #tpu.memory_space<hbm>> -> memref<1x8x80xi32, #tpu.memory_space<hbm>>
      %dma_wait3A_241 = tpu.memref_squeeze %dma_wait3A_240 : memref<1x8x80xi32, #tpu.memory_space<hbm>> -> memref<8x80xi32, #tpu.memory_space<hbm>>
      %dma_wait3A_242 = arith.constant 0 : i32
      %dma_wait3A_243 = tpu.memref_slice %arg4[%add3A, %mul3A_238, %dma_wait3A_242] : memref<32x128x80xi32, #tpu.memory_space<hbm>> -> memref<1x8x80xi32, #tpu.memory_space<hbm>>
      %dma_wait3A_244 = tpu.memref_squeeze %dma_wait3A_243 : memref<1x8x80xi32, #tpu.memory_space<hbm>> -> memref<8x80xi32, #tpu.memory_space<hbm>>
      tpu.wait_dma2 semaphore(%arg17 : memref<!tpu.dma_semaphore, #tpu.memory_space<semaphore_mem>>) src(%dma_wait3A_244 : memref<8x80xi32, #tpu.memory_space<hbm>>) dst(%arg9 : memref<8x80xi32, #tpu.memory_space<vmem>>)
      %dma_wait3A_245 = arith.constant 5 : i32
      %dma_wait3A_246 = arith.constant 1 : i32
      %dma_wait3A_247 = arith.constant 0 : i32
      %dma_wait3A_248 = arith.constant 0 : i32
      %dma_wait3A_249 = tpu.memref_slice %arg10[%dma_wait3A_246, %dma_wait3A_247, %dma_wait3A_248] : memref<4x80x128xf32, #tpu.memory_space<vmem>> -> memref<1x80x128xf32, #tpu.memory_space<vmem>>
      %dma_wait3A_250 = tpu.memref_squeeze %dma_wait3A_249 : memref<1x80x128xf32, #tpu.memory_space<vmem>> -> memref<80x128xf32, #tpu.memory_space<vmem>>
      %dma_wait3A_251 = arith.constant 0 : i32
      %dma_wait3A_252 = tpu.memref_slice %arg6[%dma_wait3A_245, %dma_wait3A_251] : memref<8x80xi32, #tpu.memory_space<vmem>> -> memref<1x80xi32, #tpu.memory_space<vmem>>
      %dma_wait3A_253 = tpu.memref_squeeze %dma_wait3A_252 : memref<1x80xi32, #tpu.memory_space<vmem>> -> memref<80xi32, #tpu.memory_space<vmem>>
      %dma_wait3A_254 = arith.constant 0 : i32
      %dma_wait3A_255 = arith.constant 0 : i32
      %dma_wait3A_256 = tpu.memref_slice %arg2[%dma_wait3A_254, %dma_wait3A_255] : memref<10000x128xf32, #tpu.memory_space<hbm>> -> memref<10000x128xf32, #tpu.memory_space<hbm>>
      tpu.wait_indirect_dma semaphore(%arg13 : memref<!tpu.dma_semaphore, #tpu.memory_space<semaphore_mem>>) src(%dma_wait3A_256 : memref<10000x128xf32, #tpu.memory_space<hbm>>) dst(%dma_wait3A_250 : memref<80x128xf32, #tpu.memory_space<vmem>>)
      %dma_start3A_257 = arith.constant 0 : i32
      %dma_start3A_258 = arith.constant 0 : i32
      %dma_start3A_259 = arith.constant 0 : i32
      %dma_start3A_260 = arith.constant 0 : i32
      %dma_start3A_261 = tpu.memref_slice %arg10[%dma_start3A_258, %dma_start3A_259, %dma_start3A_260] : memref<4x80x128xf32, #tpu.memory_space<vmem>> -> memref<1x80x128xf32, #tpu.memory_space<vmem>>
      %dma_start3A_262 = tpu.memref_squeeze %dma_start3A_261 : memref<1x80x128xf32, #tpu.memory_space<vmem>> -> memref<80x128xf32, #tpu.memory_space<vmem>>
      %dma_start3A_263 = arith.constant 0 : i32
      %dma_start3A_264 = tpu.memref_slice %arg8[%dma_start3A_257, %dma_start3A_263] : memref<8x80xi32, #tpu.memory_space<vmem>> -> memref<1x80xi32, #tpu.memory_space<vmem>>
      %dma_start3A_265 = tpu.memref_squeeze %dma_start3A_264 : memref<1x80xi32, #tpu.memory_space<vmem>> -> memref<80xi32, #tpu.memory_space<vmem>>
      %dma_start3A_266 = arith.constant 0 : i32
      %dma_start3A_267 = arith.constant 0 : i32
      %dma_start3A_268 = tpu.memref_slice %arg2[%dma_start3A_266, %dma_start3A_267] : memref<10000x128xf32, #tpu.memory_space<hbm>> -> memref<10000x128xf32, #tpu.memory_space<hbm>>
      tpu.enqueue_indirect_dma source(%dma_start3A_268 : memref<10000x128xf32, #tpu.memory_space<hbm>>) target(%dma_start3A_262 : memref<80x128xf32, #tpu.memory_space<vmem>>) offsets(%dma_start3A_265 : memref<80xi32, #tpu.memory_space<vmem>>) semaphore(%arg12 : memref<!tpu.dma_semaphore, #tpu.memory_space<semaphore_mem>>)
      %run_scoped3A_269 = arith.constant 1 : i32
      %run_scoped3A_270 = arith.constant 5 : i32
      "tpu.region"() ({
        %run_scoped3A_523 = tpu.sem_alloc : memref<!tpu.dma_semaphore, #tpu.memory_space<semaphore_mem>>
        %dma_start3A_524 = arith.constant 0 : i32
        %dma_start3A_525 = arith.constant 0 : i32
        %dma_start3A_526 = tpu.memref_slice %arg10[%run_scoped3A_269, %dma_start3A_524, %dma_start3A_525] : memref<4x80x128xf32, #tpu.memory_space<vmem>> -> memref<1x80x128xf32, #tpu.memory_space<vmem>>
        %dma_start3A_527 = tpu.memref_squeeze %dma_start3A_526 : memref<1x80x128xf32, #tpu.memory_space<vmem>> -> memref<80x128xf32, #tpu.memory_space<vmem>>
        %dma_start3A_528 = arith.constant 0 : i32
        %dma_start3A_529 = tpu.memref_slice %arg7[%run_scoped3A_270, %dma_start3A_528] : memref<8x80xi32, #tpu.memory_space<vmem>> -> memref<1x80xi32, #tpu.memory_space<vmem>>
        %dma_start3A_530 = tpu.memref_squeeze %dma_start3A_529 : memref<1x80xi32, #tpu.memory_space<vmem>> -> memref<80xi32, #tpu.memory_space<vmem>>
        %dma_start3A_531 = arith.constant 0 : i32
        %dma_start3A_532 = arith.constant 0 : i32
        %dma_start3A_533 = tpu.memref_slice %arg11[%dma_start3A_531, %dma_start3A_532] : memref<10240x128xf32, #tpu.memory_space<vmem_shared>> -> memref<10240x128xf32, #tpu.memory_space<vmem_shared>>
        tpu.enqueue_indirect_dma source(%dma_start3A_527 : memref<80x128xf32, #tpu.memory_space<vmem>>) target(%dma_start3A_533 : memref<10240x128xf32, #tpu.memory_space<vmem_shared>>) offsets(%dma_start3A_530 : memref<80xi32, #tpu.memory_space<vmem>>) semaphore(%run_scoped3A_523 : memref<!tpu.dma_semaphore, #tpu.memory_space<semaphore_mem>>) {add = true}
        %dma_wait3A_534 = arith.constant 0 : i32
        %dma_wait3A_535 = arith.constant 0 : i32
        %dma_wait3A_536 = tpu.memref_slice %arg10[%run_scoped3A_269, %dma_wait3A_534, %dma_wait3A_535] : memref<4x80x128xf32, #tpu.memory_space<vmem>> -> memref<1x80x128xf32, #tpu.memory_space<vmem>>
        %dma_wait3A_537 = tpu.memref_squeeze %dma_wait3A_536 : memref<1x80x128xf32, #tpu.memory_space<vmem>> -> memref<80x128xf32, #tpu.memory_space<vmem>>
        %dma_wait3A_538 = arith.constant 0 : i32
        %dma_wait3A_539 = tpu.memref_slice %arg7[%run_scoped3A_270, %dma_wait3A_538] : memref<8x80xi32, #tpu.memory_space<vmem>> -> memref<1x80xi32, #tpu.memory_space<vmem>>
        %dma_wait3A_540 = tpu.memref_squeeze %dma_wait3A_539 : memref<1x80xi32, #tpu.memory_space<vmem>> -> memref<80xi32, #tpu.memory_space<vmem>>
        %dma_wait3A_541 = arith.constant 0 : i32
        %dma_wait3A_542 = arith.constant 0 : i32
        %dma_wait3A_543 = tpu.memref_slice %arg11[%dma_wait3A_541, %dma_wait3A_542] : memref<10240x128xf32, #tpu.memory_space<vmem_shared>> -> memref<10240x128xf32, #tpu.memory_space<vmem_shared>>
        tpu.wait_indirect_dma semaphore(%run_scoped3A_523 : memref<!tpu.dma_semaphore, #tpu.memory_space<semaphore_mem>>) src(%dma_wait3A_537 : memref<80x128xf32, #tpu.memory_space<vmem>>) dst(%dma_wait3A_543 : memref<10240x128xf32, #tpu.memory_space<vmem_shared>>)
        tpu.yield
      }) : () -> ()
      %dma_wait3A_271 = arith.constant 6 : i32
      %dma_wait3A_272 = arith.constant 2 : i32
      %dma_wait3A_273 = arith.constant 0 : i32
      %dma_wait3A_274 = arith.constant 0 : i32
      %dma_wait3A_275 = tpu.memref_slice %arg10[%dma_wait3A_272, %dma_wait3A_273, %dma_wait3A_274] : memref<4x80x128xf32, #tpu.memory_space<vmem>> -> memref<1x80x128xf32, #tpu.memory_space<vmem>>
      %dma_wait3A_276 = tpu.memref_squeeze %dma_wait3A_275 : memref<1x80x128xf32, #tpu.memory_space<vmem>> -> memref<80x128xf32, #tpu.memory_space<vmem>>
      %dma_wait3A_277 = arith.constant 0 : i32
      %dma_wait3A_278 = tpu.memref_slice %arg6[%dma_wait3A_271, %dma_wait3A_277] : memref<8x80xi32, #tpu.memory_space<vmem>> -> memref<1x80xi32, #tpu.memory_space<vmem>>
      %dma_wait3A_279 = tpu.memref_squeeze %dma_wait3A_278 : memref<1x80xi32, #tpu.memory_space<vmem>> -> memref<80xi32, #tpu.memory_space<vmem>>
      %dma_wait3A_280 = arith.constant 0 : i32
      %dma_wait3A_281 = arith.constant 0 : i32
      %dma_wait3A_282 = tpu.memref_slice %arg2[%dma_wait3A_280, %dma_wait3A_281] : memref<10000x128xf32, #tpu.memory_space<hbm>> -> memref<10000x128xf32, #tpu.memory_space<hbm>>
      tpu.wait_indirect_dma semaphore(%arg14 : memref<!tpu.dma_semaphore, #tpu.memory_space<semaphore_mem>>) src(%dma_wait3A_282 : memref<10000x128xf32, #tpu.memory_space<hbm>>) dst(%dma_wait3A_276 : memref<80x128xf32, #tpu.memory_space<vmem>>)
      %dma_start3A_283 = arith.constant 1 : i32
      %dma_start3A_284 = arith.constant 1 : i32
      %dma_start3A_285 = arith.constant 0 : i32
      %dma_start3A_286 = arith.constant 0 : i32
      %dma_start3A_287 = tpu.memref_slice %arg10[%dma_start3A_284, %dma_start3A_285, %dma_start3A_286] : memref<4x80x128xf32, #tpu.memory_space<vmem>> -> memref<1x80x128xf32, #tpu.memory_space<vmem>>
      %dma_start3A_288 = tpu.memref_squeeze %dma_start3A_287 : memref<1x80x128xf32, #tpu.memory_space<vmem>> -> memref<80x128xf32, #tpu.memory_space<vmem>>
      %dma_start3A_289 = arith.constant 0 : i32
      %dma_start3A_290 = tpu.memref_slice %arg8[%dma_start3A_283, %dma_start3A_289] : memref<8x80xi32, #tpu.memory_space<vmem>> -> memref<1x80xi32, #tpu.memory_space<vmem>>
      %dma_start3A_291 = tpu.memref_squeeze %dma_start3A_290 : memref<1x80xi32, #tpu.memory_space<vmem>> -> memref<80xi32, #tpu.memory_space<vmem>>
      %dma_start3A_292 = arith.constant 0 : i32
      %dma_start3A_293 = arith.constant 0 : i32
      %dma_start3A_294 = tpu.memref_slice %arg2[%dma_start3A_292, %dma_start3A_293] : memref<10000x128xf32, #tpu.memory_space<hbm>> -> memref<10000x128xf32, #tpu.memory_space<hbm>>
      tpu.enqueue_indirect_dma source(%dma_start3A_294 : memref<10000x128xf32, #tpu.memory_space<hbm>>) target(%dma_start3A_288 : memref<80x128xf32, #tpu.memory_space<vmem>>) offsets(%dma_start3A_291 : memref<80xi32, #tpu.memory_space<vmem>>) semaphore(%arg13 : memref<!tpu.dma_semaphore, #tpu.memory_space<semaphore_mem>>)
      %run_scoped3A_295 = arith.constant 2 : i32
      %run_scoped3A_296 = arith.constant 6 : i32
      "tpu.region"() ({
        %run_scoped3A_523 = tpu.sem_alloc : memref<!tpu.dma_semaphore, #tpu.memory_space<semaphore_mem>>
        %dma_start3A_524 = arith.constant 0 : i32
        %dma_start3A_525 = arith.constant 0 : i32
        %dma_start3A_526 = tpu.memref_slice %arg10[%run_scoped3A_295, %dma_start3A_524, %dma_start3A_525] : memref<4x80x128xf32, #tpu.memory_space<vmem>> -> memref<1x80x128xf32, #tpu.memory_space<vmem>>
        %dma_start3A_527 = tpu.memref_squeeze %dma_start3A_526 : memref<1x80x128xf32, #tpu.memory_space<vmem>> -> memref<80x128xf32, #tpu.memory_space<vmem>>
        %dma_start3A_528 = arith.constant 0 : i32
        %dma_start3A_529 = tpu.memref_slice %arg7[%run_scoped3A_296, %dma_start3A_528] : memref<8x80xi32, #tpu.memory_space<vmem>> -> memref<1x80xi32, #tpu.memory_space<vmem>>
        %dma_start3A_530 = tpu.memref_squeeze %dma_start3A_529 : memref<1x80xi32, #tpu.memory_space<vmem>> -> memref<80xi32, #tpu.memory_space<vmem>>
        %dma_start3A_531 = arith.constant 0 : i32
        %dma_start3A_532 = arith.constant 0 : i32
        %dma_start3A_533 = tpu.memref_slice %arg11[%dma_start3A_531, %dma_start3A_532] : memref<10240x128xf32, #tpu.memory_space<vmem_shared>> -> memref<10240x128xf32, #tpu.memory_space<vmem_shared>>
        tpu.enqueue_indirect_dma source(%dma_start3A_527 : memref<80x128xf32, #tpu.memory_space<vmem>>) target(%dma_start3A_533 : memref<10240x128xf32, #tpu.memory_space<vmem_shared>>) offsets(%dma_start3A_530 : memref<80xi32, #tpu.memory_space<vmem>>) semaphore(%run_scoped3A_523 : memref<!tpu.dma_semaphore, #tpu.memory_space<semaphore_mem>>) {add = true}
        %dma_wait3A_534 = arith.constant 0 : i32
        %dma_wait3A_535 = arith.constant 0 : i32
        %dma_wait3A_536 = tpu.memref_slice %arg10[%run_scoped3A_295, %dma_wait3A_534, %dma_wait3A_535] : memref<4x80x128xf32, #tpu.memory_space<vmem>> -> memref<1x80x128xf32, #tpu.memory_space<vmem>>
        %dma_wait3A_537 = tpu.memref_squeeze %dma_wait3A_536 : memref<1x80x128xf32, #tpu.memory_space<vmem>> -> memref<80x128xf32, #tpu.memory_space<vmem>>
        %dma_wait3A_538 = arith.constant 0 : i32
        %dma_wait3A_539 = tpu.memref_slice %arg7[%run_scoped3A_296, %dma_wait3A_538] : memref<8x80xi32, #tpu.memory_space<vmem>> -> memref<1x80xi32, #tpu.memory_space<vmem>>
        %dma_wait3A_540 = tpu.memref_squeeze %dma_wait3A_539 : memref<1x80xi32, #tpu.memory_space<vmem>> -> memref<80xi32, #tpu.memory_space<vmem>>
        %dma_wait3A_541 = arith.constant 0 : i32
        %dma_wait3A_542 = arith.constant 0 : i32
        %dma_wait3A_543 = tpu.memref_slice %arg11[%dma_wait3A_541, %dma_wait3A_542] : memref<10240x128xf32, #tpu.memory_space<vmem_shared>> -> memref<10240x128xf32, #tpu.memory_space<vmem_shared>>
        tpu.wait_indirect_dma semaphore(%run_scoped3A_523 : memref<!tpu.dma_semaphore, #tpu.memory_space<semaphore_mem>>) src(%dma_wait3A_537 : memref<80x128xf32, #tpu.memory_space<vmem>>) dst(%dma_wait3A_543 : memref<10240x128xf32, #tpu.memory_space<vmem_shared>>)
        tpu.yield
      }) : () -> ()
      %dma_wait3A_297 = arith.constant 7 : i32
      %dma_wait3A_298 = arith.constant 3 : i32
      %dma_wait3A_299 = arith.constant 0 : i32
      %dma_wait3A_300 = arith.constant 0 : i32
      %dma_wait3A_301 = tpu.memref_slice %arg10[%dma_wait3A_298, %dma_wait3A_299, %dma_wait3A_300] : memref<4x80x128xf32, #tpu.memory_space<vmem>> -> memref<1x80x128xf32, #tpu.memory_space<vmem>>
      %dma_wait3A_302 = tpu.memref_squeeze %dma_wait3A_301 : memref<1x80x128xf32, #tpu.memory_space<vmem>> -> memref<80x128xf32, #tpu.memory_space<vmem>>
      %dma_wait3A_303 = arith.constant 0 : i32
      %dma_wait3A_304 = tpu.memref_slice %arg6[%dma_wait3A_297, %dma_wait3A_303] : memref<8x80xi32, #tpu.memory_space<vmem>> -> memref<1x80xi32, #tpu.memory_space<vmem>>
      %dma_wait3A_305 = tpu.memref_squeeze %dma_wait3A_304 : memref<1x80xi32, #tpu.memory_space<vmem>> -> memref<80xi32, #tpu.memory_space<vmem>>
      %dma_wait3A_306 = arith.constant 0 : i32
      %dma_wait3A_307 = arith.constant 0 : i32
      %dma_wait3A_308 = tpu.memref_slice %arg2[%dma_wait3A_306, %dma_wait3A_307] : memref<10000x128xf32, #tpu.memory_space<hbm>> -> memref<10000x128xf32, #tpu.memory_space<hbm>>
      tpu.wait_indirect_dma semaphore(%arg15 : memref<!tpu.dma_semaphore, #tpu.memory_space<semaphore_mem>>) src(%dma_wait3A_308 : memref<10000x128xf32, #tpu.memory_space<hbm>>) dst(%dma_wait3A_302 : memref<80x128xf32, #tpu.memory_space<vmem>>)
      %dma_start3A_309 = arith.constant 2 : i32
      %dma_start3A_310 = arith.constant 2 : i32
      %dma_start3A_311 = arith.constant 0 : i32
      %dma_start3A_312 = arith.constant 0 : i32
      %dma_start3A_313 = tpu.memref_slice %arg10[%dma_start3A_310, %dma_start3A_311, %dma_start3A_312] : memref<4x80x128xf32, #tpu.memory_space<vmem>> -> memref<1x80x128xf32, #tpu.memory_space<vmem>>
      %dma_start3A_314 = tpu.memref_squeeze %dma_start3A_313 : memref<1x80x128xf32, #tpu.memory_space<vmem>> -> memref<80x128xf32, #tpu.memory_space<vmem>>
      %dma_start3A_315 = arith.constant 0 : i32
      %dma_start3A_316 = tpu.memref_slice %arg8[%dma_start3A_309, %dma_start3A_315] : memref<8x80xi32, #tpu.memory_space<vmem>> -> memref<1x80xi32, #tpu.memory_space<vmem>>
      %dma_start3A_317 = tpu.memref_squeeze %dma_start3A_316 : memref<1x80xi32, #tpu.memory_space<vmem>> -> memref<80xi32, #tpu.memory_space<vmem>>
      %dma_start3A_318 = arith.constant 0 : i32
      %dma_start3A_319 = arith.constant 0 : i32
      %dma_start3A_320 = tpu.memref_slice %arg2[%dma_start3A_318, %dma_start3A_319] : memref<10000x128xf32, #tpu.memory_space<hbm>> -> memref<10000x128xf32, #tpu.memory_space<hbm>>
      tpu.enqueue_indirect_dma source(%dma_start3A_320 : memref<10000x128xf32, #tpu.memory_space<hbm>>) target(%dma_start3A_314 : memref<80x128xf32, #tpu.memory_space<vmem>>) offsets(%dma_start3A_317 : memref<80xi32, #tpu.memory_space<vmem>>) semaphore(%arg14 : memref<!tpu.dma_semaphore, #tpu.memory_space<semaphore_mem>>)
      %run_scoped3A_321 = arith.constant 3 : i32
      %run_scoped3A_322 = arith.constant 7 : i32
      "tpu.region"() ({
        %run_scoped3A_523 = tpu.sem_alloc : memref<!tpu.dma_semaphore, #tpu.memory_space<semaphore_mem>>
        %dma_start3A_524 = arith.constant 0 : i32
        %dma_start3A_525 = arith.constant 0 : i32
        %dma_start3A_526 = tpu.memref_slice %arg10[%run_scoped3A_321, %dma_start3A_524, %dma_start3A_525] : memref<4x80x128xf32, #tpu.memory_space<vmem>> -> memref<1x80x128xf32, #tpu.memory_space<vmem>>
        %dma_start3A_527 = tpu.memref_squeeze %dma_start3A_526 : memref<1x80x128xf32, #tpu.memory_space<vmem>> -> memref<80x128xf32, #tpu.memory_space<vmem>>
        %dma_start3A_528 = arith.constant 0 : i32
        %dma_start3A_529 = tpu.memref_slice %arg7[%run_scoped3A_322, %dma_start3A_528] : memref<8x80xi32, #tpu.memory_space<vmem>> -> memref<1x80xi32, #tpu.memory_space<vmem>>
        %dma_start3A_530 = tpu.memref_squeeze %dma_start3A_529 : memref<1x80xi32, #tpu.memory_space<vmem>> -> memref<80xi32, #tpu.memory_space<vmem>>
        %dma_start3A_531 = arith.constant 0 : i32
        %dma_start3A_532 = arith.constant 0 : i32
        %dma_start3A_533 = tpu.memref_slice %arg11[%dma_start3A_531, %dma_start3A_532] : memref<10240x128xf32, #tpu.memory_space<vmem_shared>> -> memref<10240x128xf32, #tpu.memory_space<vmem_shared>>
        tpu.enqueue_indirect_dma source(%dma_start3A_527 : memref<80x128xf32, #tpu.memory_space<vmem>>) target(%dma_start3A_533 : memref<10240x128xf32, #tpu.memory_space<vmem_shared>>) offsets(%dma_start3A_530 : memref<80xi32, #tpu.memory_space<vmem>>) semaphore(%run_scoped3A_523 : memref<!tpu.dma_semaphore, #tpu.memory_space<semaphore_mem>>) {add = true}
        %dma_wait3A_534 = arith.constant 0 : i32
        %dma_wait3A_535 = arith.constant 0 : i32
        %dma_wait3A_536 = tpu.memref_slice %arg10[%run_scoped3A_321, %dma_wait3A_534, %dma_wait3A_535] : memref<4x80x128xf32, #tpu.memory_space<vmem>> -> memref<1x80x128xf32, #tpu.memory_space<vmem>>
        %dma_wait3A_537 = tpu.memref_squeeze %dma_wait3A_536 : memref<1x80x128xf32, #tpu.memory_space<vmem>> -> memref<80x128xf32, #tpu.memory_space<vmem>>
        %dma_wait3A_538 = arith.constant 0 : i32
        %dma_wait3A_539 = tpu.memref_slice %arg7[%run_scoped3A_322, %dma_wait3A_538] : memref<8x80xi32, #tpu.memory_space<vmem>> -> memref<1x80xi32, #tpu.memory_space<vmem>>
        %dma_wait3A_540 = tpu.memref_squeeze %dma_wait3A_539 : memref<1x80xi32, #tpu.memory_space<vmem>> -> memref<80xi32, #tpu.memory_space<vmem>>
        %dma_wait3A_541 = arith.constant 0 : i32
        %dma_wait3A_542 = arith.constant 0 : i32
        %dma_wait3A_543 = tpu.memref_slice %arg11[%dma_wait3A_541, %dma_wait3A_542] : memref<10240x128xf32, #tpu.memory_space<vmem_shared>> -> memref<10240x128xf32, #tpu.memory_space<vmem_shared>>
        tpu.wait_indirect_dma semaphore(%run_scoped3A_523 : memref<!tpu.dma_semaphore, #tpu.memory_space<semaphore_mem>>) src(%dma_wait3A_537 : memref<80x128xf32, #tpu.memory_space<vmem>>) dst(%dma_wait3A_543 : memref<10240x128xf32, #tpu.memory_space<vmem_shared>>)
        tpu.yield
      }) : () -> ()
      %dma_wait3A_323 = arith.constant 0 : i32
      %dma_wait3A_324 = arith.constant 0 : i32
      %dma_wait3A_325 = arith.constant 0 : i32
      %dma_wait3A_326 = arith.constant 0 : i32
      %dma_wait3A_327 = tpu.memref_slice %arg10[%dma_wait3A_324, %dma_wait3A_325, %dma_wait3A_326] : memref<4x80x128xf32, #tpu.memory_space<vmem>> -> memref<1x80x128xf32, #tpu.memory_space<vmem>>
      %dma_wait3A_328 = tpu.memref_squeeze %dma_wait3A_327 : memref<1x80x128xf32, #tpu.memory_space<vmem>> -> memref<80x128xf32, #tpu.memory_space<vmem>>
      %dma_wait3A_329 = arith.constant 0 : i32
      %dma_wait3A_330 = tpu.memref_slice %arg8[%dma_wait3A_323, %dma_wait3A_329] : memref<8x80xi32, #tpu.memory_space<vmem>> -> memref<1x80xi32, #tpu.memory_space<vmem>>
      %dma_wait3A_331 = tpu.memref_squeeze %dma_wait3A_330 : memref<1x80xi32, #tpu.memory_space<vmem>> -> memref<80xi32, #tpu.memory_space<vmem>>
      %dma_wait3A_332 = arith.constant 0 : i32
      %dma_wait3A_333 = arith.constant 0 : i32
      %dma_wait3A_334 = tpu.memref_slice %arg2[%dma_wait3A_332, %dma_wait3A_333] : memref<10000x128xf32, #tpu.memory_space<hbm>> -> memref<10000x128xf32, #tpu.memory_space<hbm>>
      tpu.wait_indirect_dma semaphore(%arg12 : memref<!tpu.dma_semaphore, #tpu.memory_space<semaphore_mem>>) src(%dma_wait3A_334 : memref<10000x128xf32, #tpu.memory_space<hbm>>) dst(%dma_wait3A_328 : memref<80x128xf32, #tpu.memory_space<vmem>>)
      %dma_start3A_335 = arith.constant 3 : i32
      %dma_start3A_336 = arith.constant 3 : i32
      %dma_start3A_337 = arith.constant 0 : i32
      %dma_start3A_338 = arith.constant 0 : i32
      %dma_start3A_339 = tpu.memref_slice %arg10[%dma_start3A_336, %dma_start3A_337, %dma_start3A_338] : memref<4x80x128xf32, #tpu.memory_space<vmem>> -> memref<1x80x128xf32, #tpu.memory_space<vmem>>
      %dma_start3A_340 = tpu.memref_squeeze %dma_start3A_339 : memref<1x80x128xf32, #tpu.memory_space<vmem>> -> memref<80x128xf32, #tpu.memory_space<vmem>>
      %dma_start3A_341 = arith.constant 0 : i32
      %dma_start3A_342 = tpu.memref_slice %arg8[%dma_start3A_335, %dma_start3A_341] : memref<8x80xi32, #tpu.memory_space<vmem>> -> memref<1x80xi32, #tpu.memory_space<vmem>>
      %dma_start3A_343 = tpu.memref_squeeze %dma_start3A_342 : memref<1x80xi32, #tpu.memory_space<vmem>> -> memref<80xi32, #tpu.memory_space<vmem>>
      %dma_start3A_344 = arith.constant 0 : i32
      %dma_start3A_345 = arith.constant 0 : i32
      %dma_start3A_346 = tpu.memref_slice %arg2[%dma_start3A_344, %dma_start3A_345] : memref<10000x128xf32, #tpu.memory_space<hbm>> -> memref<10000x128xf32, #tpu.memory_space<hbm>>
      tpu.enqueue_indirect_dma source(%dma_start3A_346 : memref<10000x128xf32, #tpu.memory_space<hbm>>) target(%dma_start3A_340 : memref<80x128xf32, #tpu.memory_space<vmem>>) offsets(%dma_start3A_343 : memref<80xi32, #tpu.memory_space<vmem>>) semaphore(%arg15 : memref<!tpu.dma_semaphore, #tpu.memory_space<semaphore_mem>>)
      %run_scoped3A_347 = arith.constant 0 : i32
      %run_scoped3A_348 = arith.constant 0 : i32
      "tpu.region"() ({
        %run_scoped3A_523 = tpu.sem_alloc : memref<!tpu.dma_semaphore, #tpu.memory_space<semaphore_mem>>
        %dma_start3A_524 = arith.constant 0 : i32
        %dma_start3A_525 = arith.constant 0 : i32
        %dma_start3A_526 = tpu.memref_slice %arg10[%run_scoped3A_347, %dma_start3A_524, %dma_start3A_525] : memref<4x80x128xf32, #tpu.memory_space<vmem>> -> memref<1x80x128xf32, #tpu.memory_space<vmem>>
        %dma_start3A_527 = tpu.memref_squeeze %dma_start3A_526 : memref<1x80x128xf32, #tpu.memory_space<vmem>> -> memref<80x128xf32, #tpu.memory_space<vmem>>
        %dma_start3A_528 = arith.constant 0 : i32
        %dma_start3A_529 = tpu.memref_slice %arg9[%run_scoped3A_348, %dma_start3A_528] : memref<8x80xi32, #tpu.memory_space<vmem>> -> memref<1x80xi32, #tpu.memory_space<vmem>>
        %dma_start3A_530 = tpu.memref_squeeze %dma_start3A_529 : memref<1x80xi32, #tpu.memory_space<vmem>> -> memref<80xi32, #tpu.memory_space<vmem>>
        %dma_start3A_531 = arith.constant 0 : i32
        %dma_start3A_532 = arith.constant 0 : i32
        %dma_start3A_533 = tpu.memref_slice %arg11[%dma_start3A_531, %dma_start3A_532] : memref<10240x128xf32, #tpu.memory_space<vmem_shared>> -> memref<10240x128xf32, #tpu.memory_space<vmem_shared>>
        tpu.enqueue_indirect_dma source(%dma_start3A_527 : memref<80x128xf32, #tpu.memory_space<vmem>>) target(%dma_start3A_533 : memref<10240x128xf32, #tpu.memory_space<vmem_shared>>) offsets(%dma_start3A_530 : memref<80xi32, #tpu.memory_space<vmem>>) semaphore(%run_scoped3A_523 : memref<!tpu.dma_semaphore, #tpu.memory_space<semaphore_mem>>) {add = true}
        %dma_wait3A_534 = arith.constant 0 : i32
        %dma_wait3A_535 = arith.constant 0 : i32
        %dma_wait3A_536 = tpu.memref_slice %arg10[%run_scoped3A_347, %dma_wait3A_534, %dma_wait3A_535] : memref<4x80x128xf32, #tpu.memory_space<vmem>> -> memref<1x80x128xf32, #tpu.memory_space<vmem>>
        %dma_wait3A_537 = tpu.memref_squeeze %dma_wait3A_536 : memref<1x80x128xf32, #tpu.memory_space<vmem>> -> memref<80x128xf32, #tpu.memory_space<vmem>>
        %dma_wait3A_538 = arith.constant 0 : i32
        %dma_wait3A_539 = tpu.memref_slice %arg9[%run_scoped3A_348, %dma_wait3A_538] : memref<8x80xi32, #tpu.memory_space<vmem>> -> memref<1x80xi32, #tpu.memory_space<vmem>>
        %dma_wait3A_540 = tpu.memref_squeeze %dma_wait3A_539 : memref<1x80xi32, #tpu.memory_space<vmem>> -> memref<80xi32, #tpu.memory_space<vmem>>
        %dma_wait3A_541 = arith.constant 0 : i32
        %dma_wait3A_542 = arith.constant 0 : i32
        %dma_wait3A_543 = tpu.memref_slice %arg11[%dma_wait3A_541, %dma_wait3A_542] : memref<10240x128xf32, #tpu.memory_space<vmem_shared>> -> memref<10240x128xf32, #tpu.memory_space<vmem_shared>>
        tpu.wait_indirect_dma semaphore(%run_scoped3A_523 : memref<!tpu.dma_semaphore, #tpu.memory_space<semaphore_mem>>) src(%dma_wait3A_537 : memref<80x128xf32, #tpu.memory_space<vmem>>) dst(%dma_wait3A_543 : memref<10240x128xf32, #tpu.memory_space<vmem_shared>>)
        tpu.yield
      }) : () -> ()
      %lt3A = arith.constant 7 : i32
      %lt3A_349 = arith.cmpi slt, %scan3A_94, %lt3A : i32
      %convert_element_type3A = arith.extui %lt3A_349 : i1 to i32
      %cond3A = arith.constant 0 : i32
      %cond3A_350 = arith.cmpi ne, %convert_element_type3A, %cond3A : i32
      scf.if %cond3A_350 {
        %mul3A_523 = arith.constant 2 : i32
        %mul3A_524 = arith.muli %mul3A_523, %scan3A_94 : i32
        %add3A_525 = arith.constant 2 : i32
        %add3A_526 = arith.addi %mul3A_524, %add3A_525 : i32
        %mul3A_527 = arith.constant 8 : i32
        %mul3A_528 = arith.muli %add3A_526, %mul3A_527 : i32
        %dma_start3A_529 = arith.constant 0 : i32
        %dma_start3A_530 = tpu.memref_slice %arg3[%add3A, %mul3A_528, %dma_start3A_529] : memref<32x128x80xi32, #tpu.memory_space<hbm>> -> memref<1x8x80xi32, #tpu.memory_space<hbm>>
        %dma_start3A_531 = tpu.memref_squeeze %dma_start3A_530 : memref<1x8x80xi32, #tpu.memory_space<hbm>> -> memref<8x80xi32, #tpu.memory_space<hbm>>
        %dma_start3A_532 = arith.constant 0 : i32
        %dma_start3A_533 = tpu.memref_slice %arg3[%add3A, %mul3A_528, %dma_start3A_532] : memref<32x128x80xi32, #tpu.memory_space<hbm>> -> memref<1x8x80xi32, #tpu.memory_space<hbm>>
        %dma_start3A_534 = tpu.memref_squeeze %dma_start3A_533 : memref<1x8x80xi32, #tpu.memory_space<hbm>> -> memref<8x80xi32, #tpu.memory_space<hbm>>
        tpu.enqueue_dma source(%dma_start3A_534 : memref<8x80xi32, #tpu.memory_space<hbm>>) target(%arg6 : memref<8x80xi32, #tpu.memory_space<vmem>>) target_semaphore(%arg16 : memref<!tpu.dma_semaphore, #tpu.memory_space<semaphore_mem>>)
        %mul3A_535 = arith.constant 8 : i32
        %mul3A_536 = arith.muli %add3A_526, %mul3A_535 : i32
        %dma_start3A_537 = arith.constant 0 : i32
        %dma_start3A_538 = tpu.memref_slice %arg4[%add3A, %mul3A_536, %dma_start3A_537] : memref<32x128x80xi32, #tpu.memory_space<hbm>> -> memref<1x8x80xi32, #tpu.memory_space<hbm>>
        %dma_start3A_539 = tpu.memref_squeeze %dma_start3A_538 : memref<1x8x80xi32, #tpu.memory_space<hbm>> -> memref<8x80xi32, #tpu.memory_space<hbm>>
        %dma_start3A_540 = arith.constant 0 : i32
        %dma_start3A_541 = tpu.memref_slice %arg4[%add3A, %mul3A_536, %dma_start3A_540] : memref<32x128x80xi32, #tpu.memory_space<hbm>> -> memref<1x8x80xi32, #tpu.memory_space<hbm>>
        %dma_start3A_542 = tpu.memref_squeeze %dma_start3A_541 : memref<1x8x80xi32, #tpu.memory_space<hbm>> -> memref<8x80xi32, #tpu.memory_space<hbm>>
        tpu.enqueue_dma source(%dma_start3A_542 : memref<8x80xi32, #tpu.memory_space<hbm>>) target(%arg7 : memref<8x80xi32, #tpu.memory_space<vmem>>) target_semaphore(%arg16 : memref<!tpu.dma_semaphore, #tpu.memory_space<semaphore_mem>>)
      } else {
      }
      %dma_wait3A_351 = arith.constant 1 : i32
      %dma_wait3A_352 = arith.constant 1 : i32
      %dma_wait3A_353 = arith.constant 0 : i32
      %dma_wait3A_354 = arith.constant 0 : i32
      %dma_wait3A_355 = tpu.memref_slice %arg10[%dma_wait3A_352, %dma_wait3A_353, %dma_wait3A_354] : memref<4x80x128xf32, #tpu.memory_space<vmem>> -> memref<1x80x128xf32, #tpu.memory_space<vmem>>
      %dma_wait3A_356 = tpu.memref_squeeze %dma_wait3A_355 : memref<1x80x128xf32, #tpu.memory_space<vmem>> -> memref<80x128xf32, #tpu.memory_space<vmem>>
      %dma_wait3A_357 = arith.constant 0 : i32
      %dma_wait3A_358 = tpu.memref_slice %arg8[%dma_wait3A_351, %dma_wait3A_357] : memref<8x80xi32, #tpu.memory_space<vmem>> -> memref<1x80xi32, #tpu.memory_space<vmem>>
      %dma_wait3A_359 = tpu.memref_squeeze %dma_wait3A_358 : memref<1x80xi32, #tpu.memory_space<vmem>> -> memref<80xi32, #tpu.memory_space<vmem>>
      %dma_wait3A_360 = arith.constant 0 : i32
      %dma_wait3A_361 = arith.constant 0 : i32
      %dma_wait3A_362 = tpu.memref_slice %arg2[%dma_wait3A_360, %dma_wait3A_361] : memref<10000x128xf32, #tpu.memory_space<hbm>> -> memref<10000x128xf32, #tpu.memory_space<hbm>>
      tpu.wait_indirect_dma semaphore(%arg13 : memref<!tpu.dma_semaphore, #tpu.memory_space<semaphore_mem>>) src(%dma_wait3A_362 : memref<10000x128xf32, #tpu.memory_space<hbm>>) dst(%dma_wait3A_356 : memref<80x128xf32, #tpu.memory_space<vmem>>)
      %dma_start3A_363 = arith.constant 4 : i32
      %dma_start3A_364 = arith.constant 0 : i32
      %dma_start3A_365 = arith.constant 0 : i32
      %dma_start3A_366 = arith.constant 0 : i32
      %dma_start3A_367 = tpu.memref_slice %arg10[%dma_start3A_364, %dma_start3A_365, %dma_start3A_366] : memref<4x80x128xf32, #tpu.memory_space<vmem>> -> memref<1x80x128xf32, #tpu.memory_space<vmem>>
      %dma_start3A_368 = tpu.memref_squeeze %dma_start3A_367 : memref<1x80x128xf32, #tpu.memory_space<vmem>> -> memref<80x128xf32, #tpu.memory_space<vmem>>
      %dma_start3A_369 = arith.constant 0 : i32
      %dma_start3A_370 = tpu.memref_slice %arg8[%dma_start3A_363, %dma_start3A_369] : memref<8x80xi32, #tpu.memory_space<vmem>> -> memref<1x80xi32, #tpu.memory_space<vmem>>
      %dma_start3A_371 = tpu.memref_squeeze %dma_start3A_370 : memref<1x80xi32, #tpu.memory_space<vmem>> -> memref<80xi32, #tpu.memory_space<vmem>>
      %dma_start3A_372 = arith.constant 0 : i32
      %dma_start3A_373 = arith.constant 0 : i32
      %dma_start3A_374 = tpu.memref_slice %arg2[%dma_start3A_372, %dma_start3A_373] : memref<10000x128xf32, #tpu.memory_space<hbm>> -> memref<10000x128xf32, #tpu.memory_space<hbm>>
      tpu.enqueue_indirect_dma source(%dma_start3A_374 : memref<10000x128xf32, #tpu.memory_space<hbm>>) target(%dma_start3A_368 : memref<80x128xf32, #tpu.memory_space<vmem>>) offsets(%dma_start3A_371 : memref<80xi32, #tpu.memory_space<vmem>>) semaphore(%arg12 : memref<!tpu.dma_semaphore, #tpu.memory_space<semaphore_mem>>)
      %run_scoped3A_375 = arith.constant 1 : i32
      %run_scoped3A_376 = arith.constant 1 : i32
      "tpu.region"() ({
        %run_scoped3A_523 = tpu.sem_alloc : memref<!tpu.dma_semaphore, #tpu.memory_space<semaphore_mem>>
        %dma_start3A_524 = arith.constant 0 : i32
        %dma_start3A_525 = arith.constant 0 : i32
        %dma_start3A_526 = tpu.memref_slice %arg10[%run_scoped3A_375, %dma_start3A_524, %dma_start3A_525] : memref<4x80x128xf32, #tpu.memory_space<vmem>> -> memref<1x80x128xf32, #tpu.memory_space<vmem>>
        %dma_start3A_527 = tpu.memref_squeeze %dma_start3A_526 : memref<1x80x128xf32, #tpu.memory_space<vmem>> -> memref<80x128xf32, #tpu.memory_space<vmem>>
        %dma_start3A_528 = arith.constant 0 : i32
        %dma_start3A_529 = tpu.memref_slice %arg9[%run_scoped3A_376, %dma_start3A_528] : memref<8x80xi32, #tpu.memory_space<vmem>> -> memref<1x80xi32, #tpu.memory_space<vmem>>
        %dma_start3A_530 = tpu.memref_squeeze %dma_start3A_529 : memref<1x80xi32, #tpu.memory_space<vmem>> -> memref<80xi32, #tpu.memory_space<vmem>>
        %dma_start3A_531 = arith.constant 0 : i32
        %dma_start3A_532 = arith.constant 0 : i32
        %dma_start3A_533 = tpu.memref_slice %arg11[%dma_start3A_531, %dma_start3A_532] : memref<10240x128xf32, #tpu.memory_space<vmem_shared>> -> memref<10240x128xf32, #tpu.memory_space<vmem_shared>>
        tpu.enqueue_indirect_dma source(%dma_start3A_527 : memref<80x128xf32, #tpu.memory_space<vmem>>) target(%dma_start3A_533 : memref<10240x128xf32, #tpu.memory_space<vmem_shared>>) offsets(%dma_start3A_530 : memref<80xi32, #tpu.memory_space<vmem>>) semaphore(%run_scoped3A_523 : memref<!tpu.dma_semaphore, #tpu.memory_space<semaphore_mem>>) {add = true}
        %dma_wait3A_534 = arith.constant 0 : i32
        %dma_wait3A_535 = arith.constant 0 : i32
        %dma_wait3A_536 = tpu.memref_slice %arg10[%run_scoped3A_375, %dma_wait3A_534, %dma_wait3A_535] : memref<4x80x128xf32, #tpu.memory_space<vmem>> -> memref<1x80x128xf32, #tpu.memory_space<vmem>>
        %dma_wait3A_537 = tpu.memref_squeeze %dma_wait3A_536 : memref<1x80x128xf32, #tpu.memory_space<vmem>> -> memref<80x128xf32, #tpu.memory_space<vmem>>
        %dma_wait3A_538 = arith.constant 0 : i32
        %dma_wait3A_539 = tpu.memref_slice %arg9[%run_scoped3A_376, %dma_wait3A_538] : memref<8x80xi32, #tpu.memory_space<vmem>> -> memref<1x80xi32, #tpu.memory_space<vmem>>
        %dma_wait3A_540 = tpu.memref_squeeze %dma_wait3A_539 : memref<1x80xi32, #tpu.memory_space<vmem>> -> memref<80xi32, #tpu.memory_space<vmem>>
        %dma_wait3A_541 = arith.constant 0 : i32
        %dma_wait3A_542 = arith.constant 0 : i32
        %dma_wait3A_543 = tpu.memref_slice %arg11[%dma_wait3A_541, %dma_wait3A_542] : memref<10240x128xf32, #tpu.memory_space<vmem_shared>> -> memref<10240x128xf32, #tpu.memory_space<vmem_shared>>
        tpu.wait_indirect_dma semaphore(%run_scoped3A_523 : memref<!tpu.dma_semaphore, #tpu.memory_space<semaphore_mem>>) src(%dma_wait3A_537 : memref<80x128xf32, #tpu.memory_space<vmem>>) dst(%dma_wait3A_543 : memref<10240x128xf32, #tpu.memory_space<vmem_shared>>)
        tpu.yield
      }) : () -> ()
      %dma_wait3A_377 = arith.constant 2 : i32
      %dma_wait3A_378 = arith.constant 2 : i32
      %dma_wait3A_379 = arith.constant 0 : i32
      %dma_wait3A_380 = arith.constant 0 : i32
      %dma_wait3A_381 = tpu.memref_slice %arg10[%dma_wait3A_378, %dma_wait3A_379, %dma_wait3A_380] : memref<4x80x128xf32, #tpu.memory_space<vmem>> -> memref<1x80x128xf32, #tpu.memory_space<vmem>>
      %dma_wait3A_382 = tpu.memref_squeeze %dma_wait3A_381 : memref<1x80x128xf32, #tpu.memory_space<vmem>> -> memref<80x128xf32, #tpu.memory_space<vmem>>
      %dma_wait3A_383 = arith.constant 0 : i32
      %dma_wait3A_384 = tpu.memref_slice %arg8[%dma_wait3A_377, %dma_wait3A_383] : memref<8x80xi32, #tpu.memory_space<vmem>> -> memref<1x80xi32, #tpu.memory_space<vmem>>
      %dma_wait3A_385 = tpu.memref_squeeze %dma_wait3A_384 : memref<1x80xi32, #tpu.memory_space<vmem>> -> memref<80xi32, #tpu.memory_space<vmem>>
      %dma_wait3A_386 = arith.constant 0 : i32
      %dma_wait3A_387 = arith.constant 0 : i32
      %dma_wait3A_388 = tpu.memref_slice %arg2[%dma_wait3A_386, %dma_wait3A_387] : memref<10000x128xf32, #tpu.memory_space<hbm>> -> memref<10000x128xf32, #tpu.memory_space<hbm>>
      tpu.wait_indirect_dma semaphore(%arg14 : memref<!tpu.dma_semaphore, #tpu.memory_space<semaphore_mem>>) src(%dma_wait3A_388 : memref<10000x128xf32, #tpu.memory_space<hbm>>) dst(%dma_wait3A_382 : memref<80x128xf32, #tpu.memory_space<vmem>>)
      %dma_start3A_389 = arith.constant 5 : i32
      %dma_start3A_390 = arith.constant 1 : i32
      %dma_start3A_391 = arith.constant 0 : i32
      %dma_start3A_392 = arith.constant 0 : i32
      %dma_start3A_393 = tpu.memref_slice %arg10[%dma_start3A_390, %dma_start3A_391, %dma_start3A_392] : memref<4x80x128xf32, #tpu.memory_space<vmem>> -> memref<1x80x128xf32, #tpu.memory_space<vmem>>
      %dma_start3A_394 = tpu.memref_squeeze %dma_start3A_393 : memref<1x80x128xf32, #tpu.memory_space<vmem>> -> memref<80x128xf32, #tpu.memory_space<vmem>>
      %dma_start3A_395 = arith.constant 0 : i32
      %dma_start3A_396 = tpu.memref_slice %arg8[%dma_start3A_389, %dma_start3A_395] : memref<8x80xi32, #tpu.memory_space<vmem>> -> memref<1x80xi32, #tpu.memory_space<vmem>>
      %dma_start3A_397 = tpu.memref_squeeze %dma_start3A_396 : memref<1x80xi32, #tpu.memory_space<vmem>> -> memref<80xi32, #tpu.memory_space<vmem>>
      %dma_start3A_398 = arith.constant 0 : i32
      %dma_start3A_399 = arith.constant 0 : i32
      %dma_start3A_400 = tpu.memref_slice %arg2[%dma_start3A_398, %dma_start3A_399] : memref<10000x128xf32, #tpu.memory_space<hbm>> -> memref<10000x128xf32, #tpu.memory_space<hbm>>
      tpu.enqueue_indirect_dma source(%dma_start3A_400 : memref<10000x128xf32, #tpu.memory_space<hbm>>) target(%dma_start3A_394 : memref<80x128xf32, #tpu.memory_space<vmem>>) offsets(%dma_start3A_397 : memref<80xi32, #tpu.memory_space<vmem>>) semaphore(%arg13 : memref<!tpu.dma_semaphore, #tpu.memory_space<semaphore_mem>>)
      %run_scoped3A_401 = arith.constant 2 : i32
      %run_scoped3A_402 = arith.constant 2 : i32
      "tpu.region"() ({
        %run_scoped3A_523 = tpu.sem_alloc : memref<!tpu.dma_semaphore, #tpu.memory_space<semaphore_mem>>
        %dma_start3A_524 = arith.constant 0 : i32
        %dma_start3A_525 = arith.constant 0 : i32
        %dma_start3A_526 = tpu.memref_slice %arg10[%run_scoped3A_401, %dma_start3A_524, %dma_start3A_525] : memref<4x80x128xf32, #tpu.memory_space<vmem>> -> memref<1x80x128xf32, #tpu.memory_space<vmem>>
        %dma_start3A_527 = tpu.memref_squeeze %dma_start3A_526 : memref<1x80x128xf32, #tpu.memory_space<vmem>> -> memref<80x128xf32, #tpu.memory_space<vmem>>
        %dma_start3A_528 = arith.constant 0 : i32
        %dma_start3A_529 = tpu.memref_slice %arg9[%run_scoped3A_402, %dma_start3A_528] : memref<8x80xi32, #tpu.memory_space<vmem>> -> memref<1x80xi32, #tpu.memory_space<vmem>>
        %dma_start3A_530 = tpu.memref_squeeze %dma_start3A_529 : memref<1x80xi32, #tpu.memory_space<vmem>> -> memref<80xi32, #tpu.memory_space<vmem>>
        %dma_start3A_531 = arith.constant 0 : i32
        %dma_start3A_532 = arith.constant 0 : i32
        %dma_start3A_533 = tpu.memref_slice %arg11[%dma_start3A_531, %dma_start3A_532] : memref<10240x128xf32, #tpu.memory_space<vmem_shared>> -> memref<10240x128xf32, #tpu.memory_space<vmem_shared>>
        tpu.enqueue_indirect_dma source(%dma_start3A_527 : memref<80x128xf32, #tpu.memory_space<vmem>>) target(%dma_start3A_533 : memref<10240x128xf32, #tpu.memory_space<vmem_shared>>) offsets(%dma_start3A_530 : memref<80xi32, #tpu.memory_space<vmem>>) semaphore(%run_scoped3A_523 : memref<!tpu.dma_semaphore, #tpu.memory_space<semaphore_mem>>) {add = true}
        %dma_wait3A_534 = arith.constant 0 : i32
        %dma_wait3A_535 = arith.constant 0 : i32
        %dma_wait3A_536 = tpu.memref_slice %arg10[%run_scoped3A_401, %dma_wait3A_534, %dma_wait3A_535] : memref<4x80x128xf32, #tpu.memory_space<vmem>> -> memref<1x80x128xf32, #tpu.memory_space<vmem>>
        %dma_wait3A_537 = tpu.memref_squeeze %dma_wait3A_536 : memref<1x80x128xf32, #tpu.memory_space<vmem>> -> memref<80x128xf32, #tpu.memory_space<vmem>>
        %dma_wait3A_538 = arith.constant 0 : i32
        %dma_wait3A_539 = tpu.memref_slice %arg9[%run_scoped3A_402, %dma_wait3A_538] : memref<8x80xi32, #tpu.memory_space<vmem>> -> memref<1x80xi32, #tpu.memory_space<vmem>>
        %dma_wait3A_540 = tpu.memref_squeeze %dma_wait3A_539 : memref<1x80xi32, #tpu.memory_space<vmem>> -> memref<80xi32, #tpu.memory_space<vmem>>
        %dma_wait3A_541 = arith.constant 0 : i32
        %dma_wait3A_542 = arith.constant 0 : i32
        %dma_wait3A_543 = tpu.memref_slice %arg11[%dma_wait3A_541, %dma_wait3A_542] : memref<10240x128xf32, #tpu.memory_space<vmem_shared>> -> memref<10240x128xf32, #tpu.memory_space<vmem_shared>>
        tpu.wait_indirect_dma semaphore(%run_scoped3A_523 : memref<!tpu.dma_semaphore, #tpu.memory_space<semaphore_mem>>) src(%dma_wait3A_537 : memref<80x128xf32, #tpu.memory_space<vmem>>) dst(%dma_wait3A_543 : memref<10240x128xf32, #tpu.memory_space<vmem_shared>>)
        tpu.yield
      }) : () -> ()
      %dma_wait3A_403 = arith.constant 3 : i32
      %dma_wait3A_404 = arith.constant 3 : i32
      %dma_wait3A_405 = arith.constant 0 : i32
      %dma_wait3A_406 = arith.constant 0 : i32
      %dma_wait3A_407 = tpu.memref_slice %arg10[%dma_wait3A_404, %dma_wait3A_405, %dma_wait3A_406] : memref<4x80x128xf32, #tpu.memory_space<vmem>> -> memref<1x80x128xf32, #tpu.memory_space<vmem>>
      %dma_wait3A_408 = tpu.memref_squeeze %dma_wait3A_407 : memref<1x80x128xf32, #tpu.memory_space<vmem>> -> memref<80x128xf32, #tpu.memory_space<vmem>>
      %dma_wait3A_409 = arith.constant 0 : i32
      %dma_wait3A_410 = tpu.memref_slice %arg8[%dma_wait3A_403, %dma_wait3A_409] : memref<8x80xi32, #tpu.memory_space<vmem>> -> memref<1x80xi32, #tpu.memory_space<vmem>>
      %dma_wait3A_411 = tpu.memref_squeeze %dma_wait3A_410 : memref<1x80xi32, #tpu.memory_space<vmem>> -> memref<80xi32, #tpu.memory_space<vmem>>
      %dma_wait3A_412 = arith.constant 0 : i32
      %dma_wait3A_413 = arith.constant 0 : i32
      %dma_wait3A_414 = tpu.memref_slice %arg2[%dma_wait3A_412, %dma_wait3A_413] : memref<10000x128xf32, #tpu.memory_space<hbm>> -> memref<10000x128xf32, #tpu.memory_space<hbm>>
      tpu.wait_indirect_dma semaphore(%arg15 : memref<!tpu.dma_semaphore, #tpu.memory_space<semaphore_mem>>) src(%dma_wait3A_414 : memref<10000x128xf32, #tpu.memory_space<hbm>>) dst(%dma_wait3A_408 : memref<80x128xf32, #tpu.memory_space<vmem>>)
      %dma_start3A_415 = arith.constant 6 : i32
      %dma_start3A_416 = arith.constant 2 : i32
      %dma_start3A_417 = arith.constant 0 : i32
      %dma_start3A_418 = arith.constant 0 : i32
      %dma_start3A_419 = tpu.memref_slice %arg10[%dma_start3A_416, %dma_start3A_417, %dma_start3A_418] : memref<4x80x128xf32, #tpu.memory_space<vmem>> -> memref<1x80x128xf32, #tpu.memory_space<vmem>>
      %dma_start3A_420 = tpu.memref_squeeze %dma_start3A_419 : memref<1x80x128xf32, #tpu.memory_space<vmem>> -> memref<80x128xf32, #tpu.memory_space<vmem>>
      %dma_start3A_421 = arith.constant 0 : i32
      %dma_start3A_422 = tpu.memref_slice %arg8[%dma_start3A_415, %dma_start3A_421] : memref<8x80xi32, #tpu.memory_space<vmem>> -> memref<1x80xi32, #tpu.memory_space<vmem>>
      %dma_start3A_423 = tpu.memref_squeeze %dma_start3A_422 : memref<1x80xi32, #tpu.memory_space<vmem>> -> memref<80xi32, #tpu.memory_space<vmem>>
      %dma_start3A_424 = arith.constant 0 : i32
      %dma_start3A_425 = arith.constant 0 : i32
      %dma_start3A_426 = tpu.memref_slice %arg2[%dma_start3A_424, %dma_start3A_425] : memref<10000x128xf32, #tpu.memory_space<hbm>> -> memref<10000x128xf32, #tpu.memory_space<hbm>>
      tpu.enqueue_indirect_dma source(%dma_start3A_426 : memref<10000x128xf32, #tpu.memory_space<hbm>>) target(%dma_start3A_420 : memref<80x128xf32, #tpu.memory_space<vmem>>) offsets(%dma_start3A_423 : memref<80xi32, #tpu.memory_space<vmem>>) semaphore(%arg14 : memref<!tpu.dma_semaphore, #tpu.memory_space<semaphore_mem>>)
      %run_scoped3A_427 = arith.constant 3 : i32
      %run_scoped3A_428 = arith.constant 3 : i32
      "tpu.region"() ({
        %run_scoped3A_523 = tpu.sem_alloc : memref<!tpu.dma_semaphore, #tpu.memory_space<semaphore_mem>>
        %dma_start3A_524 = arith.constant 0 : i32
        %dma_start3A_525 = arith.constant 0 : i32
        %dma_start3A_526 = tpu.memref_slice %arg10[%run_scoped3A_427, %dma_start3A_524, %dma_start3A_525] : memref<4x80x128xf32, #tpu.memory_space<vmem>> -> memref<1x80x128xf32, #tpu.memory_space<vmem>>
        %dma_start3A_527 = tpu.memref_squeeze %dma_start3A_526 : memref<1x80x128xf32, #tpu.memory_space<vmem>> -> memref<80x128xf32, #tpu.memory_space<vmem>>
        %dma_start3A_528 = arith.constant 0 : i32
        %dma_start3A_529 = tpu.memref_slice %arg9[%run_scoped3A_428, %dma_start3A_528] : memref<8x80xi32, #tpu.memory_space<vmem>> -> memref<1x80xi32, #tpu.memory_space<vmem>>
        %dma_start3A_530 = tpu.memref_squeeze %dma_start3A_529 : memref<1x80xi32, #tpu.memory_space<vmem>> -> memref<80xi32, #tpu.memory_space<vmem>>
        %dma_start3A_531 = arith.constant 0 : i32
        %dma_start3A_532 = arith.constant 0 : i32
        %dma_start3A_533 = tpu.memref_slice %arg11[%dma_start3A_531, %dma_start3A_532] : memref<10240x128xf32, #tpu.memory_space<vmem_shared>> -> memref<10240x128xf32, #tpu.memory_space<vmem_shared>>
        tpu.enqueue_indirect_dma source(%dma_start3A_527 : memref<80x128xf32, #tpu.memory_space<vmem>>) target(%dma_start3A_533 : memref<10240x128xf32, #tpu.memory_space<vmem_shared>>) offsets(%dma_start3A_530 : memref<80xi32, #tpu.memory_space<vmem>>) semaphore(%run_scoped3A_523 : memref<!tpu.dma_semaphore, #tpu.memory_space<semaphore_mem>>) {add = true}
        %dma_wait3A_534 = arith.constant 0 : i32
        %dma_wait3A_535 = arith.constant 0 : i32
        %dma_wait3A_536 = tpu.memref_slice %arg10[%run_scoped3A_427, %dma_wait3A_534, %dma_wait3A_535] : memref<4x80x128xf32, #tpu.memory_space<vmem>> -> memref<1x80x128xf32, #tpu.memory_space<vmem>>
        %dma_wait3A_537 = tpu.memref_squeeze %dma_wait3A_536 : memref<1x80x128xf32, #tpu.memory_space<vmem>> -> memref<80x128xf32, #tpu.memory_space<vmem>>
        %dma_wait3A_538 = arith.constant 0 : i32
        %dma_wait3A_539 = tpu.memref_slice %arg9[%run_scoped3A_428, %dma_wait3A_538] : memref<8x80xi32, #tpu.memory_space<vmem>> -> memref<1x80xi32, #tpu.memory_space<vmem>>
        %dma_wait3A_540 = tpu.memref_squeeze %dma_wait3A_539 : memref<1x80xi32, #tpu.memory_space<vmem>> -> memref<80xi32, #tpu.memory_space<vmem>>
        %dma_wait3A_541 = arith.constant 0 : i32
        %dma_wait3A_542 = arith.constant 0 : i32
        %dma_wait3A_543 = tpu.memref_slice %arg11[%dma_wait3A_541, %dma_wait3A_542] : memref<10240x128xf32, #tpu.memory_space<vmem_shared>> -> memref<10240x128xf32, #tpu.memory_space<vmem_shared>>
        tpu.wait_indirect_dma semaphore(%run_scoped3A_523 : memref<!tpu.dma_semaphore, #tpu.memory_space<semaphore_mem>>) src(%dma_wait3A_537 : memref<80x128xf32, #tpu.memory_space<vmem>>) dst(%dma_wait3A_543 : memref<10240x128xf32, #tpu.memory_space<vmem_shared>>)
        tpu.yield
      }) : () -> ()
      %dma_wait3A_429 = arith.constant 4 : i32
      %dma_wait3A_430 = arith.constant 0 : i32
      %dma_wait3A_431 = arith.constant 0 : i32
      %dma_wait3A_432 = arith.constant 0 : i32
      %dma_wait3A_433 = tpu.memref_slice %arg10[%dma_wait3A_430, %dma_wait3A_431, %dma_wait3A_432] : memref<4x80x128xf32, #tpu.memory_space<vmem>> -> memref<1x80x128xf32, #tpu.memory_space<vmem>>
      %dma_wait3A_434 = tpu.memref_squeeze %dma_wait3A_433 : memref<1x80x128xf32, #tpu.memory_space<vmem>> -> memref<80x128xf32, #tpu.memory_space<vmem>>
      %dma_wait3A_435 = arith.constant 0 : i32
      %dma_wait3A_436 = tpu.memref_slice %arg8[%dma_wait3A_429, %dma_wait3A_435] : memref<8x80xi32, #tpu.memory_space<vmem>> -> memref<1x80xi32, #tpu.memory_space<vmem>>
      %dma_wait3A_437 = tpu.memref_squeeze %dma_wait3A_436 : memref<1x80xi32, #tpu.memory_space<vmem>> -> memref<80xi32, #tpu.memory_space<vmem>>
      %dma_wait3A_438 = arith.constant 0 : i32
      %dma_wait3A_439 = arith.constant 0 : i32
      %dma_wait3A_440 = tpu.memref_slice %arg2[%dma_wait3A_438, %dma_wait3A_439] : memref<10000x128xf32, #tpu.memory_space<hbm>> -> memref<10000x128xf32, #tpu.memory_space<hbm>>
      tpu.wait_indirect_dma semaphore(%arg12 : memref<!tpu.dma_semaphore, #tpu.memory_space<semaphore_mem>>) src(%dma_wait3A_440 : memref<10000x128xf32, #tpu.memory_space<hbm>>) dst(%dma_wait3A_434 : memref<80x128xf32, #tpu.memory_space<vmem>>)
      %dma_start3A_441 = arith.constant 7 : i32
      %dma_start3A_442 = arith.constant 3 : i32
      %dma_start3A_443 = arith.constant 0 : i32
      %dma_start3A_444 = arith.constant 0 : i32
      %dma_start3A_445 = tpu.memref_slice %arg10[%dma_start3A_442, %dma_start3A_443, %dma_start3A_444] : memref<4x80x128xf32, #tpu.memory_space<vmem>> -> memref<1x80x128xf32, #tpu.memory_space<vmem>>
      %dma_start3A_446 = tpu.memref_squeeze %dma_start3A_445 : memref<1x80x128xf32, #tpu.memory_space<vmem>> -> memref<80x128xf32, #tpu.memory_space<vmem>>
      %dma_start3A_447 = arith.constant 0 : i32
      %dma_start3A_448 = tpu.memref_slice %arg8[%dma_start3A_441, %dma_start3A_447] : memref<8x80xi32, #tpu.memory_space<vmem>> -> memref<1x80xi32, #tpu.memory_space<vmem>>
      %dma_start3A_449 = tpu.memref_squeeze %dma_start3A_448 : memref<1x80xi32, #tpu.memory_space<vmem>> -> memref<80xi32, #tpu.memory_space<vmem>>
      %dma_start3A_450 = arith.constant 0 : i32
      %dma_start3A_451 = arith.constant 0 : i32
      %dma_start3A_452 = tpu.memref_slice %arg2[%dma_start3A_450, %dma_start3A_451] : memref<10000x128xf32, #tpu.memory_space<hbm>> -> memref<10000x128xf32, #tpu.memory_space<hbm>>
      tpu.enqueue_indirect_dma source(%dma_start3A_452 : memref<10000x128xf32, #tpu.memory_space<hbm>>) target(%dma_start3A_446 : memref<80x128xf32, #tpu.memory_space<vmem>>) offsets(%dma_start3A_449 : memref<80xi32, #tpu.memory_space<vmem>>) semaphore(%arg15 : memref<!tpu.dma_semaphore, #tpu.memory_space<semaphore_mem>>)
      %run_scoped3A_453 = arith.constant 0 : i32
      %run_scoped3A_454 = arith.constant 4 : i32
      "tpu.region"() ({
        %run_scoped3A_523 = tpu.sem_alloc : memref<!tpu.dma_semaphore, #tpu.memory_space<semaphore_mem>>
        %dma_start3A_524 = arith.constant 0 : i32
        %dma_start3A_525 = arith.constant 0 : i32
        %dma_start3A_526 = tpu.memref_slice %arg10[%run_scoped3A_453, %dma_start3A_524, %dma_start3A_525] : memref<4x80x128xf32, #tpu.memory_space<vmem>> -> memref<1x80x128xf32, #tpu.memory_space<vmem>>
        %dma_start3A_527 = tpu.memref_squeeze %dma_start3A_526 : memref<1x80x128xf32, #tpu.memory_space<vmem>> -> memref<80x128xf32, #tpu.memory_space<vmem>>
        %dma_start3A_528 = arith.constant 0 : i32
        %dma_start3A_529 = tpu.memref_slice %arg9[%run_scoped3A_454, %dma_start3A_528] : memref<8x80xi32, #tpu.memory_space<vmem>> -> memref<1x80xi32, #tpu.memory_space<vmem>>
        %dma_start3A_530 = tpu.memref_squeeze %dma_start3A_529 : memref<1x80xi32, #tpu.memory_space<vmem>> -> memref<80xi32, #tpu.memory_space<vmem>>
        %dma_start3A_531 = arith.constant 0 : i32
        %dma_start3A_532 = arith.constant 0 : i32
        %dma_start3A_533 = tpu.memref_slice %arg11[%dma_start3A_531, %dma_start3A_532] : memref<10240x128xf32, #tpu.memory_space<vmem_shared>> -> memref<10240x128xf32, #tpu.memory_space<vmem_shared>>
        tpu.enqueue_indirect_dma source(%dma_start3A_527 : memref<80x128xf32, #tpu.memory_space<vmem>>) target(%dma_start3A_533 : memref<10240x128xf32, #tpu.memory_space<vmem_shared>>) offsets(%dma_start3A_530 : memref<80xi32, #tpu.memory_space<vmem>>) semaphore(%run_scoped3A_523 : memref<!tpu.dma_semaphore, #tpu.memory_space<semaphore_mem>>) {add = true}
        %dma_wait3A_534 = arith.constant 0 : i32
        %dma_wait3A_535 = arith.constant 0 : i32
        %dma_wait3A_536 = tpu.memref_slice %arg10[%run_scoped3A_453, %dma_wait3A_534, %dma_wait3A_535] : memref<4x80x128xf32, #tpu.memory_space<vmem>> -> memref<1x80x128xf32, #tpu.memory_space<vmem>>
        %dma_wait3A_537 = tpu.memref_squeeze %dma_wait3A_536 : memref<1x80x128xf32, #tpu.memory_space<vmem>> -> memref<80x128xf32, #tpu.memory_space<vmem>>
        %dma_wait3A_538 = arith.constant 0 : i32
        %dma_wait3A_539 = tpu.memref_slice %arg9[%run_scoped3A_454, %dma_wait3A_538] : memref<8x80xi32, #tpu.memory_space<vmem>> -> memref<1x80xi32, #tpu.memory_space<vmem>>
        %dma_wait3A_540 = tpu.memref_squeeze %dma_wait3A_539 : memref<1x80xi32, #tpu.memory_space<vmem>> -> memref<80xi32, #tpu.memory_space<vmem>>
        %dma_wait3A_541 = arith.constant 0 : i32
        %dma_wait3A_542 = arith.constant 0 : i32
        %dma_wait3A_543 = tpu.memref_slice %arg11[%dma_wait3A_541, %dma_wait3A_542] : memref<10240x128xf32, #tpu.memory_space<vmem_shared>> -> memref<10240x128xf32, #tpu.memory_space<vmem_shared>>
        tpu.wait_indirect_dma semaphore(%run_scoped3A_523 : memref<!tpu.dma_semaphore, #tpu.memory_space<semaphore_mem>>) src(%dma_wait3A_537 : memref<80x128xf32, #tpu.memory_space<vmem>>) dst(%dma_wait3A_543 : memref<10240x128xf32, #tpu.memory_space<vmem_shared>>)
        tpu.yield
      }) : () -> ()
      %dma_wait3A_455 = arith.constant 5 : i32
      %dma_wait3A_456 = arith.constant 1 : i32
      %dma_wait3A_457 = arith.constant 0 : i32
      %dma_wait3A_458 = arith.constant 0 : i32
      %dma_wait3A_459 = tpu.memref_slice %arg10[%dma_wait3A_456, %dma_wait3A_457, %dma_wait3A_458] : memref<4x80x128xf32, #tpu.memory_space<vmem>> -> memref<1x80x128xf32, #tpu.memory_space<vmem>>
      %dma_wait3A_460 = tpu.memref_squeeze %dma_wait3A_459 : memref<1x80x128xf32, #tpu.memory_space<vmem>> -> memref<80x128xf32, #tpu.memory_space<vmem>>
      %dma_wait3A_461 = arith.constant 0 : i32
      %dma_wait3A_462 = tpu.memref_slice %arg8[%dma_wait3A_455, %dma_wait3A_461] : memref<8x80xi32, #tpu.memory_space<vmem>> -> memref<1x80xi32, #tpu.memory_space<vmem>>
      %dma_wait3A_463 = tpu.memref_squeeze %dma_wait3A_462 : memref<1x80xi32, #tpu.memory_space<vmem>> -> memref<80xi32, #tpu.memory_space<vmem>>
      %dma_wait3A_464 = arith.constant 0 : i32
      %dma_wait3A_465 = arith.constant 0 : i32
      %dma_wait3A_466 = tpu.memref_slice %arg2[%dma_wait3A_464, %dma_wait3A_465] : memref<10000x128xf32, #tpu.memory_space<hbm>> -> memref<10000x128xf32, #tpu.memory_space<hbm>>
      tpu.wait_indirect_dma semaphore(%arg13 : memref<!tpu.dma_semaphore, #tpu.memory_space<semaphore_mem>>) src(%dma_wait3A_466 : memref<10000x128xf32, #tpu.memory_space<hbm>>) dst(%dma_wait3A_460 : memref<80x128xf32, #tpu.memory_space<vmem>>)
      %lt3A_467 = arith.constant 7 : i32
      %lt3A_468 = arith.cmpi slt, %scan3A_94, %lt3A_467 : i32
      %convert_element_type3A_469 = arith.extui %lt3A_468 : i1 to i32
      %cond3A_470 = arith.constant 0 : i32
      %cond3A_471 = arith.cmpi ne, %convert_element_type3A_469, %cond3A_470 : i32
      scf.if %cond3A_471 {
        %mul3A_523 = arith.constant 2 : i32
        %mul3A_524 = arith.muli %mul3A_523, %scan3A_94 : i32
        %add3A_525 = arith.constant 2 : i32
        %add3A_526 = arith.addi %mul3A_524, %add3A_525 : i32
        %mul3A_527 = arith.constant 8 : i32
        %mul3A_528 = arith.muli %add3A_526, %mul3A_527 : i32
        %dma_wait3A_529 = arith.constant 0 : i32
        %dma_wait3A_530 = tpu.memref_slice %arg3[%add3A, %mul3A_528, %dma_wait3A_529] : memref<32x128x80xi32, #tpu.memory_space<hbm>> -> memref<1x8x80xi32, #tpu.memory_space<hbm>>
        %dma_wait3A_531 = tpu.memref_squeeze %dma_wait3A_530 : memref<1x8x80xi32, #tpu.memory_space<hbm>> -> memref<8x80xi32, #tpu.memory_space<hbm>>
        %dma_wait3A_532 = arith.constant 0 : i32
        %dma_wait3A_533 = tpu.memref_slice %arg3[%add3A, %mul3A_528, %dma_wait3A_532] : memref<32x128x80xi32, #tpu.memory_space<hbm>> -> memref<1x8x80xi32, #tpu.memory_space<hbm>>
        %dma_wait3A_534 = tpu.memref_squeeze %dma_wait3A_533 : memref<1x8x80xi32, #tpu.memory_space<hbm>> -> memref<8x80xi32, #tpu.memory_space<hbm>>
        tpu.wait_dma2 semaphore(%arg16 : memref<!tpu.dma_semaphore, #tpu.memory_space<semaphore_mem>>) src(%dma_wait3A_534 : memref<8x80xi32, #tpu.memory_space<hbm>>) dst(%arg6 : memref<8x80xi32, #tpu.memory_space<vmem>>)
        %mul3A_535 = arith.constant 8 : i32
        %mul3A_536 = arith.muli %add3A_526, %mul3A_535 : i32
        %dma_wait3A_537 = arith.constant 0 : i32
        %dma_wait3A_538 = tpu.memref_slice %arg4[%add3A, %mul3A_536, %dma_wait3A_537] : memref<32x128x80xi32, #tpu.memory_space<hbm>> -> memref<1x8x80xi32, #tpu.memory_space<hbm>>
        %dma_wait3A_539 = tpu.memref_squeeze %dma_wait3A_538 : memref<1x8x80xi32, #tpu.memory_space<hbm>> -> memref<8x80xi32, #tpu.memory_space<hbm>>
        %dma_wait3A_540 = arith.constant 0 : i32
        %dma_wait3A_541 = tpu.memref_slice %arg4[%add3A, %mul3A_536, %dma_wait3A_540] : memref<32x128x80xi32, #tpu.memory_space<hbm>> -> memref<1x8x80xi32, #tpu.memory_space<hbm>>
        %dma_wait3A_542 = tpu.memref_squeeze %dma_wait3A_541 : memref<1x8x80xi32, #tpu.memory_space<hbm>> -> memref<8x80xi32, #tpu.memory_space<hbm>>
        tpu.wait_dma2 semaphore(%arg16 : memref<!tpu.dma_semaphore, #tpu.memory_space<semaphore_mem>>) src(%dma_wait3A_542 : memref<8x80xi32, #tpu.memory_space<hbm>>) dst(%arg7 : memref<8x80xi32, #tpu.memory_space<vmem>>)
      } else {
      }
      %lt3A_472 = arith.constant 7 : i32
      %lt3A_473 = arith.cmpi slt, %scan3A_94, %lt3A_472 : i32
      %convert_element_type3A_474 = arith.extui %lt3A_473 : i1 to i32
      %cond3A_475 = arith.constant 0 : i32
      %cond3A_476 = arith.cmpi ne, %convert_element_type3A_474, %cond3A_475 : i32
      scf.if %cond3A_476 {
        %dma_start3A_523 = arith.constant 0 : i32
        %dma_start3A_524 = arith.constant 0 : i32
        %dma_start3A_525 = arith.constant 0 : i32
        %dma_start3A_526 = arith.constant 0 : i32
        %dma_start3A_527 = tpu.memref_slice %arg10[%dma_start3A_524, %dma_start3A_525, %dma_start3A_526] : memref<4x80x128xf32, #tpu.memory_space<vmem>> -> memref<1x80x128xf32, #tpu.memory_space<vmem>>
        %dma_start3A_528 = tpu.memref_squeeze %dma_start3A_527 : memref<1x80x128xf32, #tpu.memory_space<vmem>> -> memref<80x128xf32, #tpu.memory_space<vmem>>
        %dma_start3A_529 = arith.constant 0 : i32
        %dma_start3A_530 = tpu.memref_slice %arg6[%dma_start3A_523, %dma_start3A_529] : memref<8x80xi32, #tpu.memory_space<vmem>> -> memref<1x80xi32, #tpu.memory_space<vmem>>
        %dma_start3A_531 = tpu.memref_squeeze %dma_start3A_530 : memref<1x80xi32, #tpu.memory_space<vmem>> -> memref<80xi32, #tpu.memory_space<vmem>>
        %dma_start3A_532 = arith.constant 0 : i32
        %dma_start3A_533 = arith.constant 0 : i32
        %dma_start3A_534 = tpu.memref_slice %arg2[%dma_start3A_532, %dma_start3A_533] : memref<10000x128xf32, #tpu.memory_space<hbm>> -> memref<10000x128xf32, #tpu.memory_space<hbm>>
        tpu.enqueue_indirect_dma source(%dma_start3A_534 : memref<10000x128xf32, #tpu.memory_space<hbm>>) target(%dma_start3A_528 : memref<80x128xf32, #tpu.memory_space<vmem>>) offsets(%dma_start3A_531 : memref<80xi32, #tpu.memory_space<vmem>>) semaphore(%arg12 : memref<!tpu.dma_semaphore, #tpu.memory_space<semaphore_mem>>)
      } else {
      }
      %run_scoped3A_477 = arith.constant 1 : i32
      %run_scoped3A_478 = arith.constant 5 : i32
      "tpu.region"() ({
        %run_scoped3A_523 = tpu.sem_alloc : memref<!tpu.dma_semaphore, #tpu.memory_space<semaphore_mem>>
        %dma_start3A_524 = arith.constant 0 : i32
        %dma_start3A_525 = arith.constant 0 : i32
        %dma_start3A_526 = tpu.memref_slice %arg10[%run_scoped3A_477, %dma_start3A_524, %dma_start3A_525] : memref<4x80x128xf32, #tpu.memory_space<vmem>> -> memref<1x80x128xf32, #tpu.memory_space<vmem>>
        %dma_start3A_527 = tpu.memref_squeeze %dma_start3A_526 : memref<1x80x128xf32, #tpu.memory_space<vmem>> -> memref<80x128xf32, #tpu.memory_space<vmem>>
        %dma_start3A_528 = arith.constant 0 : i32
        %dma_start3A_529 = tpu.memref_slice %arg9[%run_scoped3A_478, %dma_start3A_528] : memref<8x80xi32, #tpu.memory_space<vmem>> -> memref<1x80xi32, #tpu.memory_space<vmem>>
        %dma_start3A_530 = tpu.memref_squeeze %dma_start3A_529 : memref<1x80xi32, #tpu.memory_space<vmem>> -> memref<80xi32, #tpu.memory_space<vmem>>
        %dma_start3A_531 = arith.constant 0 : i32
        %dma_start3A_532 = arith.constant 0 : i32
        %dma_start3A_533 = tpu.memref_slice %arg11[%dma_start3A_531, %dma_start3A_532] : memref<10240x128xf32, #tpu.memory_space<vmem_shared>> -> memref<10240x128xf32, #tpu.memory_space<vmem_shared>>
        tpu.enqueue_indirect_dma source(%dma_start3A_527 : memref<80x128xf32, #tpu.memory_space<vmem>>) target(%dma_start3A_533 : memref<10240x128xf32, #tpu.memory_space<vmem_shared>>) offsets(%dma_start3A_530 : memref<80xi32, #tpu.memory_space<vmem>>) semaphore(%run_scoped3A_523 : memref<!tpu.dma_semaphore, #tpu.memory_space<semaphore_mem>>) {add = true}
        %dma_wait3A_534 = arith.constant 0 : i32
        %dma_wait3A_535 = arith.constant 0 : i32
        %dma_wait3A_536 = tpu.memref_slice %arg10[%run_scoped3A_477, %dma_wait3A_534, %dma_wait3A_535] : memref<4x80x128xf32, #tpu.memory_space<vmem>> -> memref<1x80x128xf32, #tpu.memory_space<vmem>>
        %dma_wait3A_537 = tpu.memref_squeeze %dma_wait3A_536 : memref<1x80x128xf32, #tpu.memory_space<vmem>> -> memref<80x128xf32, #tpu.memory_space<vmem>>
        %dma_wait3A_538 = arith.constant 0 : i32
        %dma_wait3A_539 = tpu.memref_slice %arg9[%run_scoped3A_478, %dma_wait3A_538] : memref<8x80xi32, #tpu.memory_space<vmem>> -> memref<1x80xi32, #tpu.memory_space<vmem>>
        %dma_wait3A_540 = tpu.memref_squeeze %dma_wait3A_539 : memref<1x80xi32, #tpu.memory_space<vmem>> -> memref<80xi32, #tpu.memory_space<vmem>>
        %dma_wait3A_541 = arith.constant 0 : i32
        %dma_wait3A_542 = arith.constant 0 : i32
        %dma_wait3A_543 = tpu.memref_slice %arg11[%dma_wait3A_541, %dma_wait3A_542] : memref<10240x128xf32, #tpu.memory_space<vmem_shared>> -> memref<10240x128xf32, #tpu.memory_space<vmem_shared>>
        tpu.wait_indirect_dma semaphore(%run_scoped3A_523 : memref<!tpu.dma_semaphore, #tpu.memory_space<semaphore_mem>>) src(%dma_wait3A_537 : memref<80x128xf32, #tpu.memory_space<vmem>>) dst(%dma_wait3A_543 : memref<10240x128xf32, #tpu.memory_space<vmem_shared>>)
        tpu.yield
      }) : () -> ()
      %dma_wait3A_479 = arith.constant 6 : i32
      %dma_wait3A_480 = arith.constant 2 : i32
      %dma_wait3A_481 = arith.constant 0 : i32
      %dma_wait3A_482 = arith.constant 0 : i32
      %dma_wait3A_483 = tpu.memref_slice %arg10[%dma_wait3A_480, %dma_wait3A_481, %dma_wait3A_482] : memref<4x80x128xf32, #tpu.memory_space<vmem>> -> memref<1x80x128xf32, #tpu.memory_space<vmem>>
      %dma_wait3A_484 = tpu.memref_squeeze %dma_wait3A_483 : memref<1x80x128xf32, #tpu.memory_space<vmem>> -> memref<80x128xf32, #tpu.memory_space<vmem>>
      %dma_wait3A_485 = arith.constant 0 : i32
      %dma_wait3A_486 = tpu.memref_slice %arg8[%dma_wait3A_479, %dma_wait3A_485] : memref<8x80xi32, #tpu.memory_space<vmem>> -> memref<1x80xi32, #tpu.memory_space<vmem>>
      %dma_wait3A_487 = tpu.memref_squeeze %dma_wait3A_486 : memref<1x80xi32, #tpu.memory_space<vmem>> -> memref<80xi32, #tpu.memory_space<vmem>>
      %dma_wait3A_488 = arith.constant 0 : i32
      %dma_wait3A_489 = arith.constant 0 : i32
      %dma_wait3A_490 = tpu.memref_slice %arg2[%dma_wait3A_488, %dma_wait3A_489] : memref<10000x128xf32, #tpu.memory_space<hbm>> -> memref<10000x128xf32, #tpu.memory_space<hbm>>
      tpu.wait_indirect_dma semaphore(%arg14 : memref<!tpu.dma_semaphore, #tpu.memory_space<semaphore_mem>>) src(%dma_wait3A_490 : memref<10000x128xf32, #tpu.memory_space<hbm>>) dst(%dma_wait3A_484 : memref<80x128xf32, #tpu.memory_space<vmem>>)
      %lt3A_491 = arith.constant 7 : i32
      %lt3A_492 = arith.cmpi slt, %scan3A_94, %lt3A_491 : i32
      %convert_element_type3A_493 = arith.extui %lt3A_492 : i1 to i32
      %cond3A_494 = arith.constant 0 : i32
      %cond3A_495 = arith.cmpi ne, %convert_element_type3A_493, %cond3A_494 : i32
      scf.if %cond3A_495 {
        %dma_start3A_523 = arith.constant 1 : i32
        %dma_start3A_524 = arith.constant 1 : i32
        %dma_start3A_525 = arith.constant 0 : i32
        %dma_start3A_526 = arith.constant 0 : i32
        %dma_start3A_527 = tpu.memref_slice %arg10[%dma_start3A_524, %dma_start3A_525, %dma_start3A_526] : memref<4x80x128xf32, #tpu.memory_space<vmem>> -> memref<1x80x128xf32, #tpu.memory_space<vmem>>
        %dma_start3A_528 = tpu.memref_squeeze %dma_start3A_527 : memref<1x80x128xf32, #tpu.memory_space<vmem>> -> memref<80x128xf32, #tpu.memory_space<vmem>>
        %dma_start3A_529 = arith.constant 0 : i32
        %dma_start3A_530 = tpu.memref_slice %arg6[%dma_start3A_523, %dma_start3A_529] : memref<8x80xi32, #tpu.memory_space<vmem>> -> memref<1x80xi32, #tpu.memory_space<vmem>>
        %dma_start3A_531 = tpu.memref_squeeze %dma_start3A_530 : memref<1x80xi32, #tpu.memory_space<vmem>> -> memref<80xi32, #tpu.memory_space<vmem>>
        %dma_start3A_532 = arith.constant 0 : i32
        %dma_start3A_533 = arith.constant 0 : i32
        %dma_start3A_534 = tpu.memref_slice %arg2[%dma_start3A_532, %dma_start3A_533] : memref<10000x128xf32, #tpu.memory_space<hbm>> -> memref<10000x128xf32, #tpu.memory_space<hbm>>
        tpu.enqueue_indirect_dma source(%dma_start3A_534 : memref<10000x128xf32, #tpu.memory_space<hbm>>) target(%dma_start3A_528 : memref<80x128xf32, #tpu.memory_space<vmem>>) offsets(%dma_start3A_531 : memref<80xi32, #tpu.memory_space<vmem>>) semaphore(%arg13 : memref<!tpu.dma_semaphore, #tpu.memory_space<semaphore_mem>>)
      } else {
      }
      %run_scoped3A_496 = arith.constant 2 : i32
      %run_scoped3A_497 = arith.constant 6 : i32
      "tpu.region"() ({
        %run_scoped3A_523 = tpu.sem_alloc : memref<!tpu.dma_semaphore, #tpu.memory_space<semaphore_mem>>
        %dma_start3A_524 = arith.constant 0 : i32
        %dma_start3A_525 = arith.constant 0 : i32
        %dma_start3A_526 = tpu.memref_slice %arg10[%run_scoped3A_496, %dma_start3A_524, %dma_start3A_525] : memref<4x80x128xf32, #tpu.memory_space<vmem>> -> memref<1x80x128xf32, #tpu.memory_space<vmem>>
        %dma_start3A_527 = tpu.memref_squeeze %dma_start3A_526 : memref<1x80x128xf32, #tpu.memory_space<vmem>> -> memref<80x128xf32, #tpu.memory_space<vmem>>
        %dma_start3A_528 = arith.constant 0 : i32
        %dma_start3A_529 = tpu.memref_slice %arg9[%run_scoped3A_497, %dma_start3A_528] : memref<8x80xi32, #tpu.memory_space<vmem>> -> memref<1x80xi32, #tpu.memory_space<vmem>>
        %dma_start3A_530 = tpu.memref_squeeze %dma_start3A_529 : memref<1x80xi32, #tpu.memory_space<vmem>> -> memref<80xi32, #tpu.memory_space<vmem>>
        %dma_start3A_531 = arith.constant 0 : i32
        %dma_start3A_532 = arith.constant 0 : i32
        %dma_start3A_533 = tpu.memref_slice %arg11[%dma_start3A_531, %dma_start3A_532] : memref<10240x128xf32, #tpu.memory_space<vmem_shared>> -> memref<10240x128xf32, #tpu.memory_space<vmem_shared>>
        tpu.enqueue_indirect_dma source(%dma_start3A_527 : memref<80x128xf32, #tpu.memory_space<vmem>>) target(%dma_start3A_533 : memref<10240x128xf32, #tpu.memory_space<vmem_shared>>) offsets(%dma_start3A_530 : memref<80xi32, #tpu.memory_space<vmem>>) semaphore(%run_scoped3A_523 : memref<!tpu.dma_semaphore, #tpu.memory_space<semaphore_mem>>) {add = true}
        %dma_wait3A_534 = arith.constant 0 : i32
        %dma_wait3A_535 = arith.constant 0 : i32
        %dma_wait3A_536 = tpu.memref_slice %arg10[%run_scoped3A_496, %dma_wait3A_534, %dma_wait3A_535] : memref<4x80x128xf32, #tpu.memory_space<vmem>> -> memref<1x80x128xf32, #tpu.memory_space<vmem>>
        %dma_wait3A_537 = tpu.memref_squeeze %dma_wait3A_536 : memref<1x80x128xf32, #tpu.memory_space<vmem>> -> memref<80x128xf32, #tpu.memory_space<vmem>>
        %dma_wait3A_538 = arith.constant 0 : i32
        %dma_wait3A_539 = tpu.memref_slice %arg9[%run_scoped3A_497, %dma_wait3A_538] : memref<8x80xi32, #tpu.memory_space<vmem>> -> memref<1x80xi32, #tpu.memory_space<vmem>>
        %dma_wait3A_540 = tpu.memref_squeeze %dma_wait3A_539 : memref<1x80xi32, #tpu.memory_space<vmem>> -> memref<80xi32, #tpu.memory_space<vmem>>
        %dma_wait3A_541 = arith.constant 0 : i32
        %dma_wait3A_542 = arith.constant 0 : i32
        %dma_wait3A_543 = tpu.memref_slice %arg11[%dma_wait3A_541, %dma_wait3A_542] : memref<10240x128xf32, #tpu.memory_space<vmem_shared>> -> memref<10240x128xf32, #tpu.memory_space<vmem_shared>>
        tpu.wait_indirect_dma semaphore(%run_scoped3A_523 : memref<!tpu.dma_semaphore, #tpu.memory_space<semaphore_mem>>) src(%dma_wait3A_537 : memref<80x128xf32, #tpu.memory_space<vmem>>) dst(%dma_wait3A_543 : memref<10240x128xf32, #tpu.memory_space<vmem_shared>>)
        tpu.yield
      }) : () -> ()
      %dma_wait3A_498 = arith.constant 7 : i32
      %dma_wait3A_499 = arith.constant 3 : i32
      %dma_wait3A_500 = arith.constant 0 : i32
      %dma_wait3A_501 = arith.constant 0 : i32
      %dma_wait3A_502 = tpu.memref_slice %arg10[%dma_wait3A_499, %dma_wait3A_500, %dma_wait3A_501] : memref<4x80x128xf32, #tpu.memory_space<vmem>> -> memref<1x80x128xf32, #tpu.memory_space<vmem>>
      %dma_wait3A_503 = tpu.memref_squeeze %dma_wait3A_502 : memref<1x80x128xf32, #tpu.memory_space<vmem>> -> memref<80x128xf32, #tpu.memory_space<vmem>>
      %dma_wait3A_504 = arith.constant 0 : i32
      %dma_wait3A_505 = tpu.memref_slice %arg8[%dma_wait3A_498, %dma_wait3A_504] : memref<8x80xi32, #tpu.memory_space<vmem>> -> memref<1x80xi32, #tpu.memory_space<vmem>>
      %dma_wait3A_506 = tpu.memref_squeeze %dma_wait3A_505 : memref<1x80xi32, #tpu.memory_space<vmem>> -> memref<80xi32, #tpu.memory_space<vmem>>
      %dma_wait3A_507 = arith.constant 0 : i32
      %dma_wait3A_508 = arith.constant 0 : i32
      %dma_wait3A_509 = tpu.memref_slice %arg2[%dma_wait3A_507, %dma_wait3A_508] : memref<10000x128xf32, #tpu.memory_space<hbm>> -> memref<10000x128xf32, #tpu.memory_space<hbm>>
      tpu.wait_indirect_dma semaphore(%arg15 : memref<!tpu.dma_semaphore, #tpu.memory_space<semaphore_mem>>) src(%dma_wait3A_509 : memref<10000x128xf32, #tpu.memory_space<hbm>>) dst(%dma_wait3A_503 : memref<80x128xf32, #tpu.memory_space<vmem>>)
      %lt3A_510 = arith.constant 7 : i32
      %lt3A_511 = arith.cmpi slt, %scan3A_94, %lt3A_510 : i32
      %convert_element_type3A_512 = arith.extui %lt3A_511 : i1 to i32
      %cond3A_513 = arith.constant 0 : i32
      %cond3A_514 = arith.cmpi ne, %convert_element_type3A_512, %cond3A_513 : i32
      scf.if %cond3A_514 {
        %dma_start3A_523 = arith.constant 2 : i32
        %dma_start3A_524 = arith.constant 2 : i32
        %dma_start3A_525 = arith.constant 0 : i32
        %dma_start3A_526 = arith.constant 0 : i32
        %dma_start3A_527 = tpu.memref_slice %arg10[%dma_start3A_524, %dma_start3A_525, %dma_start3A_526] : memref<4x80x128xf32, #tpu.memory_space<vmem>> -> memref<1x80x128xf32, #tpu.memory_space<vmem>>
        %dma_start3A_528 = tpu.memref_squeeze %dma_start3A_527 : memref<1x80x128xf32, #tpu.memory_space<vmem>> -> memref<80x128xf32, #tpu.memory_space<vmem>>
        %dma_start3A_529 = arith.constant 0 : i32
        %dma_start3A_530 = tpu.memref_slice %arg6[%dma_start3A_523, %dma_start3A_529] : memref<8x80xi32, #tpu.memory_space<vmem>> -> memref<1x80xi32, #tpu.memory_space<vmem>>
        %dma_start3A_531 = tpu.memref_squeeze %dma_start3A_530 : memref<1x80xi32, #tpu.memory_space<vmem>> -> memref<80xi32, #tpu.memory_space<vmem>>
        %dma_start3A_532 = arith.constant 0 : i32
        %dma_start3A_533 = arith.constant 0 : i32
        %dma_start3A_534 = tpu.memref_slice %arg2[%dma_start3A_532, %dma_start3A_533] : memref<10000x128xf32, #tpu.memory_space<hbm>> -> memref<10000x128xf32, #tpu.memory_space<hbm>>
        tpu.enqueue_indirect_dma source(%dma_start3A_534 : memref<10000x128xf32, #tpu.memory_space<hbm>>) target(%dma_start3A_528 : memref<80x128xf32, #tpu.memory_space<vmem>>) offsets(%dma_start3A_531 : memref<80xi32, #tpu.memory_space<vmem>>) semaphore(%arg14 : memref<!tpu.dma_semaphore, #tpu.memory_space<semaphore_mem>>)
      } else {
      }
      %run_scoped3A_515 = arith.constant 3 : i32
      %run_scoped3A_516 = arith.constant 7 : i32
      "tpu.region"() ({
        %run_scoped3A_523 = tpu.sem_alloc : memref<!tpu.dma_semaphore, #tpu.memory_space<semaphore_mem>>
        %dma_start3A_524 = arith.constant 0 : i32
        %dma_start3A_525 = arith.constant 0 : i32
        %dma_start3A_526 = tpu.memref_slice %arg10[%run_scoped3A_515, %dma_start3A_524, %dma_start3A_525] : memref<4x80x128xf32, #tpu.memory_space<vmem>> -> memref<1x80x128xf32, #tpu.memory_space<vmem>>
        %dma_start3A_527 = tpu.memref_squeeze %dma_start3A_526 : memref<1x80x128xf32, #tpu.memory_space<vmem>> -> memref<80x128xf32, #tpu.memory_space<vmem>>
        %dma_start3A_528 = arith.constant 0 : i32
        %dma_start3A_529 = tpu.memref_slice %arg9[%run_scoped3A_516, %dma_start3A_528] : memref<8x80xi32, #tpu.memory_space<vmem>> -> memref<1x80xi32, #tpu.memory_space<vmem>>
        %dma_start3A_530 = tpu.memref_squeeze %dma_start3A_529 : memref<1x80xi32, #tpu.memory_space<vmem>> -> memref<80xi32, #tpu.memory_space<vmem>>
        %dma_start3A_531 = arith.constant 0 : i32
        %dma_start3A_532 = arith.constant 0 : i32
        %dma_start3A_533 = tpu.memref_slice %arg11[%dma_start3A_531, %dma_start3A_532] : memref<10240x128xf32, #tpu.memory_space<vmem_shared>> -> memref<10240x128xf32, #tpu.memory_space<vmem_shared>>
        tpu.enqueue_indirect_dma source(%dma_start3A_527 : memref<80x128xf32, #tpu.memory_space<vmem>>) target(%dma_start3A_533 : memref<10240x128xf32, #tpu.memory_space<vmem_shared>>) offsets(%dma_start3A_530 : memref<80xi32, #tpu.memory_space<vmem>>) semaphore(%run_scoped3A_523 : memref<!tpu.dma_semaphore, #tpu.memory_space<semaphore_mem>>) {add = true}
        %dma_wait3A_534 = arith.constant 0 : i32
        %dma_wait3A_535 = arith.constant 0 : i32
        %dma_wait3A_536 = tpu.memref_slice %arg10[%run_scoped3A_515, %dma_wait3A_534, %dma_wait3A_535] : memref<4x80x128xf32, #tpu.memory_space<vmem>> -> memref<1x80x128xf32, #tpu.memory_space<vmem>>
        %dma_wait3A_537 = tpu.memref_squeeze %dma_wait3A_536 : memref<1x80x128xf32, #tpu.memory_space<vmem>> -> memref<80x128xf32, #tpu.memory_space<vmem>>
        %dma_wait3A_538 = arith.constant 0 : i32
        %dma_wait3A_539 = tpu.memref_slice %arg9[%run_scoped3A_516, %dma_wait3A_538] : memref<8x80xi32, #tpu.memory_space<vmem>> -> memref<1x80xi32, #tpu.memory_space<vmem>>
        %dma_wait3A_540 = tpu.memref_squeeze %dma_wait3A_539 : memref<1x80xi32, #tpu.memory_space<vmem>> -> memref<80xi32, #tpu.memory_space<vmem>>
        %dma_wait3A_541 = arith.constant 0 : i32
        %dma_wait3A_542 = arith.constant 0 : i32
        %dma_wait3A_543 = tpu.memref_slice %arg11[%dma_wait3A_541, %dma_wait3A_542] : memref<10240x128xf32, #tpu.memory_space<vmem_shared>> -> memref<10240x128xf32, #tpu.memory_space<vmem_shared>>
        tpu.wait_indirect_dma semaphore(%run_scoped3A_523 : memref<!tpu.dma_semaphore, #tpu.memory_space<semaphore_mem>>) src(%dma_wait3A_537 : memref<80x128xf32, #tpu.memory_space<vmem>>) dst(%dma_wait3A_543 : memref<10240x128xf32, #tpu.memory_space<vmem_shared>>)
        tpu.yield
      }) : () -> ()
      %lt3A_517 = arith.constant 7 : i32
      %lt3A_518 = arith.cmpi slt, %scan3A_94, %lt3A_517 : i32
      %convert_element_type3A_519 = arith.extui %lt3A_518 : i1 to i32
      %cond3A_520 = arith.constant 0 : i32
      %cond3A_521 = arith.cmpi ne, %convert_element_type3A_519, %cond3A_520 : i32
      scf.if %cond3A_521 {
        %mul3A_523 = arith.constant 2 : i32
        %mul3A_524 = arith.muli %mul3A_523, %scan3A_94 : i32
        %add3A_525 = arith.constant 3 : i32
        %add3A_526 = arith.addi %mul3A_524, %add3A_525 : i32
        %mul3A_527 = arith.constant 8 : i32
        %mul3A_528 = arith.muli %add3A_526, %mul3A_527 : i32
        %dma_start3A_529 = arith.constant 0 : i32
        %dma_start3A_530 = tpu.memref_slice %arg3[%add3A, %mul3A_528, %dma_start3A_529] : memref<32x128x80xi32, #tpu.memory_space<hbm>> -> memref<1x8x80xi32, #tpu.memory_space<hbm>>
        %dma_start3A_531 = tpu.memref_squeeze %dma_start3A_530 : memref<1x8x80xi32, #tpu.memory_space<hbm>> -> memref<8x80xi32, #tpu.memory_space<hbm>>
        %dma_start3A_532 = arith.constant 0 : i32
        %dma_start3A_533 = tpu.memref_slice %arg3[%add3A, %mul3A_528, %dma_start3A_532] : memref<32x128x80xi32, #tpu.memory_space<hbm>> -> memref<1x8x80xi32, #tpu.memory_space<hbm>>
        %dma_start3A_534 = tpu.memref_squeeze %dma_start3A_533 : memref<1x8x80xi32, #tpu.memory_space<hbm>> -> memref<8x80xi32, #tpu.memory_space<hbm>>
        tpu.enqueue_dma source(%dma_start3A_534 : memref<8x80xi32, #tpu.memory_space<hbm>>) target(%arg8 : memref<8x80xi32, #tpu.memory_space<vmem>>) target_semaphore(%arg17 : memref<!tpu.dma_semaphore, #tpu.memory_space<semaphore_mem>>)
        %mul3A_535 = arith.constant 8 : i32
        %mul3A_536 = arith.muli %add3A_526, %mul3A_535 : i32
        %dma_start3A_537 = arith.constant 0 : i32
        %dma_start3A_538 = tpu.memref_slice %arg4[%add3A, %mul3A_536, %dma_start3A_537] : memref<32x128x80xi32, #tpu.memory_space<hbm>> -> memref<1x8x80xi32, #tpu.memory_space<hbm>>
        %dma_start3A_539 = tpu.memref_squeeze %dma_start3A_538 : memref<1x8x80xi32, #tpu.memory_space<hbm>> -> memref<8x80xi32, #tpu.memory_space<hbm>>
        %dma_start3A_540 = arith.constant 0 : i32
        %dma_start3A_541 = tpu.memref_slice %arg4[%add3A, %mul3A_536, %dma_start3A_540] : memref<32x128x80xi32, #tpu.memory_space<hbm>> -> memref<1x8x80xi32, #tpu.memory_space<hbm>>
        %dma_start3A_542 = tpu.memref_squeeze %dma_start3A_541 : memref<1x8x80xi32, #tpu.memory_space<hbm>> -> memref<8x80xi32, #tpu.memory_space<hbm>>
        tpu.enqueue_dma source(%dma_start3A_542 : memref<8x80xi32, #tpu.memory_space<hbm>>) target(%arg9 : memref<8x80xi32, #tpu.memory_space<vmem>>) target_semaphore(%arg17 : memref<!tpu.dma_semaphore, #tpu.memory_space<semaphore_mem>>)
      } else {
      }
      %scan3A_522 = arith.constant 0 : i32
      scf.yield %scan3A_522 : i32
    }
    %scan3A_90 = arith.constant 8 : i32
    %barrier3A_91 = arith.constant 0 : index
    tpu.barrier barrier_id(%barrier3A_91)
    %mul3A_92 = arith.constant 640 : i32
    %mul3A_93 = arith.muli %arg1, %mul3A_92 : i32
    "tpu.region"() ({
      %run_scoped3A_94 = tpu.sem_alloc : memref<!tpu.dma_semaphore, #tpu.memory_space<semaphore_mem>>
      %dma_start3A_95 = arith.constant 0 : i32
      %dma_start3A_96 = tpu.memref_slice %arg5[%arg0, %mul3A_93, %dma_start3A_95] : memref<2x10240x128xf32, #tpu.memory_space<hbm>> -> memref<1x640x128xf32, #tpu.memory_space<hbm>>
      %dma_start3A_97 = tpu.memref_squeeze %dma_start3A_96 : memref<1x640x128xf32, #tpu.memory_space<hbm>> -> memref<640x128xf32, #tpu.memory_space<hbm>>
      %dma_start3A_98 = arith.constant 0 : i32
      %dma_start3A_99 = tpu.memref_slice %arg11[%mul3A_93, %dma_start3A_98] : memref<10240x128xf32, #tpu.memory_space<vmem_shared>> -> memref<640x128xf32, #tpu.memory_space<vmem_shared>>
      tpu.enqueue_dma source(%dma_start3A_99 : memref<640x128xf32, #tpu.memory_space<vmem_shared>>) target(%dma_start3A_97 : memref<640x128xf32, #tpu.memory_space<hbm>>) target_semaphore(%run_scoped3A_94 : memref<!tpu.dma_semaphore, #tpu.memory_space<semaphore_mem>>)
      %dma_wait3A = arith.constant 0 : i32
      %dma_wait3A_100 = tpu.memref_slice %arg5[%arg0, %mul3A_93, %dma_wait3A] : memref<2x10240x128xf32, #tpu.memory_space<hbm>> -> memref<1x640x128xf32, #tpu.memory_space<hbm>>
      %dma_wait3A_101 = tpu.memref_squeeze %dma_wait3A_100 : memref<1x640x128xf32, #tpu.memory_space<hbm>> -> memref<640x128xf32, #tpu.memory_space<hbm>>
      %dma_wait3A_102 = arith.constant 0 : i32
      %dma_wait3A_103 = tpu.memref_slice %arg11[%mul3A_93, %dma_wait3A_102] : memref<10240x128xf32, #tpu.memory_space<vmem_shared>> -> memref<640x128xf32, #tpu.memory_space<vmem_shared>>
      tpu.wait_dma2 semaphore(%run_scoped3A_94 : memref<!tpu.dma_semaphore, #tpu.memory_space<semaphore_mem>>) src(%dma_wait3A_103 : memref<640x128xf32, #tpu.memory_space<vmem_shared>>) dst(%dma_wait3A_101 : memref<640x128xf32, #tpu.memory_space<hbm>>)
      tpu.yield
    }) : () -> ()
    return
  }
}

module attributes {stable_mosaic.version = 14 : i64} {
  func.func @_scale_matmul_body(%arg0: i32, %arg1: memref<2000x128xf32, #tpu.memory_space<vmem>>, %arg2: memref<2000x1xf32, #tpu.memory_space<vmem>>, %arg3: memref<2000x1xf32, #tpu.memory_space<vmem>>, %arg4: memref<128x128xf32, #tpu.memory_space<vmem>>, %arg5: memref<2000x128xf32, #tpu.memory_space<vmem>>) attributes {dimension_semantics = [#tpu.dimension_semantics<arbitrary>], iteration_bounds = array<i64: 5>, scalar_prefetch = 0 : i64, scratch_operands = 0 : i64, tpu.core_type = #tpu.core_type<tc>, window_params = [{transform_indices = @transform_0, window_bounds = array<i64: 2000, 128>}, {transform_indices = @transform_1, window_bounds = array<i64: 2000, 1>}, {transform_indices = @transform_2, window_bounds = array<i64: 2000, 1>}, {pipeline_mode = #tpu.pipeline_mode<synchronous>, transform_indices = @transform_3, window_bounds = array<i64: 128, 128>}, {transform_indices = @transform_4, window_bounds = array<i64: 2000, 128>}]} {
    %get3A = arith.constant 0 : index
    %get3A_0 = arith.constant 0 : index
    %get3A_1 = vector.load %arg2[%get3A, %get3A_0] : memref<2000x1xf32, #tpu.memory_space<vmem>>, vector<2000x1xf32>
    %add3A = arith.constant 1.000000e+00 : f32
    %add3A_2 = vector.broadcast %add3A : f32 to vector<2000x1xf32>
    %add3A_3 = arith.addf %add3A_2, %get3A_1 : vector<2000x1xf32>
    %get3A_4 = arith.constant 0 : index
    %get3A_5 = arith.constant 0 : index
    %get3A_6 = vector.load %arg3[%get3A_4, %get3A_5] : memref<2000x1xf32, #tpu.memory_space<vmem>>, vector<2000x1xf32>
    %add3A_7 = arith.addf %add3A_3, %get3A_6 : vector<2000x1xf32>
    %rsqrt3A = math.rsqrt %add3A_7 : vector<2000x1xf32>
    %get3A_8 = arith.constant 0 : index
    %get3A_9 = arith.constant 0 : index
    %get3A_10 = vector.load %arg1[%get3A_8, %get3A_9] : memref<2000x128xf32, #tpu.memory_space<vmem>>, vector<2000x128xf32>
    %mul3A = vector.broadcast %rsqrt3A : vector<2000x1xf32> to vector<2000x128xf32>
    %mul3A_11 = arith.mulf %get3A_10, %mul3A : vector<2000x128xf32>
    %get3A_12 = arith.constant 0 : index
    %get3A_13 = arith.constant 0 : index
    %get3A_14 = vector.load %arg4[%get3A_12, %get3A_13] : memref<128x128xf32, #tpu.memory_space<vmem>>, vector<128x128xf32>
    %dot_general3A = arith.constant dense<0.000000e+00> : vector<2000x128xf32>
    %dot_general3A_15 = tpu.matmul %mul3A_11, %get3A_14, %dot_general3A {dimension_numbers = #tpu.dot_dimension_numbers<[1], [0], [0], [1], [0, 0, 1, 1], [], []>, transpose_lhs_hint = false} : vector<2000x128xf32>, vector<128x128xf32>, vector<2000x128xf32> -> vector<2000x128xf32>
    %swap3A = arith.constant 0 : index
    %swap3A_16 = arith.constant 0 : index
    %swap3A_17 = vector.load %arg5[%swap3A, %swap3A_16] : memref<2000x128xf32, #tpu.memory_space<vmem>>, vector<2000x128xf32>
    tpu.vector_store %arg5[%swap3A, %swap3A_16], %dot_general3A_15 {strides = array<i32>} : memref<2000x128xf32, #tpu.memory_space<vmem>>, vector<2000x128xf32>,
    return
  }
  func.func @transform_0(%arg0: i32) -> (i32, i32) {
    %c0_i32 = arith.constant 0 : i32
    %c0_i32_0 = arith.constant 0 : i32
    return %arg0, %c0_i32 : i32, i32
  }
  func.func @transform_1(%arg0: i32) -> (i32, i32) {
    %c0_i32 = arith.constant 0 : i32
    %c0_i32_0 = arith.constant 0 : i32
    return %arg0, %c0_i32 : i32, i32
  }
  func.func @transform_2(%arg0: i32) -> (i32, i32) {
    %c0_i32 = arith.constant 0 : i32
    %c0_i32_0 = arith.constant 0 : i32
    return %arg0, %c0_i32 : i32, i32
  }
  func.func @transform_3(%arg0: i32) -> (i32, i32) {
    %c0_i32 = arith.constant 0 : i32
    %c0_i32_0 = arith.constant 0 : i32
    %c0_i32_1 = arith.constant 0 : i32
    return %c0_i32, %c0_i32_0 : i32, i32
  }
  func.func @transform_4(%arg0: i32) -> (i32, i32) {
    %c0_i32 = arith.constant 0 : i32
    %c0_i32_0 = arith.constant 0 : i32
    return %arg0, %c0_i32 : i32, i32
  }
}

module attributes {stable_mosaic.version = 14 : i64} {
  func.func @_combine_matmul_body(%arg0: i32, %arg1: memref<1x2000x128xf32, #tpu.memory_space<vmem>>, %arg2: memref<1x2000x128xf32, #tpu.memory_space<vmem>>, %arg3: memref<2000x128xf32, #tpu.memory_space<vmem>>, %arg4: memref<2000x1xf32, #tpu.memory_space<vmem>>, %arg5: memref<2000x1xf32, #tpu.memory_space<vmem>>, %arg6: memref<1x128xf32, #tpu.memory_space<vmem>>, %arg7: memref<128x128xf32, #tpu.memory_space<vmem>>, %arg8: memref<2000x128xf32, #tpu.memory_space<vmem>>) attributes {dimension_semantics = [#tpu.dimension_semantics<arbitrary>], iteration_bounds = array<i64: 5>, scalar_prefetch = 0 : i64, scratch_operands = 0 : i64, tpu.core_type = #tpu.core_type<tc>, window_params = [{transform_indices = @transform_0, window_bounds = array<i64: 1, 2000, 128>}, {transform_indices = @transform_1, window_bounds = array<i64: 1, 2000, 128>}, {transform_indices = @transform_2, window_bounds = array<i64: 2000, 128>}, {transform_indices = @transform_3, window_bounds = array<i64: 2000, 1>}, {transform_indices = @transform_4, window_bounds = array<i64: 2000, 1>}, {pipeline_mode = #tpu.pipeline_mode<synchronous>, transform_indices = @transform_5, window_bounds = array<i64: 1, 128>}, {pipeline_mode = #tpu.pipeline_mode<synchronous>, transform_indices = @transform_6, window_bounds = array<i64: 128, 128>}, {transform_indices = @transform_7, window_bounds = array<i64: 2000, 128>}]} {
    %get3A = arith.constant 0 : index
    %get3A_0 = arith.constant 0 : index
    %get3A_1 = vector.load %arg4[%get3A, %get3A_0] : memref<2000x1xf32, #tpu.memory_space<vmem>>, vector<2000x1xf32>
    %add3A = arith.constant 1.000000e+00 : f32
    %add3A_2 = vector.broadcast %add3A : f32 to vector<2000x1xf32>
    %add3A_3 = arith.addf %add3A_2, %get3A_1 : vector<2000x1xf32>
    %get3A_4 = arith.constant 0 : index
    %get3A_5 = arith.constant 0 : index
    %get3A_6 = vector.load %arg5[%get3A_4, %get3A_5] : memref<2000x1xf32, #tpu.memory_space<vmem>>, vector<2000x1xf32>
    %add3A_7 = arith.addf %add3A_3, %get3A_6 : vector<2000x1xf32>
    %rsqrt3A = math.rsqrt %add3A_7 : vector<2000x1xf32>
    %get3A_8 = arith.constant 0 : index
    %get3A_9 = arith.constant 0 : index
    %get3A_10 = arith.constant 0 : index
    %get3A_11 = vector.load %arg1[%get3A_8, %get3A_9, %get3A_10] : memref<1x2000x128xf32, #tpu.memory_space<vmem>>, vector<1x2000x128xf32>
    %get3A_12 = vector.shape_cast %get3A_11 : vector<1x2000x128xf32> to vector<2000x128xf32>
    %get3A_13 = arith.constant 0 : index
    %get3A_14 = arith.constant 0 : index
    %get3A_15 = arith.constant 0 : index
    %get3A_16 = vector.load %arg2[%get3A_13, %get3A_14, %get3A_15] : memref<1x2000x128xf32, #tpu.memory_space<vmem>>, vector<1x2000x128xf32>
    %get3A_17 = vector.shape_cast %get3A_16 : vector<1x2000x128xf32> to vector<2000x128xf32>
    %add3A_18 = arith.addf %get3A_12, %get3A_17 : vector<2000x128xf32>
    %get3A_19 = arith.constant 0 : index
    %get3A_20 = arith.constant 0 : index
    %get3A_21 = vector.load %arg3[%get3A_19, %get3A_20] : memref<2000x128xf32, #tpu.memory_space<vmem>>, vector<2000x128xf32>
    %add3A_22 = arith.addf %add3A_18, %get3A_21 : vector<2000x128xf32>
    %mul3A = vector.broadcast %rsqrt3A : vector<2000x1xf32> to vector<2000x128xf32>
    %mul3A_23 = arith.mulf %mul3A, %add3A_22 : vector<2000x128xf32>
    %get3A_24 = arith.constant 0 : index
    %get3A_25 = arith.constant 0 : index
    %get3A_26 = vector.load %arg6[%get3A_24, %get3A_25] : memref<1x128xf32, #tpu.memory_space<vmem>>, vector<1x128xf32>
    %add3A_27 = vector.broadcast %get3A_26 : vector<1x128xf32> to vector<2000x128xf32>
    %add3A_28 = arith.addf %mul3A_23, %add3A_27 : vector<2000x128xf32>
    %max3A = arith.constant 0.000000e+00 : f32
    %max3A_29 = vector.broadcast %max3A : f32 to vector<2000x128xf32>
    %max3A_30 = arith.maximumf %add3A_28, %max3A_29 : vector<2000x128xf32>
    %mul3A_31 = vector.broadcast %rsqrt3A : vector<2000x1xf32> to vector<2000x128xf32>
    %mul3A_32 = arith.mulf %mul3A_31, %max3A_30 : vector<2000x128xf32>
    %get3A_33 = arith.constant 0 : index
    %get3A_34 = arith.constant 0 : index
    %get3A_35 = vector.load %arg7[%get3A_33, %get3A_34] : memref<128x128xf32, #tpu.memory_space<vmem>>, vector<128x128xf32>
    %dot_general3A = arith.constant dense<0.000000e+00> : vector<2000x128xf32>
    %dot_general3A_36 = tpu.matmul %mul3A_32, %get3A_35, %dot_general3A {dimension_numbers = #tpu.dot_dimension_numbers<[1], [0], [0], [1], [0, 0, 1, 1], [], []>, transpose_lhs_hint = false} : vector<2000x128xf32>, vector<128x128xf32>, vector<2000x128xf32> -> vector<2000x128xf32>
    %swap3A = arith.constant 0 : index
    %swap3A_37 = arith.constant 0 : index
    %swap3A_38 = vector.load %arg8[%swap3A, %swap3A_37] : memref<2000x128xf32, #tpu.memory_space<vmem>>, vector<2000x128xf32>
    tpu.vector_store %arg8[%swap3A, %swap3A_37], %dot_general3A_36 {strides = array<i32>} : memref<2000x128xf32, #tpu.memory_space<vmem>>, vector<2000x128xf32>,
    return
  }
  func.func @transform_0(%arg0: i32) -> (i32, i32, i32) {
    %c0_i32 = arith.constant 0 : i32
    %c0_i32_0 = arith.constant 0 : i32
    %c0_i32_1 = arith.constant 0 : i32
    return %c0_i32, %arg0, %c0_i32_0 : i32, i32, i32
  }
  func.func @transform_1(%arg0: i32) -> (i32, i32, i32) {
    %c1_i32 = arith.constant 1 : i32
    %c0_i32 = arith.constant 0 : i32
    %c0_i32_0 = arith.constant 0 : i32
    return %c1_i32, %arg0, %c0_i32 : i32, i32, i32
  }
  func.func @transform_2(%arg0: i32) -> (i32, i32) {
    %c0_i32 = arith.constant 0 : i32
    %c0_i32_0 = arith.constant 0 : i32
    return %arg0, %c0_i32 : i32, i32
  }
  func.func @transform_3(%arg0: i32) -> (i32, i32) {
    %c0_i32 = arith.constant 0 : i32
    %c0_i32_0 = arith.constant 0 : i32
    return %arg0, %c0_i32 : i32, i32
  }
  func.func @transform_4(%arg0: i32) -> (i32, i32) {
    %c0_i32 = arith.constant 0 : i32
    %c0_i32_0 = arith.constant 0 : i32
    return %arg0, %c0_i32 : i32, i32
  }
  func.func @transform_5(%arg0: i32) -> (i32, i32) {
    %c0_i32 = arith.constant 0 : i32
    %c0_i32_0 = arith.constant 0 : i32
    %c0_i32_1 = arith.constant 0 : i32
    return %c0_i32, %c0_i32_0 : i32, i32
  }
  func.func @transform_6(%arg0: i32) -> (i32, i32) {
    %c0_i32 = arith.constant 0 : i32
    %c0_i32_0 = arith.constant 0 : i32
    %c0_i32_1 = arith.constant 0 : i32
    return %c0_i32, %c0_i32_0 : i32, i32
  }
  func.func @transform_7(%arg0: i32) -> (i32, i32) {
    %c0_i32 = arith.constant 0 : i32
    %c0_i32_0 = arith.constant 0 : i32
    return %arg0, %c0_i32 : i32, i32
  }
}

module attributes {stable_mosaic.version = 14 : i64} {
  func.func @_combine_body(%arg0: i32, %arg1: memref<1x2000x128xf32, #tpu.memory_space<vmem>>, %arg2: memref<1x2000x128xf32, #tpu.memory_space<vmem>>, %arg3: memref<2000x128xf32, #tpu.memory_space<vmem>>, %arg4: memref<2000x1xf32, #tpu.memory_space<vmem>>, %arg5: memref<2000x1xf32, #tpu.memory_space<vmem>>, %arg6: memref<1x128xf32, #tpu.memory_space<vmem>>, %arg7: memref<2000x128xf32, #tpu.memory_space<vmem>>) attributes {dimension_semantics = [#tpu.dimension_semantics<arbitrary>], iteration_bounds = array<i64: 5>, scalar_prefetch = 0 : i64, scratch_operands = 0 : i64, tpu.core_type = #tpu.core_type<tc>, window_params = [{transform_indices = @transform_0, window_bounds = array<i64: 1, 2000, 128>}, {transform_indices = @transform_1, window_bounds = array<i64: 1, 2000, 128>}, {transform_indices = @transform_2, window_bounds = array<i64: 2000, 128>}, {transform_indices = @transform_3, window_bounds = array<i64: 2000, 1>}, {transform_indices = @transform_4, window_bounds = array<i64: 2000, 1>}, {pipeline_mode = #tpu.pipeline_mode<synchronous>, transform_indices = @transform_5, window_bounds = array<i64: 1, 128>}, {transform_indices = @transform_6, window_bounds = array<i64: 2000, 128>}]} {
    %get3A = arith.constant 0 : index
    %get3A_0 = arith.constant 0 : index
    %get3A_1 = vector.load %arg4[%get3A, %get3A_0] : memref<2000x1xf32, #tpu.memory_space<vmem>>, vector<2000x1xf32>
    %add3A = arith.constant 1.000000e+00 : f32
    %add3A_2 = vector.broadcast %add3A : f32 to vector<2000x1xf32>
    %add3A_3 = arith.addf %add3A_2, %get3A_1 : vector<2000x1xf32>
    %get3A_4 = arith.constant 0 : index
    %get3A_5 = arith.constant 0 : index
    %get3A_6 = vector.load %arg5[%get3A_4, %get3A_5] : memref<2000x1xf32, #tpu.memory_space<vmem>>, vector<2000x1xf32>
    %add3A_7 = arith.addf %add3A_3, %get3A_6 : vector<2000x1xf32>
    %rsqrt3A = math.rsqrt %add3A_7 : vector<2000x1xf32>
    %get3A_8 = arith.constant 0 : index
    %get3A_9 = arith.constant 0 : index
    %get3A_10 = arith.constant 0 : index
    %get3A_11 = vector.load %arg1[%get3A_8, %get3A_9, %get3A_10] : memref<1x2000x128xf32, #tpu.memory_space<vmem>>, vector<1x2000x128xf32>
    %get3A_12 = vector.shape_cast %get3A_11 : vector<1x2000x128xf32> to vector<2000x128xf32>
    %get3A_13 = arith.constant 0 : index
    %get3A_14 = arith.constant 0 : index
    %get3A_15 = arith.constant 0 : index
    %get3A_16 = vector.load %arg2[%get3A_13, %get3A_14, %get3A_15] : memref<1x2000x128xf32, #tpu.memory_space<vmem>>, vector<1x2000x128xf32>
    %get3A_17 = vector.shape_cast %get3A_16 : vector<1x2000x128xf32> to vector<2000x128xf32>
    %add3A_18 = arith.addf %get3A_12, %get3A_17 : vector<2000x128xf32>
    %get3A_19 = arith.constant 0 : index
    %get3A_20 = arith.constant 0 : index
    %get3A_21 = vector.load %arg3[%get3A_19, %get3A_20] : memref<2000x128xf32, #tpu.memory_space<vmem>>, vector<2000x128xf32>
    %add3A_22 = arith.addf %add3A_18, %get3A_21 : vector<2000x128xf32>
    %mul3A = vector.broadcast %rsqrt3A : vector<2000x1xf32> to vector<2000x128xf32>
    %mul3A_23 = arith.mulf %mul3A, %add3A_22 : vector<2000x128xf32>
    %get3A_24 = arith.constant 0 : index
    %get3A_25 = arith.constant 0 : index
    %get3A_26 = vector.load %arg6[%get3A_24, %get3A_25] : memref<1x128xf32, #tpu.memory_space<vmem>>, vector<1x128xf32>
    %add3A_27 = vector.broadcast %get3A_26 : vector<1x128xf32> to vector<2000x128xf32>
    %add3A_28 = arith.addf %mul3A_23, %add3A_27 : vector<2000x128xf32>
    %swap3A = arith.constant 0 : index
    %swap3A_29 = arith.constant 0 : index
    %swap3A_30 = vector.load %arg7[%swap3A, %swap3A_29] : memref<2000x128xf32, #tpu.memory_space<vmem>>, vector<2000x128xf32>
    tpu.vector_store %arg7[%swap3A, %swap3A_29], %add3A_28 {strides = array<i32>} : memref<2000x128xf32, #tpu.memory_space<vmem>>, vector<2000x128xf32>,
    return
  }
  func.func @transform_0(%arg0: i32) -> (i32, i32, i32) {
    %c0_i32 = arith.constant 0 : i32
    %c0_i32_0 = arith.constant 0 : i32
    %c0_i32_1 = arith.constant 0 : i32
    return %c0_i32, %arg0, %c0_i32_0 : i32, i32, i32
  }
  func.func @transform_1(%arg0: i32) -> (i32, i32, i32) {
    %c1_i32 = arith.constant 1 : i32
    %c0_i32 = arith.constant 0 : i32
    %c0_i32_0 = arith.constant 0 : i32
    return %c1_i32, %arg0, %c0_i32 : i32, i32, i32
  }
  func.func @transform_2(%arg0: i32) -> (i32, i32) {
    %c0_i32 = arith.constant 0 : i32
    %c0_i32_0 = arith.constant 0 : i32
    return %arg0, %c0_i32 : i32, i32
  }
  func.func @transform_3(%arg0: i32) -> (i32, i32) {
    %c0_i32 = arith.constant 0 : i32
    %c0_i32_0 = arith.constant 0 : i32
    return %arg0, %c0_i32 : i32, i32
  }
  func.func @transform_4(%arg0: i32) -> (i32, i32) {
    %c0_i32 = arith.constant 0 : i32
    %c0_i32_0 = arith.constant 0 : i32
    return %arg0, %c0_i32 : i32, i32
  }
  func.func @transform_5(%arg0: i32) -> (i32, i32) {
    %c0_i32 = arith.constant 0 : i32
    %c0_i32_0 = arith.constant 0 : i32
    %c0_i32_1 = arith.constant 0 : i32
    return %c0_i32, %c0_i32_0 : i32, i32
  }
  func.func @transform_6(%arg0: i32) -> (i32, i32) {
    %c0_i32 = arith.constant 0 : i32
    %c0_i32_0 = arith.constant 0 : i32
    return %arg0, %c0_i32 : i32, i32
  }
}

</mosaic_0001>

<sc_bundles>
// kernel: kernel.11.cloned.1.call-start
scs
__scs_entry_jumppad:
0x0: {  	(pc) =	sbr.rel $0x88, $3  }
0x1: {  	(tag) =	ssettag $0x0;
	lr =	simm.s32 $0x1  }
0x2: {  	[smem:$0x3F9B] =	sst lr;
	_ =	strace $0xD0000000  }
0x3: {  	_ = 	snop  }
0x4: {  	_ = 	snop  }
0x5: {  	_ = 	snop  }
0x6: {  	_ = 	snop  }
0x7: {  	_ = 	snop  }
__scs_overlays_trampoline_lowered:
0x8: {  	[smem:$0x3FAA] =	sst s0  }
0x9: {  	[smem:$0x3FAB] =	sst s1  }
0xa: {  	[smem:$0x3FAC] =	sst s2  }
0xb: {  	[smem:$0x3FAD] =	sst s3  }
0xc: {  	[smem:$0x3FAE] =	sst s4  }
0xd: {  	[smem:$0x3FAF] =	sst s5  }
0xe: {  	[smem:$0x3FB0] =	sst s6  }
0xf: {  	[smem:$0x3FB1] =	sst s7  }
0x10: {  	[smem:$0x3FB2] =	sst s8  }
0x11: {  	[smem:$0x3FB3] =	sst s9;
	s0 =	simm.s32 @!p0 $0x0  }
0x12: {  	s1 =	sld [smem:$0x3F99];
	s0 =	simm.s32 @p0 $0x1  }
0x13: {  	[smem:$0x3FB4] =	sst s0;
	s0 =	simm.s32 @!p1 $0x0  }
0x14: {  	s2 =	sld [smem:$0x3F98];
	s0 =	simm.s32 @p1 $0x1  }
0x15: {  	[smem:$0x3FB5] =	sst s0;
	s0 =	simm.s32 @!p2 $0x0  }
0x16: {  	s3 =	sld [smem:$0x3FDB];
	s0 =	simm.s32 @p2 $0x1  }
0x17: {  	s4 =	simm.s32 $0x1BF5;
	[smem:$0x3FB7] =	sst s0  }
0x18: {  	s0 =	sld [smem:$0x3F9A];
	_ =	swait.ge [sflag:s4], $0x0  }
0x19: {  	s7 =	sld [smem:$0x3F9B]  }
0x1a: {  	s8 =	sadd.s32 $0xFFFFE003, lr  }
0x1b: {  	s9 =	sadd.s32 $0xFFFFFEF7, lr;
	s5 =	simm.s32 $0xFFFFFFFF;
	p2 =	slt.u32 s8, $0xFFFFF086  }
0x1c: {  	p1 =	slt.u32 s9, $0xF7A;
	s5 =	simm.s32 @!p2 $0x0  }
0x1d: {  	s5 =	simm.s32 @p1 $0x1;
	p0 =	seq.s32 s7, s2  }
0x1e: {  	s7 =	smul.u32 @!p0 $0xF7A, s2;
	p2 =	seq.s32 @!p0 s5, $0x0  }
0x1f: {  	s9 =	smul.u32 $0xF7A, s1;
	s8 =	simm.s32 @!p0 $0x1BF5;
	p2 =	por !p2, p0  }
0x20: {  	[sflag:s8] =	ssyncset.s32 @!p0 $0xFFFFF086;
	s6 =	sadd.s32 @!p0 s3, s7;
	s7 =	simm.s32 @!p0 $0x108  }
0x21: {  	s3 =	sadd.s32 s3, s9;
	s6 =	sadd.s32 @!p0 $0x88, s6;
	s7 =	simm.s32 @p2 $0x1082  }
0x22: {  	[simem:s7], [sflag:s8] =	dma.local @!p0 [hbm:s6], $0xF7A  }
0x23: {  	s9 =	sor.u32 $0xD0000000, s2;
	s6 =	simm.s32 $0x108;
	_ =	swait.ge @!p0 [sflag:s8], $0x0  }
0x24: {  	s3 =	sadd.s32 $0x88, s3;
	s6 =	simm.s32 @!p1 $0x1082;
	[sflag:s4] =	ssyncset.s32 $0xFFFFF086  }
0x25: {  	[simem:s6], [sflag:s4] =	dma.local [hbm:s3], $0xF7A  }
0x26: {  	[smem:$0x3F9B] =	sst s1;
	(tag) =	ssettag s2;
	_ =	strace s9  }
0x27: {  	s1 =	sld [smem:$0x3FAB]  }
0x28: {  	s2 =	sld [smem:$0x3FAC]  }
0x29: {  	s4 =	sld [smem:$0x3FAE]  }
0x2a: {  	p0 =	seq.s32 s5, $0x0;
	s5 =	sld [smem:$0x3FAF]  }
0x2b: {  	s6 =	sld [smem:$0x3FB0]  }
0x2c: {  	s7 =	sld [smem:$0x3FB1]  }
0x2d: {  	s3 =	simm.s32 $0x108;
	s8 =	sld [smem:$0x3FB2]  }
0x2e: {  	s3 =	simm.s32 @!p0 $0x1082;
	s9 =	sld [smem:$0x3FB3]  }
0x2f: {  	lr =	sadd.s32 s0, s3;
	s0 =	sld [smem:$0x3FAA]  }
0x30: {  	s3 =	sld [smem:$0x3FAD]  }
0x31: {  	[smem:$0x3FB6] =	sst s10  }
0x32: {  	s10 =	sld [smem:$0x3FB4];
	_ =	sdelay $0x3  }
0x33: {  	p0 =	seq.s32 s10, $0x1;
	s10 =	sld [smem:$0x3FB6];
	_ =	sdelay $0x3  }
0x34: {  	[smem:$0x3FB6] =	sst s10  }
0x35: {  	s10 =	sld [smem:$0x3FB5];
	_ =	sdelay $0x3  }
0x36: {  	p1 =	seq.s32 s10, $0x1;
	s10 =	sld [smem:$0x3FB6];
	_ =	sdelay $0x3  }
0x37: {  	[smem:$0x3FB6] =	sst s10  }
0x38: {  	s10 =	sld [smem:$0x3FB7]  }
0x39: {  	_ = 	snop;
	(pc) =	sbr.ind lr, $3  }
0x3a: {  	_ = 	snop  }
0x3b: {  	_ = 	snop  }
0x3c: {  	p2 =	seq.s32 s10, $0x1;
	s10 =	sld [smem:$0x3FB6]  }
0x3d: {  	_ =	shalt  }
0x3e: {  	_ =	shalt  }
0x3f: {  	_ =	shalt  }
0x40: {  	_ =	shalt  }
0x41: {  	_ =	shalt  }
0x42: {  	_ =	shalt  }
0x43: {  	_ =	shalt  }
0x44: {  	_ =	shalt  }
0x45: {  	_ =	shalt  }
0x46: {  	_ =	shalt  }
0x47: {  	_ =	shalt  }
0x48: {  	_ =	shalt  }
0x49: {  	_ =	shalt  }
0x4a: {  	_ =	shalt  }
0x4b: {  	_ =	shalt  }
0x4c: {  	_ =	shalt  }
0x4d: {  	_ =	shalt  }
0x4e: {  	_ =	shalt  }
0x4f: {  	_ =	shalt  }
0x50: {  	_ =	shalt  }
0x51: {  	_ =	shalt  }
0x52: {  	_ =	shalt  }
0x53: {  	_ =	shalt  }
0x54: {  	_ =	shalt  }
0x55: {  	_ =	shalt  }
0x56: {  	_ =	shalt  }
0x57: {  	_ =	shalt  }
0x58: {  	_ =	shalt  }
0x59: {  	_ =	shalt  }
0x5a: {  	_ =	shalt  }
0x5b: {  	_ =	shalt  }
0x5c: {  	_ =	shalt  }
0x5d: {  	_ =	shalt  }
0x5e: {  	_ =	shalt  }
0x5f: {  	_ =	shalt  }
0x60: {  	_ =	shalt  }
0x61: {  	_ =	shalt  }
0x62: {  	_ =	shalt  }
0x63: {  	_ =	shalt  }
0x64: {  	_ =	shalt  }
0x65: {  	_ =	shalt  }
0x66: {  	_ =	shalt  }
0x67: {  	_ =	shalt  }
0x68: {  	_ =	shalt  }
0x69: {  	_ =	shalt  }
0x6a: {  	_ =	shalt  }
0x6b: {  	_ =	shalt  }
0x6c: {  	_ =	shalt  }
0x6d: {  	_ =	shalt  }
0x6e: {  	_ =	shalt  }
0x6f: {  	_ =	shalt  }
0x70: {  	_ =	shalt  }
0x71: {  	_ =	shalt  }
0x72: {  	_ =	shalt  }
0x73: {  	_ =	shalt  }
0x74: {  	_ =	shalt  }
0x75: {  	_ =	shalt  }
0x76: {  	_ =	shalt  }
0x77: {  	_ =	shalt  }
0x78: {  	_ =	shalt  }
0x79: {  	_ =	shalt  }
0x7a: {  	_ =	shalt  }
0x7b: {  	_ =	shalt  }
0x7c: {  	_ =	shalt  }
0x7d: {  	_ =	shalt  }
0x7e: {  	_ =	shalt  }
0x7f: {  	_ =	shalt  }
0x80: {  	_ =	shalt  }
0x81: {  	_ =	shalt  }
0x82: {  	_ =	shalt  }
0x83: {  	_ =	shalt  }
0x84: {  	_ =	shalt  }
0x85: {  	_ =	shalt  }
0x86: {  	_ =	shalt  }
0x87: {  	_ =	shalt  }
.Lfunc_end0:
.L_simem_size_0:
called_computation.1_lowered:
.L_overlay_start_0:
0x88: {  	s2 =	sld [smem:$0x3FD9]  }
0x89: {  	s3 =	sld [smem:$0x3FFE];
	_ =	sdelay $0x1  }
0x8a: {  	s1 =	srdreg.scid  }
0x8b: {  	s0 =	sand.u32 $0x1, s1  }
0x8c: {  	s17 =	sshll.u32 s0, $0xA;
	s2 =	sadd.s32 s3, s2  }
0x8d: {  	s2 =	sadd.s32 s2, s17  }
0x8e: {  	[smem:$0x3FC2] =	sst s2  }
0x8f: {  	_ = 	snop  }
0x90: {  	s2 =	sld [smem:$0x3FD0];
	(tm) =	ssettm $0x1  }
0x91: {  	s18 =	sld [smem:$0x3FFB];
	_ =	sdelay $0x3  }
0x92: {  	_ =	strace s18  }
0x93: {  	s3 =	sld [smem:$0x3FFC];
	_ =	sdelay $0x3  }
0x94: {  	_ =	strace s3  }
0x95: {  	s3 =	sld [smem:$0x3FFD];
	_ =	sdelay $0x3  }
0x96: {  	_ =	strace s3  }
0x97: {  	_ =	strace $0x8FFFFFFF  }
0x98: {  	s19 =	sld [smem:$0x3FDB];
	_ =	sdelay $0x1  }
0x99: {  	s4 =	simm.s32 $_scs_section_size  }
0x9a: {  	s5 =	simm.s32 $_size__tile_overlayer_lowered;
	s6 =	simm.s32 $_tile_overlayer_lowered  }
0x9b: {  	s22 =	simm.s32 $0x1BFF;
	s21 =	sshll.u32 s6, $0x1;
	s3 =	sadd.s32 s4, s19  }
0x9c: {  	s7 =	simm.s32 $0x0;
	s20 =	sshll.u32 s5, $0x1;
	s5 =	sadd.s32 s21, s3  }
0x9d: {  	[timem:s7], [sflag:s22] =	dma.local [hbm:s5], s20  }
0x9e: {  	_ =	swait.ge [sflag:s22], s20  }
0x9f: {  	s4 =	ssub.s32 $0x0, s20;
	[sflag:s22] =	ssyncset.done $0x0  }
0xa0: {  	[sflag:s22] =	ssyncadd.s32 s4;
	_ =	sdelay $0x1  }
0xa1: {  	s23 =	simm.s32 $0x1B8B  }
0xa2: {  	_ =	swait.ge [sflag:s23], $0x1  }
0xa3: {  	[sflag:s23] =	ssyncset.done $0x0  }
0xa4: {  	s25 =	simm.s32 $0x1B8E;
	s24 =	sld [smem:$0x3FFE];
	[sflag:s23] =	ssyncadd.s32 $0xFFFFFFFF  }
0xa5: {  	s26 =	simm.s32 $execute0_lowered;
	[smem:$0x3FD2] =	sst s25  }
0xa6: {  	s5 =	sshll.u32 s26, $0x1;
	_ =	strace $0x80000049;
	[dreg:$0x1] =	wrdreg $0xFFFFFFFF  }
0xa7: {  	s28 =	simm.s32 $_size_execute0_lowered;
	s3 =	sadd.s32 s3, s5;
	[dreg:$0x0] =	wrdreg $0x0  }
0xa8: {  	s5 =	sshll.u32 s28, $0x1;
	[dreg:$0x2] =	wrdreg s3  }
0xa9: {  	[dreg:$0x3] =	wrdreg s5  }
0xaa: {  	[dreg:$0x4] =	wrdreg $0xC0  }
0xab: {  	_ =	task [dreg:s7], $0x5FFFF  }
0xac: {  	[dreg:$0x1] =	wrdreg $0xFFFFFFFF  }
0xad: {  	[dreg:$0x0] =	wrdreg $0x60  }
0xae: {  	[dreg:$0x2] =	wrdreg s2  }
0xaf: {  	[dreg:$0x3] =	wrdreg s24  }
0xb0: {  	[dreg:$0x4] =	wrdreg $0xB0000  }
0xb1: {  	[dreg:$0x5] =	wrdreg $0x9  }
0xb2: {  	_ =	task.clear_ibuf [dreg:s7], $0x6FFFF;
	_ =	strace $0x90000049  }
0xb3: {  	s29 =	simm.s32 $0x9;
	_ =	strace $0x8000004B  }
0xb4: {  	_ =	swait.ge [sflag:s29], $0x1  }
0xb5: {  	[sflag:s29] =	ssyncadd.s32 $0xFFFFFFFF  }
0xb6: {  	_ =	strace $0x9000004B  }
0xb7: {  	_ =	sfence  }
0xb8: {  	s30 =	sld [smem:$0x0];
	_ =	sdelay $0x2  }
0xb9: {  	s31 =	sshll.u32 s1, $0xD;
	s1 =	sshrl.u32 s1, $0x2  }
0xba: {  	s3 =	sand.u32 $0x4000, s31;
	s1 =	sadd.s32 s1, s30  }
0xbb: {  	s0 =	sor.u32 s3, s0;
	s1 =	sshll.u32 s1, $0x11  }
0xbc: {  	s0 =	sor.u32 s1, s0  }
0xbd: {  	s0 =	sadd.s32 $0x8F2B, s0  }
0xbe: {  	[sflag:s0] =	ssyncadd.remote.s32 $0x1  }
0xbf: {  	_ =	sfence.sel $0xFFFF  }
0xc0: {  	[dreg:$0x0] =	wrdreg $0xFFFFFFFF;
	(pc) =	sbr.abs _section_cstart, $3  }
0xc1: {  	[dreg:$0x1] =	wrdreg $0xFFFFFFFF  }
0xc2: {  	_ =	task.clear_ibuf [dreg:s7], $0x2FFFF;
	_ =	strace $0x9FFFFFFF  }
0xc3: {  	(tm) =	ssettm $0x7FFFFFFF  }
tec
execute0_lowered:
.L_overlay_start_1:
0x0: {  	(tag) =	ssettag $0x1  }
0x1: {  	s0 =	rddreg [dreg:$0x0]  }
0x2: {  	s1 =	rddreg [dreg:$0x1];
	s2 =	srdreg.scid  }
0x3: {  	s3 =	rddreg [dreg:$0x2];
	s11 =	stileid.u32  }
0x4: {  	s4 =	simm.s32 $0x0;
	s28 =	simm.s32 $0x50;
	s29 =	simm.s32 $0x1000  }
0x5: {  	s31 =	simm.s32 $0x3800;
	s30 =	simm.s32 $0x8800;
	s6 =	smul.u32 $0x14000, s11  }
0x6: {  	s2 =	sand.u32 $0x1, s2;
	[smem:$0x7FF] =	sst s4;
	s26 =	smul.u32 $0x50000, s11  }
0x7: {  	s7 =	sadd.s32 $0x2000, s1;
	s9 =	sshll.u32 s11, $0xF;
	s5 =	smul.u32 $0x140000, s2  }
0x8: {  	_ =	strace $0x8000004A;
	s8 =	ssub.s32 $0x2, s2;
	s2 =	sshll.u32 s2, $0xE  }
0x9: {  	s10 =	sshrl.u32 s8, $0x1;
	s2 =	sor.u32 s2, s9;
	s9 =	sshrl.u32 s26, $0x2  }
0xa: {  	s5 =	sadd.s32 s6, s5;
	s6 =	sadd.s32 $0x12000, s1;
	s11 =	ssub.s32 s8, s10  }
0xb: {  	s12 =	sshrl.u32 s2, $0x3;
	s15 =	sadd.s32 s9, s3;
	s25 =	sor.u32 $0xC00, s2  }
0xc: {  	s2 =	sor.u32 $0x800, s2;
	s13 =	sadd.s32 s6, s12;
	[dreg:$0x7] =	wrdreg s15  }
0xd: {  	s9 =	simm.s32 $0xF00;
	s8 =	sadd.s32 s7, s12;
	[dreg:$0x4] =	wrdreg s13  }
0xe: {  	s10 =	simm.s32 $0xF80;
	s18 =	sadd.s32 $0x2800, s15;
	[dreg:$0x5] =	wrdreg s8  }
0xf: {  	s5 =	sshrl.u32 s5, $0x3;
	s19 =	sadd.s32 $0x5000, s15;
	[dreg:$0x9] =	wrdreg s18  }
0x10: {  	s14 =	sor.u32 $0x80, s12;
	s20 =	sadd.s32 $0x7800, s15;
	[dreg:$0xa] =	wrdreg s19  }
0x11: {  	s21 =	sadd.s32 $0xA000, s15;
	s22 =	sadd.s32 $0xC800, s15;
	[dreg:$0xb] =	wrdreg s20  }
0x12: {  	s23 =	sadd.s32 $0xF000, s15;
	s24 =	sadd.s32 $0x11800, s15;
	[dreg:$0xc] =	wrdreg s21  }
0x13: {  	s26 =	sshrl.u32 s25, $0x3;
	s2 =	sshrl.u32 s2, $0x3;
	[dreg:$0xd] =	wrdreg s22  }
0x14: {  	s25 =	simm.s32 $0x800;
	s1 =	sadd.s32 s5, s1;
	[dreg:$0xe] =	wrdreg s23  }
0x15: {  	s16 =	sadd.s32 s6, s14;
	s17 =	sadd.s32 s7, s14;
	[dreg:$0xf] =	wrdreg s24  }
0x16: {  	s5 =	smax.u32 s11, $0x1;
	s19 =	sadd.s32 s26, s7;
	s20 =	sadd.s32 s26, s6  }
0x17: {  	s21 =	sadd.s32 s2, s7;
	s22 =	sadd.s32 s2, s6;
	s23 =	simm.s32 $0x7  }
0x18: {  	s26 =	simm.s32 $0xC00;
	s2 =	simm.s32 $0x6000;
	s7 =	simm.s32 $0x2  }
.Ltmp0:
0x19: {  	s11 =	simm.s32 $0x3;
	s14 =	simm.s32 $0x4;
	(pc) =	sbr.rel .LBB2_1-.Ltmp0, $4  }
0x1a: {  	s8 =	simm.s32 $0x6;
	s18 =	simm.s32 $0xB00;
	[dreg:$0x6] =	wrdreg s16  }
0x1b: {  	s24 =	simm.s32 $0xB80;
	s6 =	simm.s32 $0xE00;
	[dreg:$0x8] =	wrdreg s17  }
0x1c: {  	s13 =	simm.s32 $0x0;
	s1 =	sadd.s32 $0x22000, s1;
	[dreg:$0x11] =	wrdreg s5  }
0x1d: {  	v0 =	vimm.f32 $0.0e+00;
	s5 =	simm.s32 $0x1;
	[dreg:$0x10] =	wrdreg s1;
	s1 =	simm.s32 $0xD80  }
.LBB2_6:
0x1e: {  	[spmem:s3] =	stream.indirect.scatter.add.f32 [tilespmem:s30], [sflag:$0x7], $0x80, s10, s28, $0xb8;
	[tilespmem:$0x1F000] =	vst v63  }
0x1f: {  	_ =	swait.ge [sflag:s23], $0x2800  }
0x20: {  	[sflag:s23] =	ssyncset.done $0x0  }
0x21: {  	[sflag:s23] =	ssyncadd.s32 $0xFFFFD800  }
0x22: {  	s12 =	stileid.u32;
	[bflag:$0x0] =	sbarrier.arrive $0xFFFF  }
0x23: {  	s12 =	sshll.u32 s12, $0x6;
	s15 =	rddreg [dreg:$0x7]  }
0x24: {  	s12 =	sor.u32 $0x1C07, s12;
	s16 =	rddreg [dreg:$0x10];
	s13 =	sshrl.u32 s15, $0x3  }
0x25: {  	[hbm:s16], [sflag:s12] =	dma.local [spmem:s13], $0x2800  }
0x26: {  	_ =	swait.ge [sflag:s23], $0x2800  }
0x27: {  	s16 =	rddreg [dreg:$0x12]  }
0x28: {  	s17 =	rddreg [dreg:$0x11];
	s13 =	sadd.s32 $0x1, s16  }
0x29: {  	p0 =	sne.s32 s13, s17  }
.Ltmp1:
0x2a: {  	_ = 	snop;
	(pc) =	sbr.rel @!p0 .LBB2_7-.Ltmp1, $3  }
0x2b: {  	_ =	sdelay $0x1  }
0x2c: {  	[sflag:s23] =	ssyncset.done $0x0  }
0x2d: {  	[sflag:s23] =	ssyncadd.s32 $0xFFFFD800  }
.LBB2_1:
0x2e: {  	[dreg:$0x12] =	wrdreg s13  }
0x2f: {  	s12 =	rddreg [dreg:$0x4]  }
0x30: {  	[tilespmem:s4], [sflag:$0x7] =	stream.linear.gather [hbm4b:s12+s4], $0x400, $0x38;
	[tilespmem:$0x1F000] =	vst v63  }
0x31: {  	_ =	swait.ge [sflag:s23], $0x400  }
0x32: {  	[sflag:s23] =	ssyncset.done $0x0  }
0x33: {  	s16 =	simm.s32 $0x400;
	s13 =	rddreg [dreg:$0x5];
	[sflag:s23] =	ssyncadd.s32 $0xFFFFFC00  }
0x34: {  	[tilespmem:s16], [sflag:$0x7] =	stream.linear.gather [hbm4b:s13+s4], $0x400, $0x38;
	[tilespmem:$0x1F000] =	vst v63  }
0x35: {  	_ =	swait.ge [sflag:s23], $0x400  }
0x36: {  	[sflag:s23] =	ssyncset.done $0x0  }
0x37: {  	s17 =	rddreg [dreg:$0x6];
	[sflag:s23] =	ssyncadd.s32 $0xFFFFFC00  }
0x38: {  	[tilespmem:s25], [sflag:$0x6] =	stream.linear.gather [hbm4b:s17+s4], $0x400, $0x38;
	[tilespmem:$0x1F000] =	vst v63  }
0x39: {  	s13 =	rddreg [dreg:$0x8]  }
0x3a: {  	[tilespmem:s26], [sflag:$0x6] =	stream.linear.gather [hbm4b:s13+s4], $0x400, $0x38;
	[tilespmem:$0x1F000] =	vst v63  }
0x3b: {  	_ = 	snop  }
0x3c: {  	[tilespmem:s29], [sflag:$0x1] =	stream.indirect.gather [hbm4b:s0+s28], $0x80, s4, s28, $0xb8;
	[tilespmem:$0x1F000] =	vst v63  }
0x3d: {  	s16 =	simm.s32 $0x80  }
0x3e: {  	[tilespmem:s31], [sflag:$0x2] =	stream.indirect.gather [hbm4b:s0+s28], $0x80, s16, s28, $0xb8;
	[tilespmem:$0x1F000] =	vst v63  }
0x3f: {  	s12 =	simm.s32 $0x0;
	s17 =	simm.s32 $0x100;
	s13 =	simm.s32 $0x200  }
0x40: {  	[tilespmem:s2], [sflag:$0x3] =	stream.indirect.gather [hbm4b:s0+s28], $0x80, s17, s28, $0xb8;
	[tilespmem:$0x1F000] =	vst v63  }
.LBB2_2:
0x41: {  	p0 =	sne.s32 s13, $0x9E00;
	[tilespmem:s12+$0x8870] =	vst v0  }
0x42: {  	[tilespmem:s12+$0x8800] =	vst v0  }
0x43: {  	[tilespmem:s12+$0x8810] =	vst v0  }
.Ltmp2:
0x44: {  	[tilespmem:s12+$0x8820] =	vst v0;
	(pc) =	sbr.rel @p0 .LBB2_2-.Ltmp2, $4  }
0x45: {  	[tilespmem:s12+$0x8830] =	vst v0  }
0x46: {  	[tilespmem:s12+$0x8840] =	vst v0  }
0x47: {  	[tilespmem:s12+$0x8850] =	vst v0  }
0x48: {  	[tilespmem:s12+$0x8860] =	vst v0;
	s12 =	sshra.s32 s13, $0x2;
	s13 =	sadd.s32 $0x200, s13  }
0x49: {  	[tilespmem:s12+$0x8870] =	vst v0  }
0x4a: {  	[tilespmem:s12+$0x8800] =	vst v0  }
0x4b: {  	[tilespmem:s12+$0x8810] =	vst v0  }
0x4c: {  	[tilespmem:s12+$0x8820] =	vst v0  }
0x4d: {  	[tilespmem:s12+$0x8830] =	vst v0  }
0x4e: {  	[tilespmem:s12+$0x8840] =	vst v0  }
0x4f: {  	[tilespmem:s12+$0x8850] =	vst v0  }
0x50: {  	[tilespmem:s12+$0x8860] =	vst v0  }
0x51: {  	[spmem:s15] =	stream.linear.scatter [tilespmem:s30], [sflag:$0x7], $0x2800, $0x38;
	[tilespmem:$0x1F000] =	vst v63  }
0x52: {  	_ =	swait.ge [sflag:s23], $0x2800  }
0x53: {  	[sflag:s23] =	ssyncset.done $0x0  }
0x54: {  	s15 =	rddreg [dreg:$0x9];
	[sflag:s23] =	ssyncadd.s32 $0xFFFFD800  }
0x55: {  	[spmem:s15] =	stream.linear.scatter [tilespmem:s30], [sflag:$0x7], $0x2800, $0x38;
	[tilespmem:$0x1F000] =	vst v63  }
0x56: {  	_ =	swait.ge [sflag:s23], $0x2800  }
0x57: {  	[sflag:s23] =	ssyncset.done $0x0  }
0x58: {  	s16 =	rddreg [dreg:$0xa];
	[sflag:s23] =	ssyncadd.s32 $0xFFFFD800  }
0x59: {  	[spmem:s16] =	stream.linear.scatter [tilespmem:s30], [sflag:$0x7], $0x2800, $0x38;
	[tilespmem:$0x1F000] =	vst v63  }
0x5a: {  	_ =	swait.ge [sflag:s23], $0x2800  }
0x5b: {  	[sflag:s23] =	ssyncset.done $0x0  }
0x5c: {  	s17 =	rddreg [dreg:$0xb];
	[sflag:s23] =	ssyncadd.s32 $0xFFFFD800  }
0x5d: {  	[spmem:s17] =	stream.linear.scatter [tilespmem:s30], [sflag:$0x7], $0x2800, $0x38;
	[tilespmem:$0x1F000] =	vst v63  }
0x5e: {  	_ =	swait.ge [sflag:s23], $0x2800  }
0x5f: {  	[sflag:s23] =	ssyncset.done $0x0  }
0x60: {  	s13 =	rddreg [dreg:$0xc];
	[sflag:s23] =	ssyncadd.s32 $0xFFFFD800  }
0x61: {  	[spmem:s13] =	stream.linear.scatter [tilespmem:s30], [sflag:$0x7], $0x2800, $0x38;
	[tilespmem:$0x1F000] =	vst v63  }
0x62: {  	_ =	swait.ge [sflag:s23], $0x2800  }
0x63: {  	[sflag:s23] =	ssyncset.done $0x0  }
0x64: {  	s15 =	rddreg [dreg:$0xd];
	[sflag:s23] =	ssyncadd.s32 $0xFFFFD800  }
0x65: {  	[spmem:s15] =	stream.linear.scatter [tilespmem:s30], [sflag:$0x7], $0x2800, $0x38;
	[tilespmem:$0x1F000] =	vst v63  }
0x66: {  	_ =	swait.ge [sflag:s23], $0x2800  }
0x67: {  	[sflag:s23] =	ssyncset.done $0x0  }
0x68: {  	s16 =	rddreg [dreg:$0xe];
	[sflag:s23] =	ssyncadd.s32 $0xFFFFD800  }
0x69: {  	[spmem:s16] =	stream.linear.scatter [tilespmem:s30], [sflag:$0x7], $0x2800, $0x38;
	[tilespmem:$0x1F000] =	vst v63  }
0x6a: {  	_ =	swait.ge [sflag:s23], $0x2800  }
0x6b: {  	[sflag:s23] =	ssyncset.done $0x0  }
0x6c: {  	s17 =	rddreg [dreg:$0xf];
	[sflag:s23] =	ssyncadd.s32 $0xFFFFD800  }
0x6d: {  	[spmem:s17] =	stream.linear.scatter [tilespmem:s30], [sflag:$0x7], $0x2800, $0x38;
	[tilespmem:$0x1F000] =	vst v63  }
0x6e: {  	_ =	swait.ge [sflag:s23], $0x2800  }
0x6f: {  	[sflag:s23] =	ssyncset.done $0x0  }
0x70: {  	[sflag:s23] =	ssyncadd.s32 $0xFFFFD800  }
0x71: {  	s12 =	simm.s32 $0x0;
	[bflag:$0x0] =	sbarrier.arrive $0xFFFF  }
.LBB2_4:
0x72: {  	_ =	swait.ge [sflag:s5], $0x2800  }
0x73: {  	[sflag:s5] =	ssyncset.done $0x0  }
0x74: {  	s13 =	simm.s32 $0x180;
	[sflag:s5] =	ssyncadd.s32 $0xFFFFD800  }
0x75: {  	[tilespmem:s30], [sflag:$0x4] =	stream.indirect.gather [hbm4b:s0+s28], $0x80, s13, s28, $0xb8;
	[tilespmem:$0x1F000] =	vst v63  }
0x76: {  	s16 =	simm.s32 $0x400  }
0x77: {  	[spmem:s3] =	stream.indirect.scatter.add.f32 [tilespmem:s29], [sflag:$0x7], $0x80, s16, s28, $0xb8;
	[tilespmem:$0x1F000] =	vst v63  }
0x78: {  	_ =	swait.ge [sflag:s23], $0x2800  }
0x79: {  	[sflag:s23] =	ssyncset.done $0x0  }
0x7a: {  	[sflag:s23] =	ssyncadd.s32 $0xFFFFD800  }
0x7b: {  	_ =	swait.ge [sflag:s7], $0x2800  }
0x7c: {  	[sflag:s7] =	ssyncset.done $0x0  }
0x7d: {  	s17 =	simm.s32 $0x200;
	[sflag:s7] =	ssyncadd.s32 $0xFFFFD800  }
0x7e: {  	[tilespmem:s29], [sflag:$0x1] =	stream.indirect.gather [hbm4b:s0+s28], $0x80, s17, s28, $0xb8;
	[tilespmem:$0x1F000] =	vst v63  }
0x7f: {  	s15 =	simm.s32 $0x480  }
0x80: {  	[spmem:s3] =	stream.indirect.scatter.add.f32 [tilespmem:s31], [sflag:$0x7], $0x80, s15, s28, $0xb8;
	[tilespmem:$0x1F000] =	vst v63  }
0x81: {  	_ =	swait.ge [sflag:s23], $0x2800  }
0x82: {  	[sflag:s23] =	ssyncset.done $0x0  }
0x83: {  	[sflag:s23] =	ssyncadd.s32 $0xFFFFD800  }
0x84: {  	_ =	swait.ge [sflag:s11], $0x2800  }
0x85: {  	[sflag:s11] =	ssyncset.done $0x0  }
0x86: {  	s16 =	simm.s32 $0x280;
	[sflag:s11] =	ssyncadd.s32 $0xFFFFD800  }
0x87: {  	[tilespmem:s31], [sflag:$0x2] =	stream.indirect.gather [hbm4b:s0+s28], $0x80, s16, s28, $0xb8;
	[tilespmem:$0x1F000] =	vst v63  }
0x88: {  	s17 =	simm.s32 $0x500  }
0x89: {  	[spmem:s3] =	stream.indirect.scatter.add.f32 [tilespmem:s2], [sflag:$0x7], $0x80, s17, s28, $0xb8;
	[tilespmem:$0x1F000] =	vst v63  }
0x8a: {  	_ =	swait.ge [sflag:s23], $0x2800  }
0x8b: {  	[sflag:s23] =	ssyncset.done $0x0  }
0x8c: {  	[sflag:s23] =	ssyncadd.s32 $0xFFFFD800  }
0x8d: {  	_ =	swait.ge [sflag:s14], $0x2800  }
0x8e: {  	[sflag:s14] =	ssyncset.done $0x0  }
0x8f: {  	s15 =	simm.s32 $0x300;
	[sflag:s14] =	ssyncadd.s32 $0xFFFFD800  }
0x90: {  	[tilespmem:s2], [sflag:$0x3] =	stream.indirect.gather [hbm4b:s0+s28], $0x80, s15, s28, $0xb8;
	[tilespmem:$0x1F000] =	vst v63  }
0x91: {  	s16 =	simm.s32 $0x580  }
0x92: {  	[spmem:s3] =	stream.indirect.scatter.add.f32 [tilespmem:s30], [sflag:$0x7], $0x80, s16, s28, $0xb8;
	[tilespmem:$0x1F000] =	vst v63  }
0x93: {  	_ =	swait.ge [sflag:s23], $0x2800  }
0x94: {  	[sflag:s23] =	ssyncset.done $0x0  }
0x95: {  	[sflag:s23] =	ssyncadd.s32 $0xFFFFD800  }
0x96: {  	_ =	swait.ge [sflag:s5], $0x2800  }
0x97: {  	[sflag:s5] =	ssyncset.done $0x0  }
0x98: {  	s17 =	simm.s32 $0x380;
	[sflag:s5] =	ssyncadd.s32 $0xFFFFD800  }
0x99: {  	[tilespmem:s30], [sflag:$0x4] =	stream.indirect.gather [hbm4b:s0+s28], $0x80, s17, s28, $0xb8;
	[tilespmem:$0x1F000] =	vst v63  }
0x9a: {  	s15 =	simm.s32 $0x600  }
0x9b: {  	[spmem:s3] =	stream.indirect.scatter.add.f32 [tilespmem:s29], [sflag:$0x7], $0x80, s15, s28, $0xb8;
	[tilespmem:$0x1F000] =	vst v63  }
0x9c: {  	_ =	swait.ge [sflag:s23], $0x2800  }
0x9d: {  	[sflag:s23] =	ssyncset.done $0x0  }
0x9e: {  	[sflag:s23] =	ssyncadd.s32 $0xFFFFD800  }
0x9f: {  	_ =	swait.ge [sflag:s8], $0x400  }
0xa0: {  	[sflag:s8] =	ssyncset.done $0x0  }
0xa1: {  	[sflag:s8] =	ssyncadd.s32 $0xFFFFFC00  }
0xa2: {  	_ =	swait.ge [sflag:s8], $0x400  }
0xa3: {  	[sflag:s8] =	ssyncset.done $0x0  }
0xa4: {  	[sflag:s8] =	ssyncadd.s32 $0xFFFFFC00  }
0xa5: {  	_ =	swait.ge [sflag:s7], $0x2800  }
0xa6: {  	[sflag:s7] =	ssyncset.done $0x0  }
0xa7: {  	[sflag:s7] =	ssyncadd.s32 $0xFFFFD800  }
0xa8: {  	[tilespmem:s29], [sflag:$0x1] =	stream.indirect.gather [hbm4b:s0+s28], $0x80, s25, s28, $0xb8;
	[tilespmem:$0x1F000] =	vst v63  }
0xa9: {  	s16 =	simm.s32 $0x680  }
0xaa: {  	[spmem:s3] =	stream.indirect.scatter.add.f32 [tilespmem:s31], [sflag:$0x7], $0x80, s16, s28, $0xb8;
	[tilespmem:$0x1F000] =	vst v63  }
0xab: {  	_ =	swait.ge [sflag:s23], $0x2800  }
0xac: {  	[sflag:s23] =	ssyncset.done $0x0  }
0xad: {  	[sflag:s23] =	ssyncadd.s32 $0xFFFFD800  }
0xae: {  	_ =	swait.ge [sflag:s11], $0x2800  }
0xaf: {  	[sflag:s11] =	ssyncset.done $0x0  }
0xb0: {  	s17 =	simm.s32 $0x880;
	[sflag:s11] =	ssyncadd.s32 $0xFFFFD800  }
0xb1: {  	[tilespmem:s31], [sflag:$0x2] =	stream.indirect.gather [hbm4b:s0+s28], $0x80, s17, s28, $0xb8;
	[tilespmem:$0x1F000] =	vst v63  }
0xb2: {  	s15 =	simm.s32 $0x700  }
0xb3: {  	[spmem:s3] =	stream.indirect.scatter.add.f32 [tilespmem:s2], [sflag:$0x7], $0x80, s15, s28, $0xb8;
	[tilespmem:$0x1F000] =	vst v63  }
0xb4: {  	_ =	swait.ge [sflag:s23], $0x2800  }
0xb5: {  	[sflag:s23] =	ssyncset.done $0x0  }
0xb6: {  	[sflag:s23] =	ssyncadd.s32 $0xFFFFD800  }
0xb7: {  	_ =	swait.ge [sflag:s14], $0x2800  }
0xb8: {  	[sflag:s14] =	ssyncset.done $0x0  }
0xb9: {  	s16 =	simm.s32 $0x900;
	[sflag:s14] =	ssyncadd.s32 $0xFFFFD800  }
0xba: {  	[tilespmem:s2], [sflag:$0x3] =	stream.indirect.gather [hbm4b:s0+s28], $0x80, s16, s28, $0xb8;
	[tilespmem:$0x1F000] =	vst v63  }
0xbb: {  	s17 =	simm.s32 $0x780  }
0xbc: {  	[spmem:s3] =	stream.indirect.scatter.add.f32 [tilespmem:s30], [sflag:$0x7], $0x80, s17, s28, $0xb8;
	[tilespmem:$0x1F000] =	vst v63  }
0xbd: {  	_ =	swait.ge [sflag:s23], $0x2800  }
0xbe: {  	[sflag:s23] =	ssyncset.done $0x0  }
0xbf: {  	[sflag:s23] =	ssyncadd.s32 $0xFFFFD800  }
0xc0: {  	_ =	swait.ge [sflag:s5], $0x2800  }
0xc1: {  	[sflag:s5] =	ssyncset.done $0x0  }
0xc2: {  	s15 =	simm.s32 $0x980;
	[sflag:s5] =	ssyncadd.s32 $0xFFFFD800  }
0xc3: {  	[tilespmem:s30], [sflag:$0x4] =	stream.indirect.gather [hbm4b:s0+s28], $0x80, s15, s28, $0xb8;
	[tilespmem:$0x1F000] =	vst v63  }
0xc4: {  	_ = 	snop  }
0xc5: {  	[spmem:s3] =	stream.indirect.scatter.add.f32 [tilespmem:s29], [sflag:$0x7], $0x80, s26, s28, $0xb8;
	[tilespmem:$0x1F000] =	vst v63  }
0xc6: {  	_ =	swait.ge [sflag:s23], $0x2800  }
0xc7: {  	p0 =	seq.s32 s12, $0x700;
	[sflag:s23] =	ssyncset.done $0x0  }
0xc8: {  	s13 =	sadd.s32 @!p0 s12, s22;
	s15 =	simm.s32 @!p0 $0x0;
	[sflag:s23] =	ssyncadd.s32 $0xFFFFD800  }
0xc9: {  	[tilespmem:s15], [sflag:$0x5] =	stream.linear.gather @!p0 [hbm4b:s13+s15], $0x400, $0x38;
	[tilespmem:$0x1F000] =	vst v63  }
0xca: {  	s16 =	simm.s32 @!p0 $0x400;
	s13 =	sadd.s32 @!p0 s12, s21  }
0xcb: {  	[tilespmem:s16], [sflag:$0x5] =	stream.linear.gather @!p0 [hbm4b:s13+s15], $0x400, $0x38;
	[tilespmem:$0x1F000] =	vst v63  }
0xcc: {  	_ =	swait.ge [sflag:s7], $0x2800  }
0xcd: {  	[sflag:s7] =	ssyncset.done $0x0  }
0xce: {  	s16 =	simm.s32 $0xA00;
	[sflag:s7] =	ssyncadd.s32 $0xFFFFD800  }
0xcf: {  	[tilespmem:s29], [sflag:$0x1] =	stream.indirect.gather [hbm4b:s0+s28], $0x80, s16, s28, $0xb8;
	[tilespmem:$0x1F000] =	vst v63  }
0xd0: {  	s17 =	simm.s32 $0xC80  }
0xd1: {  	[spmem:s3] =	stream.indirect.scatter.add.f32 [tilespmem:s31], [sflag:$0x7], $0x80, s17, s28, $0xb8;
	[tilespmem:$0x1F000] =	vst v63  }
0xd2: {  	_ =	swait.ge [sflag:s23], $0x2800  }
0xd3: {  	[sflag:s23] =	ssyncset.done $0x0  }
0xd4: {  	[sflag:s23] =	ssyncadd.s32 $0xFFFFD800  }
0xd5: {  	_ =	swait.ge [sflag:s11], $0x2800  }
0xd6: {  	[sflag:s11] =	ssyncset.done $0x0  }
0xd7: {  	s16 =	simm.s32 $0xA80;
	[sflag:s11] =	ssyncadd.s32 $0xFFFFD800  }
0xd8: {  	[tilespmem:s31], [sflag:$0x2] =	stream.indirect.gather [hbm4b:s0+s28], $0x80, s16, s28, $0xb8;
	[tilespmem:$0x1F000] =	vst v63  }
0xd9: {  	s17 =	simm.s32 $0xD00  }
0xda: {  	[spmem:s3] =	stream.indirect.scatter.add.f32 [tilespmem:s2], [sflag:$0x7], $0x80, s17, s28, $0xb8;
	[tilespmem:$0x1F000] =	vst v63  }
0xdb: {  	_ =	swait.ge [sflag:s23], $0x2800  }
0xdc: {  	[sflag:s23] =	ssyncset.done $0x0  }
0xdd: {  	[sflag:s23] =	ssyncadd.s32 $0xFFFFD800  }
0xde: {  	_ =	swait.ge [sflag:s14], $0x2800  }
0xdf: {  	[sflag:s14] =	ssyncset.done $0x0  }
0xe0: {  	[sflag:s14] =	ssyncadd.s32 $0xFFFFD800  }
0xe1: {  	[tilespmem:s2], [sflag:$0x3] =	stream.indirect.gather [hbm4b:s0+s28], $0x80, s18, s28, $0xb8;
	[tilespmem:$0x1F000] =	vst v63  }
0xe2: {  	_ = 	snop  }
0xe3: {  	[spmem:s3] =	stream.indirect.scatter.add.f32 [tilespmem:s30], [sflag:$0x7], $0x80, s1, s28, $0xb8;
	[tilespmem:$0x1F000] =	vst v63  }
0xe4: {  	_ =	swait.ge [sflag:s23], $0x2800  }
0xe5: {  	[sflag:s23] =	ssyncset.done $0x0  }
0xe6: {  	[sflag:s23] =	ssyncadd.s32 $0xFFFFD800  }
0xe7: {  	_ =	swait.ge [sflag:s5], $0x2800  }
0xe8: {  	[sflag:s5] =	ssyncset.done $0x0  }
0xe9: {  	[sflag:s5] =	ssyncadd.s32 $0xFFFFD800  }
0xea: {  	[tilespmem:s30], [sflag:$0x4] =	stream.indirect.gather [hbm4b:s0+s28], $0x80, s24, s28, $0xb8;
	[tilespmem:$0x1F000] =	vst v63  }
0xeb: {  	_ = 	snop  }
0xec: {  	[spmem:s3] =	stream.indirect.scatter.add.f32 [tilespmem:s29], [sflag:$0x7], $0x80, s6, s28, $0xb8;
	[tilespmem:$0x1F000] =	vst v63  }
0xed: {  	_ =	swait.ge [sflag:s23], $0x2800  }
0xee: {  	[sflag:s23] =	ssyncset.done $0x0  }
0xef: {  	[sflag:s23] =	ssyncadd.s32 $0xFFFFD800  }
0xf0: {  	_ =	swait.ge [sflag:s7], $0x2800  }
0xf1: {  	s13 =	simm.s32 @p0 $0x50;
	[sflag:s7] =	ssyncset.done $0x0  }
0xf2: {  	s16 =	simm.s32 @p0 $0xE80;
	s17 =	simm.s32 @p0 $0x3800;
	[sflag:s7] =	ssyncadd.s32 $0xFFFFD800  }
0xf3: {  	[spmem:s3] =	stream.indirect.scatter.add.f32 @p0 [tilespmem:s17], [sflag:$0x7], $0x80, s16, s13, $0xb8;
	[tilespmem:$0x1F000] =	vst v63  }
0xf4: {  	s13 =	simm.s32 @p0 $0x7  }
0xf5: {  	_ =	swait.ge @p0 [sflag:s13], $0x2800  }
0xf6: {  	[sflag:s13] =	ssyncset.done @p0 $0x0  }
0xf7: {  	[sflag:s13] =	ssyncadd.s32 @p0 $0xFFFFD800;
	s13 =	simm.s32 @p0 $0x3  }
0xf8: {  	_ =	swait.ge @p0 [sflag:s13], $0x2800  }
0xf9: {  	[sflag:s13] =	ssyncset.done @p0 $0x0  }
0xfa: {  	[sflag:s13] =	ssyncadd.s32 @p0 $0xFFFFD800;
	s13 =	simm.s32 @!p0 $0x5  }
0xfb: {  	_ =	swait.ge @!p0 [sflag:s13], $0x400  }
0xfc: {  	[sflag:s13] =	ssyncset.done @!p0 $0x0  }
0xfd: {  	[sflag:s13] =	ssyncadd.s32 @!p0 $0xFFFFFC00  }
0xfe: {  	_ =	swait.ge @!p0 [sflag:s13], $0x400  }
0xff: {  	[sflag:s13] =	ssyncset.done @!p0 $0x0  }
0x100: {  	s16 =	simm.s32 @!p0 $0x1000;
	[sflag:s13] =	ssyncadd.s32 @!p0 $0xFFFFFC00;
	s13 =	simm.s32 @!p0 $0x50  }
0x101: {  	[tilespmem:s16], [sflag:$0x1] =	stream.indirect.gather @!p0 [hbm4b:s0+s13], $0x80, s15, s13, $0xb8;
	[tilespmem:$0x1F000] =	vst v63  }
0x102: {  	s15 =	simm.s32 @!p0 $0xE80;
	s16 =	simm.s32 @!p0 $0x3800  }
0x103: {  	[spmem:s3] =	stream.indirect.scatter.add.f32 @!p0 [tilespmem:s16], [sflag:$0x7], $0x80, s15, s13, $0xb8;
	[tilespmem:$0x1F000] =	vst v63  }
0x104: {  	s15 =	simm.s32 @!p0 $0x7  }
0x105: {  	_ =	swait.ge @!p0 [sflag:s15], $0x2800  }
0x106: {  	[sflag:s15] =	ssyncset.done @!p0 $0x0  }
0x107: {  	[sflag:s15] =	ssyncadd.s32 @!p0 $0xFFFFD800;
	s15 =	simm.s32 @!p0 $0x3  }
0x108: {  	_ =	swait.ge @!p0 [sflag:s15], $0x2800  }
0x109: {  	[sflag:s15] =	ssyncset.done @!p0 $0x0  }
0x10a: {  	[sflag:s15] =	ssyncadd.s32 @!p0 $0xFFFFD800;
	s15 =	simm.s32 @!p0 $0x80  }
0x10b: {  	[tilespmem:s16], [sflag:$0x2] =	stream.indirect.gather @!p0 [hbm4b:s0+s13], $0x80, s15, s13, $0xb8;
	[tilespmem:$0x1F000] =	vst v63  }
0x10c: {  	_ = 	snop  }
0x10d: {  	[spmem:s3] =	stream.indirect.scatter.add.f32 [tilespmem:s2], [sflag:$0x7], $0x80, s9, s28, $0xb8;
	[tilespmem:$0x1F000] =	vst v63  }
0x10e: {  	_ =	swait.ge [sflag:s23], $0x2800  }
.Ltmp3:
0x10f: {  	[sflag:s23] =	ssyncset.done $0x0;
	(pc) =	sbr.rel @p0 .LBB2_6-.Ltmp3, $4  }
0x110: {  	[sflag:s23] =	ssyncadd.s32 $0xFFFFD800  }
0x111: {  	_ =	swait.ge [sflag:s14], $0x2800  }
0x112: {  	[sflag:s14] =	ssyncset.done $0x0  }
0x113: {  	[sflag:s14] =	ssyncadd.s32 $0xFFFFD800  }
0x114: {  	s13 =	simm.s32 $0x100  }
0x115: {  	[tilespmem:s2], [sflag:$0x3] =	stream.indirect.gather [hbm4b:s0+s28], $0x80, s13, s28, $0xb8;
	[tilespmem:$0x1F000] =	vst v63  }
0x116: {  	_ = 	snop  }
0x117: {  	[spmem:s3] =	stream.indirect.scatter.add.f32 [tilespmem:s30], [sflag:$0x7], $0x80, s10, s28, $0xb8;
	[tilespmem:$0x1F000] =	vst v63  }
0x118: {  	_ =	swait.ge [sflag:s23], $0x2800  }
.Ltmp4:
0x119: {  	[sflag:s23] =	ssyncset.done $0x0;
	(pc) =	sbr.rel .LBB2_4-.Ltmp4, $4  }
0x11a: {  	s16 =	sadd.s32 s12, s20;
	[sflag:s23] =	ssyncadd.s32 $0xFFFFD800  }
0x11b: {  	[tilespmem:s25], [sflag:$0x6] =	stream.linear.gather [hbm4b:s16+s4], $0x400, $0x38;
	[tilespmem:$0x1F000] =	vst v63  }
0x11c: {  	s17 =	sadd.s32 s12, s19;
	s12 =	sadd.s32 $0x100, s12  }
0x11d: {  	[tilespmem:s26], [sflag:$0x6] =	stream.linear.gather [hbm4b:s17+s4], $0x400, $0x38;
	[tilespmem:$0x1F000] =	vst v63  }
.LBB2_7:
0x11e: {  	_ =	sfence.sel $0x180000  }
0x11f: {  	[bflag:$0x0] =	sbarrier.arrive $0xFFFF  }
0x120: {  	_ =	strace $0x9000004A  }
0x121: {  	s0 =	stileid.u32;
	[bflag:$0x2] =	sbarrier.arrive $0xFFFF  }
0x122: {  	p0 =	sne.s32 s0, $0x0;
	s0 =	rddreg [dreg:$0x3]  }
0x123: {  	s0 =	sadd.s32 @!p0 $0x100000, s0  }
0x124: {  	[sflag:s0] =	ssyncadd.tile.s32 @!p0 $0x1;
	_ =	shalt  }
.Lfunc_end2:
_tile_overlayer_lowered:
.L_overlay_start_2:
0x125: {  	(tag) =	ssettag $0x2  }
0x126: {  	s0 =	rddreg [dreg:$0x0];
	s2 =	stileid.u32  }
0x127: {  	s1 =	rddreg [dreg:$0x1];
	p0 =	sne.s32 s2, $0x0  }
0x128: {  	s3 =	rddreg [dreg:$0x2];
	[bflag:$0x3] =	sbarrier.arrive $0xFFFF;
	s2 =	simm.s32 @!p0 $0x1C07  }
0x129: {  	[timem:s3], [sflag:s2] =	dma.local @!p0 [hbm:s0], s1  }
0x12a: {  	s0 =	simm.s32 @!p0 $0x7  }
0x12b: {  	_ =	swait.ge @!p0 [sflag:s0], s1  }
0x12c: {  	s1 =	ssub.s32 @!p0 $0x0, s1;
	[sflag:s0] =	ssyncset.done @!p0 $0x0  }
0x12d: {  	[sflag:s0] =	ssyncadd.s32 @!p0 s1  }
0x12e: {  	[bflag:$0x3] =	sbarrier.arrive $0xFFFF  }
0x12f: {  	_ =	shalt  }

// kernel: kernel.14.cloned.1.call-start
scs
__scs_entry_jumppad:
0x0: {  	(pc) =	sbr.rel $0x88, $3  }
0x1: {  	(tag) =	ssettag $0x0;
	lr =	simm.s32 $0x1  }
0x2: {  	[smem:$0x3F9B] =	sst lr;
	_ =	strace $0xD0000000  }
0x3: {  	_ = 	snop  }
0x4: {  	_ = 	snop  }
0x5: {  	_ = 	snop  }
0x6: {  	_ = 	snop  }
0x7: {  	_ = 	snop  }
__scs_overlays_trampoline_lowered:
0x8: {  	[smem:$0x3FAA] =	sst s0  }
0x9: {  	[smem:$0x3FAB] =	sst s1  }
0xa: {  	[smem:$0x3FAC] =	sst s2  }
0xb: {  	[smem:$0x3FAD] =	sst s3  }
0xc: {  	[smem:$0x3FAE] =	sst s4  }
0xd: {  	[smem:$0x3FAF] =	sst s5  }
0xe: {  	[smem:$0x3FB0] =	sst s6  }
0xf: {  	[smem:$0x3FB1] =	sst s7  }
0x10: {  	[smem:$0x3FB2] =	sst s8  }
0x11: {  	[smem:$0x3FB3] =	sst s9;
	s0 =	simm.s32 @!p0 $0x0  }
0x12: {  	s1 =	sld [smem:$0x3F99];
	s0 =	simm.s32 @p0 $0x1  }
0x13: {  	[smem:$0x3FB4] =	sst s0;
	s0 =	simm.s32 @!p1 $0x0  }
0x14: {  	s2 =	sld [smem:$0x3F98];
	s0 =	simm.s32 @p1 $0x1  }
0x15: {  	[smem:$0x3FB5] =	sst s0;
	s0 =	simm.s32 @!p2 $0x0  }
0x16: {  	s3 =	sld [smem:$0x3FDB];
	s0 =	simm.s32 @p2 $0x1  }
0x17: {  	s4 =	simm.s32 $0x1BF5;
	[smem:$0x3FB7] =	sst s0  }
0x18: {  	s0 =	sld [smem:$0x3F9A];
	_ =	swait.ge [sflag:s4], $0x0  }
0x19: {  	s7 =	sld [smem:$0x3F9B]  }
0x1a: {  	s8 =	sadd.s32 $0xFFFFE003, lr  }
0x1b: {  	s9 =	sadd.s32 $0xFFFFFEF7, lr;
	s5 =	simm.s32 $0xFFFFFFFF;
	p2 =	slt.u32 s8, $0xFFFFF086  }
0x1c: {  	p1 =	slt.u32 s9, $0xF7A;
	s5 =	simm.s32 @!p2 $0x0  }
0x1d: {  	s5 =	simm.s32 @p1 $0x1;
	p0 =	seq.s32 s7, s2  }
0x1e: {  	s7 =	smul.u32 @!p0 $0xF7A, s2;
	p2 =	seq.s32 @!p0 s5, $0x0  }
0x1f: {  	s9 =	smul.u32 $0xF7A, s1;
	s8 =	simm.s32 @!p0 $0x1BF5;
	p2 =	por !p2, p0  }
0x20: {  	[sflag:s8] =	ssyncset.s32 @!p0 $0xFFFFF086;
	s6 =	sadd.s32 @!p0 s3, s7;
	s7 =	simm.s32 @!p0 $0x108  }
0x21: {  	s3 =	sadd.s32 s3, s9;
	s6 =	sadd.s32 @!p0 $0x88, s6;
	s7 =	simm.s32 @p2 $0x1082  }
0x22: {  	[simem:s7], [sflag:s8] =	dma.local @!p0 [hbm:s6], $0xF7A  }
0x23: {  	s9 =	sor.u32 $0xD0000000, s2;
	s6 =	simm.s32 $0x108;
	_ =	swait.ge @!p0 [sflag:s8], $0x0  }
0x24: {  	s3 =	sadd.s32 $0x88, s3;
	s6 =	simm.s32 @!p1 $0x1082;
	[sflag:s4] =	ssyncset.s32 $0xFFFFF086  }
0x25: {  	[simem:s6], [sflag:s4] =	dma.local [hbm:s3], $0xF7A  }
0x26: {  	[smem:$0x3F9B] =	sst s1;
	(tag) =	ssettag s2;
	_ =	strace s9  }
0x27: {  	s1 =	sld [smem:$0x3FAB]  }
0x28: {  	s2 =	sld [smem:$0x3FAC]  }
0x29: {  	s4 =	sld [smem:$0x3FAE]  }
0x2a: {  	p0 =	seq.s32 s5, $0x0;
	s5 =	sld [smem:$0x3FAF]  }
0x2b: {  	s6 =	sld [smem:$0x3FB0]  }
0x2c: {  	s7 =	sld [smem:$0x3FB1]  }
0x2d: {  	s3 =	simm.s32 $0x108;
	s8 =	sld [smem:$0x3FB2]  }
0x2e: {  	s3 =	simm.s32 @!p0 $0x1082;
	s9 =	sld [smem:$0x3FB3]  }
0x2f: {  	lr =	sadd.s32 s0, s3;
	s0 =	sld [smem:$0x3FAA]  }
0x30: {  	s3 =	sld [smem:$0x3FAD]  }
0x31: {  	[smem:$0x3FB6] =	sst s10  }
0x32: {  	s10 =	sld [smem:$0x3FB4];
	_ =	sdelay $0x3  }
0x33: {  	p0 =	seq.s32 s10, $0x1;
	s10 =	sld [smem:$0x3FB6];
	_ =	sdelay $0x3  }
0x34: {  	[smem:$0x3FB6] =	sst s10  }
0x35: {  	s10 =	sld [smem:$0x3FB5];
	_ =	sdelay $0x3  }
0x36: {  	p1 =	seq.s32 s10, $0x1;
	s10 =	sld [smem:$0x3FB6];
	_ =	sdelay $0x3  }
0x37: {  	[smem:$0x3FB6] =	sst s10  }
0x38: {  	s10 =	sld [smem:$0x3FB7]  }
0x39: {  	_ = 	snop;
	(pc) =	sbr.ind lr, $3  }
0x3a: {  	_ = 	snop  }
0x3b: {  	_ = 	snop  }
0x3c: {  	p2 =	seq.s32 s10, $0x1;
	s10 =	sld [smem:$0x3FB6]  }
0x3d: {  	_ =	shalt  }
0x3e: {  	_ =	shalt  }
0x3f: {  	_ =	shalt  }
0x40: {  	_ =	shalt  }
0x41: {  	_ =	shalt  }
0x42: {  	_ =	shalt  }
0x43: {  	_ =	shalt  }
0x44: {  	_ =	shalt  }
0x45: {  	_ =	shalt  }
0x46: {  	_ =	shalt  }
0x47: {  	_ =	shalt  }
0x48: {  	_ =	shalt  }
0x49: {  	_ =	shalt  }
0x4a: {  	_ =	shalt  }
0x4b: {  	_ =	shalt  }
0x4c: {  	_ =	shalt  }
0x4d: {  	_ =	shalt  }
0x4e: {  	_ =	shalt  }
0x4f: {  	_ =	shalt  }
0x50: {  	_ =	shalt  }
0x51: {  	_ =	shalt  }
0x52: {  	_ =	shalt  }
0x53: {  	_ =	shalt  }
0x54: {  	_ =	shalt  }
0x55: {  	_ =	shalt  }
0x56: {  	_ =	shalt  }
0x57: {  	_ =	shalt  }
0x58: {  	_ =	shalt  }
0x59: {  	_ =	shalt  }
0x5a: {  	_ =	shalt  }
0x5b: {  	_ =	shalt  }
0x5c: {  	_ =	shalt  }
0x5d: {  	_ =	shalt  }
0x5e: {  	_ =	shalt  }
0x5f: {  	_ =	shalt  }
0x60: {  	_ =	shalt  }
0x61: {  	_ =	shalt  }
0x62: {  	_ =	shalt  }
0x63: {  	_ =	shalt  }
0x64: {  	_ =	shalt  }
0x65: {  	_ =	shalt  }
0x66: {  	_ =	shalt  }
0x67: {  	_ =	shalt  }
0x68: {  	_ =	shalt  }
0x69: {  	_ =	shalt  }
0x6a: {  	_ =	shalt  }
0x6b: {  	_ =	shalt  }
0x6c: {  	_ =	shalt  }
0x6d: {  	_ =	shalt  }
0x6e: {  	_ =	shalt  }
0x6f: {  	_ =	shalt  }
0x70: {  	_ =	shalt  }
0x71: {  	_ =	shalt  }
0x72: {  	_ =	shalt  }
0x73: {  	_ =	shalt  }
0x74: {  	_ =	shalt  }
0x75: {  	_ =	shalt  }
0x76: {  	_ =	shalt  }
0x77: {  	_ =	shalt  }
0x78: {  	_ =	shalt  }
0x79: {  	_ =	shalt  }
0x7a: {  	_ =	shalt  }
0x7b: {  	_ =	shalt  }
0x7c: {  	_ =	shalt  }
0x7d: {  	_ =	shalt  }
0x7e: {  	_ =	shalt  }
0x7f: {  	_ =	shalt  }
0x80: {  	_ =	shalt  }
0x81: {  	_ =	shalt  }
0x82: {  	_ =	shalt  }
0x83: {  	_ =	shalt  }
0x84: {  	_ =	shalt  }
0x85: {  	_ =	shalt  }
0x86: {  	_ =	shalt  }
0x87: {  	_ =	shalt  }
.Lfunc_end0:
.L_simem_size_0:
called_computation.2_lowered:
.L_overlay_start_0:
0x88: {  	s2 =	sld [smem:$0x3FD9]  }
0x89: {  	s3 =	sld [smem:$0x3FFE];
	_ =	sdelay $0x1  }
0x8a: {  	s1 =	srdreg.scid  }
0x8b: {  	s0 =	sand.u32 $0x1, s1  }
0x8c: {  	s17 =	sshll.u32 s0, $0xA;
	s2 =	sadd.s32 s3, s2  }
0x8d: {  	s2 =	sadd.s32 s2, s17  }
0x8e: {  	[smem:$0x3FC2] =	sst s2  }
0x8f: {  	_ = 	snop  }
0x90: {  	s2 =	sld [smem:$0x3FD0];
	(tm) =	ssettm $0x1  }
0x91: {  	s18 =	sld [smem:$0x3FFB];
	_ =	sdelay $0x3  }
0x92: {  	_ =	strace s18  }
0x93: {  	s3 =	sld [smem:$0x3FFC];
	_ =	sdelay $0x3  }
0x94: {  	_ =	strace s3  }
0x95: {  	s3 =	sld [smem:$0x3FFD];
	_ =	sdelay $0x3  }
0x96: {  	_ =	strace s3  }
0x97: {  	_ =	strace $0x8FFFFFFF  }
0x98: {  	s19 =	sld [smem:$0x3FDB];
	_ =	sdelay $0x1  }
0x99: {  	s4 =	simm.s32 $_scs_section_size  }
0x9a: {  	s5 =	simm.s32 $_size__tile_overlayer_lowered;
	s6 =	simm.s32 $_tile_overlayer_lowered  }
0x9b: {  	s22 =	simm.s32 $0x1BFF;
	s21 =	sshll.u32 s6, $0x1;
	s3 =	sadd.s32 s4, s19  }
0x9c: {  	s7 =	simm.s32 $0x0;
	s20 =	sshll.u32 s5, $0x1;
	s5 =	sadd.s32 s21, s3  }
0x9d: {  	[timem:s7], [sflag:s22] =	dma.local [hbm:s5], s20  }
0x9e: {  	_ =	swait.ge [sflag:s22], s20  }
0x9f: {  	s4 =	ssub.s32 $0x0, s20;
	[sflag:s22] =	ssyncset.done $0x0  }
0xa0: {  	[sflag:s22] =	ssyncadd.s32 s4;
	_ =	sdelay $0x1  }
0xa1: {  	s23 =	simm.s32 $0x1B8B  }
0xa2: {  	_ =	swait.ge [sflag:s23], $0x1  }
0xa3: {  	[sflag:s23] =	ssyncset.done $0x0  }
0xa4: {  	s25 =	simm.s32 $0x1B8E;
	s24 =	sld [smem:$0x3FFE];
	[sflag:s23] =	ssyncadd.s32 $0xFFFFFFFF  }
0xa5: {  	s26 =	simm.s32 $execute0_lowered;
	[smem:$0x3FD2] =	sst s25  }
0xa6: {  	s5 =	sshll.u32 s26, $0x1;
	_ =	strace $0x8000004C;
	[dreg:$0x1] =	wrdreg $0xFFFFFFFF  }
0xa7: {  	s28 =	simm.s32 $_size_execute0_lowered;
	s3 =	sadd.s32 s3, s5;
	[dreg:$0x0] =	wrdreg $0x0  }
0xa8: {  	s5 =	sshll.u32 s28, $0x1;
	[dreg:$0x2] =	wrdreg s3  }
0xa9: {  	[dreg:$0x3] =	wrdreg s5  }
0xaa: {  	[dreg:$0x4] =	wrdreg $0xC0  }
0xab: {  	_ =	task [dreg:s7], $0x5FFFF  }
0xac: {  	[dreg:$0x1] =	wrdreg $0xFFFFFFFF  }
0xad: {  	[dreg:$0x0] =	wrdreg $0x60  }
0xae: {  	[dreg:$0x2] =	wrdreg s2  }
0xaf: {  	[dreg:$0x3] =	wrdreg s24  }
0xb0: {  	[dreg:$0x4] =	wrdreg $0xB0000  }
0xb1: {  	[dreg:$0x5] =	wrdreg $0x9  }
0xb2: {  	_ =	task.clear_ibuf [dreg:s7], $0x6FFFF;
	_ =	strace $0x9000004C  }
0xb3: {  	s29 =	simm.s32 $0x9;
	_ =	strace $0x8000004E  }
0xb4: {  	_ =	swait.ge [sflag:s29], $0x1  }
0xb5: {  	[sflag:s29] =	ssyncadd.s32 $0xFFFFFFFF  }
0xb6: {  	_ =	strace $0x9000004E  }
0xb7: {  	_ =	sfence  }
0xb8: {  	s30 =	sld [smem:$0x0];
	_ =	sdelay $0x2  }
0xb9: {  	s31 =	sshll.u32 s1, $0xD;
	s1 =	sshrl.u32 s1, $0x2  }
0xba: {  	s3 =	sand.u32 $0x4000, s31;
	s1 =	sadd.s32 s1, s30  }
0xbb: {  	s0 =	sor.u32 s3, s0;
	s1 =	sshll.u32 s1, $0x11  }
0xbc: {  	s0 =	sor.u32 s1, s0  }
0xbd: {  	s0 =	sadd.s32 $0x8F2B, s0  }
0xbe: {  	[sflag:s0] =	ssyncadd.remote.s32 $0x1  }
0xbf: {  	_ =	sfence.sel $0xFFFF  }
0xc0: {  	[dreg:$0x0] =	wrdreg $0xFFFFFFFF;
	(pc) =	sbr.abs _section_cstart, $3  }
0xc1: {  	[dreg:$0x1] =	wrdreg $0xFFFFFFFF  }
0xc2: {  	_ =	task.clear_ibuf [dreg:s7], $0x2FFFF;
	_ =	strace $0x9FFFFFFF  }
0xc3: {  	(tm) =	ssettm $0x7FFFFFFF  }
tec
execute0_lowered:
.L_overlay_start_1:
0x0: {  	(tag) =	ssettag $0x1  }
0x1: {  	s0 =	rddreg [dreg:$0x0]  }
0x2: {  	s1 =	rddreg [dreg:$0x1];
	s2 =	srdreg.scid  }
0x3: {  	s3 =	rddreg [dreg:$0x2];
	s11 =	stileid.u32  }
0x4: {  	s4 =	simm.s32 $0x0;
	s28 =	simm.s32 $0x50;
	s29 =	simm.s32 $0x1000  }
0x5: {  	s31 =	simm.s32 $0x3800;
	s30 =	simm.s32 $0x8800;
	s6 =	smul.u32 $0x14000, s11  }
0x6: {  	s2 =	sand.u32 $0x1, s2;
	[smem:$0x7FF] =	sst s4;
	s26 =	smul.u32 $0x50000, s11  }
0x7: {  	s7 =	sadd.s32 $0x2000, s1;
	s9 =	sshll.u32 s11, $0xF;
	s5 =	smul.u32 $0x140000, s2  }
0x8: {  	_ =	strace $0x8000004D;
	s8 =	ssub.s32 $0x2, s2;
	s2 =	sshll.u32 s2, $0xE  }
0x9: {  	s10 =	sshrl.u32 s8, $0x1;
	s2 =	sor.u32 s2, s9;
	s9 =	sshrl.u32 s26, $0x2  }
0xa: {  	s5 =	sadd.s32 s6, s5;
	s6 =	sadd.s32 $0x12000, s1;
	s11 =	ssub.s32 s8, s10  }
0xb: {  	s12 =	sshrl.u32 s2, $0x3;
	s15 =	sadd.s32 s9, s3;
	s25 =	sor.u32 $0xC00, s2  }
0xc: {  	s2 =	sor.u32 $0x800, s2;
	s13 =	sadd.s32 s6, s12;
	[dreg:$0x7] =	wrdreg s15  }
0xd: {  	s9 =	simm.s32 $0xF00;
	s8 =	sadd.s32 s7, s12;
	[dreg:$0x4] =	wrdreg s13  }
0xe: {  	s10 =	simm.s32 $0xF80;
	s18 =	sadd.s32 $0x2800, s15;
	[dreg:$0x5] =	wrdreg s8  }
0xf: {  	s5 =	sshrl.u32 s5, $0x3;
	s19 =	sadd.s32 $0x5000, s15;
	[dreg:$0x9] =	wrdreg s18  }
0x10: {  	s14 =	sor.u32 $0x80, s12;
	s20 =	sadd.s32 $0x7800, s15;
	[dreg:$0xa] =	wrdreg s19  }
0x11: {  	s21 =	sadd.s32 $0xA000, s15;
	s22 =	sadd.s32 $0xC800, s15;
	[dreg:$0xb] =	wrdreg s20  }
0x12: {  	s23 =	sadd.s32 $0xF000, s15;
	s24 =	sadd.s32 $0x11800, s15;
	[dreg:$0xc] =	wrdreg s21  }
0x13: {  	s26 =	sshrl.u32 s25, $0x3;
	s2 =	sshrl.u32 s2, $0x3;
	[dreg:$0xd] =	wrdreg s22  }
0x14: {  	s25 =	simm.s32 $0x800;
	s1 =	sadd.s32 s5, s1;
	[dreg:$0xe] =	wrdreg s23  }
0x15: {  	s16 =	sadd.s32 s6, s14;
	s17 =	sadd.s32 s7, s14;
	[dreg:$0xf] =	wrdreg s24  }
0x16: {  	s5 =	smax.u32 s11, $0x1;
	s19 =	sadd.s32 s26, s7;
	s20 =	sadd.s32 s26, s6  }
0x17: {  	s21 =	sadd.s32 s2, s7;
	s22 =	sadd.s32 s2, s6;
	s23 =	simm.s32 $0x7  }
0x18: {  	s26 =	simm.s32 $0xC00;
	s2 =	simm.s32 $0x6000;
	s7 =	simm.s32 $0x2  }
.Ltmp0:
0x19: {  	s11 =	simm.s32 $0x3;
	s14 =	simm.s32 $0x4;
	(pc) =	sbr.rel .LBB2_1-.Ltmp0, $4  }
0x1a: {  	s8 =	simm.s32 $0x6;
	s18 =	simm.s32 $0xB00;
	[dreg:$0x6] =	wrdreg s16  }
0x1b: {  	s24 =	simm.s32 $0xB80;
	s6 =	simm.s32 $0xE00;
	[dreg:$0x8] =	wrdreg s17  }
0x1c: {  	s13 =	simm.s32 $0x0;
	s1 =	sadd.s32 $0x22000, s1;
	[dreg:$0x11] =	wrdreg s5  }
0x1d: {  	v0 =	vimm.f32 $0.0e+00;
	s5 =	simm.s32 $0x1;
	[dreg:$0x10] =	wrdreg s1;
	s1 =	simm.s32 $0xD80  }
.LBB2_6:
0x1e: {  	[spmem:s3] =	stream.indirect.scatter.add.f32 [tilespmem:s30], [sflag:$0x7], $0x80, s10, s28, $0xb8;
	[tilespmem:$0x1F000] =	vst v63  }
0x1f: {  	_ =	swait.ge [sflag:s23], $0x2800  }
0x20: {  	[sflag:s23] =	ssyncset.done $0x0  }
0x21: {  	[sflag:s23] =	ssyncadd.s32 $0xFFFFD800  }
0x22: {  	s12 =	stileid.u32;
	[bflag:$0x0] =	sbarrier.arrive $0xFFFF  }
0x23: {  	s12 =	sshll.u32 s12, $0x6;
	s15 =	rddreg [dreg:$0x7]  }
0x24: {  	s12 =	sor.u32 $0x1C07, s12;
	s16 =	rddreg [dreg:$0x10];
	s13 =	sshrl.u32 s15, $0x3  }
0x25: {  	[hbm:s16], [sflag:s12] =	dma.local [spmem:s13], $0x2800  }
0x26: {  	_ =	swait.ge [sflag:s23], $0x2800  }
0x27: {  	s16 =	rddreg [dreg:$0x12]  }
0x28: {  	s17 =	rddreg [dreg:$0x11];
	s13 =	sadd.s32 $0x1, s16  }
0x29: {  	p0 =	sne.s32 s13, s17  }
.Ltmp1:
0x2a: {  	_ = 	snop;
	(pc) =	sbr.rel @!p0 .LBB2_7-.Ltmp1, $3  }
0x2b: {  	_ =	sdelay $0x1  }
0x2c: {  	[sflag:s23] =	ssyncset.done $0x0  }
0x2d: {  	[sflag:s23] =	ssyncadd.s32 $0xFFFFD800  }
.LBB2_1:
0x2e: {  	[dreg:$0x12] =	wrdreg s13  }
0x2f: {  	s12 =	rddreg [dreg:$0x4]  }
0x30: {  	[tilespmem:s4], [sflag:$0x7] =	stream.linear.gather [hbm4b:s12+s4], $0x400, $0x38;
	[tilespmem:$0x1F000] =	vst v63  }
0x31: {  	_ =	swait.ge [sflag:s23], $0x400  }
0x32: {  	[sflag:s23] =	ssyncset.done $0x0  }
0x33: {  	s16 =	simm.s32 $0x400;
	s13 =	rddreg [dreg:$0x5];
	[sflag:s23] =	ssyncadd.s32 $0xFFFFFC00  }
0x34: {  	[tilespmem:s16], [sflag:$0x7] =	stream.linear.gather [hbm4b:s13+s4], $0x400, $0x38;
	[tilespmem:$0x1F000] =	vst v63  }
0x35: {  	_ =	swait.ge [sflag:s23], $0x400  }
0x36: {  	[sflag:s23] =	ssyncset.done $0x0  }
0x37: {  	s17 =	rddreg [dreg:$0x6];
	[sflag:s23] =	ssyncadd.s32 $0xFFFFFC00  }
0x38: {  	[tilespmem:s25], [sflag:$0x6] =	stream.linear.gather [hbm4b:s17+s4], $0x400, $0x38;
	[tilespmem:$0x1F000] =	vst v63  }
0x39: {  	s13 =	rddreg [dreg:$0x8]  }
0x3a: {  	[tilespmem:s26], [sflag:$0x6] =	stream.linear.gather [hbm4b:s13+s4], $0x400, $0x38;
	[tilespmem:$0x1F000] =	vst v63  }
0x3b: {  	_ = 	snop  }
0x3c: {  	[tilespmem:s29], [sflag:$0x1] =	stream.indirect.gather [hbm4b:s0+s28], $0x80, s4, s28, $0xb8;
	[tilespmem:$0x1F000] =	vst v63  }
0x3d: {  	s16 =	simm.s32 $0x80  }
0x3e: {  	[tilespmem:s31], [sflag:$0x2] =	stream.indirect.gather [hbm4b:s0+s28], $0x80, s16, s28, $0xb8;
	[tilespmem:$0x1F000] =	vst v63  }
0x3f: {  	s12 =	simm.s32 $0x0;
	s17 =	simm.s32 $0x100;
	s13 =	simm.s32 $0x200  }
0x40: {  	[tilespmem:s2], [sflag:$0x3] =	stream.indirect.gather [hbm4b:s0+s28], $0x80, s17, s28, $0xb8;
	[tilespmem:$0x1F000] =	vst v63  }
.LBB2_2:
0x41: {  	p0 =	sne.s32 s13, $0x9E00;
	[tilespmem:s12+$0x8870] =	vst v0  }
0x42: {  	[tilespmem:s12+$0x8800] =	vst v0  }
0x43: {  	[tilespmem:s12+$0x8810] =	vst v0  }
.Ltmp2:
0x44: {  	[tilespmem:s12+$0x8820] =	vst v0;
	(pc) =	sbr.rel @p0 .LBB2_2-.Ltmp2, $4  }
0x45: {  	[tilespmem:s12+$0x8830] =	vst v0  }
0x46: {  	[tilespmem:s12+$0x8840] =	vst v0  }
0x47: {  	[tilespmem:s12+$0x8850] =	vst v0  }
0x48: {  	[tilespmem:s12+$0x8860] =	vst v0;
	s12 =	sshra.s32 s13, $0x2;
	s13 =	sadd.s32 $0x200, s13  }
0x49: {  	[tilespmem:s12+$0x8870] =	vst v0  }
0x4a: {  	[tilespmem:s12+$0x8800] =	vst v0  }
0x4b: {  	[tilespmem:s12+$0x8810] =	vst v0  }
0x4c: {  	[tilespmem:s12+$0x8820] =	vst v0  }
0x4d: {  	[tilespmem:s12+$0x8830] =	vst v0  }
0x4e: {  	[tilespmem:s12+$0x8840] =	vst v0  }
0x4f: {  	[tilespmem:s12+$0x8850] =	vst v0  }
0x50: {  	[tilespmem:s12+$0x8860] =	vst v0  }
0x51: {  	[spmem:s15] =	stream.linear.scatter [tilespmem:s30], [sflag:$0x7], $0x2800, $0x38;
	[tilespmem:$0x1F000] =	vst v63  }
0x52: {  	_ =	swait.ge [sflag:s23], $0x2800  }
0x53: {  	[sflag:s23] =	ssyncset.done $0x0  }
0x54: {  	s15 =	rddreg [dreg:$0x9];
	[sflag:s23] =	ssyncadd.s32 $0xFFFFD800  }
0x55: {  	[spmem:s15] =	stream.linear.scatter [tilespmem:s30], [sflag:$0x7], $0x2800, $0x38;
	[tilespmem:$0x1F000] =	vst v63  }
0x56: {  	_ =	swait.ge [sflag:s23], $0x2800  }
0x57: {  	[sflag:s23] =	ssyncset.done $0x0  }
0x58: {  	s16 =	rddreg [dreg:$0xa];
	[sflag:s23] =	ssyncadd.s32 $0xFFFFD800  }
0x59: {  	[spmem:s16] =	stream.linear.scatter [tilespmem:s30], [sflag:$0x7], $0x2800, $0x38;
	[tilespmem:$0x1F000] =	vst v63  }
0x5a: {  	_ =	swait.ge [sflag:s23], $0x2800  }
0x5b: {  	[sflag:s23] =	ssyncset.done $0x0  }
0x5c: {  	s17 =	rddreg [dreg:$0xb];
	[sflag:s23] =	ssyncadd.s32 $0xFFFFD800  }
0x5d: {  	[spmem:s17] =	stream.linear.scatter [tilespmem:s30], [sflag:$0x7], $0x2800, $0x38;
	[tilespmem:$0x1F000] =	vst v63  }
0x5e: {  	_ =	swait.ge [sflag:s23], $0x2800  }
0x5f: {  	[sflag:s23] =	ssyncset.done $0x0  }
0x60: {  	s13 =	rddreg [dreg:$0xc];
	[sflag:s23] =	ssyncadd.s32 $0xFFFFD800  }
0x61: {  	[spmem:s13] =	stream.linear.scatter [tilespmem:s30], [sflag:$0x7], $0x2800, $0x38;
	[tilespmem:$0x1F000] =	vst v63  }
0x62: {  	_ =	swait.ge [sflag:s23], $0x2800  }
0x63: {  	[sflag:s23] =	ssyncset.done $0x0  }
0x64: {  	s15 =	rddreg [dreg:$0xd];
	[sflag:s23] =	ssyncadd.s32 $0xFFFFD800  }
0x65: {  	[spmem:s15] =	stream.linear.scatter [tilespmem:s30], [sflag:$0x7], $0x2800, $0x38;
	[tilespmem:$0x1F000] =	vst v63  }
0x66: {  	_ =	swait.ge [sflag:s23], $0x2800  }
0x67: {  	[sflag:s23] =	ssyncset.done $0x0  }
0x68: {  	s16 =	rddreg [dreg:$0xe];
	[sflag:s23] =	ssyncadd.s32 $0xFFFFD800  }
0x69: {  	[spmem:s16] =	stream.linear.scatter [tilespmem:s30], [sflag:$0x7], $0x2800, $0x38;
	[tilespmem:$0x1F000] =	vst v63  }
0x6a: {  	_ =	swait.ge [sflag:s23], $0x2800  }
0x6b: {  	[sflag:s23] =	ssyncset.done $0x0  }
0x6c: {  	s17 =	rddreg [dreg:$0xf];
	[sflag:s23] =	ssyncadd.s32 $0xFFFFD800  }
0x6d: {  	[spmem:s17] =	stream.linear.scatter [tilespmem:s30], [sflag:$0x7], $0x2800, $0x38;
	[tilespmem:$0x1F000] =	vst v63  }
0x6e: {  	_ =	swait.ge [sflag:s23], $0x2800  }
0x6f: {  	[sflag:s23] =	ssyncset.done $0x0  }
0x70: {  	[sflag:s23] =	ssyncadd.s32 $0xFFFFD800  }
0x71: {  	s12 =	simm.s32 $0x0;
	[bflag:$0x0] =	sbarrier.arrive $0xFFFF  }
.LBB2_4:
0x72: {  	_ =	swait.ge [sflag:s5], $0x2800  }
0x73: {  	[sflag:s5] =	ssyncset.done $0x0  }
0x74: {  	s13 =	simm.s32 $0x180;
	[sflag:s5] =	ssyncadd.s32 $0xFFFFD800  }
0x75: {  	[tilespmem:s30], [sflag:$0x4] =	stream.indirect.gather [hbm4b:s0+s28], $0x80, s13, s28, $0xb8;
	[tilespmem:$0x1F000] =	vst v63  }
0x76: {  	s16 =	simm.s32 $0x400  }
0x77: {  	[spmem:s3] =	stream.indirect.scatter.add.f32 [tilespmem:s29], [sflag:$0x7], $0x80, s16, s28, $0xb8;
	[tilespmem:$0x1F000] =	vst v63  }
0x78: {  	_ =	swait.ge [sflag:s23], $0x2800  }
0x79: {  	[sflag:s23] =	ssyncset.done $0x0  }
0x7a: {  	[sflag:s23] =	ssyncadd.s32 $0xFFFFD800  }
0x7b: {  	_ =	swait.ge [sflag:s7], $0x2800  }
0x7c: {  	[sflag:s7] =	ssyncset.done $0x0  }
0x7d: {  	s17 =	simm.s32 $0x200;
	[sflag:s7] =	ssyncadd.s32 $0xFFFFD800  }
0x7e: {  	[tilespmem:s29], [sflag:$0x1] =	stream.indirect.gather [hbm4b:s0+s28], $0x80, s17, s28, $0xb8;
	[tilespmem:$0x1F000] =	vst v63  }
0x7f: {  	s15 =	simm.s32 $0x480  }
0x80: {  	[spmem:s3] =	stream.indirect.scatter.add.f32 [tilespmem:s31], [sflag:$0x7], $0x80, s15, s28, $0xb8;
	[tilespmem:$0x1F000] =	vst v63  }
0x81: {  	_ =	swait.ge [sflag:s23], $0x2800  }
0x82: {  	[sflag:s23] =	ssyncset.done $0x0  }
0x83: {  	[sflag:s23] =	ssyncadd.s32 $0xFFFFD800  }
0x84: {  	_ =	swait.ge [sflag:s11], $0x2800  }
0x85: {  	[sflag:s11] =	ssyncset.done $0x0  }
0x86: {  	s16 =	simm.s32 $0x280;
	[sflag:s11] =	ssyncadd.s32 $0xFFFFD800  }
0x87: {  	[tilespmem:s31], [sflag:$0x2] =	stream.indirect.gather [hbm4b:s0+s28], $0x80, s16, s28, $0xb8;
	[tilespmem:$0x1F000] =	vst v63  }
0x88: {  	s17 =	simm.s32 $0x500  }
0x89: {  	[spmem:s3] =	stream.indirect.scatter.add.f32 [tilespmem:s2], [sflag:$0x7], $0x80, s17, s28, $0xb8;
	[tilespmem:$0x1F000] =	vst v63  }
0x8a: {  	_ =	swait.ge [sflag:s23], $0x2800  }
0x8b: {  	[sflag:s23] =	ssyncset.done $0x0  }
0x8c: {  	[sflag:s23] =	ssyncadd.s32 $0xFFFFD800  }
0x8d: {  	_ =	swait.ge [sflag:s14], $0x2800  }
0x8e: {  	[sflag:s14] =	ssyncset.done $0x0  }
0x8f: {  	s15 =	simm.s32 $0x300;
	[sflag:s14] =	ssyncadd.s32 $0xFFFFD800  }
0x90: {  	[tilespmem:s2], [sflag:$0x3] =	stream.indirect.gather [hbm4b:s0+s28], $0x80, s15, s28, $0xb8;
	[tilespmem:$0x1F000] =	vst v63  }
0x91: {  	s16 =	simm.s32 $0x580  }
0x92: {  	[spmem:s3] =	stream.indirect.scatter.add.f32 [tilespmem:s30], [sflag:$0x7], $0x80, s16, s28, $0xb8;
	[tilespmem:$0x1F000] =	vst v63  }
0x93: {  	_ =	swait.ge [sflag:s23], $0x2800  }
0x94: {  	[sflag:s23] =	ssyncset.done $0x0  }
0x95: {  	[sflag:s23] =	ssyncadd.s32 $0xFFFFD800  }
0x96: {  	_ =	swait.ge [sflag:s5], $0x2800  }
0x97: {  	[sflag:s5] =	ssyncset.done $0x0  }
0x98: {  	s17 =	simm.s32 $0x380;
	[sflag:s5] =	ssyncadd.s32 $0xFFFFD800  }
0x99: {  	[tilespmem:s30], [sflag:$0x4] =	stream.indirect.gather [hbm4b:s0+s28], $0x80, s17, s28, $0xb8;
	[tilespmem:$0x1F000] =	vst v63  }
0x9a: {  	s15 =	simm.s32 $0x600  }
0x9b: {  	[spmem:s3] =	stream.indirect.scatter.add.f32 [tilespmem:s29], [sflag:$0x7], $0x80, s15, s28, $0xb8;
	[tilespmem:$0x1F000] =	vst v63  }
0x9c: {  	_ =	swait.ge [sflag:s23], $0x2800  }
0x9d: {  	[sflag:s23] =	ssyncset.done $0x0  }
0x9e: {  	[sflag:s23] =	ssyncadd.s32 $0xFFFFD800  }
0x9f: {  	_ =	swait.ge [sflag:s8], $0x400  }
0xa0: {  	[sflag:s8] =	ssyncset.done $0x0  }
0xa1: {  	[sflag:s8] =	ssyncadd.s32 $0xFFFFFC00  }
0xa2: {  	_ =	swait.ge [sflag:s8], $0x400  }
0xa3: {  	[sflag:s8] =	ssyncset.done $0x0  }
0xa4: {  	[sflag:s8] =	ssyncadd.s32 $0xFFFFFC00  }
0xa5: {  	_ =	swait.ge [sflag:s7], $0x2800  }
0xa6: {  	[sflag:s7] =	ssyncset.done $0x0  }
0xa7: {  	[sflag:s7] =	ssyncadd.s32 $0xFFFFD800  }
0xa8: {  	[tilespmem:s29], [sflag:$0x1] =	stream.indirect.gather [hbm4b:s0+s28], $0x80, s25, s28, $0xb8;
	[tilespmem:$0x1F000] =	vst v63  }
0xa9: {  	s16 =	simm.s32 $0x680  }
0xaa: {  	[spmem:s3] =	stream.indirect.scatter.add.f32 [tilespmem:s31], [sflag:$0x7], $0x80, s16, s28, $0xb8;
	[tilespmem:$0x1F000] =	vst v63  }
0xab: {  	_ =	swait.ge [sflag:s23], $0x2800  }
0xac: {  	[sflag:s23] =	ssyncset.done $0x0  }
0xad: {  	[sflag:s23] =	ssyncadd.s32 $0xFFFFD800  }
0xae: {  	_ =	swait.ge [sflag:s11], $0x2800  }
0xaf: {  	[sflag:s11] =	ssyncset.done $0x0  }
0xb0: {  	s17 =	simm.s32 $0x880;
	[sflag:s11] =	ssyncadd.s32 $0xFFFFD800  }
0xb1: {  	[tilespmem:s31], [sflag:$0x2] =	stream.indirect.gather [hbm4b:s0+s28], $0x80, s17, s28, $0xb8;
	[tilespmem:$0x1F000] =	vst v63  }
0xb2: {  	s15 =	simm.s32 $0x700  }
0xb3: {  	[spmem:s3] =	stream.indirect.scatter.add.f32 [tilespmem:s2], [sflag:$0x7], $0x80, s15, s28, $0xb8;
	[tilespmem:$0x1F000] =	vst v63  }
0xb4: {  	_ =	swait.ge [sflag:s23], $0x2800  }
0xb5: {  	[sflag:s23] =	ssyncset.done $0x0  }
0xb6: {  	[sflag:s23] =	ssyncadd.s32 $0xFFFFD800  }
0xb7: {  	_ =	swait.ge [sflag:s14], $0x2800  }
0xb8: {  	[sflag:s14] =	ssyncset.done $0x0  }
0xb9: {  	s16 =	simm.s32 $0x900;
	[sflag:s14] =	ssyncadd.s32 $0xFFFFD800  }
0xba: {  	[tilespmem:s2], [sflag:$0x3] =	stream.indirect.gather [hbm4b:s0+s28], $0x80, s16, s28, $0xb8;
	[tilespmem:$0x1F000] =	vst v63  }
0xbb: {  	s17 =	simm.s32 $0x780  }
0xbc: {  	[spmem:s3] =	stream.indirect.scatter.add.f32 [tilespmem:s30], [sflag:$0x7], $0x80, s17, s28, $0xb8;
	[tilespmem:$0x1F000] =	vst v63  }
0xbd: {  	_ =	swait.ge [sflag:s23], $0x2800  }
0xbe: {  	[sflag:s23] =	ssyncset.done $0x0  }
0xbf: {  	[sflag:s23] =	ssyncadd.s32 $0xFFFFD800  }
0xc0: {  	_ =	swait.ge [sflag:s5], $0x2800  }
0xc1: {  	[sflag:s5] =	ssyncset.done $0x0  }
0xc2: {  	s15 =	simm.s32 $0x980;
	[sflag:s5] =	ssyncadd.s32 $0xFFFFD800  }
0xc3: {  	[tilespmem:s30], [sflag:$0x4] =	stream.indirect.gather [hbm4b:s0+s28], $0x80, s15, s28, $0xb8;
	[tilespmem:$0x1F000] =	vst v63  }
0xc4: {  	_ = 	snop  }
0xc5: {  	[spmem:s3] =	stream.indirect.scatter.add.f32 [tilespmem:s29], [sflag:$0x7], $0x80, s26, s28, $0xb8;
	[tilespmem:$0x1F000] =	vst v63  }
0xc6: {  	_ =	swait.ge [sflag:s23], $0x2800  }
0xc7: {  	p0 =	seq.s32 s12, $0x700;
	[sflag:s23] =	ssyncset.done $0x0  }
0xc8: {  	s13 =	sadd.s32 @!p0 s12, s22;
	s15 =	simm.s32 @!p0 $0x0;
	[sflag:s23] =	ssyncadd.s32 $0xFFFFD800  }
0xc9: {  	[tilespmem:s15], [sflag:$0x5] =	stream.linear.gather @!p0 [hbm4b:s13+s15], $0x400, $0x38;
	[tilespmem:$0x1F000] =	vst v63  }
0xca: {  	s16 =	simm.s32 @!p0 $0x400;
	s13 =	sadd.s32 @!p0 s12, s21  }
0xcb: {  	[tilespmem:s16], [sflag:$0x5] =	stream.linear.gather @!p0 [hbm4b:s13+s15], $0x400, $0x38;
	[tilespmem:$0x1F000] =	vst v63  }
0xcc: {  	_ =	swait.ge [sflag:s7], $0x2800  }
0xcd: {  	[sflag:s7] =	ssyncset.done $0x0  }
0xce: {  	s16 =	simm.s32 $0xA00;
	[sflag:s7] =	ssyncadd.s32 $0xFFFFD800  }
0xcf: {  	[tilespmem:s29], [sflag:$0x1] =	stream.indirect.gather [hbm4b:s0+s28], $0x80, s16, s28, $0xb8;
	[tilespmem:$0x1F000] =	vst v63  }
0xd0: {  	s17 =	simm.s32 $0xC80  }
0xd1: {  	[spmem:s3] =	stream.indirect.scatter.add.f32 [tilespmem:s31], [sflag:$0x7], $0x80, s17, s28, $0xb8;
	[tilespmem:$0x1F000] =	vst v63  }
0xd2: {  	_ =	swait.ge [sflag:s23], $0x2800  }
0xd3: {  	[sflag:s23] =	ssyncset.done $0x0  }
0xd4: {  	[sflag:s23] =	ssyncadd.s32 $0xFFFFD800  }
0xd5: {  	_ =	swait.ge [sflag:s11], $0x2800  }
0xd6: {  	[sflag:s11] =	ssyncset.done $0x0  }
0xd7: {  	s16 =	simm.s32 $0xA80;
	[sflag:s11] =	ssyncadd.s32 $0xFFFFD800  }
0xd8: {  	[tilespmem:s31], [sflag:$0x2] =	stream.indirect.gather [hbm4b:s0+s28], $0x80, s16, s28, $0xb8;
	[tilespmem:$0x1F000] =	vst v63  }
0xd9: {  	s17 =	simm.s32 $0xD00  }
0xda: {  	[spmem:s3] =	stream.indirect.scatter.add.f32 [tilespmem:s2], [sflag:$0x7], $0x80, s17, s28, $0xb8;
	[tilespmem:$0x1F000] =	vst v63  }
0xdb: {  	_ =	swait.ge [sflag:s23], $0x2800  }
0xdc: {  	[sflag:s23] =	ssyncset.done $0x0  }
0xdd: {  	[sflag:s23] =	ssyncadd.s32 $0xFFFFD800  }
0xde: {  	_ =	swait.ge [sflag:s14], $0x2800  }
0xdf: {  	[sflag:s14] =	ssyncset.done $0x0  }
0xe0: {  	[sflag:s14] =	ssyncadd.s32 $0xFFFFD800  }
0xe1: {  	[tilespmem:s2], [sflag:$0x3] =	stream.indirect.gather [hbm4b:s0+s28], $0x80, s18, s28, $0xb8;
	[tilespmem:$0x1F000] =	vst v63  }
0xe2: {  	_ = 	snop  }
0xe3: {  	[spmem:s3] =	stream.indirect.scatter.add.f32 [tilespmem:s30], [sflag:$0x7], $0x80, s1, s28, $0xb8;
	[tilespmem:$0x1F000] =	vst v63  }
0xe4: {  	_ =	swait.ge [sflag:s23], $0x2800  }
0xe5: {  	[sflag:s23] =	ssyncset.done $0x0  }
0xe6: {  	[sflag:s23] =	ssyncadd.s32 $0xFFFFD800  }
0xe7: {  	_ =	swait.ge [sflag:s5], $0x2800  }
0xe8: {  	[sflag:s5] =	ssyncset.done $0x0  }
0xe9: {  	[sflag:s5] =	ssyncadd.s32 $0xFFFFD800  }
0xea: {  	[tilespmem:s30], [sflag:$0x4] =	stream.indirect.gather [hbm4b:s0+s28], $0x80, s24, s28, $0xb8;
	[tilespmem:$0x1F000] =	vst v63  }
0xeb: {  	_ = 	snop  }
0xec: {  	[spmem:s3] =	stream.indirect.scatter.add.f32 [tilespmem:s29], [sflag:$0x7], $0x80, s6, s28, $0xb8;
	[tilespmem:$0x1F000] =	vst v63  }
0xed: {  	_ =	swait.ge [sflag:s23], $0x2800  }
0xee: {  	[sflag:s23] =	ssyncset.done $0x0  }
0xef: {  	[sflag:s23] =	ssyncadd.s32 $0xFFFFD800  }
0xf0: {  	_ =	swait.ge [sflag:s7], $0x2800  }
0xf1: {  	s13 =	simm.s32 @p0 $0x50;
	[sflag:s7] =	ssyncset.done $0x0  }
0xf2: {  	s16 =	simm.s32 @p0 $0xE80;
	s17 =	simm.s32 @p0 $0x3800;
	[sflag:s7] =	ssyncadd.s32 $0xFFFFD800  }
0xf3: {  	[spmem:s3] =	stream.indirect.scatter.add.f32 @p0 [tilespmem:s17], [sflag:$0x7], $0x80, s16, s13, $0xb8;
	[tilespmem:$0x1F000] =	vst v63  }
0xf4: {  	s13 =	simm.s32 @p0 $0x7  }
0xf5: {  	_ =	swait.ge @p0 [sflag:s13], $0x2800  }
0xf6: {  	[sflag:s13] =	ssyncset.done @p0 $0x0  }
0xf7: {  	[sflag:s13] =	ssyncadd.s32 @p0 $0xFFFFD800;
	s13 =	simm.s32 @p0 $0x3  }
0xf8: {  	_ =	swait.ge @p0 [sflag:s13], $0x2800  }
0xf9: {  	[sflag:s13] =	ssyncset.done @p0 $0x0  }
0xfa: {  	[sflag:s13] =	ssyncadd.s32 @p0 $0xFFFFD800;
	s13 =	simm.s32 @!p0 $0x5  }
0xfb: {  	_ =	swait.ge @!p0 [sflag:s13], $0x400  }
0xfc: {  	[sflag:s13] =	ssyncset.done @!p0 $0x0  }
0xfd: {  	[sflag:s13] =	ssyncadd.s32 @!p0 $0xFFFFFC00  }
0xfe: {  	_ =	swait.ge @!p0 [sflag:s13], $0x400  }
0xff: {  	[sflag:s13] =	ssyncset.done @!p0 $0x0  }
0x100: {  	s16 =	simm.s32 @!p0 $0x1000;
	[sflag:s13] =	ssyncadd.s32 @!p0 $0xFFFFFC00;
	s13 =	simm.s32 @!p0 $0x50  }
0x101: {  	[tilespmem:s16], [sflag:$0x1] =	stream.indirect.gather @!p0 [hbm4b:s0+s13], $0x80, s15, s13, $0xb8;
	[tilespmem:$0x1F000] =	vst v63  }
0x102: {  	s15 =	simm.s32 @!p0 $0xE80;
	s16 =	simm.s32 @!p0 $0x3800  }
0x103: {  	[spmem:s3] =	stream.indirect.scatter.add.f32 @!p0 [tilespmem:s16], [sflag:$0x7], $0x80, s15, s13, $0xb8;
	[tilespmem:$0x1F000] =	vst v63  }
0x104: {  	s15 =	simm.s32 @!p0 $0x7  }
0x105: {  	_ =	swait.ge @!p0 [sflag:s15], $0x2800  }
0x106: {  	[sflag:s15] =	ssyncset.done @!p0 $0x0  }
0x107: {  	[sflag:s15] =	ssyncadd.s32 @!p0 $0xFFFFD800;
	s15 =	simm.s32 @!p0 $0x3  }
0x108: {  	_ =	swait.ge @!p0 [sflag:s15], $0x2800  }
0x109: {  	[sflag:s15] =	ssyncset.done @!p0 $0x0  }
0x10a: {  	[sflag:s15] =	ssyncadd.s32 @!p0 $0xFFFFD800;
	s15 =	simm.s32 @!p0 $0x80  }
0x10b: {  	[tilespmem:s16], [sflag:$0x2] =	stream.indirect.gather @!p0 [hbm4b:s0+s13], $0x80, s15, s13, $0xb8;
	[tilespmem:$0x1F000] =	vst v63  }
0x10c: {  	_ = 	snop  }
0x10d: {  	[spmem:s3] =	stream.indirect.scatter.add.f32 [tilespmem:s2], [sflag:$0x7], $0x80, s9, s28, $0xb8;
	[tilespmem:$0x1F000] =	vst v63  }
0x10e: {  	_ =	swait.ge [sflag:s23], $0x2800  }
.Ltmp3:
0x10f: {  	[sflag:s23] =	ssyncset.done $0x0;
	(pc) =	sbr.rel @p0 .LBB2_6-.Ltmp3, $4  }
0x110: {  	[sflag:s23] =	ssyncadd.s32 $0xFFFFD800  }
0x111: {  	_ =	swait.ge [sflag:s14], $0x2800  }
0x112: {  	[sflag:s14] =	ssyncset.done $0x0  }
0x113: {  	[sflag:s14] =	ssyncadd.s32 $0xFFFFD800  }
0x114: {  	s13 =	simm.s32 $0x100  }
0x115: {  	[tilespmem:s2], [sflag:$0x3] =	stream.indirect.gather [hbm4b:s0+s28], $0x80, s13, s28, $0xb8;
	[tilespmem:$0x1F000] =	vst v63  }
0x116: {  	_ = 	snop  }
0x117: {  	[spmem:s3] =	stream.indirect.scatter.add.f32 [tilespmem:s30], [sflag:$0x7], $0x80, s10, s28, $0xb8;
	[tilespmem:$0x1F000] =	vst v63  }
0x118: {  	_ =	swait.ge [sflag:s23], $0x2800  }
.Ltmp4:
0x119: {  	[sflag:s23] =	ssyncset.done $0x0;
	(pc) =	sbr.rel .LBB2_4-.Ltmp4, $4  }
0x11a: {  	s16 =	sadd.s32 s12, s20;
	[sflag:s23] =	ssyncadd.s32 $0xFFFFD800  }
0x11b: {  	[tilespmem:s25], [sflag:$0x6] =	stream.linear.gather [hbm4b:s16+s4], $0x400, $0x38;
	[tilespmem:$0x1F000] =	vst v63  }
0x11c: {  	s17 =	sadd.s32 s12, s19;
	s12 =	sadd.s32 $0x100, s12  }
0x11d: {  	[tilespmem:s26], [sflag:$0x6] =	stream.linear.gather [hbm4b:s17+s4], $0x400, $0x38;
	[tilespmem:$0x1F000] =	vst v63  }
.LBB2_7:
0x11e: {  	_ =	sfence.sel $0x180000  }
0x11f: {  	[bflag:$0x0] =	sbarrier.arrive $0xFFFF  }
0x120: {  	_ =	strace $0x9000004D  }
0x121: {  	s0 =	stileid.u32;
	[bflag:$0x2] =	sbarrier.arrive $0xFFFF  }
0x122: {  	p0 =	sne.s32 s0, $0x0;
	s0 =	rddreg [dreg:$0x3]  }
0x123: {  	s0 =	sadd.s32 @!p0 $0x100000, s0  }
0x124: {  	[sflag:s0] =	ssyncadd.tile.s32 @!p0 $0x1;
	_ =	shalt  }
.Lfunc_end2:
_tile_overlayer_lowered:
.L_overlay_start_2:
0x125: {  	(tag) =	ssettag $0x2  }
0x126: {  	s0 =	rddreg [dreg:$0x0];
	s2 =	stileid.u32  }
0x127: {  	s1 =	rddreg [dreg:$0x1];
	p0 =	sne.s32 s2, $0x0  }
0x128: {  	s3 =	rddreg [dreg:$0x2];
	[bflag:$0x3] =	sbarrier.arrive $0xFFFF;
	s2 =	simm.s32 @!p0 $0x1C07  }
0x129: {  	[timem:s3], [sflag:s2] =	dma.local @!p0 [hbm:s0], s1  }
0x12a: {  	s0 =	simm.s32 @!p0 $0x7  }
0x12b: {  	_ =	swait.ge @!p0 [sflag:s0], s1  }
0x12c: {  	s1 =	ssub.s32 @!p0 $0x0, s1;
	[sflag:s0] =	ssyncset.done @!p0 $0x0  }
0x12d: {  	[sflag:s0] =	ssyncadd.s32 @!p0 s1  }
0x12e: {  	[bflag:$0x3] =	sbarrier.arrive $0xFFFF  }
0x12f: {  	_ =	shalt  }

// kernel: kernel.8.cloned.1.call-start
scs
__scs_entry_jumppad:
0x0: {  	(pc) =	sbr.rel $0x88, $3  }
0x1: {  	(tag) =	ssettag $0x0;
	lr =	simm.s32 $0x1  }
0x2: {  	[smem:$0x3F9B] =	sst lr;
	_ =	strace $0xD0000000  }
0x3: {  	_ = 	snop  }
0x4: {  	_ = 	snop  }
0x5: {  	_ = 	snop  }
0x6: {  	_ = 	snop  }
0x7: {  	_ = 	snop  }
__scs_overlays_trampoline_lowered:
0x8: {  	[smem:$0x3FAA] =	sst s0  }
0x9: {  	[smem:$0x3FAB] =	sst s1  }
0xa: {  	[smem:$0x3FAC] =	sst s2  }
0xb: {  	[smem:$0x3FAD] =	sst s3  }
0xc: {  	[smem:$0x3FAE] =	sst s4  }
0xd: {  	[smem:$0x3FAF] =	sst s5  }
0xe: {  	[smem:$0x3FB0] =	sst s6  }
0xf: {  	[smem:$0x3FB1] =	sst s7  }
0x10: {  	[smem:$0x3FB2] =	sst s8  }
0x11: {  	[smem:$0x3FB3] =	sst s9;
	s0 =	simm.s32 @!p0 $0x0  }
0x12: {  	s1 =	sld [smem:$0x3F99];
	s0 =	simm.s32 @p0 $0x1  }
0x13: {  	[smem:$0x3FB4] =	sst s0;
	s0 =	simm.s32 @!p1 $0x0  }
0x14: {  	s2 =	sld [smem:$0x3F98];
	s0 =	simm.s32 @p1 $0x1  }
0x15: {  	[smem:$0x3FB5] =	sst s0;
	s0 =	simm.s32 @!p2 $0x0  }
0x16: {  	s3 =	sld [smem:$0x3FDB];
	s0 =	simm.s32 @p2 $0x1  }
0x17: {  	s4 =	simm.s32 $0x1BF5;
	[smem:$0x3FB7] =	sst s0  }
0x18: {  	s0 =	sld [smem:$0x3F9A];
	_ =	swait.ge [sflag:s4], $0x0  }
0x19: {  	s7 =	sld [smem:$0x3F9B]  }
0x1a: {  	s8 =	sadd.s32 $0xFFFFE003, lr  }
0x1b: {  	s9 =	sadd.s32 $0xFFFFFEF7, lr;
	s5 =	simm.s32 $0xFFFFFFFF;
	p2 =	slt.u32 s8, $0xFFFFF086  }
0x1c: {  	p1 =	slt.u32 s9, $0xF7A;
	s5 =	simm.s32 @!p2 $0x0  }
0x1d: {  	s5 =	simm.s32 @p1 $0x1;
	p0 =	seq.s32 s7, s2  }
0x1e: {  	s7 =	smul.u32 @!p0 $0xF7A, s2;
	p2 =	seq.s32 @!p0 s5, $0x0  }
0x1f: {  	s9 =	smul.u32 $0xF7A, s1;
	s8 =	simm.s32 @!p0 $0x1BF5;
	p2 =	por !p2, p0  }
0x20: {  	[sflag:s8] =	ssyncset.s32 @!p0 $0xFFFFF086;
	s6 =	sadd.s32 @!p0 s3, s7;
	s7 =	simm.s32 @!p0 $0x108  }
0x21: {  	s3 =	sadd.s32 s3, s9;
	s6 =	sadd.s32 @!p0 $0x88, s6;
	s7 =	simm.s32 @p2 $0x1082  }
0x22: {  	[simem:s7], [sflag:s8] =	dma.local @!p0 [hbm:s6], $0xF7A  }
0x23: {  	s9 =	sor.u32 $0xD0000000, s2;
	s6 =	simm.s32 $0x108;
	_ =	swait.ge @!p0 [sflag:s8], $0x0  }
0x24: {  	s3 =	sadd.s32 $0x88, s3;
	s6 =	simm.s32 @!p1 $0x1082;
	[sflag:s4] =	ssyncset.s32 $0xFFFFF086  }
0x25: {  	[simem:s6], [sflag:s4] =	dma.local [hbm:s3], $0xF7A  }
0x26: {  	[smem:$0x3F9B] =	sst s1;
	(tag) =	ssettag s2;
	_ =	strace s9  }
0x27: {  	s1 =	sld [smem:$0x3FAB]  }
0x28: {  	s2 =	sld [smem:$0x3FAC]  }
0x29: {  	s4 =	sld [smem:$0x3FAE]  }
0x2a: {  	p0 =	seq.s32 s5, $0x0;
	s5 =	sld [smem:$0x3FAF]  }
0x2b: {  	s6 =	sld [smem:$0x3FB0]  }
0x2c: {  	s7 =	sld [smem:$0x3FB1]  }
0x2d: {  	s3 =	simm.s32 $0x108;
	s8 =	sld [smem:$0x3FB2]  }
0x2e: {  	s3 =	simm.s32 @!p0 $0x1082;
	s9 =	sld [smem:$0x3FB3]  }
0x2f: {  	lr =	sadd.s32 s0, s3;
	s0 =	sld [smem:$0x3FAA]  }
0x30: {  	s3 =	sld [smem:$0x3FAD]  }
0x31: {  	[smem:$0x3FB6] =	sst s10  }
0x32: {  	s10 =	sld [smem:$0x3FB4];
	_ =	sdelay $0x3  }
0x33: {  	p0 =	seq.s32 s10, $0x1;
	s10 =	sld [smem:$0x3FB6];
	_ =	sdelay $0x3  }
0x34: {  	[smem:$0x3FB6] =	sst s10  }
0x35: {  	s10 =	sld [smem:$0x3FB5];
	_ =	sdelay $0x3  }
0x36: {  	p1 =	seq.s32 s10, $0x1;
	s10 =	sld [smem:$0x3FB6];
	_ =	sdelay $0x3  }
0x37: {  	[smem:$0x3FB6] =	sst s10  }
0x38: {  	s10 =	sld [smem:$0x3FB7]  }
0x39: {  	_ = 	snop;
	(pc) =	sbr.ind lr, $3  }
0x3a: {  	_ = 	snop  }
0x3b: {  	_ = 	snop  }
0x3c: {  	p2 =	seq.s32 s10, $0x1;
	s10 =	sld [smem:$0x3FB6]  }
0x3d: {  	_ =	shalt  }
0x3e: {  	_ =	shalt  }
0x3f: {  	_ =	shalt  }
0x40: {  	_ =	shalt  }
0x41: {  	_ =	shalt  }
0x42: {  	_ =	shalt  }
0x43: {  	_ =	shalt  }
0x44: {  	_ =	shalt  }
0x45: {  	_ =	shalt  }
0x46: {  	_ =	shalt  }
0x47: {  	_ =	shalt  }
0x48: {  	_ =	shalt  }
0x49: {  	_ =	shalt  }
0x4a: {  	_ =	shalt  }
0x4b: {  	_ =	shalt  }
0x4c: {  	_ =	shalt  }
0x4d: {  	_ =	shalt  }
0x4e: {  	_ =	shalt  }
0x4f: {  	_ =	shalt  }
0x50: {  	_ =	shalt  }
0x51: {  	_ =	shalt  }
0x52: {  	_ =	shalt  }
0x53: {  	_ =	shalt  }
0x54: {  	_ =	shalt  }
0x55: {  	_ =	shalt  }
0x56: {  	_ =	shalt  }
0x57: {  	_ =	shalt  }
0x58: {  	_ =	shalt  }
0x59: {  	_ =	shalt  }
0x5a: {  	_ =	shalt  }
0x5b: {  	_ =	shalt  }
0x5c: {  	_ =	shalt  }
0x5d: {  	_ =	shalt  }
0x5e: {  	_ =	shalt  }
0x5f: {  	_ =	shalt  }
0x60: {  	_ =	shalt  }
0x61: {  	_ =	shalt  }
0x62: {  	_ =	shalt  }
0x63: {  	_ =	shalt  }
0x64: {  	_ =	shalt  }
0x65: {  	_ =	shalt  }
0x66: {  	_ =	shalt  }
0x67: {  	_ =	shalt  }
0x68: {  	_ =	shalt  }
0x69: {  	_ =	shalt  }
0x6a: {  	_ =	shalt  }
0x6b: {  	_ =	shalt  }
0x6c: {  	_ =	shalt  }
0x6d: {  	_ =	shalt  }
0x6e: {  	_ =	shalt  }
0x6f: {  	_ =	shalt  }
0x70: {  	_ =	shalt  }
0x71: {  	_ =	shalt  }
0x72: {  	_ =	shalt  }
0x73: {  	_ =	shalt  }
0x74: {  	_ =	shalt  }
0x75: {  	_ =	shalt  }
0x76: {  	_ =	shalt  }
0x77: {  	_ =	shalt  }
0x78: {  	_ =	shalt  }
0x79: {  	_ =	shalt  }
0x7a: {  	_ =	shalt  }
0x7b: {  	_ =	shalt  }
0x7c: {  	_ =	shalt  }
0x7d: {  	_ =	shalt  }
0x7e: {  	_ =	shalt  }
0x7f: {  	_ =	shalt  }
0x80: {  	_ =	shalt  }
0x81: {  	_ =	shalt  }
0x82: {  	_ =	shalt  }
0x83: {  	_ =	shalt  }
0x84: {  	_ =	shalt  }
0x85: {  	_ =	shalt  }
0x86: {  	_ =	shalt  }
0x87: {  	_ =	shalt  }
.Lfunc_end0:
.L_simem_size_0:
called_computation_lowered:
.L_overlay_start_0:
0x88: {  	s2 =	sld [smem:$0x3FD9]  }
0x89: {  	s3 =	sld [smem:$0x3FFE];
	_ =	sdelay $0x1  }
0x8a: {  	s1 =	srdreg.scid  }
0x8b: {  	s0 =	sand.u32 $0x1, s1  }
0x8c: {  	s17 =	sshll.u32 s0, $0xA;
	s2 =	sadd.s32 s3, s2  }
0x8d: {  	s2 =	sadd.s32 s2, s17  }
0x8e: {  	[smem:$0x3FC2] =	sst s2  }
0x8f: {  	_ = 	snop  }
0x90: {  	s2 =	sld [smem:$0x3FD0];
	(tm) =	ssettm $0x1  }
0x91: {  	s18 =	sld [smem:$0x3FFB];
	_ =	sdelay $0x3  }
0x92: {  	_ =	strace s18  }
0x93: {  	s3 =	sld [smem:$0x3FFC];
	_ =	sdelay $0x3  }
0x94: {  	_ =	strace s3  }
0x95: {  	s3 =	sld [smem:$0x3FFD];
	_ =	sdelay $0x3  }
0x96: {  	_ =	strace s3  }
0x97: {  	_ =	strace $0x8FFFFFFF  }
0x98: {  	s19 =	sld [smem:$0x3FDB];
	_ =	sdelay $0x1  }
0x99: {  	s4 =	simm.s32 $_scs_section_size  }
0x9a: {  	s5 =	simm.s32 $_size__tile_overlayer_lowered;
	s6 =	simm.s32 $_tile_overlayer_lowered  }
0x9b: {  	s22 =	simm.s32 $0x1BFF;
	s21 =	sshll.u32 s6, $0x1;
	s3 =	sadd.s32 s4, s19  }
0x9c: {  	s7 =	simm.s32 $0x0;
	s20 =	sshll.u32 s5, $0x1;
	s5 =	sadd.s32 s21, s3  }
0x9d: {  	[timem:s7], [sflag:s22] =	dma.local [hbm:s5], s20  }
0x9e: {  	_ =	swait.ge [sflag:s22], s20  }
0x9f: {  	s4 =	ssub.s32 $0x0, s20;
	[sflag:s22] =	ssyncset.done $0x0  }
0xa0: {  	[sflag:s22] =	ssyncadd.s32 s4;
	_ =	sdelay $0x1  }
0xa1: {  	s23 =	simm.s32 $0x1B8B  }
0xa2: {  	_ =	swait.ge [sflag:s23], $0x1  }
0xa3: {  	[sflag:s23] =	ssyncset.done $0x0  }
0xa4: {  	s25 =	simm.s32 $0x1B8E;
	s24 =	sld [smem:$0x3FFE];
	[sflag:s23] =	ssyncadd.s32 $0xFFFFFFFF  }
0xa5: {  	s26 =	simm.s32 $execute0_lowered;
	[smem:$0x3FD2] =	sst s25  }
0xa6: {  	s5 =	sshll.u32 s26, $0x1;
	_ =	strace $0x80000046;
	[dreg:$0x1] =	wrdreg $0xFFFFFFFF  }
0xa7: {  	s28 =	simm.s32 $_size_execute0_lowered;
	s3 =	sadd.s32 s3, s5;
	[dreg:$0x0] =	wrdreg $0x0  }
0xa8: {  	s5 =	sshll.u32 s28, $0x1;
	[dreg:$0x2] =	wrdreg s3  }
0xa9: {  	[dreg:$0x3] =	wrdreg s5  }
0xaa: {  	[dreg:$0x4] =	wrdreg $0xC0  }
0xab: {  	_ =	task [dreg:s7], $0x5FFFF  }
0xac: {  	[dreg:$0x1] =	wrdreg $0xFFFFFFFF  }
0xad: {  	[dreg:$0x0] =	wrdreg $0x60  }
0xae: {  	[dreg:$0x2] =	wrdreg s24  }
0xaf: {  	[dreg:$0x3] =	wrdreg s2  }
0xb0: {  	[dreg:$0x4] =	wrdreg $0x68800  }
0xb1: {  	[dreg:$0x5] =	wrdreg $0x9  }
0xb2: {  	_ =	task.clear_ibuf [dreg:s7], $0x6FFFF;
	_ =	strace $0x90000046  }
0xb3: {  	s29 =	simm.s32 $0x9;
	_ =	strace $0x80000048  }
0xb4: {  	_ =	swait.ge [sflag:s29], $0x1  }
0xb5: {  	[sflag:s29] =	ssyncadd.s32 $0xFFFFFFFF  }
0xb6: {  	_ =	strace $0x90000048  }
0xb7: {  	_ =	sfence  }
0xb8: {  	s30 =	sld [smem:$0x0];
	_ =	sdelay $0x2  }
0xb9: {  	s31 =	sshll.u32 s1, $0xD;
	s1 =	sshrl.u32 s1, $0x2  }
0xba: {  	s3 =	sand.u32 $0x4000, s31;
	s1 =	sadd.s32 s1, s30  }
0xbb: {  	s0 =	sor.u32 s3, s0;
	s1 =	sshll.u32 s1, $0x11  }
0xbc: {  	s0 =	sor.u32 s1, s0  }
0xbd: {  	s0 =	sadd.s32 $0x8F2B, s0  }
0xbe: {  	[sflag:s0] =	ssyncadd.remote.s32 $0x1  }
0xbf: {  	_ =	sfence.sel $0xFFFF  }
0xc0: {  	[dreg:$0x0] =	wrdreg $0xFFFFFFFF;
	(pc) =	sbr.abs _section_cstart, $3  }
0xc1: {  	[dreg:$0x1] =	wrdreg $0xFFFFFFFF  }
0xc2: {  	_ =	task.clear_ibuf [dreg:s7], $0x2FFFF;
	_ =	strace $0x9FFFFFFF  }
0xc3: {  	(tm) =	ssettm $0x7FFFFFFF  }
tec
execute0_lowered:
.L_overlay_start_1:
0x0: {  	(tag) =	ssettag $0x1  }
0x1: {  	s4 =	rddreg [dreg:$0x0]  }
0x2: {  	s6 =	rddreg [dreg:$0x1]  }
0x3: {  	s1 =	rddreg [dreg:$0x2]  }
0x4: {  	s0 =	rddreg [dreg:$0x3]  }
0x5: {  	s2 =	simm.s32 $0x0;
	s3 =	srdreg.scid;
	s11 =	simm.s32 $0x6800  }
0x6: {  	[smem:$0x7FF] =	sst s2;
	s5 =	sand.u32 $0x1, s3;
	s3 =	stileid.u32  }
0x7: {  	_ =	strace $0x80000047;
	s7 =	sshll.u32 s5, $0xB;
	s8 =	ssub.s32 $0x2, s5  }
0x8: {  	s5 =	smul.u32 $0x2800, s5;
	s9 =	sshll.u32 s3, $0xA;
	s30 =	sshll.u32 s3, $0xC  }
0x9: {  	p0 =	sgt.u32 s3, $0x9;
	s4 =	sadd.s32 s7, s4;
	s29 =	sshrl.u32 s8, $0x1  }
0xa: {  	s31 =	sshrl.u32 s30, $0x2;
	s12 =	sshll.u32 @!p0 s3, $0x6;
	s7 =	ssub.s32 s8, s29  }
0xb: {  	s5 =	sadd.s32 s9, s5;
	s8 =	sadd.s32 s30, s4;
	s4 =	sadd.s32 s31, s1  }
0xc: {  	v0 =	vlaneseq.u32;
	s9 =	simm.s32 $0x4000;
	s12 =	sor.u32 @!p0 $0x1C01, s12;
	s10 =	sshrl.u32 s5, $0x3  }
0xd: {  	v1 =	vimm.f32 $0.0e+00;
	v6 =	vimm.f32 $1.000000000e+00;
	v2 =	vor.u32 $0x10, v0;
	s5 =	sadd.s32 $0x2000, s8;
	s7 =	smax.u32 s7, $0x1;
	s8 =	simm.s32 $0x1  }
0xe: {  	v3 =	vor.u32 $0x20, v0;
	v4 =	vor.u32 $0x30, v0;
	v5 =	vor.u32 $0x40, v0;
	s13 =	sshrl.u32 @!p0 s4, $0x3;
	s6 =	sadd.s32 s6, s10;
	s10 =	simm.s32 $0x50  }
.LBB2_1:
0xf: {  	s14 =	simm.s32 $0x0;
	s15 =	simm.s32 $0x200  }
.LBB2_2:
0x10: {  	p1 =	sne.s32 s15, $0x9E00;
	[tilespmem:s14+$0x4070] =	vst v1  }
0x11: {  	[tilespmem:s14+$0x4000] =	vst v1  }
0x12: {  	[tilespmem:s14+$0x4010] =	vst v1  }
.Ltmp0:
0x13: {  	[tilespmem:s14+$0x4020] =	vst v1;
	(pc) =	sbr.rel @p1 .LBB2_2-.Ltmp0, $4  }
0x14: {  	[tilespmem:s14+$0x4030] =	vst v1  }
0x15: {  	[tilespmem:s14+$0x4040] =	vst v1  }
0x16: {  	[tilespmem:s14+$0x4050] =	vst v1  }
0x17: {  	[tilespmem:s14+$0x4060] =	vst v1;
	s14 =	sshra.s32 s15, $0x2;
	s15 =	sadd.s32 $0x200, s15  }
0x18: {  	[tilespmem:s14+$0x4070] =	vst v1  }
0x19: {  	[tilespmem:s14+$0x4000] =	vst v1  }
0x1a: {  	[tilespmem:s14+$0x4010] =	vst v1  }
0x1b: {  	[tilespmem:s14+$0x4020] =	vst v1  }
0x1c: {  	[tilespmem:s14+$0x4030] =	vst v1  }
0x1d: {  	[tilespmem:s14+$0x4040] =	vst v1  }
0x1e: {  	[tilespmem:s14+$0x4050] =	vst v1  }
0x1f: {  	[tilespmem:s14+$0x4060] =	vst v1  }
0x20: {  	[tilespmem:$0x6800] =	vst v0  }
0x21: {  	[tilespmem:$0x6810] =	vst v2  }
0x22: {  	[tilespmem:$0x6820] =	vst v3  }
0x23: {  	[tilespmem:$0x6830] =	vst v4  }
0x24: {  	s14 =	simm.s32 @!p0 $0x4000;
	[tilespmem:$0x6840] =	vst v5  }
0x25: {  	[spmem:s4] =	stream.linear.scatter @!p0 [tilespmem:s14], [sflag:$0x1], $0x400, $0x38;
	[tilespmem:$0x6B00] =	vst v63  }
0x26: {  	s14 =	simm.s32 @!p0 $0x1  }
0x27: {  	_ =	swait.ge @!p0 [sflag:s14], $0x400  }
0x28: {  	[sflag:s14] =	ssyncset.done @!p0 $0x0  }
0x29: {  	[sflag:s14] =	ssyncadd.s32 @!p0 $0xFFFFFC00  }
0x2a: {  	s14 =	simm.s32 $0x0;
	[bflag:$0x0] =	sbarrier.arrive $0xFFFF  }
0x2b: {  	[tilespmem:s14], [sflag:$0x1] =	stream.linear.gather [hbm4b:s5+s14], $0x4000, $0x38;
	[tilespmem:$0x6B00] =	vst v63  }
0x2c: {  	_ =	swait.ge [sflag:s8], $0x4000  }
0x2d: {  	[sflag:s8] =	ssyncset.done $0x0  }
0x2e: {  	[sflag:s8] =	ssyncadd.s32 $0xFFFFC000  }
.LBB2_4:
0x2f: {  	s15 =	sshra.s32 s14, $0x2  }
0x30: {  	v7 =	vld [tilespmem:s15+$0x0];
	_ =	sdelay $0x7  }
0x31: {  	[tilespmem:v7+s9+$0x0] =	vst.idx.add.f32.msk $0xffff, v6  }
0x32: {  	v7 =	vld [tilespmem:s15+$0x10];
	_ =	sdelay $0x7  }
0x33: {  	[tilespmem:v7+s9+$0x0] =	vst.idx.add.f32.msk $0xffff, v6  }
0x34: {  	v7 =	vld [tilespmem:s15+$0x20];
	_ =	sdelay $0x7  }
0x35: {  	[tilespmem:v7+s9+$0x0] =	vst.idx.add.f32.msk $0xffff, v6  }
0x36: {  	v7 =	vld [tilespmem:s15+$0x30];
	_ =	sdelay $0x7  }
0x37: {  	[tilespmem:v7+s9+$0x0] =	vst.idx.add.f32.msk $0xffff, v6  }
0x38: {  	v7 =	vld [tilespmem:s15+$0x40];
	_ =	sdelay $0x2  }
0x39: {  	p1 =	sne.s32 s14, $0xFE00  }
.Ltmp1:
0x3a: {  	_ = 	snop;
	(pc) =	sbr.rel @p1 .LBB2_4-.Ltmp1, $2  }
0x3b: {  	_ =	sdelay $0x2  }
0x3c: {  	s14 =	sadd.s32 $0x200, s14;
	[tilespmem:v7+s9+$0x0] =	vst.idx.add.f32.msk $0xffff, v6  }
0x3d: {  	[spmem:s1] =	stream.indirect.scatter.add.f32 [tilespmem:s9], [sflag:$0x1], $0x80, s11, s10, $0xb8;
	[tilespmem:$0x6B00] =	vst v63  }
0x3e: {  	_ =	swait.ge [sflag:s8], $0x2800  }
0x3f: {  	s2 =	sadd.s32 $0x1, s2;
	[sflag:s8] =	ssyncset.done $0x0  }
0x40: {  	p1 =	sne.s32 s2, s7;
	[sflag:s8] =	ssyncadd.s32 $0xFFFFD800  }
.Ltmp2:
0x41: {  	s14 =	simm.s32 @!p0 $0x1;
	[bflag:$0x0] =	sbarrier.arrive $0xFFFF;
	(pc) =	sbr.rel @p1 .LBB2_1-.Ltmp2, $4  }
0x42: {  	[hbm:s6], [sflag:s12] =	dma.local @!p0 [spmem:s13], $0x80  }
0x43: {  	_ =	swait.ge @!p0 [sflag:s14], $0x80  }
0x44: {  	[sflag:s14] =	ssyncset.done @!p0 $0x0  }
0x45: {  	[sflag:s14] =	ssyncadd.s32 @!p0 $0xFFFFFF80  }
0x46: {  	_ =	sfence.sel $0x180000  }
0x47: {  	[bflag:$0x0] =	sbarrier.arrive $0xFFFF  }
0x48: {  	p0 =	sne.s32 s3, $0x0;
	_ =	strace $0x90000047  }
0x49: {  	s0 =	sadd.s32 @!p0 $0x100000, s0;
	[bflag:$0x2] =	sbarrier.arrive $0xFFFF  }
0x4a: {  	[sflag:s0] =	ssyncadd.tile.s32 @!p0 $0x1;
	_ =	shalt  }
.Lfunc_end2:
_tile_overlayer_lowered:
.L_overlay_start_2:
0x4b: {  	(tag) =	ssettag $0x2  }
0x4c: {  	s0 =	rddreg [dreg:$0x0];
	s2 =	stileid.u32  }
0x4d: {  	s1 =	rddreg [dreg:$0x1];
	p0 =	sne.s32 s2, $0x0  }
0x4e: {  	s3 =	rddreg [dreg:$0x2];
	[bflag:$0x3] =	sbarrier.arrive $0xFFFF;
	s2 =	simm.s32 @!p0 $0x1C01  }
0x4f: {  	[timem:s3], [sflag:s2] =	dma.local @!p0 [hbm:s0], s1  }
0x50: {  	s0 =	simm.s32 @!p0 $0x1  }
0x51: {  	_ =	swait.ge @!p0 [sflag:s0], s1  }
0x52: {  	s1 =	ssub.s32 @!p0 $0x0, s1;
	[sflag:s0] =	ssyncset.done @!p0 $0x0  }
0x53: {  	[sflag:s0] =	ssyncadd.s32 @!p0 s1  }
0x54: {  	[bflag:$0x3] =	sbarrier.arrive $0xFFFF  }
0x55: {  	_ =	shalt  }

</sc_bundles>
